<compile_context>
chip_gen: v7x
topology: tpu7x:2x2x1
jax: 0.10.2.dev20260603
libtpu: 0.0.44.dev20260713+nightly
codegen_flags: <defaults>
</compile_context>

<pallas_src>
import dataclasses

import numpy as np

import jax
import jax.numpy as jnp
from jax.experimental import pallas as pl
from jax.experimental.pallas import tpu as pltpu
from jax.experimental.pallas import tpu_sc as plsc

N = 10000
E = 320000
D = 128
NC = 2
NS = 16
NW = NC * NS
L = 16

CHUNK = 128
NCHUNK = 80
EPT_PAD = NCHUNK * CHUNK
E_PAD = NW * EPT_PAD
N_PAD = 10240
ROWS_PER_TILE = N_PAD // NS

_COL_INV = np.zeros((D,), np.int32)
for _g in range(D // 32):
    for _t in range(16):
        _COL_INV[_g * 32 + 2 * _t] = _g * 32 + _t
        _COL_INV[_g * 32 + 2 * _t + 1] = _g * 32 + 16 + _t


def _k1_body(h_ref, w_ref, a_ref, ew_ref, hpb_ref, s1_ref, s2_ref, lew_ref):
    hp = jnp.dot(h_ref[...], w_ref[...], preferred_element_type=jnp.float32)
    hpb_ref[...] = hp.astype(jnp.bfloat16)
    a = a_ref[...]
    s1_ref[...] = jnp.sum(hp * a[None, :D], axis=1)
    s2_ref[...] = jnp.sum(hp * a[None, D:], axis=1)
    lew_ref[...] = jnp.log1p(jnp.maximum(ew_ref[...], 0.0))


def _k3_body(hpart_ref, spart_ref, out_ref):
    hs = hpart_ref[0] + hpart_ref[1]
    ss = spart_ref[0] + spart_ref[1]
    r = hs * (1.0 / (ss + 1e-8))[:, None]
    out_ref[...] = jnp.where(r > 0, r, jnp.exp(jnp.minimum(r, 0.0)) - 1.0)[:N]


def _sc_body(hp_hbm, s1_hbm, s2_hbm, src_hbm, dst_hbm, lew_hbm,
             hpart_hbm, spart_hbm,
             src_p, dst_p, lew_p, g1_p, g2_p, rows_g, rows_f,
             hacc_sh, sacc_sh,
             semI, semG, semR, semE, semS):
    c = jax.lax.axis_index("c")
    s = jax.lax.axis_index("s")
    wid = c * NS + s

    @pl.loop(0, CHUNK)
    def _(r):
        for k in range(D // L):
            rows_f[r, pl.ds(k * L, L)] = jnp.zeros((L,), jnp.float32)

    base = s * ROWS_PER_TILE
    for j in range(ROWS_PER_TILE // CHUNK):
        pltpu.sync_copy(rows_f, hacc_sh.at[pl.ds(base + j * CHUNK, CHUNK)])
        pltpu.sync_copy(rows_f.at[0], sacc_sh.at[pl.ds(base + j * CHUNK, CHUNK)])

    plsc.subcore_barrier()


    def issue_idx(k, s4):
        pltpu.async_copy(src_hbm.at[wid, k], src_p.at[s4], semI.at[s4])
        pltpu.async_copy(dst_hbm.at[wid, k], dst_p.at[s4], semI.at[s4])
        pltpu.async_copy(lew_hbm.at[wid, k], lew_p.at[s4], semI.at[s4])

    def wait_idx(k, s4):
        pltpu.make_async_copy(src_hbm.at[wid, k], src_p.at[s4], semI.at[s4]).wait()
        pltpu.make_async_copy(dst_hbm.at[wid, k], dst_p.at[s4], semI.at[s4]).wait()
        pltpu.make_async_copy(lew_hbm.at[wid, k], lew_p.at[s4], semI.at[s4]).wait()

    def issue_g(s4, s2):
        pltpu.async_copy(s1_hbm.at[src_p.at[s4]], g1_p.at[s2], semG.at[s2])
        pltpu.async_copy(s2_hbm.at[dst_p.at[s4]], g2_p.at[s2], semG.at[s2])

    def wait_g(s4, s2):
        pltpu.make_async_copy(s1_hbm.at[src_p.at[s4]], g1_p.at[s2], semG.at[s2]).wait()
        pltpu.make_async_copy(s2_hbm.at[dst_p.at[s4]], g2_p.at[s2], semG.at[s2]).wait()

    issue_idx(0, 0)
    issue_idx(1, 1)
    issue_idx(2, 2)
    wait_idx(0, 0)
    issue_g(0, 0)
    pltpu.async_copy(hp_hbm.at[src_p.at[0]], rows_g.at[0], semR.at[0])

    @pl.loop(0, NCHUNK, step=4)
    def _(t):
        for j in range(4):
            i = t + j
            s0, s1_ = j % 2, (j + 1) % 2
            q0, q1, q3 = j % 4, (j + 1) % 4, (j + 3) % 4

            @pl.when(i + 1 < NCHUNK)
            def _():
                wait_idx(i + 1, q1)

            @pl.when(i + 1 < NCHUNK)
            def _():
                pltpu.async_copy(
                    hp_hbm.at[src_p.at[q1]], rows_g.at[s1_], semR.at[s1_])

            @pl.when(i >= 1)
            def _():
                pltpu.make_async_copy(
                    g1_p.at[s1_], sacc_sh.at[dst_p.at[q3]], semE.at[s1_]).wait()

            @pl.when(i + 1 < NCHUNK)
            def _():
                issue_g(q1, s1_)

            wait_g(q0, s0)
            for k in range(CHUNK // L):
                sl = pl.ds(k * L, L)
                v = g1_p[s0, sl] + g2_p[s0, sl]
                v = jnp.where(v > 0, v, 0.2 * v) + lew_p[q0, sl]
                g1_p[s0, sl] = jnp.exp(v)
            pltpu.async_copy(
                g1_p.at[s0], sacc_sh.at[dst_p.at[q0]], semE.at[s0], add=True)

            pltpu.make_async_copy(
                hp_hbm.at[src_p.at[q0]], rows_g.at[s0], semR.at[s0]).wait()

            @pl.when(i >= 1)
            def _():
                pltpu.make_async_copy(
                    rows_f, hacc_sh.at[dst_p.at[q3]], semS.at[0]).wait()

            @pl.loop(0, CHUNK)
            def _(r):
                av = plsc.load_gather(
                    g1_p,
                    [jnp.full((L,), s0, jnp.int32), jnp.full((L,), r, jnp.int32)])
                for k in range(D // 32):
                    w = plsc.bitcast(rows_g[s0, r, pl.ds(32 * k, 32)], jnp.int32)
                    lo = plsc.bitcast(jax.lax.shift_left(w, 16), jnp.float32)
                    hi = plsc.bitcast(
                        jax.lax.bitwise_and(w, jnp.int32(-65536)), jnp.float32)
                    rows_f[r, pl.ds(32 * k, L)] = lo * av
                    rows_f[r, pl.ds(32 * k + L, L)] = hi * av

            pltpu.async_copy(
                rows_f, hacc_sh.at[dst_p.at[q0]], semS.at[0], add=True)

            @pl.when(i + 3 < NCHUNK)
            def _():
                issue_idx(i + 3, q3)

    pltpu.make_async_copy(
        g1_p.at[1], sacc_sh.at[dst_p.at[3]], semE.at[1]).wait()
    pltpu.make_async_copy(
        rows_f, hacc_sh.at[dst_p.at[3]], semS.at[0]).wait()

    plsc.subcore_barrier()

    pltpu.sync_copy(hacc_sh.at[pl.ds(base, ROWS_PER_TILE)],
                    hpart_hbm.at[c, pl.ds(base, ROWS_PER_TILE)])
    pltpu.sync_copy(sacc_sh.at[pl.ds(base, ROWS_PER_TILE)],
                    spart_hbm.at[c, pl.ds(base, ROWS_PER_TILE)])


@jax.jit
def kernel(h, edge_index, edge_weights, W, a):
    ew_pad = jnp.zeros((E_PAD,), jnp.float32).at[:E].set(edge_weights)
    cinv = jnp.asarray(_COL_INV)
    w_p = W[:, cinv]
    a_p = jnp.concatenate([a[:D][cinv], a[D:][cinv]])
    hpb, s1, s2, lew = pl.pallas_call(
        _k1_body,
        out_shape=(
            jax.ShapeDtypeStruct((N, D), jnp.bfloat16),
            jax.ShapeDtypeStruct((N,), jnp.float32),
            jax.ShapeDtypeStruct((N,), jnp.float32),
            jax.ShapeDtypeStruct((E_PAD // D, D), jnp.float32),
        ),
    )(h, w_p, a_p, ew_pad.reshape(E_PAD // D, D))

    src = jnp.zeros((E_PAD,), jnp.int32).at[:E].set(edge_index[0])
    dst = jnp.full((E_PAD,), N, jnp.int32).at[:E].set(edge_index[1])
    src_r = src.reshape(NW, NCHUNK, CHUNK)
    dst_r = dst.reshape(NW, NCHUNK, CHUNK)
    lew_r = lew.reshape(NW, NCHUNK, CHUNK)

    sc_cp = pltpu.CompilerParams()
    if "needs_layout_passes" in pltpu.CompilerParams.__dataclass_fields__:
        sc_cp = dataclasses.replace(sc_cp, needs_layout_passes=False)
    sc_cp = dataclasses.replace(sc_cp, use_tc_tiling_on_sc=False)
    sc_fn = pl.kernel(
        _sc_body,
        mesh=plsc.VectorSubcoreMesh(core_axis_name="c", subcore_axis_name="s"),
        compiler_params=sc_cp,
        out_type=(
            jax.ShapeDtypeStruct((NC, N_PAD, D), jnp.float32),
            jax.ShapeDtypeStruct((NC, N_PAD), jnp.float32),
        ),
        scratch_types=[
            pltpu.VMEM((4, CHUNK), jnp.int32),
            pltpu.VMEM((4, CHUNK), jnp.int32),
            pltpu.VMEM((4, CHUNK), jnp.float32),
            pltpu.VMEM((2, CHUNK), jnp.float32),
            pltpu.VMEM((2, CHUNK), jnp.float32),
            pltpu.VMEM((2, CHUNK, D), jnp.bfloat16),
            pltpu.VMEM((CHUNK, D), jnp.float32),
            pltpu.VMEM_SHARED((N_PAD, D), jnp.float32),
            pltpu.VMEM_SHARED((N_PAD,), jnp.float32),
            pltpu.SemaphoreType.DMA((4,)),
            pltpu.SemaphoreType.DMA((2,)),
            pltpu.SemaphoreType.DMA((2,)),
            pltpu.SemaphoreType.DMA((2,)),
            pltpu.SemaphoreType.DMA((2,)),
        ],
    )
    hpart, spart = sc_fn(hpb, s1, s2, src_r, dst_r, lew_r)

    out = pl.pallas_call(
        _k3_body,
        out_shape=jax.ShapeDtypeStruct((N, D), jnp.float32),
    )(hpart, spart)
    return out

# --- scband reference (transcript-rebuilt; emitter-appended) ---
"""Pipeline reference for scband-graph-attention-layer-18236431139061 (READ-ONLY COPY).

The authoritative reference and input builder live on the scoring server;
editing this copy changes nothing except your own understanding.
"""

import jax, jax.numpy as jnp
import numpy as np

N = 10000
E = 320000
D_IN = 128
D_OUT = 128
SLOPE = 0.2


def setup_inputs(seed: int = 0) -> dict:
    key = jax.random.key(seed)
    k1, k2, k3, k4, k5 = jax.random.split(key, 5)
    h = jax.random.normal(k1, (N, D_IN), dtype=jnp.float32)
    edge_index = jax.random.randint(k2, (2, E), 0, N, dtype=jnp.int32)
    edge_weights = jax.random.uniform(k3, (E,), dtype=jnp.float32)
    # Xavier-uniform init for W (linear, no bias): h' = h @ W, W: [D_IN, D_OUT]
    s_w = float(np.sqrt(6.0 / (D_IN + D_OUT)))
    W = jax.random.uniform(k4, (D_IN, D_OUT), dtype=jnp.float32, minval=-s_w, maxval=s_w)
    # attention vector a: [2*D_OUT] (Linear(2*out, 1, bias=False))
    s_a = float(np.sqrt(6.0 / (2 * D_OUT + 1)))
    a = jax.random.uniform(k5, (2 * D_OUT,), dtype=jnp.float32, minval=-s_a, maxval=s_a)
    return {"h": h, "edge_index": edge_index, "edge_weights": edge_weights, "W": W, "a": a}


def reference(h, edge_index, edge_weights, W, a):
    n = h.shape[0]
    h_prime = h @ W  # [N, D_OUT] (dropout is identity at eval / p=0)
    src = edge_index[0]
    dst = edge_index[1]
    h_concat = jnp.concatenate([h_prime[src], h_prime[dst]], axis=1)  # [E, 2*D_OUT]
    e = h_concat @ a  # [E]
    e = jnp.where(e > 0, e, SLOPE * e)  # LeakyReLU
    e = e + jnp.log1p(jnp.clip(edge_weights, 0.0, None))
    # sparse softmax over incoming edges of each dst node
    # torch scatter_reduce amax with zeros init + include_self=True -> max(seg_max, 0)
    e_max = jnp.maximum(jax.ops.segment_max(e, dst, num_segments=n), 0.0)
    exp_e = jnp.exp(e - e_max[dst])
    sum_exp = jax.ops.segment_sum(exp_e, dst, num_segments=n)
    alpha = exp_e / (sum_exp[dst] + 1e-08)
    weighted = alpha[:, None] * h_prime[src]  # [E, D_OUT]
    h_new = jnp.zeros((n, D_OUT), dtype=jnp.float32).at[dst].add(weighted)
    return jax.nn.elu(h_new)

if __name__ == "__main__":
    import jax
    _d = setup_inputs()
    print(jax.jit(kernel)(*tuple(_d.values())))

</pallas_src>

<mosaic_0001>
#map = affine_map<(d0, d1) -> (0, 0)>
#map1 = affine_map<(d0, d1) -> (0)>
#map2 = affine_map<(d0, d1) -> (0, 0, 0)>
module attributes {stable_mosaic.version = 14 : i64} {
  func.func @_sc_body(%arg0: i32, %arg1: i32, %arg2: memref<10000x128xbf16, #tpu.memory_space<hbm>>, %arg3: memref<10000xf32, #tpu.memory_space<hbm>>, %arg4: memref<10000xf32, #tpu.memory_space<hbm>>, %arg5: memref<32x80x128xi32, #tpu.memory_space<hbm>>, %arg6: memref<32x80x128xi32, #tpu.memory_space<hbm>>, %arg7: memref<32x80x128xf32, #tpu.memory_space<hbm>>, %arg8: memref<2x10240x128xf32, #tpu.memory_space<hbm>>, %arg9: memref<2x10240xf32, #tpu.memory_space<hbm>>, %arg10: memref<4x128xi32, #tpu.memory_space<vmem>>, %arg11: memref<4x128xi32, #tpu.memory_space<vmem>>, %arg12: memref<4x128xf32, #tpu.memory_space<vmem>>, %arg13: memref<2x128xf32, #tpu.memory_space<vmem>>, %arg14: memref<2x128xf32, #tpu.memory_space<vmem>>, %arg15: memref<2x128x128xbf16, #tpu.memory_space<vmem>>, %arg16: memref<128x128xf32, #tpu.memory_space<vmem>>, %arg17: memref<10240x128xf32, #tpu.memory_space<vmem_shared>>, %arg18: memref<10240xf32, #tpu.memory_space<vmem_shared>>, %arg19: memref<4x!tpu.dma_semaphore, #tpu.memory_space<semaphore_mem>>, %arg20: memref<2x!tpu.dma_semaphore, #tpu.memory_space<semaphore_mem>>, %arg21: memref<2x!tpu.dma_semaphore, #tpu.memory_space<semaphore_mem>>, %arg22: memref<2x!tpu.dma_semaphore, #tpu.memory_space<semaphore_mem>>, %arg23: memref<2x!tpu.dma_semaphore, #tpu.memory_space<semaphore_mem>>) attributes {dimension_semantics = [#tpu.dimension_semantics<core_parallel>, #tpu.dimension_semantics<subcore_parallel>], iteration_bounds = array<i64: 2, 16>, scalar_prefetch = 0 : i64, scratch_operands = 14 : i64, tpu.core_type = #tpu.core_type<sc_vector_subcore>, window_params = [{transform_indices = #map}, {transform_indices = #map1}, {transform_indices = #map1}, {transform_indices = #map2}, {transform_indices = #map2}, {transform_indices = #map2}, {transform_indices = #map2}, {transform_indices = #map}]} {
    %mul3A = arith.constant 16 : i32
    %mul3A_0 = arith.muli %arg0, %mul3A : i32
    %add3A = arith.addi %mul3A_0, %arg1 : i32
    %scan3A = arith.constant 0 : i32
    %scan3A_1 = arith.constant 128 : i32
    %scan3A_2 = arith.addi %scan3A, %scan3A_1 : i32
    %scan3A_3 = arith.constant 1 : i32
    scf.for %scan3A_303 = %scan3A to %scan3A_2 step %scan3A_3  : i32 {
      %mul3A_304 = arith.constant 1 : i32
      %mul3A_305 = arith.muli %scan3A_303, %mul3A_304 : i32
      %add3A_306 = arith.constant 0 : i32
      %add3A_307 = arith.addi %add3A_306, %mul3A_305 : i32
      %broadcast_in_dim3A = arith.constant 0.000000e+00 : f32
      %broadcast_in_dim3A_308 = vector.broadcast %broadcast_in_dim3A : f32 to vector<16xf32>
      %swap3A = arith.index_cast %add3A_307 : i32 to index
      %swap3A_309 = arith.constant 0 : index
      %swap3A_310 = tpu.vector_load %arg16[%swap3A, %swap3A_309] {strides = array<i32>} : memref<128x128xf32, #tpu.memory_space<vmem>>, vector<16xf32>,
      tpu.vector_store %arg16[%swap3A, %swap3A_309], %broadcast_in_dim3A_308 {strides = array<i32>} : memref<128x128xf32, #tpu.memory_space<vmem>>, vector<16xf32>,
      %broadcast_in_dim3A_311 = arith.constant 0.000000e+00 : f32
      %broadcast_in_dim3A_312 = vector.broadcast %broadcast_in_dim3A_311 : f32 to vector<16xf32>
      %swap3A_313 = arith.index_cast %add3A_307 : i32 to index
      %swap3A_314 = arith.constant 16 : index
      %swap3A_315 = tpu.vector_load %arg16[%swap3A_313, %swap3A_314] {strides = array<i32>} : memref<128x128xf32, #tpu.memory_space<vmem>>, vector<16xf32>,
      tpu.vector_store %arg16[%swap3A_313, %swap3A_314], %broadcast_in_dim3A_312 {strides = array<i32>} : memref<128x128xf32, #tpu.memory_space<vmem>>, vector<16xf32>,
      %broadcast_in_dim3A_316 = arith.constant 0.000000e+00 : f32
      %broadcast_in_dim3A_317 = vector.broadcast %broadcast_in_dim3A_316 : f32 to vector<16xf32>
      %swap3A_318 = arith.index_cast %add3A_307 : i32 to index
      %swap3A_319 = arith.constant 32 : index
      %swap3A_320 = tpu.vector_load %arg16[%swap3A_318, %swap3A_319] {strides = array<i32>} : memref<128x128xf32, #tpu.memory_space<vmem>>, vector<16xf32>,
      tpu.vector_store %arg16[%swap3A_318, %swap3A_319], %broadcast_in_dim3A_317 {strides = array<i32>} : memref<128x128xf32, #tpu.memory_space<vmem>>, vector<16xf32>,
      %broadcast_in_dim3A_321 = arith.constant 0.000000e+00 : f32
      %broadcast_in_dim3A_322 = vector.broadcast %broadcast_in_dim3A_321 : f32 to vector<16xf32>
      %swap3A_323 = arith.index_cast %add3A_307 : i32 to index
      %swap3A_324 = arith.constant 48 : index
      %swap3A_325 = tpu.vector_load %arg16[%swap3A_323, %swap3A_324] {strides = array<i32>} : memref<128x128xf32, #tpu.memory_space<vmem>>, vector<16xf32>,
      tpu.vector_store %arg16[%swap3A_323, %swap3A_324], %broadcast_in_dim3A_322 {strides = array<i32>} : memref<128x128xf32, #tpu.memory_space<vmem>>, vector<16xf32>,
      %broadcast_in_dim3A_326 = arith.constant 0.000000e+00 : f32
      %broadcast_in_dim3A_327 = vector.broadcast %broadcast_in_dim3A_326 : f32 to vector<16xf32>
      %swap3A_328 = arith.index_cast %add3A_307 : i32 to index
      %swap3A_329 = arith.constant 64 : index
      %swap3A_330 = tpu.vector_load %arg16[%swap3A_328, %swap3A_329] {strides = array<i32>} : memref<128x128xf32, #tpu.memory_space<vmem>>, vector<16xf32>,
      tpu.vector_store %arg16[%swap3A_328, %swap3A_329], %broadcast_in_dim3A_327 {strides = array<i32>} : memref<128x128xf32, #tpu.memory_space<vmem>>, vector<16xf32>,
      %broadcast_in_dim3A_331 = arith.constant 0.000000e+00 : f32
      %broadcast_in_dim3A_332 = vector.broadcast %broadcast_in_dim3A_331 : f32 to vector<16xf32>
      %swap3A_333 = arith.index_cast %add3A_307 : i32 to index
      %swap3A_334 = arith.constant 80 : index
      %swap3A_335 = tpu.vector_load %arg16[%swap3A_333, %swap3A_334] {strides = array<i32>} : memref<128x128xf32, #tpu.memory_space<vmem>>, vector<16xf32>,
      tpu.vector_store %arg16[%swap3A_333, %swap3A_334], %broadcast_in_dim3A_332 {strides = array<i32>} : memref<128x128xf32, #tpu.memory_space<vmem>>, vector<16xf32>,
      %broadcast_in_dim3A_336 = arith.constant 0.000000e+00 : f32
      %broadcast_in_dim3A_337 = vector.broadcast %broadcast_in_dim3A_336 : f32 to vector<16xf32>
      %swap3A_338 = arith.index_cast %add3A_307 : i32 to index
      %swap3A_339 = arith.constant 96 : index
      %swap3A_340 = tpu.vector_load %arg16[%swap3A_338, %swap3A_339] {strides = array<i32>} : memref<128x128xf32, #tpu.memory_space<vmem>>, vector<16xf32>,
      tpu.vector_store %arg16[%swap3A_338, %swap3A_339], %broadcast_in_dim3A_337 {strides = array<i32>} : memref<128x128xf32, #tpu.memory_space<vmem>>, vector<16xf32>,
      %broadcast_in_dim3A_341 = arith.constant 0.000000e+00 : f32
      %broadcast_in_dim3A_342 = vector.broadcast %broadcast_in_dim3A_341 : f32 to vector<16xf32>
      %swap3A_343 = arith.index_cast %add3A_307 : i32 to index
      %swap3A_344 = arith.constant 112 : index
      %swap3A_345 = tpu.vector_load %arg16[%swap3A_343, %swap3A_344] {strides = array<i32>} : memref<128x128xf32, #tpu.memory_space<vmem>>, vector<16xf32>,
      tpu.vector_store %arg16[%swap3A_343, %swap3A_344], %broadcast_in_dim3A_342 {strides = array<i32>} : memref<128x128xf32, #tpu.memory_space<vmem>>, vector<16xf32>,
    }
    %scan3A_4 = arith.constant 128 : i32
    %mul3A_5 = arith.constant 640 : i32
    %mul3A_6 = arith.muli %arg1, %mul3A_5 : i32
    %add3A_7 = arith.constant 0 : i32
    %add3A_8 = arith.addi %mul3A_6, %add3A_7 : i32
    "tpu.region"() ({
      %run_scoped3A_303 = tpu.sem_alloc : memref<!tpu.dma_semaphore, #tpu.memory_space<semaphore_mem>>
      %dma_start3A_304 = arith.constant 0 : i32
      %dma_start3A_305 = tpu.memref_slice %arg17[%add3A_8, %dma_start3A_304] : memref<10240x128xf32, #tpu.memory_space<vmem_shared>> -> memref<128x128xf32, #tpu.memory_space<vmem_shared>>
      %dma_start3A_306 = arith.constant 0 : i32
      %dma_start3A_307 = tpu.memref_slice %arg17[%add3A_8, %dma_start3A_306] : memref<10240x128xf32, #tpu.memory_space<vmem_shared>> -> memref<128x128xf32, #tpu.memory_space<vmem_shared>>
      tpu.enqueue_dma source(%arg16 : memref<128x128xf32, #tpu.memory_space<vmem>>) target(%dma_start3A_307 : memref<128x128xf32, #tpu.memory_space<vmem_shared>>) target_semaphore(%run_scoped3A_303 : memref<!tpu.dma_semaphore, #tpu.memory_space<semaphore_mem>>)
      %dma_wait3A_308 = arith.constant 0 : i32
      %dma_wait3A_309 = tpu.memref_slice %arg17[%add3A_8, %dma_wait3A_308] : memref<10240x128xf32, #tpu.memory_space<vmem_shared>> -> memref<128x128xf32, #tpu.memory_space<vmem_shared>>
      %dma_wait3A_310 = arith.constant 0 : i32
      %dma_wait3A_311 = tpu.memref_slice %arg17[%add3A_8, %dma_wait3A_310] : memref<10240x128xf32, #tpu.memory_space<vmem_shared>> -> memref<128x128xf32, #tpu.memory_space<vmem_shared>>
      tpu.wait_dma2 semaphore(%run_scoped3A_303 : memref<!tpu.dma_semaphore, #tpu.memory_space<semaphore_mem>>) src(%arg16 : memref<128x128xf32, #tpu.memory_space<vmem>>) dst(%dma_wait3A_311 : memref<128x128xf32, #tpu.memory_space<vmem_shared>>)
      tpu.yield
    }) : () -> ()
    %add3A_9 = arith.constant 0 : i32
    %add3A_10 = arith.addi %mul3A_6, %add3A_9 : i32
    %run_scoped3A = arith.constant 0 : i32
    "tpu.region"() ({
      %run_scoped3A_303 = tpu.sem_alloc : memref<!tpu.dma_semaphore, #tpu.memory_space<semaphore_mem>>
      %dma_start3A_304 = arith.constant 0 : i32
      %dma_start3A_305 = tpu.memref_slice %arg16[%run_scoped3A, %dma_start3A_304] : memref<128x128xf32, #tpu.memory_space<vmem>> -> memref<1x128xf32, #tpu.memory_space<vmem>>
      %dma_start3A_306 = tpu.memref_squeeze %dma_start3A_305 : memref<1x128xf32, #tpu.memory_space<vmem>> -> memref<128xf32, #tpu.memory_space<vmem>>
      %dma_start3A_307 = tpu.memref_slice %arg18[%add3A_10] : memref<10240xf32, #tpu.memory_space<vmem_shared>> -> memref<128xf32, #tpu.memory_space<vmem_shared>>
      %dma_start3A_308 = tpu.memref_slice %arg18[%add3A_10] : memref<10240xf32, #tpu.memory_space<vmem_shared>> -> memref<128xf32, #tpu.memory_space<vmem_shared>>
      %dma_start3A_309 = arith.constant 0 : i32
      %dma_start3A_310 = tpu.memref_slice %arg16[%run_scoped3A, %dma_start3A_309] : memref<128x128xf32, #tpu.memory_space<vmem>> -> memref<1x128xf32, #tpu.memory_space<vmem>>
      %dma_start3A_311 = tpu.memref_squeeze %dma_start3A_310 : memref<1x128xf32, #tpu.memory_space<vmem>> -> memref<128xf32, #tpu.memory_space<vmem>>
      tpu.enqueue_dma source(%dma_start3A_311 : memref<128xf32, #tpu.memory_space<vmem>>) target(%dma_start3A_308 : memref<128xf32, #tpu.memory_space<vmem_shared>>) target_semaphore(%run_scoped3A_303 : memref<!tpu.dma_semaphore, #tpu.memory_space<semaphore_mem>>)
      %dma_wait3A_312 = arith.constant 0 : i32
      %dma_wait3A_313 = tpu.memref_slice %arg16[%run_scoped3A, %dma_wait3A_312] : memref<128x128xf32, #tpu.memory_space<vmem>> -> memref<1x128xf32, #tpu.memory_space<vmem>>
      %dma_wait3A_314 = tpu.memref_squeeze %dma_wait3A_313 : memref<1x128xf32, #tpu.memory_space<vmem>> -> memref<128xf32, #tpu.memory_space<vmem>>
      %dma_wait3A_315 = tpu.memref_slice %arg18[%add3A_10] : memref<10240xf32, #tpu.memory_space<vmem_shared>> -> memref<128xf32, #tpu.memory_space<vmem_shared>>
      %dma_wait3A_316 = tpu.memref_slice %arg18[%add3A_10] : memref<10240xf32, #tpu.memory_space<vmem_shared>> -> memref<128xf32, #tpu.memory_space<vmem_shared>>
      %dma_wait3A_317 = arith.constant 0 : i32
      %dma_wait3A_318 = tpu.memref_slice %arg16[%run_scoped3A, %dma_wait3A_317] : memref<128x128xf32, #tpu.memory_space<vmem>> -> memref<1x128xf32, #tpu.memory_space<vmem>>
      %dma_wait3A_319 = tpu.memref_squeeze %dma_wait3A_318 : memref<1x128xf32, #tpu.memory_space<vmem>> -> memref<128xf32, #tpu.memory_space<vmem>>
      tpu.wait_dma2 semaphore(%run_scoped3A_303 : memref<!tpu.dma_semaphore, #tpu.memory_space<semaphore_mem>>) src(%dma_wait3A_319 : memref<128xf32, #tpu.memory_space<vmem>>) dst(%dma_wait3A_316 : memref<128xf32, #tpu.memory_space<vmem_shared>>)
      tpu.yield
    }) : () -> ()
    %add3A_11 = arith.constant 128 : i32
    %add3A_12 = arith.addi %mul3A_6, %add3A_11 : i32
    "tpu.region"() ({
      %run_scoped3A_303 = tpu.sem_alloc : memref<!tpu.dma_semaphore, #tpu.memory_space<semaphore_mem>>
      %dma_start3A_304 = arith.constant 0 : i32
      %dma_start3A_305 = tpu.memref_slice %arg17[%add3A_12, %dma_start3A_304] : memref<10240x128xf32, #tpu.memory_space<vmem_shared>> -> memref<128x128xf32, #tpu.memory_space<vmem_shared>>
      %dma_start3A_306 = arith.constant 0 : i32
      %dma_start3A_307 = tpu.memref_slice %arg17[%add3A_12, %dma_start3A_306] : memref<10240x128xf32, #tpu.memory_space<vmem_shared>> -> memref<128x128xf32, #tpu.memory_space<vmem_shared>>
      tpu.enqueue_dma source(%arg16 : memref<128x128xf32, #tpu.memory_space<vmem>>) target(%dma_start3A_307 : memref<128x128xf32, #tpu.memory_space<vmem_shared>>) target_semaphore(%run_scoped3A_303 : memref<!tpu.dma_semaphore, #tpu.memory_space<semaphore_mem>>)
      %dma_wait3A_308 = arith.constant 0 : i32
      %dma_wait3A_309 = tpu.memref_slice %arg17[%add3A_12, %dma_wait3A_308] : memref<10240x128xf32, #tpu.memory_space<vmem_shared>> -> memref<128x128xf32, #tpu.memory_space<vmem_shared>>
      %dma_wait3A_310 = arith.constant 0 : i32
      %dma_wait3A_311 = tpu.memref_slice %arg17[%add3A_12, %dma_wait3A_310] : memref<10240x128xf32, #tpu.memory_space<vmem_shared>> -> memref<128x128xf32, #tpu.memory_space<vmem_shared>>
      tpu.wait_dma2 semaphore(%run_scoped3A_303 : memref<!tpu.dma_semaphore, #tpu.memory_space<semaphore_mem>>) src(%arg16 : memref<128x128xf32, #tpu.memory_space<vmem>>) dst(%dma_wait3A_311 : memref<128x128xf32, #tpu.memory_space<vmem_shared>>)
      tpu.yield
    }) : () -> ()
    %add3A_13 = arith.constant 128 : i32
    %add3A_14 = arith.addi %mul3A_6, %add3A_13 : i32
    %run_scoped3A_15 = arith.constant 0 : i32
    "tpu.region"() ({
      %run_scoped3A_303 = tpu.sem_alloc : memref<!tpu.dma_semaphore, #tpu.memory_space<semaphore_mem>>
      %dma_start3A_304 = arith.constant 0 : i32
      %dma_start3A_305 = tpu.memref_slice %arg16[%run_scoped3A_15, %dma_start3A_304] : memref<128x128xf32, #tpu.memory_space<vmem>> -> memref<1x128xf32, #tpu.memory_space<vmem>>
      %dma_start3A_306 = tpu.memref_squeeze %dma_start3A_305 : memref<1x128xf32, #tpu.memory_space<vmem>> -> memref<128xf32, #tpu.memory_space<vmem>>
      %dma_start3A_307 = tpu.memref_slice %arg18[%add3A_14] : memref<10240xf32, #tpu.memory_space<vmem_shared>> -> memref<128xf32, #tpu.memory_space<vmem_shared>>
      %dma_start3A_308 = tpu.memref_slice %arg18[%add3A_14] : memref<10240xf32, #tpu.memory_space<vmem_shared>> -> memref<128xf32, #tpu.memory_space<vmem_shared>>
      %dma_start3A_309 = arith.constant 0 : i32
      %dma_start3A_310 = tpu.memref_slice %arg16[%run_scoped3A_15, %dma_start3A_309] : memref<128x128xf32, #tpu.memory_space<vmem>> -> memref<1x128xf32, #tpu.memory_space<vmem>>
      %dma_start3A_311 = tpu.memref_squeeze %dma_start3A_310 : memref<1x128xf32, #tpu.memory_space<vmem>> -> memref<128xf32, #tpu.memory_space<vmem>>
      tpu.enqueue_dma source(%dma_start3A_311 : memref<128xf32, #tpu.memory_space<vmem>>) target(%dma_start3A_308 : memref<128xf32, #tpu.memory_space<vmem_shared>>) target_semaphore(%run_scoped3A_303 : memref<!tpu.dma_semaphore, #tpu.memory_space<semaphore_mem>>)
      %dma_wait3A_312 = arith.constant 0 : i32
      %dma_wait3A_313 = tpu.memref_slice %arg16[%run_scoped3A_15, %dma_wait3A_312] : memref<128x128xf32, #tpu.memory_space<vmem>> -> memref<1x128xf32, #tpu.memory_space<vmem>>
      %dma_wait3A_314 = tpu.memref_squeeze %dma_wait3A_313 : memref<1x128xf32, #tpu.memory_space<vmem>> -> memref<128xf32, #tpu.memory_space<vmem>>
      %dma_wait3A_315 = tpu.memref_slice %arg18[%add3A_14] : memref<10240xf32, #tpu.memory_space<vmem_shared>> -> memref<128xf32, #tpu.memory_space<vmem_shared>>
      %dma_wait3A_316 = tpu.memref_slice %arg18[%add3A_14] : memref<10240xf32, #tpu.memory_space<vmem_shared>> -> memref<128xf32, #tpu.memory_space<vmem_shared>>
      %dma_wait3A_317 = arith.constant 0 : i32
      %dma_wait3A_318 = tpu.memref_slice %arg16[%run_scoped3A_15, %dma_wait3A_317] : memref<128x128xf32, #tpu.memory_space<vmem>> -> memref<1x128xf32, #tpu.memory_space<vmem>>
      %dma_wait3A_319 = tpu.memref_squeeze %dma_wait3A_318 : memref<1x128xf32, #tpu.memory_space<vmem>> -> memref<128xf32, #tpu.memory_space<vmem>>
      tpu.wait_dma2 semaphore(%run_scoped3A_303 : memref<!tpu.dma_semaphore, #tpu.memory_space<semaphore_mem>>) src(%dma_wait3A_319 : memref<128xf32, #tpu.memory_space<vmem>>) dst(%dma_wait3A_316 : memref<128xf32, #tpu.memory_space<vmem_shared>>)
      tpu.yield
    }) : () -> ()
    %add3A_16 = arith.constant 256 : i32
    %add3A_17 = arith.addi %mul3A_6, %add3A_16 : i32
    "tpu.region"() ({
      %run_scoped3A_303 = tpu.sem_alloc : memref<!tpu.dma_semaphore, #tpu.memory_space<semaphore_mem>>
      %dma_start3A_304 = arith.constant 0 : i32
      %dma_start3A_305 = tpu.memref_slice %arg17[%add3A_17, %dma_start3A_304] : memref<10240x128xf32, #tpu.memory_space<vmem_shared>> -> memref<128x128xf32, #tpu.memory_space<vmem_shared>>
      %dma_start3A_306 = arith.constant 0 : i32
      %dma_start3A_307 = tpu.memref_slice %arg17[%add3A_17, %dma_start3A_306] : memref<10240x128xf32, #tpu.memory_space<vmem_shared>> -> memref<128x128xf32, #tpu.memory_space<vmem_shared>>
      tpu.enqueue_dma source(%arg16 : memref<128x128xf32, #tpu.memory_space<vmem>>) target(%dma_start3A_307 : memref<128x128xf32, #tpu.memory_space<vmem_shared>>) target_semaphore(%run_scoped3A_303 : memref<!tpu.dma_semaphore, #tpu.memory_space<semaphore_mem>>)
      %dma_wait3A_308 = arith.constant 0 : i32
      %dma_wait3A_309 = tpu.memref_slice %arg17[%add3A_17, %dma_wait3A_308] : memref<10240x128xf32, #tpu.memory_space<vmem_shared>> -> memref<128x128xf32, #tpu.memory_space<vmem_shared>>
      %dma_wait3A_310 = arith.constant 0 : i32
      %dma_wait3A_311 = tpu.memref_slice %arg17[%add3A_17, %dma_wait3A_310] : memref<10240x128xf32, #tpu.memory_space<vmem_shared>> -> memref<128x128xf32, #tpu.memory_space<vmem_shared>>
      tpu.wait_dma2 semaphore(%run_scoped3A_303 : memref<!tpu.dma_semaphore, #tpu.memory_space<semaphore_mem>>) src(%arg16 : memref<128x128xf32, #tpu.memory_space<vmem>>) dst(%dma_wait3A_311 : memref<128x128xf32, #tpu.memory_space<vmem_shared>>)
      tpu.yield
    }) : () -> ()
    %add3A_18 = arith.constant 256 : i32
    %add3A_19 = arith.addi %mul3A_6, %add3A_18 : i32
    %run_scoped3A_20 = arith.constant 0 : i32
    "tpu.region"() ({
      %run_scoped3A_303 = tpu.sem_alloc : memref<!tpu.dma_semaphore, #tpu.memory_space<semaphore_mem>>
      %dma_start3A_304 = arith.constant 0 : i32
      %dma_start3A_305 = tpu.memref_slice %arg16[%run_scoped3A_20, %dma_start3A_304] : memref<128x128xf32, #tpu.memory_space<vmem>> -> memref<1x128xf32, #tpu.memory_space<vmem>>
      %dma_start3A_306 = tpu.memref_squeeze %dma_start3A_305 : memref<1x128xf32, #tpu.memory_space<vmem>> -> memref<128xf32, #tpu.memory_space<vmem>>
      %dma_start3A_307 = tpu.memref_slice %arg18[%add3A_19] : memref<10240xf32, #tpu.memory_space<vmem_shared>> -> memref<128xf32, #tpu.memory_space<vmem_shared>>
      %dma_start3A_308 = tpu.memref_slice %arg18[%add3A_19] : memref<10240xf32, #tpu.memory_space<vmem_shared>> -> memref<128xf32, #tpu.memory_space<vmem_shared>>
      %dma_start3A_309 = arith.constant 0 : i32
      %dma_start3A_310 = tpu.memref_slice %arg16[%run_scoped3A_20, %dma_start3A_309] : memref<128x128xf32, #tpu.memory_space<vmem>> -> memref<1x128xf32, #tpu.memory_space<vmem>>
      %dma_start3A_311 = tpu.memref_squeeze %dma_start3A_310 : memref<1x128xf32, #tpu.memory_space<vmem>> -> memref<128xf32, #tpu.memory_space<vmem>>
      tpu.enqueue_dma source(%dma_start3A_311 : memref<128xf32, #tpu.memory_space<vmem>>) target(%dma_start3A_308 : memref<128xf32, #tpu.memory_space<vmem_shared>>) target_semaphore(%run_scoped3A_303 : memref<!tpu.dma_semaphore, #tpu.memory_space<semaphore_mem>>)
      %dma_wait3A_312 = arith.constant 0 : i32
      %dma_wait3A_313 = tpu.memref_slice %arg16[%run_scoped3A_20, %dma_wait3A_312] : memref<128x128xf32, #tpu.memory_space<vmem>> -> memref<1x128xf32, #tpu.memory_space<vmem>>
      %dma_wait3A_314 = tpu.memref_squeeze %dma_wait3A_313 : memref<1x128xf32, #tpu.memory_space<vmem>> -> memref<128xf32, #tpu.memory_space<vmem>>
      %dma_wait3A_315 = tpu.memref_slice %arg18[%add3A_19] : memref<10240xf32, #tpu.memory_space<vmem_shared>> -> memref<128xf32, #tpu.memory_space<vmem_shared>>
      %dma_wait3A_316 = tpu.memref_slice %arg18[%add3A_19] : memref<10240xf32, #tpu.memory_space<vmem_shared>> -> memref<128xf32, #tpu.memory_space<vmem_shared>>
      %dma_wait3A_317 = arith.constant 0 : i32
      %dma_wait3A_318 = tpu.memref_slice %arg16[%run_scoped3A_20, %dma_wait3A_317] : memref<128x128xf32, #tpu.memory_space<vmem>> -> memref<1x128xf32, #tpu.memory_space<vmem>>
      %dma_wait3A_319 = tpu.memref_squeeze %dma_wait3A_318 : memref<1x128xf32, #tpu.memory_space<vmem>> -> memref<128xf32, #tpu.memory_space<vmem>>
      tpu.wait_dma2 semaphore(%run_scoped3A_303 : memref<!tpu.dma_semaphore, #tpu.memory_space<semaphore_mem>>) src(%dma_wait3A_319 : memref<128xf32, #tpu.memory_space<vmem>>) dst(%dma_wait3A_316 : memref<128xf32, #tpu.memory_space<vmem_shared>>)
      tpu.yield
    }) : () -> ()
    %add3A_21 = arith.constant 384 : i32
    %add3A_22 = arith.addi %mul3A_6, %add3A_21 : i32
    "tpu.region"() ({
      %run_scoped3A_303 = tpu.sem_alloc : memref<!tpu.dma_semaphore, #tpu.memory_space<semaphore_mem>>
      %dma_start3A_304 = arith.constant 0 : i32
      %dma_start3A_305 = tpu.memref_slice %arg17[%add3A_22, %dma_start3A_304] : memref<10240x128xf32, #tpu.memory_space<vmem_shared>> -> memref<128x128xf32, #tpu.memory_space<vmem_shared>>
      %dma_start3A_306 = arith.constant 0 : i32
      %dma_start3A_307 = tpu.memref_slice %arg17[%add3A_22, %dma_start3A_306] : memref<10240x128xf32, #tpu.memory_space<vmem_shared>> -> memref<128x128xf32, #tpu.memory_space<vmem_shared>>
      tpu.enqueue_dma source(%arg16 : memref<128x128xf32, #tpu.memory_space<vmem>>) target(%dma_start3A_307 : memref<128x128xf32, #tpu.memory_space<vmem_shared>>) target_semaphore(%run_scoped3A_303 : memref<!tpu.dma_semaphore, #tpu.memory_space<semaphore_mem>>)
      %dma_wait3A_308 = arith.constant 0 : i32
      %dma_wait3A_309 = tpu.memref_slice %arg17[%add3A_22, %dma_wait3A_308] : memref<10240x128xf32, #tpu.memory_space<vmem_shared>> -> memref<128x128xf32, #tpu.memory_space<vmem_shared>>
      %dma_wait3A_310 = arith.constant 0 : i32
      %dma_wait3A_311 = tpu.memref_slice %arg17[%add3A_22, %dma_wait3A_310] : memref<10240x128xf32, #tpu.memory_space<vmem_shared>> -> memref<128x128xf32, #tpu.memory_space<vmem_shared>>
      tpu.wait_dma2 semaphore(%run_scoped3A_303 : memref<!tpu.dma_semaphore, #tpu.memory_space<semaphore_mem>>) src(%arg16 : memref<128x128xf32, #tpu.memory_space<vmem>>) dst(%dma_wait3A_311 : memref<128x128xf32, #tpu.memory_space<vmem_shared>>)
      tpu.yield
    }) : () -> ()
    %add3A_23 = arith.constant 384 : i32
    %add3A_24 = arith.addi %mul3A_6, %add3A_23 : i32
    %run_scoped3A_25 = arith.constant 0 : i32
    "tpu.region"() ({
      %run_scoped3A_303 = tpu.sem_alloc : memref<!tpu.dma_semaphore, #tpu.memory_space<semaphore_mem>>
      %dma_start3A_304 = arith.constant 0 : i32
      %dma_start3A_305 = tpu.memref_slice %arg16[%run_scoped3A_25, %dma_start3A_304] : memref<128x128xf32, #tpu.memory_space<vmem>> -> memref<1x128xf32, #tpu.memory_space<vmem>>
      %dma_start3A_306 = tpu.memref_squeeze %dma_start3A_305 : memref<1x128xf32, #tpu.memory_space<vmem>> -> memref<128xf32, #tpu.memory_space<vmem>>
      %dma_start3A_307 = tpu.memref_slice %arg18[%add3A_24] : memref<10240xf32, #tpu.memory_space<vmem_shared>> -> memref<128xf32, #tpu.memory_space<vmem_shared>>
      %dma_start3A_308 = tpu.memref_slice %arg18[%add3A_24] : memref<10240xf32, #tpu.memory_space<vmem_shared>> -> memref<128xf32, #tpu.memory_space<vmem_shared>>
      %dma_start3A_309 = arith.constant 0 : i32
      %dma_start3A_310 = tpu.memref_slice %arg16[%run_scoped3A_25, %dma_start3A_309] : memref<128x128xf32, #tpu.memory_space<vmem>> -> memref<1x128xf32, #tpu.memory_space<vmem>>
      %dma_start3A_311 = tpu.memref_squeeze %dma_start3A_310 : memref<1x128xf32, #tpu.memory_space<vmem>> -> memref<128xf32, #tpu.memory_space<vmem>>
      tpu.enqueue_dma source(%dma_start3A_311 : memref<128xf32, #tpu.memory_space<vmem>>) target(%dma_start3A_308 : memref<128xf32, #tpu.memory_space<vmem_shared>>) target_semaphore(%run_scoped3A_303 : memref<!tpu.dma_semaphore, #tpu.memory_space<semaphore_mem>>)
      %dma_wait3A_312 = arith.constant 0 : i32
      %dma_wait3A_313 = tpu.memref_slice %arg16[%run_scoped3A_25, %dma_wait3A_312] : memref<128x128xf32, #tpu.memory_space<vmem>> -> memref<1x128xf32, #tpu.memory_space<vmem>>
      %dma_wait3A_314 = tpu.memref_squeeze %dma_wait3A_313 : memref<1x128xf32, #tpu.memory_space<vmem>> -> memref<128xf32, #tpu.memory_space<vmem>>
      %dma_wait3A_315 = tpu.memref_slice %arg18[%add3A_24] : memref<10240xf32, #tpu.memory_space<vmem_shared>> -> memref<128xf32, #tpu.memory_space<vmem_shared>>
      %dma_wait3A_316 = tpu.memref_slice %arg18[%add3A_24] : memref<10240xf32, #tpu.memory_space<vmem_shared>> -> memref<128xf32, #tpu.memory_space<vmem_shared>>
      %dma_wait3A_317 = arith.constant 0 : i32
      %dma_wait3A_318 = tpu.memref_slice %arg16[%run_scoped3A_25, %dma_wait3A_317] : memref<128x128xf32, #tpu.memory_space<vmem>> -> memref<1x128xf32, #tpu.memory_space<vmem>>
      %dma_wait3A_319 = tpu.memref_squeeze %dma_wait3A_318 : memref<1x128xf32, #tpu.memory_space<vmem>> -> memref<128xf32, #tpu.memory_space<vmem>>
      tpu.wait_dma2 semaphore(%run_scoped3A_303 : memref<!tpu.dma_semaphore, #tpu.memory_space<semaphore_mem>>) src(%dma_wait3A_319 : memref<128xf32, #tpu.memory_space<vmem>>) dst(%dma_wait3A_316 : memref<128xf32, #tpu.memory_space<vmem_shared>>)
      tpu.yield
    }) : () -> ()
    %add3A_26 = arith.constant 512 : i32
    %add3A_27 = arith.addi %mul3A_6, %add3A_26 : i32
    "tpu.region"() ({
      %run_scoped3A_303 = tpu.sem_alloc : memref<!tpu.dma_semaphore, #tpu.memory_space<semaphore_mem>>
      %dma_start3A_304 = arith.constant 0 : i32
      %dma_start3A_305 = tpu.memref_slice %arg17[%add3A_27, %dma_start3A_304] : memref<10240x128xf32, #tpu.memory_space<vmem_shared>> -> memref<128x128xf32, #tpu.memory_space<vmem_shared>>
      %dma_start3A_306 = arith.constant 0 : i32
      %dma_start3A_307 = tpu.memref_slice %arg17[%add3A_27, %dma_start3A_306] : memref<10240x128xf32, #tpu.memory_space<vmem_shared>> -> memref<128x128xf32, #tpu.memory_space<vmem_shared>>
      tpu.enqueue_dma source(%arg16 : memref<128x128xf32, #tpu.memory_space<vmem>>) target(%dma_start3A_307 : memref<128x128xf32, #tpu.memory_space<vmem_shared>>) target_semaphore(%run_scoped3A_303 : memref<!tpu.dma_semaphore, #tpu.memory_space<semaphore_mem>>)
      %dma_wait3A_308 = arith.constant 0 : i32
      %dma_wait3A_309 = tpu.memref_slice %arg17[%add3A_27, %dma_wait3A_308] : memref<10240x128xf32, #tpu.memory_space<vmem_shared>> -> memref<128x128xf32, #tpu.memory_space<vmem_shared>>
      %dma_wait3A_310 = arith.constant 0 : i32
      %dma_wait3A_311 = tpu.memref_slice %arg17[%add3A_27, %dma_wait3A_310] : memref<10240x128xf32, #tpu.memory_space<vmem_shared>> -> memref<128x128xf32, #tpu.memory_space<vmem_shared>>
      tpu.wait_dma2 semaphore(%run_scoped3A_303 : memref<!tpu.dma_semaphore, #tpu.memory_space<semaphore_mem>>) src(%arg16 : memref<128x128xf32, #tpu.memory_space<vmem>>) dst(%dma_wait3A_311 : memref<128x128xf32, #tpu.memory_space<vmem_shared>>)
      tpu.yield
    }) : () -> ()
    %add3A_28 = arith.constant 512 : i32
    %add3A_29 = arith.addi %mul3A_6, %add3A_28 : i32
    %run_scoped3A_30 = arith.constant 0 : i32
    "tpu.region"() ({
      %run_scoped3A_303 = tpu.sem_alloc : memref<!tpu.dma_semaphore, #tpu.memory_space<semaphore_mem>>
      %dma_start3A_304 = arith.constant 0 : i32
      %dma_start3A_305 = tpu.memref_slice %arg16[%run_scoped3A_30, %dma_start3A_304] : memref<128x128xf32, #tpu.memory_space<vmem>> -> memref<1x128xf32, #tpu.memory_space<vmem>>
      %dma_start3A_306 = tpu.memref_squeeze %dma_start3A_305 : memref<1x128xf32, #tpu.memory_space<vmem>> -> memref<128xf32, #tpu.memory_space<vmem>>
      %dma_start3A_307 = tpu.memref_slice %arg18[%add3A_29] : memref<10240xf32, #tpu.memory_space<vmem_shared>> -> memref<128xf32, #tpu.memory_space<vmem_shared>>
      %dma_start3A_308 = tpu.memref_slice %arg18[%add3A_29] : memref<10240xf32, #tpu.memory_space<vmem_shared>> -> memref<128xf32, #tpu.memory_space<vmem_shared>>
      %dma_start3A_309 = arith.constant 0 : i32
      %dma_start3A_310 = tpu.memref_slice %arg16[%run_scoped3A_30, %dma_start3A_309] : memref<128x128xf32, #tpu.memory_space<vmem>> -> memref<1x128xf32, #tpu.memory_space<vmem>>
      %dma_start3A_311 = tpu.memref_squeeze %dma_start3A_310 : memref<1x128xf32, #tpu.memory_space<vmem>> -> memref<128xf32, #tpu.memory_space<vmem>>
      tpu.enqueue_dma source(%dma_start3A_311 : memref<128xf32, #tpu.memory_space<vmem>>) target(%dma_start3A_308 : memref<128xf32, #tpu.memory_space<vmem_shared>>) target_semaphore(%run_scoped3A_303 : memref<!tpu.dma_semaphore, #tpu.memory_space<semaphore_mem>>)
      %dma_wait3A_312 = arith.constant 0 : i32
      %dma_wait3A_313 = tpu.memref_slice %arg16[%run_scoped3A_30, %dma_wait3A_312] : memref<128x128xf32, #tpu.memory_space<vmem>> -> memref<1x128xf32, #tpu.memory_space<vmem>>
      %dma_wait3A_314 = tpu.memref_squeeze %dma_wait3A_313 : memref<1x128xf32, #tpu.memory_space<vmem>> -> memref<128xf32, #tpu.memory_space<vmem>>
      %dma_wait3A_315 = tpu.memref_slice %arg18[%add3A_29] : memref<10240xf32, #tpu.memory_space<vmem_shared>> -> memref<128xf32, #tpu.memory_space<vmem_shared>>
      %dma_wait3A_316 = tpu.memref_slice %arg18[%add3A_29] : memref<10240xf32, #tpu.memory_space<vmem_shared>> -> memref<128xf32, #tpu.memory_space<vmem_shared>>
      %dma_wait3A_317 = arith.constant 0 : i32
      %dma_wait3A_318 = tpu.memref_slice %arg16[%run_scoped3A_30, %dma_wait3A_317] : memref<128x128xf32, #tpu.memory_space<vmem>> -> memref<1x128xf32, #tpu.memory_space<vmem>>
      %dma_wait3A_319 = tpu.memref_squeeze %dma_wait3A_318 : memref<1x128xf32, #tpu.memory_space<vmem>> -> memref<128xf32, #tpu.memory_space<vmem>>
      tpu.wait_dma2 semaphore(%run_scoped3A_303 : memref<!tpu.dma_semaphore, #tpu.memory_space<semaphore_mem>>) src(%dma_wait3A_319 : memref<128xf32, #tpu.memory_space<vmem>>) dst(%dma_wait3A_316 : memref<128xf32, #tpu.memory_space<vmem_shared>>)
      tpu.yield
    }) : () -> ()
    %barrier3A = arith.constant 0 : index
    tpu.barrier barrier_id(%barrier3A)
    %dma_start3A = arith.constant 0 : i32
    %dma_start3A_31 = arith.constant 0 : i32
    %dma_start3A_32 = arith.constant 0 : i32
    %dma_start3A_33 = arith.constant 0 : i32
    %dma_start3A_34 = tpu.memref_slice %arg10[%dma_start3A_31, %dma_start3A_33] : memref<4x128xi32, #tpu.memory_space<vmem>> -> memref<1x128xi32, #tpu.memory_space<vmem>>
    %dma_start3A_35 = tpu.memref_squeeze %dma_start3A_34 : memref<1x128xi32, #tpu.memory_space<vmem>> -> memref<128xi32, #tpu.memory_space<vmem>>
    %dma_start3A_36 = arith.constant 0 : i32
    %dma_start3A_37 = tpu.memref_slice %arg5[%add3A, %dma_start3A, %dma_start3A_36] : memref<32x80x128xi32, #tpu.memory_space<hbm>> -> memref<1x1x128xi32, #tpu.memory_space<hbm>>
    %dma_start3A_38 = tpu.memref_squeeze %dma_start3A_37 : memref<1x1x128xi32, #tpu.memory_space<hbm>> -> memref<128xi32, #tpu.memory_space<hbm>>
    %dma_start3A_39 = tpu.memref_slice %arg19[%dma_start3A_32] : memref<4x!tpu.dma_semaphore, #tpu.memory_space<semaphore_mem>> -> memref<1x!tpu.dma_semaphore, #tpu.memory_space<semaphore_mem>>
    %dma_start3A_40 = tpu.memref_squeeze %dma_start3A_39 : memref<1x!tpu.dma_semaphore, #tpu.memory_space<semaphore_mem>> -> memref<!tpu.dma_semaphore, #tpu.memory_space<semaphore_mem>>
    %dma_start3A_41 = arith.constant 0 : i32
    %dma_start3A_42 = tpu.memref_slice %arg10[%dma_start3A_31, %dma_start3A_41] : memref<4x128xi32, #tpu.memory_space<vmem>> -> memref<1x128xi32, #tpu.memory_space<vmem>>
    %dma_start3A_43 = tpu.memref_squeeze %dma_start3A_42 : memref<1x128xi32, #tpu.memory_space<vmem>> -> memref<128xi32, #tpu.memory_space<vmem>>
    %dma_start3A_44 = arith.constant 0 : i32
    %dma_start3A_45 = tpu.memref_slice %arg5[%add3A, %dma_start3A, %dma_start3A_44] : memref<32x80x128xi32, #tpu.memory_space<hbm>> -> memref<1x1x128xi32, #tpu.memory_space<hbm>>
    %dma_start3A_46 = tpu.memref_squeeze %dma_start3A_45 : memref<1x1x128xi32, #tpu.memory_space<hbm>> -> memref<128xi32, #tpu.memory_space<hbm>>
    tpu.enqueue_dma source(%dma_start3A_46 : memref<128xi32, #tpu.memory_space<hbm>>) target(%dma_start3A_43 : memref<128xi32, #tpu.memory_space<vmem>>) target_semaphore(%dma_start3A_40 : memref<!tpu.dma_semaphore, #tpu.memory_space<semaphore_mem>>)
    %dma_start3A_47 = arith.constant 0 : i32
    %dma_start3A_48 = arith.constant 0 : i32
    %dma_start3A_49 = arith.constant 0 : i32
    %dma_start3A_50 = arith.constant 0 : i32
    %dma_start3A_51 = tpu.memref_slice %arg11[%dma_start3A_48, %dma_start3A_50] : memref<4x128xi32, #tpu.memory_space<vmem>> -> memref<1x128xi32, #tpu.memory_space<vmem>>
    %dma_start3A_52 = tpu.memref_squeeze %dma_start3A_51 : memref<1x128xi32, #tpu.memory_space<vmem>> -> memref<128xi32, #tpu.memory_space<vmem>>
    %dma_start3A_53 = arith.constant 0 : i32
    %dma_start3A_54 = tpu.memref_slice %arg6[%add3A, %dma_start3A_47, %dma_start3A_53] : memref<32x80x128xi32, #tpu.memory_space<hbm>> -> memref<1x1x128xi32, #tpu.memory_space<hbm>>
    %dma_start3A_55 = tpu.memref_squeeze %dma_start3A_54 : memref<1x1x128xi32, #tpu.memory_space<hbm>> -> memref<128xi32, #tpu.memory_space<hbm>>
    %dma_start3A_56 = tpu.memref_slice %arg19[%dma_start3A_49] : memref<4x!tpu.dma_semaphore, #tpu.memory_space<semaphore_mem>> -> memref<1x!tpu.dma_semaphore, #tpu.memory_space<semaphore_mem>>
    %dma_start3A_57 = tpu.memref_squeeze %dma_start3A_56 : memref<1x!tpu.dma_semaphore, #tpu.memory_space<semaphore_mem>> -> memref<!tpu.dma_semaphore, #tpu.memory_space<semaphore_mem>>
    %dma_start3A_58 = arith.constant 0 : i32
    %dma_start3A_59 = tpu.memref_slice %arg11[%dma_start3A_48, %dma_start3A_58] : memref<4x128xi32, #tpu.memory_space<vmem>> -> memref<1x128xi32, #tpu.memory_space<vmem>>
    %dma_start3A_60 = tpu.memref_squeeze %dma_start3A_59 : memref<1x128xi32, #tpu.memory_space<vmem>> -> memref<128xi32, #tpu.memory_space<vmem>>
    %dma_start3A_61 = arith.constant 0 : i32
    %dma_start3A_62 = tpu.memref_slice %arg6[%add3A, %dma_start3A_47, %dma_start3A_61] : memref<32x80x128xi32, #tpu.memory_space<hbm>> -> memref<1x1x128xi32, #tpu.memory_space<hbm>>
    %dma_start3A_63 = tpu.memref_squeeze %dma_start3A_62 : memref<1x1x128xi32, #tpu.memory_space<hbm>> -> memref<128xi32, #tpu.memory_space<hbm>>
    tpu.enqueue_dma source(%dma_start3A_63 : memref<128xi32, #tpu.memory_space<hbm>>) target(%dma_start3A_60 : memref<128xi32, #tpu.memory_space<vmem>>) target_semaphore(%dma_start3A_57 : memref<!tpu.dma_semaphore, #tpu.memory_space<semaphore_mem>>)
    %dma_start3A_64 = arith.constant 0 : i32
    %dma_start3A_65 = arith.constant 0 : i32
    %dma_start3A_66 = arith.constant 0 : i32
    %dma_start3A_67 = arith.constant 0 : i32
    %dma_start3A_68 = tpu.memref_slice %arg12[%dma_start3A_65, %dma_start3A_67] : memref<4x128xf32, #tpu.memory_space<vmem>> -> memref<1x128xf32, #tpu.memory_space<vmem>>
    %dma_start3A_69 = tpu.memref_squeeze %dma_start3A_68 : memref<1x128xf32, #tpu.memory_space<vmem>> -> memref<128xf32, #tpu.memory_space<vmem>>
    %dma_start3A_70 = arith.constant 0 : i32
    %dma_start3A_71 = tpu.memref_slice %arg7[%add3A, %dma_start3A_64, %dma_start3A_70] : memref<32x80x128xf32, #tpu.memory_space<hbm>> -> memref<1x1x128xf32, #tpu.memory_space<hbm>>
    %dma_start3A_72 = tpu.memref_squeeze %dma_start3A_71 : memref<1x1x128xf32, #tpu.memory_space<hbm>> -> memref<128xf32, #tpu.memory_space<hbm>>
    %dma_start3A_73 = tpu.memref_slice %arg19[%dma_start3A_66] : memref<4x!tpu.dma_semaphore, #tpu.memory_space<semaphore_mem>> -> memref<1x!tpu.dma_semaphore, #tpu.memory_space<semaphore_mem>>
    %dma_start3A_74 = tpu.memref_squeeze %dma_start3A_73 : memref<1x!tpu.dma_semaphore, #tpu.memory_space<semaphore_mem>> -> memref<!tpu.dma_semaphore, #tpu.memory_space<semaphore_mem>>
    %dma_start3A_75 = arith.constant 0 : i32
    %dma_start3A_76 = tpu.memref_slice %arg12[%dma_start3A_65, %dma_start3A_75] : memref<4x128xf32, #tpu.memory_space<vmem>> -> memref<1x128xf32, #tpu.memory_space<vmem>>
    %dma_start3A_77 = tpu.memref_squeeze %dma_start3A_76 : memref<1x128xf32, #tpu.memory_space<vmem>> -> memref<128xf32, #tpu.memory_space<vmem>>
    %dma_start3A_78 = arith.constant 0 : i32
    %dma_start3A_79 = tpu.memref_slice %arg7[%add3A, %dma_start3A_64, %dma_start3A_78] : memref<32x80x128xf32, #tpu.memory_space<hbm>> -> memref<1x1x128xf32, #tpu.memory_space<hbm>>
    %dma_start3A_80 = tpu.memref_squeeze %dma_start3A_79 : memref<1x1x128xf32, #tpu.memory_space<hbm>> -> memref<128xf32, #tpu.memory_space<hbm>>
    tpu.enqueue_dma source(%dma_start3A_80 : memref<128xf32, #tpu.memory_space<hbm>>) target(%dma_start3A_77 : memref<128xf32, #tpu.memory_space<vmem>>) target_semaphore(%dma_start3A_74 : memref<!tpu.dma_semaphore, #tpu.memory_space<semaphore_mem>>)
    %dma_start3A_81 = arith.constant 1 : i32
    %dma_start3A_82 = arith.constant 1 : i32
    %dma_start3A_83 = arith.constant 1 : i32
    %dma_start3A_84 = arith.constant 0 : i32
    %dma_start3A_85 = tpu.memref_slice %arg10[%dma_start3A_82, %dma_start3A_84] : memref<4x128xi32, #tpu.memory_space<vmem>> -> memref<1x128xi32, #tpu.memory_space<vmem>>
    %dma_start3A_86 = tpu.memref_squeeze %dma_start3A_85 : memref<1x128xi32, #tpu.memory_space<vmem>> -> memref<128xi32, #tpu.memory_space<vmem>>
    %dma_start3A_87 = arith.constant 0 : i32
    %dma_start3A_88 = tpu.memref_slice %arg5[%add3A, %dma_start3A_81, %dma_start3A_87] : memref<32x80x128xi32, #tpu.memory_space<hbm>> -> memref<1x1x128xi32, #tpu.memory_space<hbm>>
    %dma_start3A_89 = tpu.memref_squeeze %dma_start3A_88 : memref<1x1x128xi32, #tpu.memory_space<hbm>> -> memref<128xi32, #tpu.memory_space<hbm>>
    %dma_start3A_90 = tpu.memref_slice %arg19[%dma_start3A_83] : memref<4x!tpu.dma_semaphore, #tpu.memory_space<semaphore_mem>> -> memref<1x!tpu.dma_semaphore, #tpu.memory_space<semaphore_mem>>
    %dma_start3A_91 = tpu.memref_squeeze %dma_start3A_90 : memref<1x!tpu.dma_semaphore, #tpu.memory_space<semaphore_mem>> -> memref<!tpu.dma_semaphore, #tpu.memory_space<semaphore_mem>>
    %dma_start3A_92 = arith.constant 0 : i32
    %dma_start3A_93 = tpu.memref_slice %arg10[%dma_start3A_82, %dma_start3A_92] : memref<4x128xi32, #tpu.memory_space<vmem>> -> memref<1x128xi32, #tpu.memory_space<vmem>>
    %dma_start3A_94 = tpu.memref_squeeze %dma_start3A_93 : memref<1x128xi32, #tpu.memory_space<vmem>> -> memref<128xi32, #tpu.memory_space<vmem>>
    %dma_start3A_95 = arith.constant 0 : i32
    %dma_start3A_96 = tpu.memref_slice %arg5[%add3A, %dma_start3A_81, %dma_start3A_95] : memref<32x80x128xi32, #tpu.memory_space<hbm>> -> memref<1x1x128xi32, #tpu.memory_space<hbm>>
    %dma_start3A_97 = tpu.memref_squeeze %dma_start3A_96 : memref<1x1x128xi32, #tpu.memory_space<hbm>> -> memref<128xi32, #tpu.memory_space<hbm>>
    tpu.enqueue_dma source(%dma_start3A_97 : memref<128xi32, #tpu.memory_space<hbm>>) target(%dma_start3A_94 : memref<128xi32, #tpu.memory_space<vmem>>) target_semaphore(%dma_start3A_91 : memref<!tpu.dma_semaphore, #tpu.memory_space<semaphore_mem>>)
    %dma_start3A_98 = arith.constant 1 : i32
    %dma_start3A_99 = arith.constant 1 : i32
    %dma_start3A_100 = arith.constant 1 : i32
    %dma_start3A_101 = arith.constant 0 : i32
    %dma_start3A_102 = tpu.memref_slice %arg11[%dma_start3A_99, %dma_start3A_101] : memref<4x128xi32, #tpu.memory_space<vmem>> -> memref<1x128xi32, #tpu.memory_space<vmem>>
    %dma_start3A_103 = tpu.memref_squeeze %dma_start3A_102 : memref<1x128xi32, #tpu.memory_space<vmem>> -> memref<128xi32, #tpu.memory_space<vmem>>
    %dma_start3A_104 = arith.constant 0 : i32
    %dma_start3A_105 = tpu.memref_slice %arg6[%add3A, %dma_start3A_98, %dma_start3A_104] : memref<32x80x128xi32, #tpu.memory_space<hbm>> -> memref<1x1x128xi32, #tpu.memory_space<hbm>>
    %dma_start3A_106 = tpu.memref_squeeze %dma_start3A_105 : memref<1x1x128xi32, #tpu.memory_space<hbm>> -> memref<128xi32, #tpu.memory_space<hbm>>
    %dma_start3A_107 = tpu.memref_slice %arg19[%dma_start3A_100] : memref<4x!tpu.dma_semaphore, #tpu.memory_space<semaphore_mem>> -> memref<1x!tpu.dma_semaphore, #tpu.memory_space<semaphore_mem>>
    %dma_start3A_108 = tpu.memref_squeeze %dma_start3A_107 : memref<1x!tpu.dma_semaphore, #tpu.memory_space<semaphore_mem>> -> memref<!tpu.dma_semaphore, #tpu.memory_space<semaphore_mem>>
    %dma_start3A_109 = arith.constant 0 : i32
    %dma_start3A_110 = tpu.memref_slice %arg11[%dma_start3A_99, %dma_start3A_109] : memref<4x128xi32, #tpu.memory_space<vmem>> -> memref<1x128xi32, #tpu.memory_space<vmem>>
    %dma_start3A_111 = tpu.memref_squeeze %dma_start3A_110 : memref<1x128xi32, #tpu.memory_space<vmem>> -> memref<128xi32, #tpu.memory_space<vmem>>
    %dma_start3A_112 = arith.constant 0 : i32
    %dma_start3A_113 = tpu.memref_slice %arg6[%add3A, %dma_start3A_98, %dma_start3A_112] : memref<32x80x128xi32, #tpu.memory_space<hbm>> -> memref<1x1x128xi32, #tpu.memory_space<hbm>>
    %dma_start3A_114 = tpu.memref_squeeze %dma_start3A_113 : memref<1x1x128xi32, #tpu.memory_space<hbm>> -> memref<128xi32, #tpu.memory_space<hbm>>
    tpu.enqueue_dma source(%dma_start3A_114 : memref<128xi32, #tpu.memory_space<hbm>>) target(%dma_start3A_111 : memref<128xi32, #tpu.memory_space<vmem>>) target_semaphore(%dma_start3A_108 : memref<!tpu.dma_semaphore, #tpu.memory_space<semaphore_mem>>)
    %dma_start3A_115 = arith.constant 1 : i32
    %dma_start3A_116 = arith.constant 1 : i32
    %dma_start3A_117 = arith.constant 1 : i32
    %dma_start3A_118 = arith.constant 0 : i32
    %dma_start3A_119 = tpu.memref_slice %arg12[%dma_start3A_116, %dma_start3A_118] : memref<4x128xf32, #tpu.memory_space<vmem>> -> memref<1x128xf32, #tpu.memory_space<vmem>>
    %dma_start3A_120 = tpu.memref_squeeze %dma_start3A_119 : memref<1x128xf32, #tpu.memory_space<vmem>> -> memref<128xf32, #tpu.memory_space<vmem>>
    %dma_start3A_121 = arith.constant 0 : i32
    %dma_start3A_122 = tpu.memref_slice %arg7[%add3A, %dma_start3A_115, %dma_start3A_121] : memref<32x80x128xf32, #tpu.memory_space<hbm>> -> memref<1x1x128xf32, #tpu.memory_space<hbm>>
    %dma_start3A_123 = tpu.memref_squeeze %dma_start3A_122 : memref<1x1x128xf32, #tpu.memory_space<hbm>> -> memref<128xf32, #tpu.memory_space<hbm>>
    %dma_start3A_124 = tpu.memref_slice %arg19[%dma_start3A_117] : memref<4x!tpu.dma_semaphore, #tpu.memory_space<semaphore_mem>> -> memref<1x!tpu.dma_semaphore, #tpu.memory_space<semaphore_mem>>
    %dma_start3A_125 = tpu.memref_squeeze %dma_start3A_124 : memref<1x!tpu.dma_semaphore, #tpu.memory_space<semaphore_mem>> -> memref<!tpu.dma_semaphore, #tpu.memory_space<semaphore_mem>>
    %dma_start3A_126 = arith.constant 0 : i32
    %dma_start3A_127 = tpu.memref_slice %arg12[%dma_start3A_116, %dma_start3A_126] : memref<4x128xf32, #tpu.memory_space<vmem>> -> memref<1x128xf32, #tpu.memory_space<vmem>>
    %dma_start3A_128 = tpu.memref_squeeze %dma_start3A_127 : memref<1x128xf32, #tpu.memory_space<vmem>> -> memref<128xf32, #tpu.memory_space<vmem>>
    %dma_start3A_129 = arith.constant 0 : i32
    %dma_start3A_130 = tpu.memref_slice %arg7[%add3A, %dma_start3A_115, %dma_start3A_129] : memref<32x80x128xf32, #tpu.memory_space<hbm>> -> memref<1x1x128xf32, #tpu.memory_space<hbm>>
    %dma_start3A_131 = tpu.memref_squeeze %dma_start3A_130 : memref<1x1x128xf32, #tpu.memory_space<hbm>> -> memref<128xf32, #tpu.memory_space<hbm>>
    tpu.enqueue_dma source(%dma_start3A_131 : memref<128xf32, #tpu.memory_space<hbm>>) target(%dma_start3A_128 : memref<128xf32, #tpu.memory_space<vmem>>) target_semaphore(%dma_start3A_125 : memref<!tpu.dma_semaphore, #tpu.memory_space<semaphore_mem>>)
    %dma_start3A_132 = arith.constant 2 : i32
    %dma_start3A_133 = arith.constant 2 : i32
    %dma_start3A_134 = arith.constant 2 : i32
    %dma_start3A_135 = arith.constant 0 : i32
    %dma_start3A_136 = tpu.memref_slice %arg10[%dma_start3A_133, %dma_start3A_135] : memref<4x128xi32, #tpu.memory_space<vmem>> -> memref<1x128xi32, #tpu.memory_space<vmem>>
    %dma_start3A_137 = tpu.memref_squeeze %dma_start3A_136 : memref<1x128xi32, #tpu.memory_space<vmem>> -> memref<128xi32, #tpu.memory_space<vmem>>
    %dma_start3A_138 = arith.constant 0 : i32
    %dma_start3A_139 = tpu.memref_slice %arg5[%add3A, %dma_start3A_132, %dma_start3A_138] : memref<32x80x128xi32, #tpu.memory_space<hbm>> -> memref<1x1x128xi32, #tpu.memory_space<hbm>>
    %dma_start3A_140 = tpu.memref_squeeze %dma_start3A_139 : memref<1x1x128xi32, #tpu.memory_space<hbm>> -> memref<128xi32, #tpu.memory_space<hbm>>
    %dma_start3A_141 = tpu.memref_slice %arg19[%dma_start3A_134] : memref<4x!tpu.dma_semaphore, #tpu.memory_space<semaphore_mem>> -> memref<1x!tpu.dma_semaphore, #tpu.memory_space<semaphore_mem>>
    %dma_start3A_142 = tpu.memref_squeeze %dma_start3A_141 : memref<1x!tpu.dma_semaphore, #tpu.memory_space<semaphore_mem>> -> memref<!tpu.dma_semaphore, #tpu.memory_space<semaphore_mem>>
    %dma_start3A_143 = arith.constant 0 : i32
    %dma_start3A_144 = tpu.memref_slice %arg10[%dma_start3A_133, %dma_start3A_143] : memref<4x128xi32, #tpu.memory_space<vmem>> -> memref<1x128xi32, #tpu.memory_space<vmem>>
    %dma_start3A_145 = tpu.memref_squeeze %dma_start3A_144 : memref<1x128xi32, #tpu.memory_space<vmem>> -> memref<128xi32, #tpu.memory_space<vmem>>
    %dma_start3A_146 = arith.constant 0 : i32
    %dma_start3A_147 = tpu.memref_slice %arg5[%add3A, %dma_start3A_132, %dma_start3A_146] : memref<32x80x128xi32, #tpu.memory_space<hbm>> -> memref<1x1x128xi32, #tpu.memory_space<hbm>>
    %dma_start3A_148 = tpu.memref_squeeze %dma_start3A_147 : memref<1x1x128xi32, #tpu.memory_space<hbm>> -> memref<128xi32, #tpu.memory_space<hbm>>
    tpu.enqueue_dma source(%dma_start3A_148 : memref<128xi32, #tpu.memory_space<hbm>>) target(%dma_start3A_145 : memref<128xi32, #tpu.memory_space<vmem>>) target_semaphore(%dma_start3A_142 : memref<!tpu.dma_semaphore, #tpu.memory_space<semaphore_mem>>)
    %dma_start3A_149 = arith.constant 2 : i32
    %dma_start3A_150 = arith.constant 2 : i32
    %dma_start3A_151 = arith.constant 2 : i32
    %dma_start3A_152 = arith.constant 0 : i32
    %dma_start3A_153 = tpu.memref_slice %arg11[%dma_start3A_150, %dma_start3A_152] : memref<4x128xi32, #tpu.memory_space<vmem>> -> memref<1x128xi32, #tpu.memory_space<vmem>>
    %dma_start3A_154 = tpu.memref_squeeze %dma_start3A_153 : memref<1x128xi32, #tpu.memory_space<vmem>> -> memref<128xi32, #tpu.memory_space<vmem>>
    %dma_start3A_155 = arith.constant 0 : i32
    %dma_start3A_156 = tpu.memref_slice %arg6[%add3A, %dma_start3A_149, %dma_start3A_155] : memref<32x80x128xi32, #tpu.memory_space<hbm>> -> memref<1x1x128xi32, #tpu.memory_space<hbm>>
    %dma_start3A_157 = tpu.memref_squeeze %dma_start3A_156 : memref<1x1x128xi32, #tpu.memory_space<hbm>> -> memref<128xi32, #tpu.memory_space<hbm>>
    %dma_start3A_158 = tpu.memref_slice %arg19[%dma_start3A_151] : memref<4x!tpu.dma_semaphore, #tpu.memory_space<semaphore_mem>> -> memref<1x!tpu.dma_semaphore, #tpu.memory_space<semaphore_mem>>
    %dma_start3A_159 = tpu.memref_squeeze %dma_start3A_158 : memref<1x!tpu.dma_semaphore, #tpu.memory_space<semaphore_mem>> -> memref<!tpu.dma_semaphore, #tpu.memory_space<semaphore_mem>>
    %dma_start3A_160 = arith.constant 0 : i32
    %dma_start3A_161 = tpu.memref_slice %arg11[%dma_start3A_150, %dma_start3A_160] : memref<4x128xi32, #tpu.memory_space<vmem>> -> memref<1x128xi32, #tpu.memory_space<vmem>>
    %dma_start3A_162 = tpu.memref_squeeze %dma_start3A_161 : memref<1x128xi32, #tpu.memory_space<vmem>> -> memref<128xi32, #tpu.memory_space<vmem>>
    %dma_start3A_163 = arith.constant 0 : i32
    %dma_start3A_164 = tpu.memref_slice %arg6[%add3A, %dma_start3A_149, %dma_start3A_163] : memref<32x80x128xi32, #tpu.memory_space<hbm>> -> memref<1x1x128xi32, #tpu.memory_space<hbm>>
    %dma_start3A_165 = tpu.memref_squeeze %dma_start3A_164 : memref<1x1x128xi32, #tpu.memory_space<hbm>> -> memref<128xi32, #tpu.memory_space<hbm>>
    tpu.enqueue_dma source(%dma_start3A_165 : memref<128xi32, #tpu.memory_space<hbm>>) target(%dma_start3A_162 : memref<128xi32, #tpu.memory_space<vmem>>) target_semaphore(%dma_start3A_159 : memref<!tpu.dma_semaphore, #tpu.memory_space<semaphore_mem>>)
    %dma_start3A_166 = arith.constant 2 : i32
    %dma_start3A_167 = arith.constant 2 : i32
    %dma_start3A_168 = arith.constant 2 : i32
    %dma_start3A_169 = arith.constant 0 : i32
    %dma_start3A_170 = tpu.memref_slice %arg12[%dma_start3A_167, %dma_start3A_169] : memref<4x128xf32, #tpu.memory_space<vmem>> -> memref<1x128xf32, #tpu.memory_space<vmem>>
    %dma_start3A_171 = tpu.memref_squeeze %dma_start3A_170 : memref<1x128xf32, #tpu.memory_space<vmem>> -> memref<128xf32, #tpu.memory_space<vmem>>
    %dma_start3A_172 = arith.constant 0 : i32
    %dma_start3A_173 = tpu.memref_slice %arg7[%add3A, %dma_start3A_166, %dma_start3A_172] : memref<32x80x128xf32, #tpu.memory_space<hbm>> -> memref<1x1x128xf32, #tpu.memory_space<hbm>>
    %dma_start3A_174 = tpu.memref_squeeze %dma_start3A_173 : memref<1x1x128xf32, #tpu.memory_space<hbm>> -> memref<128xf32, #tpu.memory_space<hbm>>
    %dma_start3A_175 = tpu.memref_slice %arg19[%dma_start3A_168] : memref<4x!tpu.dma_semaphore, #tpu.memory_space<semaphore_mem>> -> memref<1x!tpu.dma_semaphore, #tpu.memory_space<semaphore_mem>>
    %dma_start3A_176 = tpu.memref_squeeze %dma_start3A_175 : memref<1x!tpu.dma_semaphore, #tpu.memory_space<semaphore_mem>> -> memref<!tpu.dma_semaphore, #tpu.memory_space<semaphore_mem>>
    %dma_start3A_177 = arith.constant 0 : i32
    %dma_start3A_178 = tpu.memref_slice %arg12[%dma_start3A_167, %dma_start3A_177] : memref<4x128xf32, #tpu.memory_space<vmem>> -> memref<1x128xf32, #tpu.memory_space<vmem>>
    %dma_start3A_179 = tpu.memref_squeeze %dma_start3A_178 : memref<1x128xf32, #tpu.memory_space<vmem>> -> memref<128xf32, #tpu.memory_space<vmem>>
    %dma_start3A_180 = arith.constant 0 : i32
    %dma_start3A_181 = tpu.memref_slice %arg7[%add3A, %dma_start3A_166, %dma_start3A_180] : memref<32x80x128xf32, #tpu.memory_space<hbm>> -> memref<1x1x128xf32, #tpu.memory_space<hbm>>
    %dma_start3A_182 = tpu.memref_squeeze %dma_start3A_181 : memref<1x1x128xf32, #tpu.memory_space<hbm>> -> memref<128xf32, #tpu.memory_space<hbm>>
    tpu.enqueue_dma source(%dma_start3A_182 : memref<128xf32, #tpu.memory_space<hbm>>) target(%dma_start3A_179 : memref<128xf32, #tpu.memory_space<vmem>>) target_semaphore(%dma_start3A_176 : memref<!tpu.dma_semaphore, #tpu.memory_space<semaphore_mem>>)
    %dma_wait3A = arith.constant 0 : i32
    %dma_wait3A_183 = arith.constant 0 : i32
    %dma_wait3A_184 = arith.constant 0 : i32
    %dma_wait3A_185 = arith.constant 0 : i32
    %dma_wait3A_186 = tpu.memref_slice %arg10[%dma_wait3A_183, %dma_wait3A_185] : memref<4x128xi32, #tpu.memory_space<vmem>> -> memref<1x128xi32, #tpu.memory_space<vmem>>
    %dma_wait3A_187 = tpu.memref_squeeze %dma_wait3A_186 : memref<1x128xi32, #tpu.memory_space<vmem>> -> memref<128xi32, #tpu.memory_space<vmem>>
    %dma_wait3A_188 = arith.constant 0 : i32
    %dma_wait3A_189 = tpu.memref_slice %arg5[%add3A, %dma_wait3A, %dma_wait3A_188] : memref<32x80x128xi32, #tpu.memory_space<hbm>> -> memref<1x1x128xi32, #tpu.memory_space<hbm>>
    %dma_wait3A_190 = tpu.memref_squeeze %dma_wait3A_189 : memref<1x1x128xi32, #tpu.memory_space<hbm>> -> memref<128xi32, #tpu.memory_space<hbm>>
    %dma_wait3A_191 = tpu.memref_slice %arg19[%dma_wait3A_184] : memref<4x!tpu.dma_semaphore, #tpu.memory_space<semaphore_mem>> -> memref<1x!tpu.dma_semaphore, #tpu.memory_space<semaphore_mem>>
    %dma_wait3A_192 = tpu.memref_squeeze %dma_wait3A_191 : memref<1x!tpu.dma_semaphore, #tpu.memory_space<semaphore_mem>> -> memref<!tpu.dma_semaphore, #tpu.memory_space<semaphore_mem>>
    %dma_wait3A_193 = arith.constant 0 : i32
    %dma_wait3A_194 = tpu.memref_slice %arg10[%dma_wait3A_183, %dma_wait3A_193] : memref<4x128xi32, #tpu.memory_space<vmem>> -> memref<1x128xi32, #tpu.memory_space<vmem>>
    %dma_wait3A_195 = tpu.memref_squeeze %dma_wait3A_194 : memref<1x128xi32, #tpu.memory_space<vmem>> -> memref<128xi32, #tpu.memory_space<vmem>>
    %dma_wait3A_196 = arith.constant 0 : i32
    %dma_wait3A_197 = tpu.memref_slice %arg5[%add3A, %dma_wait3A, %dma_wait3A_196] : memref<32x80x128xi32, #tpu.memory_space<hbm>> -> memref<1x1x128xi32, #tpu.memory_space<hbm>>
    %dma_wait3A_198 = tpu.memref_squeeze %dma_wait3A_197 : memref<1x1x128xi32, #tpu.memory_space<hbm>> -> memref<128xi32, #tpu.memory_space<hbm>>
    tpu.wait_dma2 semaphore(%dma_wait3A_192 : memref<!tpu.dma_semaphore, #tpu.memory_space<semaphore_mem>>) src(%dma_wait3A_198 : memref<128xi32, #tpu.memory_space<hbm>>) dst(%dma_wait3A_195 : memref<128xi32, #tpu.memory_space<vmem>>)
    %dma_wait3A_199 = arith.constant 0 : i32
    %dma_wait3A_200 = arith.constant 0 : i32
    %dma_wait3A_201 = arith.constant 0 : i32
    %dma_wait3A_202 = arith.constant 0 : i32
    %dma_wait3A_203 = tpu.memref_slice %arg11[%dma_wait3A_200, %dma_wait3A_202] : memref<4x128xi32, #tpu.memory_space<vmem>> -> memref<1x128xi32, #tpu.memory_space<vmem>>
    %dma_wait3A_204 = tpu.memref_squeeze %dma_wait3A_203 : memref<1x128xi32, #tpu.memory_space<vmem>> -> memref<128xi32, #tpu.memory_space<vmem>>
    %dma_wait3A_205 = arith.constant 0 : i32
    %dma_wait3A_206 = tpu.memref_slice %arg6[%add3A, %dma_wait3A_199, %dma_wait3A_205] : memref<32x80x128xi32, #tpu.memory_space<hbm>> -> memref<1x1x128xi32, #tpu.memory_space<hbm>>
    %dma_wait3A_207 = tpu.memref_squeeze %dma_wait3A_206 : memref<1x1x128xi32, #tpu.memory_space<hbm>> -> memref<128xi32, #tpu.memory_space<hbm>>
    %dma_wait3A_208 = tpu.memref_slice %arg19[%dma_wait3A_201] : memref<4x!tpu.dma_semaphore, #tpu.memory_space<semaphore_mem>> -> memref<1x!tpu.dma_semaphore, #tpu.memory_space<semaphore_mem>>
    %dma_wait3A_209 = tpu.memref_squeeze %dma_wait3A_208 : memref<1x!tpu.dma_semaphore, #tpu.memory_space<semaphore_mem>> -> memref<!tpu.dma_semaphore, #tpu.memory_space<semaphore_mem>>
    %dma_wait3A_210 = arith.constant 0 : i32
    %dma_wait3A_211 = tpu.memref_slice %arg11[%dma_wait3A_200, %dma_wait3A_210] : memref<4x128xi32, #tpu.memory_space<vmem>> -> memref<1x128xi32, #tpu.memory_space<vmem>>
    %dma_wait3A_212 = tpu.memref_squeeze %dma_wait3A_211 : memref<1x128xi32, #tpu.memory_space<vmem>> -> memref<128xi32, #tpu.memory_space<vmem>>
    %dma_wait3A_213 = arith.constant 0 : i32
    %dma_wait3A_214 = tpu.memref_slice %arg6[%add3A, %dma_wait3A_199, %dma_wait3A_213] : memref<32x80x128xi32, #tpu.memory_space<hbm>> -> memref<1x1x128xi32, #tpu.memory_space<hbm>>
    %dma_wait3A_215 = tpu.memref_squeeze %dma_wait3A_214 : memref<1x1x128xi32, #tpu.memory_space<hbm>> -> memref<128xi32, #tpu.memory_space<hbm>>
    tpu.wait_dma2 semaphore(%dma_wait3A_209 : memref<!tpu.dma_semaphore, #tpu.memory_space<semaphore_mem>>) src(%dma_wait3A_215 : memref<128xi32, #tpu.memory_space<hbm>>) dst(%dma_wait3A_212 : memref<128xi32, #tpu.memory_space<vmem>>)
    %dma_wait3A_216 = arith.constant 0 : i32
    %dma_wait3A_217 = arith.constant 0 : i32
    %dma_wait3A_218 = arith.constant 0 : i32
    %dma_wait3A_219 = arith.constant 0 : i32
    %dma_wait3A_220 = tpu.memref_slice %arg12[%dma_wait3A_217, %dma_wait3A_219] : memref<4x128xf32, #tpu.memory_space<vmem>> -> memref<1x128xf32, #tpu.memory_space<vmem>>
    %dma_wait3A_221 = tpu.memref_squeeze %dma_wait3A_220 : memref<1x128xf32, #tpu.memory_space<vmem>> -> memref<128xf32, #tpu.memory_space<vmem>>
    %dma_wait3A_222 = arith.constant 0 : i32
    %dma_wait3A_223 = tpu.memref_slice %arg7[%add3A, %dma_wait3A_216, %dma_wait3A_222] : memref<32x80x128xf32, #tpu.memory_space<hbm>> -> memref<1x1x128xf32, #tpu.memory_space<hbm>>
    %dma_wait3A_224 = tpu.memref_squeeze %dma_wait3A_223 : memref<1x1x128xf32, #tpu.memory_space<hbm>> -> memref<128xf32, #tpu.memory_space<hbm>>
    %dma_wait3A_225 = tpu.memref_slice %arg19[%dma_wait3A_218] : memref<4x!tpu.dma_semaphore, #tpu.memory_space<semaphore_mem>> -> memref<1x!tpu.dma_semaphore, #tpu.memory_space<semaphore_mem>>
    %dma_wait3A_226 = tpu.memref_squeeze %dma_wait3A_225 : memref<1x!tpu.dma_semaphore, #tpu.memory_space<semaphore_mem>> -> memref<!tpu.dma_semaphore, #tpu.memory_space<semaphore_mem>>
    %dma_wait3A_227 = arith.constant 0 : i32
    %dma_wait3A_228 = tpu.memref_slice %arg12[%dma_wait3A_217, %dma_wait3A_227] : memref<4x128xf32, #tpu.memory_space<vmem>> -> memref<1x128xf32, #tpu.memory_space<vmem>>
    %dma_wait3A_229 = tpu.memref_squeeze %dma_wait3A_228 : memref<1x128xf32, #tpu.memory_space<vmem>> -> memref<128xf32, #tpu.memory_space<vmem>>
    %dma_wait3A_230 = arith.constant 0 : i32
    %dma_wait3A_231 = tpu.memref_slice %arg7[%add3A, %dma_wait3A_216, %dma_wait3A_230] : memref<32x80x128xf32, #tpu.memory_space<hbm>> -> memref<1x1x128xf32, #tpu.memory_space<hbm>>
    %dma_wait3A_232 = tpu.memref_squeeze %dma_wait3A_231 : memref<1x1x128xf32, #tpu.memory_space<hbm>> -> memref<128xf32, #tpu.memory_space<hbm>>
    tpu.wait_dma2 semaphore(%dma_wait3A_226 : memref<!tpu.dma_semaphore, #tpu.memory_space<semaphore_mem>>) src(%dma_wait3A_232 : memref<128xf32, #tpu.memory_space<hbm>>) dst(%dma_wait3A_229 : memref<128xf32, #tpu.memory_space<vmem>>)
    %dma_start3A_233 = arith.constant 0 : i32
    %dma_start3A_234 = arith.constant 0 : i32
    %dma_start3A_235 = arith.constant 0 : i32
    %dma_start3A_236 = arith.constant 0 : i32
    %dma_start3A_237 = tpu.memref_slice %arg13[%dma_start3A_234, %dma_start3A_236] : memref<2x128xf32, #tpu.memory_space<vmem>> -> memref<1x128xf32, #tpu.memory_space<vmem>>
    %dma_start3A_238 = tpu.memref_squeeze %dma_start3A_237 : memref<1x128xf32, #tpu.memory_space<vmem>> -> memref<128xf32, #tpu.memory_space<vmem>>
    %dma_start3A_239 = arith.constant 0 : i32
    %dma_start3A_240 = tpu.memref_slice %arg10[%dma_start3A_233, %dma_start3A_239] : memref<4x128xi32, #tpu.memory_space<vmem>> -> memref<1x128xi32, #tpu.memory_space<vmem>>
    %dma_start3A_241 = tpu.memref_squeeze %dma_start3A_240 : memref<1x128xi32, #tpu.memory_space<vmem>> -> memref<128xi32, #tpu.memory_space<vmem>>
    %dma_start3A_242 = arith.constant 0 : i32
    %dma_start3A_243 = tpu.memref_slice %arg3[%dma_start3A_242] : memref<10000xf32, #tpu.memory_space<hbm>> -> memref<10000xf32, #tpu.memory_space<hbm>>
    %dma_start3A_244 = tpu.memref_slice %arg20[%dma_start3A_235] : memref<2x!tpu.dma_semaphore, #tpu.memory_space<semaphore_mem>> -> memref<1x!tpu.dma_semaphore, #tpu.memory_space<semaphore_mem>>
    %dma_start3A_245 = tpu.memref_squeeze %dma_start3A_244 : memref<1x!tpu.dma_semaphore, #tpu.memory_space<semaphore_mem>> -> memref<!tpu.dma_semaphore, #tpu.memory_space<semaphore_mem>>
    tpu.enqueue_indirect_dma source(%dma_start3A_243 : memref<10000xf32, #tpu.memory_space<hbm>>) target(%dma_start3A_238 : memref<128xf32, #tpu.memory_space<vmem>>) offsets(%dma_start3A_241 : memref<128xi32, #tpu.memory_space<vmem>>) semaphore(%dma_start3A_245 : memref<!tpu.dma_semaphore, #tpu.memory_space<semaphore_mem>>)
    %dma_start3A_246 = arith.constant 0 : i32
    %dma_start3A_247 = arith.constant 0 : i32
    %dma_start3A_248 = arith.constant 0 : i32
    %dma_start3A_249 = arith.constant 0 : i32
    %dma_start3A_250 = tpu.memref_slice %arg14[%dma_start3A_247, %dma_start3A_249] : memref<2x128xf32, #tpu.memory_space<vmem>> -> memref<1x128xf32, #tpu.memory_space<vmem>>
    %dma_start3A_251 = tpu.memref_squeeze %dma_start3A_250 : memref<1x128xf32, #tpu.memory_space<vmem>> -> memref<128xf32, #tpu.memory_space<vmem>>
    %dma_start3A_252 = arith.constant 0 : i32
    %dma_start3A_253 = tpu.memref_slice %arg11[%dma_start3A_246, %dma_start3A_252] : memref<4x128xi32, #tpu.memory_space<vmem>> -> memref<1x128xi32, #tpu.memory_space<vmem>>
    %dma_start3A_254 = tpu.memref_squeeze %dma_start3A_253 : memref<1x128xi32, #tpu.memory_space<vmem>> -> memref<128xi32, #tpu.memory_space<vmem>>
    %dma_start3A_255 = arith.constant 0 : i32
    %dma_start3A_256 = tpu.memref_slice %arg4[%dma_start3A_255] : memref<10000xf32, #tpu.memory_space<hbm>> -> memref<10000xf32, #tpu.memory_space<hbm>>
    %dma_start3A_257 = tpu.memref_slice %arg20[%dma_start3A_248] : memref<2x!tpu.dma_semaphore, #tpu.memory_space<semaphore_mem>> -> memref<1x!tpu.dma_semaphore, #tpu.memory_space<semaphore_mem>>
    %dma_start3A_258 = tpu.memref_squeeze %dma_start3A_257 : memref<1x!tpu.dma_semaphore, #tpu.memory_space<semaphore_mem>> -> memref<!tpu.dma_semaphore, #tpu.memory_space<semaphore_mem>>
    tpu.enqueue_indirect_dma source(%dma_start3A_256 : memref<10000xf32, #tpu.memory_space<hbm>>) target(%dma_start3A_251 : memref<128xf32, #tpu.memory_space<vmem>>) offsets(%dma_start3A_254 : memref<128xi32, #tpu.memory_space<vmem>>) semaphore(%dma_start3A_258 : memref<!tpu.dma_semaphore, #tpu.memory_space<semaphore_mem>>)
    %dma_start3A_259 = arith.constant 0 : i32
    %dma_start3A_260 = arith.constant 0 : i32
    %dma_start3A_261 = arith.constant 0 : i32
    %dma_start3A_262 = arith.constant 0 : i32
    %dma_start3A_263 = arith.constant 0 : i32
    %dma_start3A_264 = tpu.memref_slice %arg15[%dma_start3A_260, %dma_start3A_262, %dma_start3A_263] : memref<2x128x128xbf16, #tpu.memory_space<vmem>> -> memref<1x128x128xbf16, #tpu.memory_space<vmem>>
    %dma_start3A_265 = tpu.memref_squeeze %dma_start3A_264 : memref<1x128x128xbf16, #tpu.memory_space<vmem>> -> memref<128x128xbf16, #tpu.memory_space<vmem>>
    %dma_start3A_266 = arith.constant 0 : i32
    %dma_start3A_267 = tpu.memref_slice %arg10[%dma_start3A_259, %dma_start3A_266] : memref<4x128xi32, #tpu.memory_space<vmem>> -> memref<1x128xi32, #tpu.memory_space<vmem>>
    %dma_start3A_268 = tpu.memref_squeeze %dma_start3A_267 : memref<1x128xi32, #tpu.memory_space<vmem>> -> memref<128xi32, #tpu.memory_space<vmem>>
    %dma_start3A_269 = arith.constant 0 : i32
    %dma_start3A_270 = arith.constant 0 : i32
    %dma_start3A_271 = tpu.memref_slice %arg2[%dma_start3A_269, %dma_start3A_270] : memref<10000x128xbf16, #tpu.memory_space<hbm>> -> memref<10000x128xbf16, #tpu.memory_space<hbm>>
    %dma_start3A_272 = tpu.memref_slice %arg21[%dma_start3A_261] : memref<2x!tpu.dma_semaphore, #tpu.memory_space<semaphore_mem>> -> memref<1x!tpu.dma_semaphore, #tpu.memory_space<semaphore_mem>>
    %dma_start3A_273 = tpu.memref_squeeze %dma_start3A_272 : memref<1x!tpu.dma_semaphore, #tpu.memory_space<semaphore_mem>> -> memref<!tpu.dma_semaphore, #tpu.memory_space<semaphore_mem>>
    tpu.enqueue_indirect_dma source(%dma_start3A_271 : memref<10000x128xbf16, #tpu.memory_space<hbm>>) target(%dma_start3A_265 : memref<128x128xbf16, #tpu.memory_space<vmem>>) offsets(%dma_start3A_268 : memref<128xi32, #tpu.memory_space<vmem>>) semaphore(%dma_start3A_273 : memref<!tpu.dma_semaphore, #tpu.memory_space<semaphore_mem>>)
    %scan3A_274 = arith.constant 0 : i32
    %scan3A_275 = arith.constant 20 : i32
    %scan3A_276 = arith.addi %scan3A_274, %scan3A_275 : i32
    %scan3A_277 = arith.constant 1 : i32
    scf.for %scan3A_303 = %scan3A_274 to %scan3A_276 step %scan3A_277  : i32 {
      %mul3A_304 = arith.constant 4 : i32
      %mul3A_305 = arith.muli %scan3A_303, %mul3A_304 : i32
      %add3A_306 = arith.constant 0 : i32
      %add3A_307 = arith.addi %add3A_306, %mul3A_305 : i32
      %add3A_308 = arith.constant 0 : i32
      %add3A_309 = arith.addi %add3A_307, %add3A_308 : i32
      %add3A_310 = arith.constant 1 : i32
      %add3A_311 = arith.addi %add3A_309, %add3A_310 : i32
      %lt3A = arith.constant 80 : i32
      %lt3A_312 = arith.cmpi slt, %add3A_311, %lt3A : i32
      %convert_element_type3A = arith.extui %lt3A_312 : i1 to i32
      %cond3A = arith.constant 0 : i32
      %cond3A_313 = arith.cmpi ne, %convert_element_type3A, %cond3A : i32
      scf.if %cond3A_313 {
        %add3A_1567 = arith.constant 1 : i32
        %add3A_1568 = arith.addi %add3A_309, %add3A_1567 : i32
        %dma_wait3A_1569 = arith.constant 1 : i32
        %dma_wait3A_1570 = arith.constant 1 : i32
        %dma_wait3A_1571 = arith.constant 0 : i32
        %dma_wait3A_1572 = tpu.memref_slice %arg10[%dma_wait3A_1569, %dma_wait3A_1571] : memref<4x128xi32, #tpu.memory_space<vmem>> -> memref<1x128xi32, #tpu.memory_space<vmem>>
        %dma_wait3A_1573 = tpu.memref_squeeze %dma_wait3A_1572 : memref<1x128xi32, #tpu.memory_space<vmem>> -> memref<128xi32, #tpu.memory_space<vmem>>
        %dma_wait3A_1574 = arith.constant 0 : i32
        %dma_wait3A_1575 = tpu.memref_slice %arg5[%add3A, %add3A_1568, %dma_wait3A_1574] : memref<32x80x128xi32, #tpu.memory_space<hbm>> -> memref<1x1x128xi32, #tpu.memory_space<hbm>>
        %dma_wait3A_1576 = tpu.memref_squeeze %dma_wait3A_1575 : memref<1x1x128xi32, #tpu.memory_space<hbm>> -> memref<128xi32, #tpu.memory_space<hbm>>
        %dma_wait3A_1577 = tpu.memref_slice %arg19[%dma_wait3A_1570] : memref<4x!tpu.dma_semaphore, #tpu.memory_space<semaphore_mem>> -> memref<1x!tpu.dma_semaphore, #tpu.memory_space<semaphore_mem>>
        %dma_wait3A_1578 = tpu.memref_squeeze %dma_wait3A_1577 : memref<1x!tpu.dma_semaphore, #tpu.memory_space<semaphore_mem>> -> memref<!tpu.dma_semaphore, #tpu.memory_space<semaphore_mem>>
        %dma_wait3A_1579 = arith.constant 0 : i32
        %dma_wait3A_1580 = tpu.memref_slice %arg10[%dma_wait3A_1569, %dma_wait3A_1579] : memref<4x128xi32, #tpu.memory_space<vmem>> -> memref<1x128xi32, #tpu.memory_space<vmem>>
        %dma_wait3A_1581 = tpu.memref_squeeze %dma_wait3A_1580 : memref<1x128xi32, #tpu.memory_space<vmem>> -> memref<128xi32, #tpu.memory_space<vmem>>
        %dma_wait3A_1582 = arith.constant 0 : i32
        %dma_wait3A_1583 = tpu.memref_slice %arg5[%add3A, %add3A_1568, %dma_wait3A_1582] : memref<32x80x128xi32, #tpu.memory_space<hbm>> -> memref<1x1x128xi32, #tpu.memory_space<hbm>>
        %dma_wait3A_1584 = tpu.memref_squeeze %dma_wait3A_1583 : memref<1x1x128xi32, #tpu.memory_space<hbm>> -> memref<128xi32, #tpu.memory_space<hbm>>
        tpu.wait_dma2 semaphore(%dma_wait3A_1578 : memref<!tpu.dma_semaphore, #tpu.memory_space<semaphore_mem>>) src(%dma_wait3A_1584 : memref<128xi32, #tpu.memory_space<hbm>>) dst(%dma_wait3A_1581 : memref<128xi32, #tpu.memory_space<vmem>>)
        %dma_wait3A_1585 = arith.constant 1 : i32
        %dma_wait3A_1586 = arith.constant 1 : i32
        %dma_wait3A_1587 = arith.constant 0 : i32
        %dma_wait3A_1588 = tpu.memref_slice %arg11[%dma_wait3A_1585, %dma_wait3A_1587] : memref<4x128xi32, #tpu.memory_space<vmem>> -> memref<1x128xi32, #tpu.memory_space<vmem>>
        %dma_wait3A_1589 = tpu.memref_squeeze %dma_wait3A_1588 : memref<1x128xi32, #tpu.memory_space<vmem>> -> memref<128xi32, #tpu.memory_space<vmem>>
        %dma_wait3A_1590 = arith.constant 0 : i32
        %dma_wait3A_1591 = tpu.memref_slice %arg6[%add3A, %add3A_1568, %dma_wait3A_1590] : memref<32x80x128xi32, #tpu.memory_space<hbm>> -> memref<1x1x128xi32, #tpu.memory_space<hbm>>
        %dma_wait3A_1592 = tpu.memref_squeeze %dma_wait3A_1591 : memref<1x1x128xi32, #tpu.memory_space<hbm>> -> memref<128xi32, #tpu.memory_space<hbm>>
        %dma_wait3A_1593 = tpu.memref_slice %arg19[%dma_wait3A_1586] : memref<4x!tpu.dma_semaphore, #tpu.memory_space<semaphore_mem>> -> memref<1x!tpu.dma_semaphore, #tpu.memory_space<semaphore_mem>>
        %dma_wait3A_1594 = tpu.memref_squeeze %dma_wait3A_1593 : memref<1x!tpu.dma_semaphore, #tpu.memory_space<semaphore_mem>> -> memref<!tpu.dma_semaphore, #tpu.memory_space<semaphore_mem>>
        %dma_wait3A_1595 = arith.constant 0 : i32
        %dma_wait3A_1596 = tpu.memref_slice %arg11[%dma_wait3A_1585, %dma_wait3A_1595] : memref<4x128xi32, #tpu.memory_space<vmem>> -> memref<1x128xi32, #tpu.memory_space<vmem>>
        %dma_wait3A_1597 = tpu.memref_squeeze %dma_wait3A_1596 : memref<1x128xi32, #tpu.memory_space<vmem>> -> memref<128xi32, #tpu.memory_space<vmem>>
        %dma_wait3A_1598 = arith.constant 0 : i32
        %dma_wait3A_1599 = tpu.memref_slice %arg6[%add3A, %add3A_1568, %dma_wait3A_1598] : memref<32x80x128xi32, #tpu.memory_space<hbm>> -> memref<1x1x128xi32, #tpu.memory_space<hbm>>
        %dma_wait3A_1600 = tpu.memref_squeeze %dma_wait3A_1599 : memref<1x1x128xi32, #tpu.memory_space<hbm>> -> memref<128xi32, #tpu.memory_space<hbm>>
        tpu.wait_dma2 semaphore(%dma_wait3A_1594 : memref<!tpu.dma_semaphore, #tpu.memory_space<semaphore_mem>>) src(%dma_wait3A_1600 : memref<128xi32, #tpu.memory_space<hbm>>) dst(%dma_wait3A_1597 : memref<128xi32, #tpu.memory_space<vmem>>)
        %dma_wait3A_1601 = arith.constant 1 : i32
        %dma_wait3A_1602 = arith.constant 1 : i32
        %dma_wait3A_1603 = arith.constant 0 : i32
        %dma_wait3A_1604 = tpu.memref_slice %arg12[%dma_wait3A_1601, %dma_wait3A_1603] : memref<4x128xf32, #tpu.memory_space<vmem>> -> memref<1x128xf32, #tpu.memory_space<vmem>>
        %dma_wait3A_1605 = tpu.memref_squeeze %dma_wait3A_1604 : memref<1x128xf32, #tpu.memory_space<vmem>> -> memref<128xf32, #tpu.memory_space<vmem>>
        %dma_wait3A_1606 = arith.constant 0 : i32
        %dma_wait3A_1607 = tpu.memref_slice %arg7[%add3A, %add3A_1568, %dma_wait3A_1606] : memref<32x80x128xf32, #tpu.memory_space<hbm>> -> memref<1x1x128xf32, #tpu.memory_space<hbm>>
        %dma_wait3A_1608 = tpu.memref_squeeze %dma_wait3A_1607 : memref<1x1x128xf32, #tpu.memory_space<hbm>> -> memref<128xf32, #tpu.memory_space<hbm>>
        %dma_wait3A_1609 = tpu.memref_slice %arg19[%dma_wait3A_1602] : memref<4x!tpu.dma_semaphore, #tpu.memory_space<semaphore_mem>> -> memref<1x!tpu.dma_semaphore, #tpu.memory_space<semaphore_mem>>
        %dma_wait3A_1610 = tpu.memref_squeeze %dma_wait3A_1609 : memref<1x!tpu.dma_semaphore, #tpu.memory_space<semaphore_mem>> -> memref<!tpu.dma_semaphore, #tpu.memory_space<semaphore_mem>>
        %dma_wait3A_1611 = arith.constant 0 : i32
        %dma_wait3A_1612 = tpu.memref_slice %arg12[%dma_wait3A_1601, %dma_wait3A_1611] : memref<4x128xf32, #tpu.memory_space<vmem>> -> memref<1x128xf32, #tpu.memory_space<vmem>>
        %dma_wait3A_1613 = tpu.memref_squeeze %dma_wait3A_1612 : memref<1x128xf32, #tpu.memory_space<vmem>> -> memref<128xf32, #tpu.memory_space<vmem>>
        %dma_wait3A_1614 = arith.constant 0 : i32
        %dma_wait3A_1615 = tpu.memref_slice %arg7[%add3A, %add3A_1568, %dma_wait3A_1614] : memref<32x80x128xf32, #tpu.memory_space<hbm>> -> memref<1x1x128xf32, #tpu.memory_space<hbm>>
        %dma_wait3A_1616 = tpu.memref_squeeze %dma_wait3A_1615 : memref<1x1x128xf32, #tpu.memory_space<hbm>> -> memref<128xf32, #tpu.memory_space<hbm>>
        tpu.wait_dma2 semaphore(%dma_wait3A_1610 : memref<!tpu.dma_semaphore, #tpu.memory_space<semaphore_mem>>) src(%dma_wait3A_1616 : memref<128xf32, #tpu.memory_space<hbm>>) dst(%dma_wait3A_1613 : memref<128xf32, #tpu.memory_space<vmem>>)
      } else {
      }
      %add3A_314 = arith.constant 1 : i32
      %add3A_315 = arith.addi %add3A_309, %add3A_314 : i32
      %lt3A_316 = arith.constant 80 : i32
      %lt3A_317 = arith.cmpi slt, %add3A_315, %lt3A_316 : i32
      %convert_element_type3A_318 = arith.extui %lt3A_317 : i1 to i32
      %cond3A_319 = arith.constant 0 : i32
      %cond3A_320 = arith.cmpi ne, %convert_element_type3A_318, %cond3A_319 : i32
      scf.if %cond3A_320 {
        %dma_start3A_1567 = arith.constant 1 : i32
        %dma_start3A_1568 = arith.constant 1 : i32
        %dma_start3A_1569 = arith.constant 1 : i32
        %dma_start3A_1570 = arith.constant 0 : i32
        %dma_start3A_1571 = arith.constant 0 : i32
        %dma_start3A_1572 = tpu.memref_slice %arg15[%dma_start3A_1568, %dma_start3A_1570, %dma_start3A_1571] : memref<2x128x128xbf16, #tpu.memory_space<vmem>> -> memref<1x128x128xbf16, #tpu.memory_space<vmem>>
        %dma_start3A_1573 = tpu.memref_squeeze %dma_start3A_1572 : memref<1x128x128xbf16, #tpu.memory_space<vmem>> -> memref<128x128xbf16, #tpu.memory_space<vmem>>
        %dma_start3A_1574 = arith.constant 0 : i32
        %dma_start3A_1575 = tpu.memref_slice %arg10[%dma_start3A_1567, %dma_start3A_1574] : memref<4x128xi32, #tpu.memory_space<vmem>> -> memref<1x128xi32, #tpu.memory_space<vmem>>
        %dma_start3A_1576 = tpu.memref_squeeze %dma_start3A_1575 : memref<1x128xi32, #tpu.memory_space<vmem>> -> memref<128xi32, #tpu.memory_space<vmem>>
        %dma_start3A_1577 = arith.constant 0 : i32
        %dma_start3A_1578 = arith.constant 0 : i32
        %dma_start3A_1579 = tpu.memref_slice %arg2[%dma_start3A_1577, %dma_start3A_1578] : memref<10000x128xbf16, #tpu.memory_space<hbm>> -> memref<10000x128xbf16, #tpu.memory_space<hbm>>
        %dma_start3A_1580 = tpu.memref_slice %arg21[%dma_start3A_1569] : memref<2x!tpu.dma_semaphore, #tpu.memory_space<semaphore_mem>> -> memref<1x!tpu.dma_semaphore, #tpu.memory_space<semaphore_mem>>
        %dma_start3A_1581 = tpu.memref_squeeze %dma_start3A_1580 : memref<1x!tpu.dma_semaphore, #tpu.memory_space<semaphore_mem>> -> memref<!tpu.dma_semaphore, #tpu.memory_space<semaphore_mem>>
        tpu.enqueue_indirect_dma source(%dma_start3A_1579 : memref<10000x128xbf16, #tpu.memory_space<hbm>>) target(%dma_start3A_1573 : memref<128x128xbf16, #tpu.memory_space<vmem>>) offsets(%dma_start3A_1576 : memref<128xi32, #tpu.memory_space<vmem>>) semaphore(%dma_start3A_1581 : memref<!tpu.dma_semaphore, #tpu.memory_space<semaphore_mem>>)
      } else {
      }
      %ge3A = arith.constant 1 : i32
      %ge3A_321 = arith.cmpi sge, %add3A_309, %ge3A : i32
      %convert_element_type3A_322 = arith.extui %ge3A_321 : i1 to i32
      %cond3A_323 = arith.constant 0 : i32
      %cond3A_324 = arith.cmpi ne, %convert_element_type3A_322, %cond3A_323 : i32
      scf.if %cond3A_324 {
        %dma_wait3A_1567 = arith.constant 1 : i32
        %dma_wait3A_1568 = arith.constant 3 : i32
        %dma_wait3A_1569 = arith.constant 1 : i32
        %dma_wait3A_1570 = arith.constant 0 : i32
        %dma_wait3A_1571 = tpu.memref_slice %arg13[%dma_wait3A_1567, %dma_wait3A_1570] : memref<2x128xf32, #tpu.memory_space<vmem>> -> memref<1x128xf32, #tpu.memory_space<vmem>>
        %dma_wait3A_1572 = tpu.memref_squeeze %dma_wait3A_1571 : memref<1x128xf32, #tpu.memory_space<vmem>> -> memref<128xf32, #tpu.memory_space<vmem>>
        %dma_wait3A_1573 = arith.constant 0 : i32
        %dma_wait3A_1574 = tpu.memref_slice %arg11[%dma_wait3A_1568, %dma_wait3A_1573] : memref<4x128xi32, #tpu.memory_space<vmem>> -> memref<1x128xi32, #tpu.memory_space<vmem>>
        %dma_wait3A_1575 = tpu.memref_squeeze %dma_wait3A_1574 : memref<1x128xi32, #tpu.memory_space<vmem>> -> memref<128xi32, #tpu.memory_space<vmem>>
        %dma_wait3A_1576 = arith.constant 0 : i32
        %dma_wait3A_1577 = tpu.memref_slice %arg18[%dma_wait3A_1576] : memref<10240xf32, #tpu.memory_space<vmem_shared>> -> memref<10240xf32, #tpu.memory_space<vmem_shared>>
        %dma_wait3A_1578 = tpu.memref_slice %arg22[%dma_wait3A_1569] : memref<2x!tpu.dma_semaphore, #tpu.memory_space<semaphore_mem>> -> memref<1x!tpu.dma_semaphore, #tpu.memory_space<semaphore_mem>>
        %dma_wait3A_1579 = tpu.memref_squeeze %dma_wait3A_1578 : memref<1x!tpu.dma_semaphore, #tpu.memory_space<semaphore_mem>> -> memref<!tpu.dma_semaphore, #tpu.memory_space<semaphore_mem>>
        tpu.wait_indirect_dma semaphore(%dma_wait3A_1579 : memref<!tpu.dma_semaphore, #tpu.memory_space<semaphore_mem>>) src(%dma_wait3A_1572 : memref<128xf32, #tpu.memory_space<vmem>>) dst(%dma_wait3A_1577 : memref<10240xf32, #tpu.memory_space<vmem_shared>>)
      } else {
      }
      %add3A_325 = arith.constant 1 : i32
      %add3A_326 = arith.addi %add3A_309, %add3A_325 : i32
      %lt3A_327 = arith.constant 80 : i32
      %lt3A_328 = arith.cmpi slt, %add3A_326, %lt3A_327 : i32
      %convert_element_type3A_329 = arith.extui %lt3A_328 : i1 to i32
      %cond3A_330 = arith.constant 0 : i32
      %cond3A_331 = arith.cmpi ne, %convert_element_type3A_329, %cond3A_330 : i32
      scf.if %cond3A_331 {
        %dma_start3A_1567 = arith.constant 1 : i32
        %dma_start3A_1568 = arith.constant 1 : i32
        %dma_start3A_1569 = arith.constant 1 : i32
        %dma_start3A_1570 = arith.constant 0 : i32
        %dma_start3A_1571 = tpu.memref_slice %arg13[%dma_start3A_1568, %dma_start3A_1570] : memref<2x128xf32, #tpu.memory_space<vmem>> -> memref<1x128xf32, #tpu.memory_space<vmem>>
        %dma_start3A_1572 = tpu.memref_squeeze %dma_start3A_1571 : memref<1x128xf32, #tpu.memory_space<vmem>> -> memref<128xf32, #tpu.memory_space<vmem>>
        %dma_start3A_1573 = arith.constant 0 : i32
        %dma_start3A_1574 = tpu.memref_slice %arg10[%dma_start3A_1567, %dma_start3A_1573] : memref<4x128xi32, #tpu.memory_space<vmem>> -> memref<1x128xi32, #tpu.memory_space<vmem>>
        %dma_start3A_1575 = tpu.memref_squeeze %dma_start3A_1574 : memref<1x128xi32, #tpu.memory_space<vmem>> -> memref<128xi32, #tpu.memory_space<vmem>>
        %dma_start3A_1576 = arith.constant 0 : i32
        %dma_start3A_1577 = tpu.memref_slice %arg3[%dma_start3A_1576] : memref<10000xf32, #tpu.memory_space<hbm>> -> memref<10000xf32, #tpu.memory_space<hbm>>
        %dma_start3A_1578 = tpu.memref_slice %arg20[%dma_start3A_1569] : memref<2x!tpu.dma_semaphore, #tpu.memory_space<semaphore_mem>> -> memref<1x!tpu.dma_semaphore, #tpu.memory_space<semaphore_mem>>
        %dma_start3A_1579 = tpu.memref_squeeze %dma_start3A_1578 : memref<1x!tpu.dma_semaphore, #tpu.memory_space<semaphore_mem>> -> memref<!tpu.dma_semaphore, #tpu.memory_space<semaphore_mem>>
        tpu.enqueue_indirect_dma source(%dma_start3A_1577 : memref<10000xf32, #tpu.memory_space<hbm>>) target(%dma_start3A_1572 : memref<128xf32, #tpu.memory_space<vmem>>) offsets(%dma_start3A_1575 : memref<128xi32, #tpu.memory_space<vmem>>) semaphore(%dma_start3A_1579 : memref<!tpu.dma_semaphore, #tpu.memory_space<semaphore_mem>>)
        %dma_start3A_1580 = arith.constant 1 : i32
        %dma_start3A_1581 = arith.constant 1 : i32
        %dma_start3A_1582 = arith.constant 1 : i32
        %dma_start3A_1583 = arith.constant 0 : i32
        %dma_start3A_1584 = tpu.memref_slice %arg14[%dma_start3A_1581, %dma_start3A_1583] : memref<2x128xf32, #tpu.memory_space<vmem>> -> memref<1x128xf32, #tpu.memory_space<vmem>>
        %dma_start3A_1585 = tpu.memref_squeeze %dma_start3A_1584 : memref<1x128xf32, #tpu.memory_space<vmem>> -> memref<128xf32, #tpu.memory_space<vmem>>
        %dma_start3A_1586 = arith.constant 0 : i32
        %dma_start3A_1587 = tpu.memref_slice %arg11[%dma_start3A_1580, %dma_start3A_1586] : memref<4x128xi32, #tpu.memory_space<vmem>> -> memref<1x128xi32, #tpu.memory_space<vmem>>
        %dma_start3A_1588 = tpu.memref_squeeze %dma_start3A_1587 : memref<1x128xi32, #tpu.memory_space<vmem>> -> memref<128xi32, #tpu.memory_space<vmem>>
        %dma_start3A_1589 = arith.constant 0 : i32
        %dma_start3A_1590 = tpu.memref_slice %arg4[%dma_start3A_1589] : memref<10000xf32, #tpu.memory_space<hbm>> -> memref<10000xf32, #tpu.memory_space<hbm>>
        %dma_start3A_1591 = tpu.memref_slice %arg20[%dma_start3A_1582] : memref<2x!tpu.dma_semaphore, #tpu.memory_space<semaphore_mem>> -> memref<1x!tpu.dma_semaphore, #tpu.memory_space<semaphore_mem>>
        %dma_start3A_1592 = tpu.memref_squeeze %dma_start3A_1591 : memref<1x!tpu.dma_semaphore, #tpu.memory_space<semaphore_mem>> -> memref<!tpu.dma_semaphore, #tpu.memory_space<semaphore_mem>>
        tpu.enqueue_indirect_dma source(%dma_start3A_1590 : memref<10000xf32, #tpu.memory_space<hbm>>) target(%dma_start3A_1585 : memref<128xf32, #tpu.memory_space<vmem>>) offsets(%dma_start3A_1588 : memref<128xi32, #tpu.memory_space<vmem>>) semaphore(%dma_start3A_1592 : memref<!tpu.dma_semaphore, #tpu.memory_space<semaphore_mem>>)
      } else {
      }
      %dma_wait3A_332 = arith.constant 0 : i32
      %dma_wait3A_333 = arith.constant 0 : i32
      %dma_wait3A_334 = arith.constant 0 : i32
      %dma_wait3A_335 = arith.constant 0 : i32
      %dma_wait3A_336 = tpu.memref_slice %arg13[%dma_wait3A_333, %dma_wait3A_335] : memref<2x128xf32, #tpu.memory_space<vmem>> -> memref<1x128xf32, #tpu.memory_space<vmem>>
      %dma_wait3A_337 = tpu.memref_squeeze %dma_wait3A_336 : memref<1x128xf32, #tpu.memory_space<vmem>> -> memref<128xf32, #tpu.memory_space<vmem>>
      %dma_wait3A_338 = arith.constant 0 : i32
      %dma_wait3A_339 = tpu.memref_slice %arg10[%dma_wait3A_332, %dma_wait3A_338] : memref<4x128xi32, #tpu.memory_space<vmem>> -> memref<1x128xi32, #tpu.memory_space<vmem>>
      %dma_wait3A_340 = tpu.memref_squeeze %dma_wait3A_339 : memref<1x128xi32, #tpu.memory_space<vmem>> -> memref<128xi32, #tpu.memory_space<vmem>>
      %dma_wait3A_341 = arith.constant 0 : i32
      %dma_wait3A_342 = tpu.memref_slice %arg3[%dma_wait3A_341] : memref<10000xf32, #tpu.memory_space<hbm>> -> memref<10000xf32, #tpu.memory_space<hbm>>
      %dma_wait3A_343 = tpu.memref_slice %arg20[%dma_wait3A_334] : memref<2x!tpu.dma_semaphore, #tpu.memory_space<semaphore_mem>> -> memref<1x!tpu.dma_semaphore, #tpu.memory_space<semaphore_mem>>
      %dma_wait3A_344 = tpu.memref_squeeze %dma_wait3A_343 : memref<1x!tpu.dma_semaphore, #tpu.memory_space<semaphore_mem>> -> memref<!tpu.dma_semaphore, #tpu.memory_space<semaphore_mem>>
      tpu.wait_indirect_dma semaphore(%dma_wait3A_344 : memref<!tpu.dma_semaphore, #tpu.memory_space<semaphore_mem>>) src(%dma_wait3A_342 : memref<10000xf32, #tpu.memory_space<hbm>>) dst(%dma_wait3A_337 : memref<128xf32, #tpu.memory_space<vmem>>)
      %dma_wait3A_345 = arith.constant 0 : i32
      %dma_wait3A_346 = arith.constant 0 : i32
      %dma_wait3A_347 = arith.constant 0 : i32
      %dma_wait3A_348 = arith.constant 0 : i32
      %dma_wait3A_349 = tpu.memref_slice %arg14[%dma_wait3A_346, %dma_wait3A_348] : memref<2x128xf32, #tpu.memory_space<vmem>> -> memref<1x128xf32, #tpu.memory_space<vmem>>
      %dma_wait3A_350 = tpu.memref_squeeze %dma_wait3A_349 : memref<1x128xf32, #tpu.memory_space<vmem>> -> memref<128xf32, #tpu.memory_space<vmem>>
      %dma_wait3A_351 = arith.constant 0 : i32
      %dma_wait3A_352 = tpu.memref_slice %arg11[%dma_wait3A_345, %dma_wait3A_351] : memref<4x128xi32, #tpu.memory_space<vmem>> -> memref<1x128xi32, #tpu.memory_space<vmem>>
      %dma_wait3A_353 = tpu.memref_squeeze %dma_wait3A_352 : memref<1x128xi32, #tpu.memory_space<vmem>> -> memref<128xi32, #tpu.memory_space<vmem>>
      %dma_wait3A_354 = arith.constant 0 : i32
      %dma_wait3A_355 = tpu.memref_slice %arg4[%dma_wait3A_354] : memref<10000xf32, #tpu.memory_space<hbm>> -> memref<10000xf32, #tpu.memory_space<hbm>>
      %dma_wait3A_356 = tpu.memref_slice %arg20[%dma_wait3A_347] : memref<2x!tpu.dma_semaphore, #tpu.memory_space<semaphore_mem>> -> memref<1x!tpu.dma_semaphore, #tpu.memory_space<semaphore_mem>>
      %dma_wait3A_357 = tpu.memref_squeeze %dma_wait3A_356 : memref<1x!tpu.dma_semaphore, #tpu.memory_space<semaphore_mem>> -> memref<!tpu.dma_semaphore, #tpu.memory_space<semaphore_mem>>
      tpu.wait_indirect_dma semaphore(%dma_wait3A_357 : memref<!tpu.dma_semaphore, #tpu.memory_space<semaphore_mem>>) src(%dma_wait3A_355 : memref<10000xf32, #tpu.memory_space<hbm>>) dst(%dma_wait3A_350 : memref<128xf32, #tpu.memory_space<vmem>>)
      %get3A = arith.constant 0 : i32
      %get3A_358 = arith.index_cast %get3A : i32 to index
      %get3A_359 = arith.constant 0 : index
      %get3A_360 = tpu.vector_load %arg13[%get3A_358, %get3A_359] {strides = array<i32>} : memref<2x128xf32, #tpu.memory_space<vmem>>, vector<16xf32>,
      %get3A_361 = arith.constant 0 : i32
      %get3A_362 = arith.index_cast %get3A_361 : i32 to index
      %get3A_363 = arith.constant 0 : index
      %get3A_364 = tpu.vector_load %arg14[%get3A_362, %get3A_363] {strides = array<i32>} : memref<2x128xf32, #tpu.memory_space<vmem>>, vector<16xf32>,
      %add3A_365 = arith.addf %get3A_360, %get3A_364 : vector<16xf32>
      %gt3A = arith.constant 0.000000e+00 : f32
      %gt3A_366 = vector.broadcast %gt3A : f32 to vector<16xf32>
      %gt3A_367 = arith.cmpf ogt, %add3A_365, %gt3A_366 : vector<16xf32>
      %mul3A_368 = arith.constant 2.000000e-01 : f32
      %mul3A_369 = vector.broadcast %mul3A_368 : f32 to vector<16xf32>
      %mul3A_370 = arith.mulf %mul3A_369, %add3A_365 : vector<16xf32>
      %select_n3A = arith.select %gt3A_367, %add3A_365, %mul3A_370 : vector<16xi1>, vector<16xf32>
      %get3A_371 = arith.constant 0 : i32
      %get3A_372 = arith.index_cast %get3A_371 : i32 to index
      %get3A_373 = arith.constant 0 : index
      %get3A_374 = tpu.vector_load %arg12[%get3A_372, %get3A_373] {strides = array<i32>} : memref<4x128xf32, #tpu.memory_space<vmem>>, vector<16xf32>,
      %add3A_375 = arith.addf %select_n3A, %get3A_374 : vector<16xf32>
      %exp3A = math.exp %add3A_375 : vector<16xf32>
      %swap3A = arith.constant 0 : i32
      %swap3A_376 = arith.index_cast %swap3A : i32 to index
      %swap3A_377 = arith.constant 0 : index
      %swap3A_378 = tpu.vector_load %arg13[%swap3A_376, %swap3A_377] {strides = array<i32>} : memref<2x128xf32, #tpu.memory_space<vmem>>, vector<16xf32>,
      tpu.vector_store %arg13[%swap3A_376, %swap3A_377], %exp3A {strides = array<i32>} : memref<2x128xf32, #tpu.memory_space<vmem>>, vector<16xf32>,
      %get3A_379 = arith.constant 0 : i32
      %get3A_380 = arith.index_cast %get3A_379 : i32 to index
      %get3A_381 = arith.constant 16 : index
      %get3A_382 = tpu.vector_load %arg13[%get3A_380, %get3A_381] {strides = array<i32>} : memref<2x128xf32, #tpu.memory_space<vmem>>, vector<16xf32>,
      %get3A_383 = arith.constant 0 : i32
      %get3A_384 = arith.index_cast %get3A_383 : i32 to index
      %get3A_385 = arith.constant 16 : index
      %get3A_386 = tpu.vector_load %arg14[%get3A_384, %get3A_385] {strides = array<i32>} : memref<2x128xf32, #tpu.memory_space<vmem>>, vector<16xf32>,
      %add3A_387 = arith.addf %get3A_382, %get3A_386 : vector<16xf32>
      %gt3A_388 = arith.constant 0.000000e+00 : f32
      %gt3A_389 = vector.broadcast %gt3A_388 : f32 to vector<16xf32>
      %gt3A_390 = arith.cmpf ogt, %add3A_387, %gt3A_389 : vector<16xf32>
      %mul3A_391 = arith.constant 2.000000e-01 : f32
      %mul3A_392 = vector.broadcast %mul3A_391 : f32 to vector<16xf32>
      %mul3A_393 = arith.mulf %mul3A_392, %add3A_387 : vector<16xf32>
      %select_n3A_394 = arith.select %gt3A_390, %add3A_387, %mul3A_393 : vector<16xi1>, vector<16xf32>
      %get3A_395 = arith.constant 0 : i32
      %get3A_396 = arith.index_cast %get3A_395 : i32 to index
      %get3A_397 = arith.constant 16 : index
      %get3A_398 = tpu.vector_load %arg12[%get3A_396, %get3A_397] {strides = array<i32>} : memref<4x128xf32, #tpu.memory_space<vmem>>, vector<16xf32>,
      %add3A_399 = arith.addf %select_n3A_394, %get3A_398 : vector<16xf32>
      %exp3A_400 = math.exp %add3A_399 : vector<16xf32>
      %swap3A_401 = arith.constant 0 : i32
      %swap3A_402 = arith.index_cast %swap3A_401 : i32 to index
      %swap3A_403 = arith.constant 16 : index
      %swap3A_404 = tpu.vector_load %arg13[%swap3A_402, %swap3A_403] {strides = array<i32>} : memref<2x128xf32, #tpu.memory_space<vmem>>, vector<16xf32>,
      tpu.vector_store %arg13[%swap3A_402, %swap3A_403], %exp3A_400 {strides = array<i32>} : memref<2x128xf32, #tpu.memory_space<vmem>>, vector<16xf32>,
      %get3A_405 = arith.constant 0 : i32
      %get3A_406 = arith.index_cast %get3A_405 : i32 to index
      %get3A_407 = arith.constant 32 : index
      %get3A_408 = tpu.vector_load %arg13[%get3A_406, %get3A_407] {strides = array<i32>} : memref<2x128xf32, #tpu.memory_space<vmem>>, vector<16xf32>,
      %get3A_409 = arith.constant 0 : i32
      %get3A_410 = arith.index_cast %get3A_409 : i32 to index
      %get3A_411 = arith.constant 32 : index
      %get3A_412 = tpu.vector_load %arg14[%get3A_410, %get3A_411] {strides = array<i32>} : memref<2x128xf32, #tpu.memory_space<vmem>>, vector<16xf32>,
      %add3A_413 = arith.addf %get3A_408, %get3A_412 : vector<16xf32>
      %gt3A_414 = arith.constant 0.000000e+00 : f32
      %gt3A_415 = vector.broadcast %gt3A_414 : f32 to vector<16xf32>
      %gt3A_416 = arith.cmpf ogt, %add3A_413, %gt3A_415 : vector<16xf32>
      %mul3A_417 = arith.constant 2.000000e-01 : f32
      %mul3A_418 = vector.broadcast %mul3A_417 : f32 to vector<16xf32>
      %mul3A_419 = arith.mulf %mul3A_418, %add3A_413 : vector<16xf32>
      %select_n3A_420 = arith.select %gt3A_416, %add3A_413, %mul3A_419 : vector<16xi1>, vector<16xf32>
      %get3A_421 = arith.constant 0 : i32
      %get3A_422 = arith.index_cast %get3A_421 : i32 to index
      %get3A_423 = arith.constant 32 : index
      %get3A_424 = tpu.vector_load %arg12[%get3A_422, %get3A_423] {strides = array<i32>} : memref<4x128xf32, #tpu.memory_space<vmem>>, vector<16xf32>,
      %add3A_425 = arith.addf %select_n3A_420, %get3A_424 : vector<16xf32>
      %exp3A_426 = math.exp %add3A_425 : vector<16xf32>
      %swap3A_427 = arith.constant 0 : i32
      %swap3A_428 = arith.index_cast %swap3A_427 : i32 to index
      %swap3A_429 = arith.constant 32 : index
      %swap3A_430 = tpu.vector_load %arg13[%swap3A_428, %swap3A_429] {strides = array<i32>} : memref<2x128xf32, #tpu.memory_space<vmem>>, vector<16xf32>,
      tpu.vector_store %arg13[%swap3A_428, %swap3A_429], %exp3A_426 {strides = array<i32>} : memref<2x128xf32, #tpu.memory_space<vmem>>, vector<16xf32>,
      %get3A_431 = arith.constant 0 : i32
      %get3A_432 = arith.index_cast %get3A_431 : i32 to index
      %get3A_433 = arith.constant 48 : index
      %get3A_434 = tpu.vector_load %arg13[%get3A_432, %get3A_433] {strides = array<i32>} : memref<2x128xf32, #tpu.memory_space<vmem>>, vector<16xf32>,
      %get3A_435 = arith.constant 0 : i32
      %get3A_436 = arith.index_cast %get3A_435 : i32 to index
      %get3A_437 = arith.constant 48 : index
      %get3A_438 = tpu.vector_load %arg14[%get3A_436, %get3A_437] {strides = array<i32>} : memref<2x128xf32, #tpu.memory_space<vmem>>, vector<16xf32>,
      %add3A_439 = arith.addf %get3A_434, %get3A_438 : vector<16xf32>
      %gt3A_440 = arith.constant 0.000000e+00 : f32
      %gt3A_441 = vector.broadcast %gt3A_440 : f32 to vector<16xf32>
      %gt3A_442 = arith.cmpf ogt, %add3A_439, %gt3A_441 : vector<16xf32>
      %mul3A_443 = arith.constant 2.000000e-01 : f32
      %mul3A_444 = vector.broadcast %mul3A_443 : f32 to vector<16xf32>
      %mul3A_445 = arith.mulf %mul3A_444, %add3A_439 : vector<16xf32>
      %select_n3A_446 = arith.select %gt3A_442, %add3A_439, %mul3A_445 : vector<16xi1>, vector<16xf32>
      %get3A_447 = arith.constant 0 : i32
      %get3A_448 = arith.index_cast %get3A_447 : i32 to index
      %get3A_449 = arith.constant 48 : index
      %get3A_450 = tpu.vector_load %arg12[%get3A_448, %get3A_449] {strides = array<i32>} : memref<4x128xf32, #tpu.memory_space<vmem>>, vector<16xf32>,
      %add3A_451 = arith.addf %select_n3A_446, %get3A_450 : vector<16xf32>
      %exp3A_452 = math.exp %add3A_451 : vector<16xf32>
      %swap3A_453 = arith.constant 0 : i32
      %swap3A_454 = arith.index_cast %swap3A_453 : i32 to index
      %swap3A_455 = arith.constant 48 : index
      %swap3A_456 = tpu.vector_load %arg13[%swap3A_454, %swap3A_455] {strides = array<i32>} : memref<2x128xf32, #tpu.memory_space<vmem>>, vector<16xf32>,
      tpu.vector_store %arg13[%swap3A_454, %swap3A_455], %exp3A_452 {strides = array<i32>} : memref<2x128xf32, #tpu.memory_space<vmem>>, vector<16xf32>,
      %get3A_457 = arith.constant 0 : i32
      %get3A_458 = arith.index_cast %get3A_457 : i32 to index
      %get3A_459 = arith.constant 64 : index
      %get3A_460 = tpu.vector_load %arg13[%get3A_458, %get3A_459] {strides = array<i32>} : memref<2x128xf32, #tpu.memory_space<vmem>>, vector<16xf32>,
      %get3A_461 = arith.constant 0 : i32
      %get3A_462 = arith.index_cast %get3A_461 : i32 to index
      %get3A_463 = arith.constant 64 : index
      %get3A_464 = tpu.vector_load %arg14[%get3A_462, %get3A_463] {strides = array<i32>} : memref<2x128xf32, #tpu.memory_space<vmem>>, vector<16xf32>,
      %add3A_465 = arith.addf %get3A_460, %get3A_464 : vector<16xf32>
      %gt3A_466 = arith.constant 0.000000e+00 : f32
      %gt3A_467 = vector.broadcast %gt3A_466 : f32 to vector<16xf32>
      %gt3A_468 = arith.cmpf ogt, %add3A_465, %gt3A_467 : vector<16xf32>
      %mul3A_469 = arith.constant 2.000000e-01 : f32
      %mul3A_470 = vector.broadcast %mul3A_469 : f32 to vector<16xf32>
      %mul3A_471 = arith.mulf %mul3A_470, %add3A_465 : vector<16xf32>
      %select_n3A_472 = arith.select %gt3A_468, %add3A_465, %mul3A_471 : vector<16xi1>, vector<16xf32>
      %get3A_473 = arith.constant 0 : i32
      %get3A_474 = arith.index_cast %get3A_473 : i32 to index
      %get3A_475 = arith.constant 64 : index
      %get3A_476 = tpu.vector_load %arg12[%get3A_474, %get3A_475] {strides = array<i32>} : memref<4x128xf32, #tpu.memory_space<vmem>>, vector<16xf32>,
      %add3A_477 = arith.addf %select_n3A_472, %get3A_476 : vector<16xf32>
      %exp3A_478 = math.exp %add3A_477 : vector<16xf32>
      %swap3A_479 = arith.constant 0 : i32
      %swap3A_480 = arith.index_cast %swap3A_479 : i32 to index
      %swap3A_481 = arith.constant 64 : index
      %swap3A_482 = tpu.vector_load %arg13[%swap3A_480, %swap3A_481] {strides = array<i32>} : memref<2x128xf32, #tpu.memory_space<vmem>>, vector<16xf32>,
      tpu.vector_store %arg13[%swap3A_480, %swap3A_481], %exp3A_478 {strides = array<i32>} : memref<2x128xf32, #tpu.memory_space<vmem>>, vector<16xf32>,
      %get3A_483 = arith.constant 0 : i32
      %get3A_484 = arith.index_cast %get3A_483 : i32 to index
      %get3A_485 = arith.constant 80 : index
      %get3A_486 = tpu.vector_load %arg13[%get3A_484, %get3A_485] {strides = array<i32>} : memref<2x128xf32, #tpu.memory_space<vmem>>, vector<16xf32>,
      %get3A_487 = arith.constant 0 : i32
      %get3A_488 = arith.index_cast %get3A_487 : i32 to index
      %get3A_489 = arith.constant 80 : index
      %get3A_490 = tpu.vector_load %arg14[%get3A_488, %get3A_489] {strides = array<i32>} : memref<2x128xf32, #tpu.memory_space<vmem>>, vector<16xf32>,
      %add3A_491 = arith.addf %get3A_486, %get3A_490 : vector<16xf32>
      %gt3A_492 = arith.constant 0.000000e+00 : f32
      %gt3A_493 = vector.broadcast %gt3A_492 : f32 to vector<16xf32>
      %gt3A_494 = arith.cmpf ogt, %add3A_491, %gt3A_493 : vector<16xf32>
      %mul3A_495 = arith.constant 2.000000e-01 : f32
      %mul3A_496 = vector.broadcast %mul3A_495 : f32 to vector<16xf32>
      %mul3A_497 = arith.mulf %mul3A_496, %add3A_491 : vector<16xf32>
      %select_n3A_498 = arith.select %gt3A_494, %add3A_491, %mul3A_497 : vector<16xi1>, vector<16xf32>
      %get3A_499 = arith.constant 0 : i32
      %get3A_500 = arith.index_cast %get3A_499 : i32 to index
      %get3A_501 = arith.constant 80 : index
      %get3A_502 = tpu.vector_load %arg12[%get3A_500, %get3A_501] {strides = array<i32>} : memref<4x128xf32, #tpu.memory_space<vmem>>, vector<16xf32>,
      %add3A_503 = arith.addf %select_n3A_498, %get3A_502 : vector<16xf32>
      %exp3A_504 = math.exp %add3A_503 : vector<16xf32>
      %swap3A_505 = arith.constant 0 : i32
      %swap3A_506 = arith.index_cast %swap3A_505 : i32 to index
      %swap3A_507 = arith.constant 80 : index
      %swap3A_508 = tpu.vector_load %arg13[%swap3A_506, %swap3A_507] {strides = array<i32>} : memref<2x128xf32, #tpu.memory_space<vmem>>, vector<16xf32>,
      tpu.vector_store %arg13[%swap3A_506, %swap3A_507], %exp3A_504 {strides = array<i32>} : memref<2x128xf32, #tpu.memory_space<vmem>>, vector<16xf32>,
      %get3A_509 = arith.constant 0 : i32
      %get3A_510 = arith.index_cast %get3A_509 : i32 to index
      %get3A_511 = arith.constant 96 : index
      %get3A_512 = tpu.vector_load %arg13[%get3A_510, %get3A_511] {strides = array<i32>} : memref<2x128xf32, #tpu.memory_space<vmem>>, vector<16xf32>,
      %get3A_513 = arith.constant 0 : i32
      %get3A_514 = arith.index_cast %get3A_513 : i32 to index
      %get3A_515 = arith.constant 96 : index
      %get3A_516 = tpu.vector_load %arg14[%get3A_514, %get3A_515] {strides = array<i32>} : memref<2x128xf32, #tpu.memory_space<vmem>>, vector<16xf32>,
      %add3A_517 = arith.addf %get3A_512, %get3A_516 : vector<16xf32>
      %gt3A_518 = arith.constant 0.000000e+00 : f32
      %gt3A_519 = vector.broadcast %gt3A_518 : f32 to vector<16xf32>
      %gt3A_520 = arith.cmpf ogt, %add3A_517, %gt3A_519 : vector<16xf32>
      %mul3A_521 = arith.constant 2.000000e-01 : f32
      %mul3A_522 = vector.broadcast %mul3A_521 : f32 to vector<16xf32>
      %mul3A_523 = arith.mulf %mul3A_522, %add3A_517 : vector<16xf32>
      %select_n3A_524 = arith.select %gt3A_520, %add3A_517, %mul3A_523 : vector<16xi1>, vector<16xf32>
      %get3A_525 = arith.constant 0 : i32
      %get3A_526 = arith.index_cast %get3A_525 : i32 to index
      %get3A_527 = arith.constant 96 : index
      %get3A_528 = tpu.vector_load %arg12[%get3A_526, %get3A_527] {strides = array<i32>} : memref<4x128xf32, #tpu.memory_space<vmem>>, vector<16xf32>,
      %add3A_529 = arith.addf %select_n3A_524, %get3A_528 : vector<16xf32>
      %exp3A_530 = math.exp %add3A_529 : vector<16xf32>
      %swap3A_531 = arith.constant 0 : i32
      %swap3A_532 = arith.index_cast %swap3A_531 : i32 to index
      %swap3A_533 = arith.constant 96 : index
      %swap3A_534 = tpu.vector_load %arg13[%swap3A_532, %swap3A_533] {strides = array<i32>} : memref<2x128xf32, #tpu.memory_space<vmem>>, vector<16xf32>,
      tpu.vector_store %arg13[%swap3A_532, %swap3A_533], %exp3A_530 {strides = array<i32>} : memref<2x128xf32, #tpu.memory_space<vmem>>, vector<16xf32>,
      %get3A_535 = arith.constant 0 : i32
      %get3A_536 = arith.index_cast %get3A_535 : i32 to index
      %get3A_537 = arith.constant 112 : index
      %get3A_538 = tpu.vector_load %arg13[%get3A_536, %get3A_537] {strides = array<i32>} : memref<2x128xf32, #tpu.memory_space<vmem>>, vector<16xf32>,
      %get3A_539 = arith.constant 0 : i32
      %get3A_540 = arith.index_cast %get3A_539 : i32 to index
      %get3A_541 = arith.constant 112 : index
      %get3A_542 = tpu.vector_load %arg14[%get3A_540, %get3A_541] {strides = array<i32>} : memref<2x128xf32, #tpu.memory_space<vmem>>, vector<16xf32>,
      %add3A_543 = arith.addf %get3A_538, %get3A_542 : vector<16xf32>
      %gt3A_544 = arith.constant 0.000000e+00 : f32
      %gt3A_545 = vector.broadcast %gt3A_544 : f32 to vector<16xf32>
      %gt3A_546 = arith.cmpf ogt, %add3A_543, %gt3A_545 : vector<16xf32>
      %mul3A_547 = arith.constant 2.000000e-01 : f32
      %mul3A_548 = vector.broadcast %mul3A_547 : f32 to vector<16xf32>
      %mul3A_549 = arith.mulf %mul3A_548, %add3A_543 : vector<16xf32>
      %select_n3A_550 = arith.select %gt3A_546, %add3A_543, %mul3A_549 : vector<16xi1>, vector<16xf32>
      %get3A_551 = arith.constant 0 : i32
      %get3A_552 = arith.index_cast %get3A_551 : i32 to index
      %get3A_553 = arith.constant 112 : index
      %get3A_554 = tpu.vector_load %arg12[%get3A_552, %get3A_553] {strides = array<i32>} : memref<4x128xf32, #tpu.memory_space<vmem>>, vector<16xf32>,
      %add3A_555 = arith.addf %select_n3A_550, %get3A_554 : vector<16xf32>
      %exp3A_556 = math.exp %add3A_555 : vector<16xf32>
      %swap3A_557 = arith.constant 0 : i32
      %swap3A_558 = arith.index_cast %swap3A_557 : i32 to index
      %swap3A_559 = arith.constant 112 : index
      %swap3A_560 = tpu.vector_load %arg13[%swap3A_558, %swap3A_559] {strides = array<i32>} : memref<2x128xf32, #tpu.memory_space<vmem>>, vector<16xf32>,
      tpu.vector_store %arg13[%swap3A_558, %swap3A_559], %exp3A_556 {strides = array<i32>} : memref<2x128xf32, #tpu.memory_space<vmem>>, vector<16xf32>,
      %dma_start3A_561 = arith.constant 0 : i32
      %dma_start3A_562 = arith.constant 0 : i32
      %dma_start3A_563 = arith.constant 0 : i32
      %dma_start3A_564 = arith.constant 0 : i32
      %dma_start3A_565 = tpu.memref_slice %arg13[%dma_start3A_561, %dma_start3A_564] : memref<2x128xf32, #tpu.memory_space<vmem>> -> memref<1x128xf32, #tpu.memory_space<vmem>>
      %dma_start3A_566 = tpu.memref_squeeze %dma_start3A_565 : memref<1x128xf32, #tpu.memory_space<vmem>> -> memref<128xf32, #tpu.memory_space<vmem>>
      %dma_start3A_567 = arith.constant 0 : i32
      %dma_start3A_568 = tpu.memref_slice %arg11[%dma_start3A_562, %dma_start3A_567] : memref<4x128xi32, #tpu.memory_space<vmem>> -> memref<1x128xi32, #tpu.memory_space<vmem>>
      %dma_start3A_569 = tpu.memref_squeeze %dma_start3A_568 : memref<1x128xi32, #tpu.memory_space<vmem>> -> memref<128xi32, #tpu.memory_space<vmem>>
      %dma_start3A_570 = arith.constant 0 : i32
      %dma_start3A_571 = tpu.memref_slice %arg18[%dma_start3A_570] : memref<10240xf32, #tpu.memory_space<vmem_shared>> -> memref<10240xf32, #tpu.memory_space<vmem_shared>>
      %dma_start3A_572 = tpu.memref_slice %arg22[%dma_start3A_563] : memref<2x!tpu.dma_semaphore, #tpu.memory_space<semaphore_mem>> -> memref<1x!tpu.dma_semaphore, #tpu.memory_space<semaphore_mem>>
      %dma_start3A_573 = tpu.memref_squeeze %dma_start3A_572 : memref<1x!tpu.dma_semaphore, #tpu.memory_space<semaphore_mem>> -> memref<!tpu.dma_semaphore, #tpu.memory_space<semaphore_mem>>
      tpu.enqueue_indirect_dma source(%dma_start3A_566 : memref<128xf32, #tpu.memory_space<vmem>>) target(%dma_start3A_571 : memref<10240xf32, #tpu.memory_space<vmem_shared>>) offsets(%dma_start3A_569 : memref<128xi32, #tpu.memory_space<vmem>>) semaphore(%dma_start3A_573 : memref<!tpu.dma_semaphore, #tpu.memory_space<semaphore_mem>>) {add = true}
      %dma_wait3A_574 = arith.constant 0 : i32
      %dma_wait3A_575 = arith.constant 0 : i32
      %dma_wait3A_576 = arith.constant 0 : i32
      %dma_wait3A_577 = arith.constant 0 : i32
      %dma_wait3A_578 = arith.constant 0 : i32
      %dma_wait3A_579 = tpu.memref_slice %arg15[%dma_wait3A_575, %dma_wait3A_577, %dma_wait3A_578] : memref<2x128x128xbf16, #tpu.memory_space<vmem>> -> memref<1x128x128xbf16, #tpu.memory_space<vmem>>
      %dma_wait3A_580 = tpu.memref_squeeze %dma_wait3A_579 : memref<1x128x128xbf16, #tpu.memory_space<vmem>> -> memref<128x128xbf16, #tpu.memory_space<vmem>>
      %dma_wait3A_581 = arith.constant 0 : i32
      %dma_wait3A_582 = tpu.memref_slice %arg10[%dma_wait3A_574, %dma_wait3A_581] : memref<4x128xi32, #tpu.memory_space<vmem>> -> memref<1x128xi32, #tpu.memory_space<vmem>>
      %dma_wait3A_583 = tpu.memref_squeeze %dma_wait3A_582 : memref<1x128xi32, #tpu.memory_space<vmem>> -> memref<128xi32, #tpu.memory_space<vmem>>
      %dma_wait3A_584 = arith.constant 0 : i32
      %dma_wait3A_585 = arith.constant 0 : i32
      %dma_wait3A_586 = tpu.memref_slice %arg2[%dma_wait3A_584, %dma_wait3A_585] : memref<10000x128xbf16, #tpu.memory_space<hbm>> -> memref<10000x128xbf16, #tpu.memory_space<hbm>>
      %dma_wait3A_587 = tpu.memref_slice %arg21[%dma_wait3A_576] : memref<2x!tpu.dma_semaphore, #tpu.memory_space<semaphore_mem>> -> memref<1x!tpu.dma_semaphore, #tpu.memory_space<semaphore_mem>>
      %dma_wait3A_588 = tpu.memref_squeeze %dma_wait3A_587 : memref<1x!tpu.dma_semaphore, #tpu.memory_space<semaphore_mem>> -> memref<!tpu.dma_semaphore, #tpu.memory_space<semaphore_mem>>
      tpu.wait_indirect_dma semaphore(%dma_wait3A_588 : memref<!tpu.dma_semaphore, #tpu.memory_space<semaphore_mem>>) src(%dma_wait3A_586 : memref<10000x128xbf16, #tpu.memory_space<hbm>>) dst(%dma_wait3A_580 : memref<128x128xbf16, #tpu.memory_space<vmem>>)
      %ge3A_589 = arith.constant 1 : i32
      %ge3A_590 = arith.cmpi sge, %add3A_309, %ge3A_589 : i32
      %convert_element_type3A_591 = arith.extui %ge3A_590 : i1 to i32
      %cond3A_592 = arith.constant 0 : i32
      %cond3A_593 = arith.cmpi ne, %convert_element_type3A_591, %cond3A_592 : i32
      scf.if %cond3A_593 {
        %dma_wait3A_1567 = arith.constant 3 : i32
        %dma_wait3A_1568 = arith.constant 0 : i32
        %dma_wait3A_1569 = arith.constant 0 : i32
        %dma_wait3A_1570 = tpu.memref_slice %arg11[%dma_wait3A_1567, %dma_wait3A_1569] : memref<4x128xi32, #tpu.memory_space<vmem>> -> memref<1x128xi32, #tpu.memory_space<vmem>>
        %dma_wait3A_1571 = tpu.memref_squeeze %dma_wait3A_1570 : memref<1x128xi32, #tpu.memory_space<vmem>> -> memref<128xi32, #tpu.memory_space<vmem>>
        %dma_wait3A_1572 = arith.constant 0 : i32
        %dma_wait3A_1573 = arith.constant 0 : i32
        %dma_wait3A_1574 = tpu.memref_slice %arg17[%dma_wait3A_1572, %dma_wait3A_1573] : memref<10240x128xf32, #tpu.memory_space<vmem_shared>> -> memref<10240x128xf32, #tpu.memory_space<vmem_shared>>
        %dma_wait3A_1575 = tpu.memref_slice %arg23[%dma_wait3A_1568] : memref<2x!tpu.dma_semaphore, #tpu.memory_space<semaphore_mem>> -> memref<1x!tpu.dma_semaphore, #tpu.memory_space<semaphore_mem>>
        %dma_wait3A_1576 = tpu.memref_squeeze %dma_wait3A_1575 : memref<1x!tpu.dma_semaphore, #tpu.memory_space<semaphore_mem>> -> memref<!tpu.dma_semaphore, #tpu.memory_space<semaphore_mem>>
        tpu.wait_indirect_dma semaphore(%dma_wait3A_1576 : memref<!tpu.dma_semaphore, #tpu.memory_space<semaphore_mem>>) src(%arg16 : memref<128x128xf32, #tpu.memory_space<vmem>>) dst(%dma_wait3A_1574 : memref<10240x128xf32, #tpu.memory_space<vmem_shared>>)
      } else {
      }
      %scan3A_594 = arith.constant 0 : i32
      %scan3A_595 = arith.constant 128 : i32
      %scan3A_596 = arith.addi %scan3A_594, %scan3A_595 : i32
      %scan3A_597 = arith.constant 1 : i32
      scf.for %scan3A_1567 = %scan3A_594 to %scan3A_596 step %scan3A_597  : i32 {
        %mul3A_1568 = arith.constant 1 : i32
        %mul3A_1569 = arith.muli %scan3A_1567, %mul3A_1568 : i32
        %add3A_1570 = arith.constant 0 : i32
        %add3A_1571 = arith.addi %add3A_1570, %mul3A_1569 : i32
        %broadcast_in_dim3A = arith.constant 0 : i32
        %broadcast_in_dim3A_1572 = vector.broadcast %broadcast_in_dim3A : i32 to vector<16xi32>
        %broadcast_in_dim3A_1573 = vector.broadcast %add3A_1571 : i32 to vector<16xi32>
        %gather3A = tpu.vector_load_idx %arg13[%broadcast_in_dim3A_1572, %broadcast_in_dim3A_1573] : memref<2x128xf32, #tpu.memory_space<vmem>>[vector<16xi32>, vector<16xi32>], vector<16xf32>,
        %get3A_1574 = arith.constant 0 : i32
        %get3A_1575 = arith.index_cast %get3A_1574 : i32 to index
        %get3A_1576 = arith.index_cast %add3A_1571 : i32 to index
        %get3A_1577 = arith.constant 0 : index
        %get3A_1578 = tpu.vector_load %arg15[%get3A_1575, %get3A_1576, %get3A_1577] {strides = array<i32>} : memref<2x128x128xbf16, #tpu.memory_space<vmem>>, vector<32xbf16>,
        %bitcast3A = vector.bitcast %get3A_1578 : vector<32xbf16> to vector<16xi32>
        %shift_left3A = arith.constant 16 : i32
        %shift_left3A_1579 = vector.broadcast %shift_left3A : i32 to vector<16xi32>
        %shift_left3A_1580 = arith.shli %bitcast3A, %shift_left3A_1579 : vector<16xi32>
        %bitcast3A_1581 = vector.bitcast %shift_left3A_1580 : vector<16xi32> to vector<16xf32>
        %and3A = arith.constant -65536 : i32
        %and3A_1582 = vector.broadcast %and3A : i32 to vector<16xi32>
        %and3A_1583 = arith.andi %bitcast3A, %and3A_1582 : vector<16xi32>
        %bitcast3A_1584 = vector.bitcast %and3A_1583 : vector<16xi32> to vector<16xf32>
        %mul3A_1585 = arith.mulf %bitcast3A_1581, %gather3A : vector<16xf32>
        %swap3A_1586 = arith.index_cast %add3A_1571 : i32 to index
        %swap3A_1587 = arith.constant 0 : index
        %swap3A_1588 = tpu.vector_load %arg16[%swap3A_1586, %swap3A_1587] {strides = array<i32>} : memref<128x128xf32, #tpu.memory_space<vmem>>, vector<16xf32>,
        tpu.vector_store %arg16[%swap3A_1586, %swap3A_1587], %mul3A_1585 {strides = array<i32>} : memref<128x128xf32, #tpu.memory_space<vmem>>, vector<16xf32>,
        %mul3A_1589 = arith.mulf %bitcast3A_1584, %gather3A : vector<16xf32>
        %swap3A_1590 = arith.index_cast %add3A_1571 : i32 to index
        %swap3A_1591 = arith.constant 16 : index
        %swap3A_1592 = tpu.vector_load %arg16[%swap3A_1590, %swap3A_1591] {strides = array<i32>} : memref<128x128xf32, #tpu.memory_space<vmem>>, vector<16xf32>,
        tpu.vector_store %arg16[%swap3A_1590, %swap3A_1591], %mul3A_1589 {strides = array<i32>} : memref<128x128xf32, #tpu.memory_space<vmem>>, vector<16xf32>,
        %get3A_1593 = arith.constant 0 : i32
        %get3A_1594 = arith.index_cast %get3A_1593 : i32 to index
        %get3A_1595 = arith.index_cast %add3A_1571 : i32 to index
        %get3A_1596 = arith.constant 32 : index
        %get3A_1597 = tpu.vector_load %arg15[%get3A_1594, %get3A_1595, %get3A_1596] {strides = array<i32>} : memref<2x128x128xbf16, #tpu.memory_space<vmem>>, vector<32xbf16>,
        %bitcast3A_1598 = vector.bitcast %get3A_1597 : vector<32xbf16> to vector<16xi32>
        %shift_left3A_1599 = arith.constant 16 : i32
        %shift_left3A_1600 = vector.broadcast %shift_left3A_1599 : i32 to vector<16xi32>
        %shift_left3A_1601 = arith.shli %bitcast3A_1598, %shift_left3A_1600 : vector<16xi32>
        %bitcast3A_1602 = vector.bitcast %shift_left3A_1601 : vector<16xi32> to vector<16xf32>
        %and3A_1603 = arith.constant -65536 : i32
        %and3A_1604 = vector.broadcast %and3A_1603 : i32 to vector<16xi32>
        %and3A_1605 = arith.andi %bitcast3A_1598, %and3A_1604 : vector<16xi32>
        %bitcast3A_1606 = vector.bitcast %and3A_1605 : vector<16xi32> to vector<16xf32>
        %mul3A_1607 = arith.mulf %bitcast3A_1602, %gather3A : vector<16xf32>
        %swap3A_1608 = arith.index_cast %add3A_1571 : i32 to index
        %swap3A_1609 = arith.constant 32 : index
        %swap3A_1610 = tpu.vector_load %arg16[%swap3A_1608, %swap3A_1609] {strides = array<i32>} : memref<128x128xf32, #tpu.memory_space<vmem>>, vector<16xf32>,
        tpu.vector_store %arg16[%swap3A_1608, %swap3A_1609], %mul3A_1607 {strides = array<i32>} : memref<128x128xf32, #tpu.memory_space<vmem>>, vector<16xf32>,
        %mul3A_1611 = arith.mulf %bitcast3A_1606, %gather3A : vector<16xf32>
        %swap3A_1612 = arith.index_cast %add3A_1571 : i32 to index
        %swap3A_1613 = arith.constant 48 : index
        %swap3A_1614 = tpu.vector_load %arg16[%swap3A_1612, %swap3A_1613] {strides = array<i32>} : memref<128x128xf32, #tpu.memory_space<vmem>>, vector<16xf32>,
        tpu.vector_store %arg16[%swap3A_1612, %swap3A_1613], %mul3A_1611 {strides = array<i32>} : memref<128x128xf32, #tpu.memory_space<vmem>>, vector<16xf32>,
        %get3A_1615 = arith.constant 0 : i32
        %get3A_1616 = arith.index_cast %get3A_1615 : i32 to index
        %get3A_1617 = arith.index_cast %add3A_1571 : i32 to index
        %get3A_1618 = arith.constant 64 : index
        %get3A_1619 = tpu.vector_load %arg15[%get3A_1616, %get3A_1617, %get3A_1618] {strides = array<i32>} : memref<2x128x128xbf16, #tpu.memory_space<vmem>>, vector<32xbf16>,
        %bitcast3A_1620 = vector.bitcast %get3A_1619 : vector<32xbf16> to vector<16xi32>
        %shift_left3A_1621 = arith.constant 16 : i32
        %shift_left3A_1622 = vector.broadcast %shift_left3A_1621 : i32 to vector<16xi32>
        %shift_left3A_1623 = arith.shli %bitcast3A_1620, %shift_left3A_1622 : vector<16xi32>
        %bitcast3A_1624 = vector.bitcast %shift_left3A_1623 : vector<16xi32> to vector<16xf32>
        %and3A_1625 = arith.constant -65536 : i32
        %and3A_1626 = vector.broadcast %and3A_1625 : i32 to vector<16xi32>
        %and3A_1627 = arith.andi %bitcast3A_1620, %and3A_1626 : vector<16xi32>
        %bitcast3A_1628 = vector.bitcast %and3A_1627 : vector<16xi32> to vector<16xf32>
        %mul3A_1629 = arith.mulf %bitcast3A_1624, %gather3A : vector<16xf32>
        %swap3A_1630 = arith.index_cast %add3A_1571 : i32 to index
        %swap3A_1631 = arith.constant 64 : index
        %swap3A_1632 = tpu.vector_load %arg16[%swap3A_1630, %swap3A_1631] {strides = array<i32>} : memref<128x128xf32, #tpu.memory_space<vmem>>, vector<16xf32>,
        tpu.vector_store %arg16[%swap3A_1630, %swap3A_1631], %mul3A_1629 {strides = array<i32>} : memref<128x128xf32, #tpu.memory_space<vmem>>, vector<16xf32>,
        %mul3A_1633 = arith.mulf %bitcast3A_1628, %gather3A : vector<16xf32>
        %swap3A_1634 = arith.index_cast %add3A_1571 : i32 to index
        %swap3A_1635 = arith.constant 80 : index
        %swap3A_1636 = tpu.vector_load %arg16[%swap3A_1634, %swap3A_1635] {strides = array<i32>} : memref<128x128xf32, #tpu.memory_space<vmem>>, vector<16xf32>,
        tpu.vector_store %arg16[%swap3A_1634, %swap3A_1635], %mul3A_1633 {strides = array<i32>} : memref<128x128xf32, #tpu.memory_space<vmem>>, vector<16xf32>,
        %get3A_1637 = arith.constant 0 : i32
        %get3A_1638 = arith.index_cast %get3A_1637 : i32 to index
        %get3A_1639 = arith.index_cast %add3A_1571 : i32 to index
        %get3A_1640 = arith.constant 96 : index
        %get3A_1641 = tpu.vector_load %arg15[%get3A_1638, %get3A_1639, %get3A_1640] {strides = array<i32>} : memref<2x128x128xbf16, #tpu.memory_space<vmem>>, vector<32xbf16>,
        %bitcast3A_1642 = vector.bitcast %get3A_1641 : vector<32xbf16> to vector<16xi32>
        %shift_left3A_1643 = arith.constant 16 : i32
        %shift_left3A_1644 = vector.broadcast %shift_left3A_1643 : i32 to vector<16xi32>
        %shift_left3A_1645 = arith.shli %bitcast3A_1642, %shift_left3A_1644 : vector<16xi32>
        %bitcast3A_1646 = vector.bitcast %shift_left3A_1645 : vector<16xi32> to vector<16xf32>
        %and3A_1647 = arith.constant -65536 : i32
        %and3A_1648 = vector.broadcast %and3A_1647 : i32 to vector<16xi32>
        %and3A_1649 = arith.andi %bitcast3A_1642, %and3A_1648 : vector<16xi32>
        %bitcast3A_1650 = vector.bitcast %and3A_1649 : vector<16xi32> to vector<16xf32>
        %mul3A_1651 = arith.mulf %bitcast3A_1646, %gather3A : vector<16xf32>
        %swap3A_1652 = arith.index_cast %add3A_1571 : i32 to index
        %swap3A_1653 = arith.constant 96 : index
        %swap3A_1654 = tpu.vector_load %arg16[%swap3A_1652, %swap3A_1653] {strides = array<i32>} : memref<128x128xf32, #tpu.memory_space<vmem>>, vector<16xf32>,
        tpu.vector_store %arg16[%swap3A_1652, %swap3A_1653], %mul3A_1651 {strides = array<i32>} : memref<128x128xf32, #tpu.memory_space<vmem>>, vector<16xf32>,
        %mul3A_1655 = arith.mulf %bitcast3A_1650, %gather3A : vector<16xf32>
        %swap3A_1656 = arith.index_cast %add3A_1571 : i32 to index
        %swap3A_1657 = arith.constant 112 : index
        %swap3A_1658 = tpu.vector_load %arg16[%swap3A_1656, %swap3A_1657] {strides = array<i32>} : memref<128x128xf32, #tpu.memory_space<vmem>>, vector<16xf32>,
        tpu.vector_store %arg16[%swap3A_1656, %swap3A_1657], %mul3A_1655 {strides = array<i32>} : memref<128x128xf32, #tpu.memory_space<vmem>>, vector<16xf32>,
      }
      %scan3A_598 = arith.constant 128 : i32
      %dma_start3A_599 = arith.constant 0 : i32
      %dma_start3A_600 = arith.constant 0 : i32
      %dma_start3A_601 = arith.constant 0 : i32
      %dma_start3A_602 = tpu.memref_slice %arg11[%dma_start3A_599, %dma_start3A_601] : memref<4x128xi32, #tpu.memory_space<vmem>> -> memref<1x128xi32, #tpu.memory_space<vmem>>
      %dma_start3A_603 = tpu.memref_squeeze %dma_start3A_602 : memref<1x128xi32, #tpu.memory_space<vmem>> -> memref<128xi32, #tpu.memory_space<vmem>>
      %dma_start3A_604 = arith.constant 0 : i32
      %dma_start3A_605 = arith.constant 0 : i32
      %dma_start3A_606 = tpu.memref_slice %arg17[%dma_start3A_604, %dma_start3A_605] : memref<10240x128xf32, #tpu.memory_space<vmem_shared>> -> memref<10240x128xf32, #tpu.memory_space<vmem_shared>>
      %dma_start3A_607 = tpu.memref_slice %arg23[%dma_start3A_600] : memref<2x!tpu.dma_semaphore, #tpu.memory_space<semaphore_mem>> -> memref<1x!tpu.dma_semaphore, #tpu.memory_space<semaphore_mem>>
      %dma_start3A_608 = tpu.memref_squeeze %dma_start3A_607 : memref<1x!tpu.dma_semaphore, #tpu.memory_space<semaphore_mem>> -> memref<!tpu.dma_semaphore, #tpu.memory_space<semaphore_mem>>
      tpu.enqueue_indirect_dma source(%arg16 : memref<128x128xf32, #tpu.memory_space<vmem>>) target(%dma_start3A_606 : memref<10240x128xf32, #tpu.memory_space<vmem_shared>>) offsets(%dma_start3A_603 : memref<128xi32, #tpu.memory_space<vmem>>) semaphore(%dma_start3A_608 : memref<!tpu.dma_semaphore, #tpu.memory_space<semaphore_mem>>) {add = true}
      %add3A_609 = arith.constant 3 : i32
      %add3A_610 = arith.addi %add3A_309, %add3A_609 : i32
      %lt3A_611 = arith.constant 80 : i32
      %lt3A_612 = arith.cmpi slt, %add3A_610, %lt3A_611 : i32
      %convert_element_type3A_613 = arith.extui %lt3A_612 : i1 to i32
      %cond3A_614 = arith.constant 0 : i32
      %cond3A_615 = arith.cmpi ne, %convert_element_type3A_613, %cond3A_614 : i32
      scf.if %cond3A_615 {
        %add3A_1567 = arith.constant 3 : i32
        %add3A_1568 = arith.addi %add3A_309, %add3A_1567 : i32
        %dma_start3A_1569 = arith.constant 3 : i32
        %dma_start3A_1570 = arith.constant 3 : i32
        %dma_start3A_1571 = arith.constant 0 : i32
        %dma_start3A_1572 = tpu.memref_slice %arg10[%dma_start3A_1569, %dma_start3A_1571] : memref<4x128xi32, #tpu.memory_space<vmem>> -> memref<1x128xi32, #tpu.memory_space<vmem>>
        %dma_start3A_1573 = tpu.memref_squeeze %dma_start3A_1572 : memref<1x128xi32, #tpu.memory_space<vmem>> -> memref<128xi32, #tpu.memory_space<vmem>>
        %dma_start3A_1574 = arith.constant 0 : i32
        %dma_start3A_1575 = tpu.memref_slice %arg5[%add3A, %add3A_1568, %dma_start3A_1574] : memref<32x80x128xi32, #tpu.memory_space<hbm>> -> memref<1x1x128xi32, #tpu.memory_space<hbm>>
        %dma_start3A_1576 = tpu.memref_squeeze %dma_start3A_1575 : memref<1x1x128xi32, #tpu.memory_space<hbm>> -> memref<128xi32, #tpu.memory_space<hbm>>
        %dma_start3A_1577 = tpu.memref_slice %arg19[%dma_start3A_1570] : memref<4x!tpu.dma_semaphore, #tpu.memory_space<semaphore_mem>> -> memref<1x!tpu.dma_semaphore, #tpu.memory_space<semaphore_mem>>
        %dma_start3A_1578 = tpu.memref_squeeze %dma_start3A_1577 : memref<1x!tpu.dma_semaphore, #tpu.memory_space<semaphore_mem>> -> memref<!tpu.dma_semaphore, #tpu.memory_space<semaphore_mem>>
        %dma_start3A_1579 = arith.constant 0 : i32
        %dma_start3A_1580 = tpu.memref_slice %arg10[%dma_start3A_1569, %dma_start3A_1579] : memref<4x128xi32, #tpu.memory_space<vmem>> -> memref<1x128xi32, #tpu.memory_space<vmem>>
        %dma_start3A_1581 = tpu.memref_squeeze %dma_start3A_1580 : memref<1x128xi32, #tpu.memory_space<vmem>> -> memref<128xi32, #tpu.memory_space<vmem>>
        %dma_start3A_1582 = arith.constant 0 : i32
        %dma_start3A_1583 = tpu.memref_slice %arg5[%add3A, %add3A_1568, %dma_start3A_1582] : memref<32x80x128xi32, #tpu.memory_space<hbm>> -> memref<1x1x128xi32, #tpu.memory_space<hbm>>
        %dma_start3A_1584 = tpu.memref_squeeze %dma_start3A_1583 : memref<1x1x128xi32, #tpu.memory_space<hbm>> -> memref<128xi32, #tpu.memory_space<hbm>>
        tpu.enqueue_dma source(%dma_start3A_1584 : memref<128xi32, #tpu.memory_space<hbm>>) target(%dma_start3A_1581 : memref<128xi32, #tpu.memory_space<vmem>>) target_semaphore(%dma_start3A_1578 : memref<!tpu.dma_semaphore, #tpu.memory_space<semaphore_mem>>)
        %dma_start3A_1585 = arith.constant 3 : i32
        %dma_start3A_1586 = arith.constant 3 : i32
        %dma_start3A_1587 = arith.constant 0 : i32
        %dma_start3A_1588 = tpu.memref_slice %arg11[%dma_start3A_1585, %dma_start3A_1587] : memref<4x128xi32, #tpu.memory_space<vmem>> -> memref<1x128xi32, #tpu.memory_space<vmem>>
        %dma_start3A_1589 = tpu.memref_squeeze %dma_start3A_1588 : memref<1x128xi32, #tpu.memory_space<vmem>> -> memref<128xi32, #tpu.memory_space<vmem>>
        %dma_start3A_1590 = arith.constant 0 : i32
        %dma_start3A_1591 = tpu.memref_slice %arg6[%add3A, %add3A_1568, %dma_start3A_1590] : memref<32x80x128xi32, #tpu.memory_space<hbm>> -> memref<1x1x128xi32, #tpu.memory_space<hbm>>
        %dma_start3A_1592 = tpu.memref_squeeze %dma_start3A_1591 : memref<1x1x128xi32, #tpu.memory_space<hbm>> -> memref<128xi32, #tpu.memory_space<hbm>>
        %dma_start3A_1593 = tpu.memref_slice %arg19[%dma_start3A_1586] : memref<4x!tpu.dma_semaphore, #tpu.memory_space<semaphore_mem>> -> memref<1x!tpu.dma_semaphore, #tpu.memory_space<semaphore_mem>>
        %dma_start3A_1594 = tpu.memref_squeeze %dma_start3A_1593 : memref<1x!tpu.dma_semaphore, #tpu.memory_space<semaphore_mem>> -> memref<!tpu.dma_semaphore, #tpu.memory_space<semaphore_mem>>
        %dma_start3A_1595 = arith.constant 0 : i32
        %dma_start3A_1596 = tpu.memref_slice %arg11[%dma_start3A_1585, %dma_start3A_1595] : memref<4x128xi32, #tpu.memory_space<vmem>> -> memref<1x128xi32, #tpu.memory_space<vmem>>
        %dma_start3A_1597 = tpu.memref_squeeze %dma_start3A_1596 : memref<1x128xi32, #tpu.memory_space<vmem>> -> memref<128xi32, #tpu.memory_space<vmem>>
        %dma_start3A_1598 = arith.constant 0 : i32
        %dma_start3A_1599 = tpu.memref_slice %arg6[%add3A, %add3A_1568, %dma_start3A_1598] : memref<32x80x128xi32, #tpu.memory_space<hbm>> -> memref<1x1x128xi32, #tpu.memory_space<hbm>>
        %dma_start3A_1600 = tpu.memref_squeeze %dma_start3A_1599 : memref<1x1x128xi32, #tpu.memory_space<hbm>> -> memref<128xi32, #tpu.memory_space<hbm>>
        tpu.enqueue_dma source(%dma_start3A_1600 : memref<128xi32, #tpu.memory_space<hbm>>) target(%dma_start3A_1597 : memref<128xi32, #tpu.memory_space<vmem>>) target_semaphore(%dma_start3A_1594 : memref<!tpu.dma_semaphore, #tpu.memory_space<semaphore_mem>>)
        %dma_start3A_1601 = arith.constant 3 : i32
        %dma_start3A_1602 = arith.constant 3 : i32
        %dma_start3A_1603 = arith.constant 0 : i32
        %dma_start3A_1604 = tpu.memref_slice %arg12[%dma_start3A_1601, %dma_start3A_1603] : memref<4x128xf32, #tpu.memory_space<vmem>> -> memref<1x128xf32, #tpu.memory_space<vmem>>
        %dma_start3A_1605 = tpu.memref_squeeze %dma_start3A_1604 : memref<1x128xf32, #tpu.memory_space<vmem>> -> memref<128xf32, #tpu.memory_space<vmem>>
        %dma_start3A_1606 = arith.constant 0 : i32
        %dma_start3A_1607 = tpu.memref_slice %arg7[%add3A, %add3A_1568, %dma_start3A_1606] : memref<32x80x128xf32, #tpu.memory_space<hbm>> -> memref<1x1x128xf32, #tpu.memory_space<hbm>>
        %dma_start3A_1608 = tpu.memref_squeeze %dma_start3A_1607 : memref<1x1x128xf32, #tpu.memory_space<hbm>> -> memref<128xf32, #tpu.memory_space<hbm>>
        %dma_start3A_1609 = tpu.memref_slice %arg19[%dma_start3A_1602] : memref<4x!tpu.dma_semaphore, #tpu.memory_space<semaphore_mem>> -> memref<1x!tpu.dma_semaphore, #tpu.memory_space<semaphore_mem>>
        %dma_start3A_1610 = tpu.memref_squeeze %dma_start3A_1609 : memref<1x!tpu.dma_semaphore, #tpu.memory_space<semaphore_mem>> -> memref<!tpu.dma_semaphore, #tpu.memory_space<semaphore_mem>>
        %dma_start3A_1611 = arith.constant 0 : i32
        %dma_start3A_1612 = tpu.memref_slice %arg12[%dma_start3A_1601, %dma_start3A_1611] : memref<4x128xf32, #tpu.memory_space<vmem>> -> memref<1x128xf32, #tpu.memory_space<vmem>>
        %dma_start3A_1613 = tpu.memref_squeeze %dma_start3A_1612 : memref<1x128xf32, #tpu.memory_space<vmem>> -> memref<128xf32, #tpu.memory_space<vmem>>
        %dma_start3A_1614 = arith.constant 0 : i32
        %dma_start3A_1615 = tpu.memref_slice %arg7[%add3A, %add3A_1568, %dma_start3A_1614] : memref<32x80x128xf32, #tpu.memory_space<hbm>> -> memref<1x1x128xf32, #tpu.memory_space<hbm>>
        %dma_start3A_1616 = tpu.memref_squeeze %dma_start3A_1615 : memref<1x1x128xf32, #tpu.memory_space<hbm>> -> memref<128xf32, #tpu.memory_space<hbm>>
        tpu.enqueue_dma source(%dma_start3A_1616 : memref<128xf32, #tpu.memory_space<hbm>>) target(%dma_start3A_1613 : memref<128xf32, #tpu.memory_space<vmem>>) target_semaphore(%dma_start3A_1610 : memref<!tpu.dma_semaphore, #tpu.memory_space<semaphore_mem>>)
      } else {
      }
      %add3A_616 = arith.constant 1 : i32
      %add3A_617 = arith.addi %add3A_307, %add3A_616 : i32
      %add3A_618 = arith.constant 1 : i32
      %add3A_619 = arith.addi %add3A_617, %add3A_618 : i32
      %lt3A_620 = arith.constant 80 : i32
      %lt3A_621 = arith.cmpi slt, %add3A_619, %lt3A_620 : i32
      %convert_element_type3A_622 = arith.extui %lt3A_621 : i1 to i32
      %cond3A_623 = arith.constant 0 : i32
      %cond3A_624 = arith.cmpi ne, %convert_element_type3A_622, %cond3A_623 : i32
      scf.if %cond3A_624 {
        %add3A_1567 = arith.constant 1 : i32
        %add3A_1568 = arith.addi %add3A_617, %add3A_1567 : i32
        %dma_wait3A_1569 = arith.constant 2 : i32
        %dma_wait3A_1570 = arith.constant 2 : i32
        %dma_wait3A_1571 = arith.constant 0 : i32
        %dma_wait3A_1572 = tpu.memref_slice %arg10[%dma_wait3A_1569, %dma_wait3A_1571] : memref<4x128xi32, #tpu.memory_space<vmem>> -> memref<1x128xi32, #tpu.memory_space<vmem>>
        %dma_wait3A_1573 = tpu.memref_squeeze %dma_wait3A_1572 : memref<1x128xi32, #tpu.memory_space<vmem>> -> memref<128xi32, #tpu.memory_space<vmem>>
        %dma_wait3A_1574 = arith.constant 0 : i32
        %dma_wait3A_1575 = tpu.memref_slice %arg5[%add3A, %add3A_1568, %dma_wait3A_1574] : memref<32x80x128xi32, #tpu.memory_space<hbm>> -> memref<1x1x128xi32, #tpu.memory_space<hbm>>
        %dma_wait3A_1576 = tpu.memref_squeeze %dma_wait3A_1575 : memref<1x1x128xi32, #tpu.memory_space<hbm>> -> memref<128xi32, #tpu.memory_space<hbm>>
        %dma_wait3A_1577 = tpu.memref_slice %arg19[%dma_wait3A_1570] : memref<4x!tpu.dma_semaphore, #tpu.memory_space<semaphore_mem>> -> memref<1x!tpu.dma_semaphore, #tpu.memory_space<semaphore_mem>>
        %dma_wait3A_1578 = tpu.memref_squeeze %dma_wait3A_1577 : memref<1x!tpu.dma_semaphore, #tpu.memory_space<semaphore_mem>> -> memref<!tpu.dma_semaphore, #tpu.memory_space<semaphore_mem>>
        %dma_wait3A_1579 = arith.constant 0 : i32
        %dma_wait3A_1580 = tpu.memref_slice %arg10[%dma_wait3A_1569, %dma_wait3A_1579] : memref<4x128xi32, #tpu.memory_space<vmem>> -> memref<1x128xi32, #tpu.memory_space<vmem>>
        %dma_wait3A_1581 = tpu.memref_squeeze %dma_wait3A_1580 : memref<1x128xi32, #tpu.memory_space<vmem>> -> memref<128xi32, #tpu.memory_space<vmem>>
        %dma_wait3A_1582 = arith.constant 0 : i32
        %dma_wait3A_1583 = tpu.memref_slice %arg5[%add3A, %add3A_1568, %dma_wait3A_1582] : memref<32x80x128xi32, #tpu.memory_space<hbm>> -> memref<1x1x128xi32, #tpu.memory_space<hbm>>
        %dma_wait3A_1584 = tpu.memref_squeeze %dma_wait3A_1583 : memref<1x1x128xi32, #tpu.memory_space<hbm>> -> memref<128xi32, #tpu.memory_space<hbm>>
        tpu.wait_dma2 semaphore(%dma_wait3A_1578 : memref<!tpu.dma_semaphore, #tpu.memory_space<semaphore_mem>>) src(%dma_wait3A_1584 : memref<128xi32, #tpu.memory_space<hbm>>) dst(%dma_wait3A_1581 : memref<128xi32, #tpu.memory_space<vmem>>)
        %dma_wait3A_1585 = arith.constant 2 : i32
        %dma_wait3A_1586 = arith.constant 2 : i32
        %dma_wait3A_1587 = arith.constant 0 : i32
        %dma_wait3A_1588 = tpu.memref_slice %arg11[%dma_wait3A_1585, %dma_wait3A_1587] : memref<4x128xi32, #tpu.memory_space<vmem>> -> memref<1x128xi32, #tpu.memory_space<vmem>>
        %dma_wait3A_1589 = tpu.memref_squeeze %dma_wait3A_1588 : memref<1x128xi32, #tpu.memory_space<vmem>> -> memref<128xi32, #tpu.memory_space<vmem>>
        %dma_wait3A_1590 = arith.constant 0 : i32
        %dma_wait3A_1591 = tpu.memref_slice %arg6[%add3A, %add3A_1568, %dma_wait3A_1590] : memref<32x80x128xi32, #tpu.memory_space<hbm>> -> memref<1x1x128xi32, #tpu.memory_space<hbm>>
        %dma_wait3A_1592 = tpu.memref_squeeze %dma_wait3A_1591 : memref<1x1x128xi32, #tpu.memory_space<hbm>> -> memref<128xi32, #tpu.memory_space<hbm>>
        %dma_wait3A_1593 = tpu.memref_slice %arg19[%dma_wait3A_1586] : memref<4x!tpu.dma_semaphore, #tpu.memory_space<semaphore_mem>> -> memref<1x!tpu.dma_semaphore, #tpu.memory_space<semaphore_mem>>
        %dma_wait3A_1594 = tpu.memref_squeeze %dma_wait3A_1593 : memref<1x!tpu.dma_semaphore, #tpu.memory_space<semaphore_mem>> -> memref<!tpu.dma_semaphore, #tpu.memory_space<semaphore_mem>>
        %dma_wait3A_1595 = arith.constant 0 : i32
        %dma_wait3A_1596 = tpu.memref_slice %arg11[%dma_wait3A_1585, %dma_wait3A_1595] : memref<4x128xi32, #tpu.memory_space<vmem>> -> memref<1x128xi32, #tpu.memory_space<vmem>>
        %dma_wait3A_1597 = tpu.memref_squeeze %dma_wait3A_1596 : memref<1x128xi32, #tpu.memory_space<vmem>> -> memref<128xi32, #tpu.memory_space<vmem>>
        %dma_wait3A_1598 = arith.constant 0 : i32
        %dma_wait3A_1599 = tpu.memref_slice %arg6[%add3A, %add3A_1568, %dma_wait3A_1598] : memref<32x80x128xi32, #tpu.memory_space<hbm>> -> memref<1x1x128xi32, #tpu.memory_space<hbm>>
        %dma_wait3A_1600 = tpu.memref_squeeze %dma_wait3A_1599 : memref<1x1x128xi32, #tpu.memory_space<hbm>> -> memref<128xi32, #tpu.memory_space<hbm>>
        tpu.wait_dma2 semaphore(%dma_wait3A_1594 : memref<!tpu.dma_semaphore, #tpu.memory_space<semaphore_mem>>) src(%dma_wait3A_1600 : memref<128xi32, #tpu.memory_space<hbm>>) dst(%dma_wait3A_1597 : memref<128xi32, #tpu.memory_space<vmem>>)
        %dma_wait3A_1601 = arith.constant 2 : i32
        %dma_wait3A_1602 = arith.constant 2 : i32
        %dma_wait3A_1603 = arith.constant 0 : i32
        %dma_wait3A_1604 = tpu.memref_slice %arg12[%dma_wait3A_1601, %dma_wait3A_1603] : memref<4x128xf32, #tpu.memory_space<vmem>> -> memref<1x128xf32, #tpu.memory_space<vmem>>
        %dma_wait3A_1605 = tpu.memref_squeeze %dma_wait3A_1604 : memref<1x128xf32, #tpu.memory_space<vmem>> -> memref<128xf32, #tpu.memory_space<vmem>>
        %dma_wait3A_1606 = arith.constant 0 : i32
        %dma_wait3A_1607 = tpu.memref_slice %arg7[%add3A, %add3A_1568, %dma_wait3A_1606] : memref<32x80x128xf32, #tpu.memory_space<hbm>> -> memref<1x1x128xf32, #tpu.memory_space<hbm>>
        %dma_wait3A_1608 = tpu.memref_squeeze %dma_wait3A_1607 : memref<1x1x128xf32, #tpu.memory_space<hbm>> -> memref<128xf32, #tpu.memory_space<hbm>>
        %dma_wait3A_1609 = tpu.memref_slice %arg19[%dma_wait3A_1602] : memref<4x!tpu.dma_semaphore, #tpu.memory_space<semaphore_mem>> -> memref<1x!tpu.dma_semaphore, #tpu.memory_space<semaphore_mem>>
        %dma_wait3A_1610 = tpu.memref_squeeze %dma_wait3A_1609 : memref<1x!tpu.dma_semaphore, #tpu.memory_space<semaphore_mem>> -> memref<!tpu.dma_semaphore, #tpu.memory_space<semaphore_mem>>
        %dma_wait3A_1611 = arith.constant 0 : i32
        %dma_wait3A_1612 = tpu.memref_slice %arg12[%dma_wait3A_1601, %dma_wait3A_1611] : memref<4x128xf32, #tpu.memory_space<vmem>> -> memref<1x128xf32, #tpu.memory_space<vmem>>
        %dma_wait3A_1613 = tpu.memref_squeeze %dma_wait3A_1612 : memref<1x128xf32, #tpu.memory_space<vmem>> -> memref<128xf32, #tpu.memory_space<vmem>>
        %dma_wait3A_1614 = arith.constant 0 : i32
        %dma_wait3A_1615 = tpu.memref_slice %arg7[%add3A, %add3A_1568, %dma_wait3A_1614] : memref<32x80x128xf32, #tpu.memory_space<hbm>> -> memref<1x1x128xf32, #tpu.memory_space<hbm>>
        %dma_wait3A_1616 = tpu.memref_squeeze %dma_wait3A_1615 : memref<1x1x128xf32, #tpu.memory_space<hbm>> -> memref<128xf32, #tpu.memory_space<hbm>>
        tpu.wait_dma2 semaphore(%dma_wait3A_1610 : memref<!tpu.dma_semaphore, #tpu.memory_space<semaphore_mem>>) src(%dma_wait3A_1616 : memref<128xf32, #tpu.memory_space<hbm>>) dst(%dma_wait3A_1613 : memref<128xf32, #tpu.memory_space<vmem>>)
      } else {
      }
      %add3A_625 = arith.constant 1 : i32
      %add3A_626 = arith.addi %add3A_617, %add3A_625 : i32
      %lt3A_627 = arith.constant 80 : i32
      %lt3A_628 = arith.cmpi slt, %add3A_626, %lt3A_627 : i32
      %convert_element_type3A_629 = arith.extui %lt3A_628 : i1 to i32
      %cond3A_630 = arith.constant 0 : i32
      %cond3A_631 = arith.cmpi ne, %convert_element_type3A_629, %cond3A_630 : i32
      scf.if %cond3A_631 {
        %dma_start3A_1567 = arith.constant 2 : i32
        %dma_start3A_1568 = arith.constant 0 : i32
        %dma_start3A_1569 = arith.constant 0 : i32
        %dma_start3A_1570 = arith.constant 0 : i32
        %dma_start3A_1571 = arith.constant 0 : i32
        %dma_start3A_1572 = tpu.memref_slice %arg15[%dma_start3A_1568, %dma_start3A_1570, %dma_start3A_1571] : memref<2x128x128xbf16, #tpu.memory_space<vmem>> -> memref<1x128x128xbf16, #tpu.memory_space<vmem>>
        %dma_start3A_1573 = tpu.memref_squeeze %dma_start3A_1572 : memref<1x128x128xbf16, #tpu.memory_space<vmem>> -> memref<128x128xbf16, #tpu.memory_space<vmem>>
        %dma_start3A_1574 = arith.constant 0 : i32
        %dma_start3A_1575 = tpu.memref_slice %arg10[%dma_start3A_1567, %dma_start3A_1574] : memref<4x128xi32, #tpu.memory_space<vmem>> -> memref<1x128xi32, #tpu.memory_space<vmem>>
        %dma_start3A_1576 = tpu.memref_squeeze %dma_start3A_1575 : memref<1x128xi32, #tpu.memory_space<vmem>> -> memref<128xi32, #tpu.memory_space<vmem>>
        %dma_start3A_1577 = arith.constant 0 : i32
        %dma_start3A_1578 = arith.constant 0 : i32
        %dma_start3A_1579 = tpu.memref_slice %arg2[%dma_start3A_1577, %dma_start3A_1578] : memref<10000x128xbf16, #tpu.memory_space<hbm>> -> memref<10000x128xbf16, #tpu.memory_space<hbm>>
        %dma_start3A_1580 = tpu.memref_slice %arg21[%dma_start3A_1569] : memref<2x!tpu.dma_semaphore, #tpu.memory_space<semaphore_mem>> -> memref<1x!tpu.dma_semaphore, #tpu.memory_space<semaphore_mem>>
        %dma_start3A_1581 = tpu.memref_squeeze %dma_start3A_1580 : memref<1x!tpu.dma_semaphore, #tpu.memory_space<semaphore_mem>> -> memref<!tpu.dma_semaphore, #tpu.memory_space<semaphore_mem>>
        tpu.enqueue_indirect_dma source(%dma_start3A_1579 : memref<10000x128xbf16, #tpu.memory_space<hbm>>) target(%dma_start3A_1573 : memref<128x128xbf16, #tpu.memory_space<vmem>>) offsets(%dma_start3A_1576 : memref<128xi32, #tpu.memory_space<vmem>>) semaphore(%dma_start3A_1581 : memref<!tpu.dma_semaphore, #tpu.memory_space<semaphore_mem>>)
      } else {
      }
      %ge3A_632 = arith.constant 1 : i32
      %ge3A_633 = arith.cmpi sge, %add3A_617, %ge3A_632 : i32
      %convert_element_type3A_634 = arith.extui %ge3A_633 : i1 to i32
      %cond3A_635 = arith.constant 0 : i32
      %cond3A_636 = arith.cmpi ne, %convert_element_type3A_634, %cond3A_635 : i32
      scf.if %cond3A_636 {
        %dma_wait3A_1567 = arith.constant 0 : i32
        %dma_wait3A_1568 = arith.constant 0 : i32
        %dma_wait3A_1569 = arith.constant 0 : i32
        %dma_wait3A_1570 = arith.constant 0 : i32
        %dma_wait3A_1571 = tpu.memref_slice %arg13[%dma_wait3A_1567, %dma_wait3A_1570] : memref<2x128xf32, #tpu.memory_space<vmem>> -> memref<1x128xf32, #tpu.memory_space<vmem>>
        %dma_wait3A_1572 = tpu.memref_squeeze %dma_wait3A_1571 : memref<1x128xf32, #tpu.memory_space<vmem>> -> memref<128xf32, #tpu.memory_space<vmem>>
        %dma_wait3A_1573 = arith.constant 0 : i32
        %dma_wait3A_1574 = tpu.memref_slice %arg11[%dma_wait3A_1568, %dma_wait3A_1573] : memref<4x128xi32, #tpu.memory_space<vmem>> -> memref<1x128xi32, #tpu.memory_space<vmem>>
        %dma_wait3A_1575 = tpu.memref_squeeze %dma_wait3A_1574 : memref<1x128xi32, #tpu.memory_space<vmem>> -> memref<128xi32, #tpu.memory_space<vmem>>
        %dma_wait3A_1576 = arith.constant 0 : i32
        %dma_wait3A_1577 = tpu.memref_slice %arg18[%dma_wait3A_1576] : memref<10240xf32, #tpu.memory_space<vmem_shared>> -> memref<10240xf32, #tpu.memory_space<vmem_shared>>
        %dma_wait3A_1578 = tpu.memref_slice %arg22[%dma_wait3A_1569] : memref<2x!tpu.dma_semaphore, #tpu.memory_space<semaphore_mem>> -> memref<1x!tpu.dma_semaphore, #tpu.memory_space<semaphore_mem>>
        %dma_wait3A_1579 = tpu.memref_squeeze %dma_wait3A_1578 : memref<1x!tpu.dma_semaphore, #tpu.memory_space<semaphore_mem>> -> memref<!tpu.dma_semaphore, #tpu.memory_space<semaphore_mem>>
        tpu.wait_indirect_dma semaphore(%dma_wait3A_1579 : memref<!tpu.dma_semaphore, #tpu.memory_space<semaphore_mem>>) src(%dma_wait3A_1572 : memref<128xf32, #tpu.memory_space<vmem>>) dst(%dma_wait3A_1577 : memref<10240xf32, #tpu.memory_space<vmem_shared>>)
      } else {
      }
      %add3A_637 = arith.constant 1 : i32
      %add3A_638 = arith.addi %add3A_617, %add3A_637 : i32
      %lt3A_639 = arith.constant 80 : i32
      %lt3A_640 = arith.cmpi slt, %add3A_638, %lt3A_639 : i32
      %convert_element_type3A_641 = arith.extui %lt3A_640 : i1 to i32
      %cond3A_642 = arith.constant 0 : i32
      %cond3A_643 = arith.cmpi ne, %convert_element_type3A_641, %cond3A_642 : i32
      scf.if %cond3A_643 {
        %dma_start3A_1567 = arith.constant 2 : i32
        %dma_start3A_1568 = arith.constant 0 : i32
        %dma_start3A_1569 = arith.constant 0 : i32
        %dma_start3A_1570 = arith.constant 0 : i32
        %dma_start3A_1571 = tpu.memref_slice %arg13[%dma_start3A_1568, %dma_start3A_1570] : memref<2x128xf32, #tpu.memory_space<vmem>> -> memref<1x128xf32, #tpu.memory_space<vmem>>
        %dma_start3A_1572 = tpu.memref_squeeze %dma_start3A_1571 : memref<1x128xf32, #tpu.memory_space<vmem>> -> memref<128xf32, #tpu.memory_space<vmem>>
        %dma_start3A_1573 = arith.constant 0 : i32
        %dma_start3A_1574 = tpu.memref_slice %arg10[%dma_start3A_1567, %dma_start3A_1573] : memref<4x128xi32, #tpu.memory_space<vmem>> -> memref<1x128xi32, #tpu.memory_space<vmem>>
        %dma_start3A_1575 = tpu.memref_squeeze %dma_start3A_1574 : memref<1x128xi32, #tpu.memory_space<vmem>> -> memref<128xi32, #tpu.memory_space<vmem>>
        %dma_start3A_1576 = arith.constant 0 : i32
        %dma_start3A_1577 = tpu.memref_slice %arg3[%dma_start3A_1576] : memref<10000xf32, #tpu.memory_space<hbm>> -> memref<10000xf32, #tpu.memory_space<hbm>>
        %dma_start3A_1578 = tpu.memref_slice %arg20[%dma_start3A_1569] : memref<2x!tpu.dma_semaphore, #tpu.memory_space<semaphore_mem>> -> memref<1x!tpu.dma_semaphore, #tpu.memory_space<semaphore_mem>>
        %dma_start3A_1579 = tpu.memref_squeeze %dma_start3A_1578 : memref<1x!tpu.dma_semaphore, #tpu.memory_space<semaphore_mem>> -> memref<!tpu.dma_semaphore, #tpu.memory_space<semaphore_mem>>
        tpu.enqueue_indirect_dma source(%dma_start3A_1577 : memref<10000xf32, #tpu.memory_space<hbm>>) target(%dma_start3A_1572 : memref<128xf32, #tpu.memory_space<vmem>>) offsets(%dma_start3A_1575 : memref<128xi32, #tpu.memory_space<vmem>>) semaphore(%dma_start3A_1579 : memref<!tpu.dma_semaphore, #tpu.memory_space<semaphore_mem>>)
        %dma_start3A_1580 = arith.constant 2 : i32
        %dma_start3A_1581 = arith.constant 0 : i32
        %dma_start3A_1582 = arith.constant 0 : i32
        %dma_start3A_1583 = arith.constant 0 : i32
        %dma_start3A_1584 = tpu.memref_slice %arg14[%dma_start3A_1581, %dma_start3A_1583] : memref<2x128xf32, #tpu.memory_space<vmem>> -> memref<1x128xf32, #tpu.memory_space<vmem>>
        %dma_start3A_1585 = tpu.memref_squeeze %dma_start3A_1584 : memref<1x128xf32, #tpu.memory_space<vmem>> -> memref<128xf32, #tpu.memory_space<vmem>>
        %dma_start3A_1586 = arith.constant 0 : i32
        %dma_start3A_1587 = tpu.memref_slice %arg11[%dma_start3A_1580, %dma_start3A_1586] : memref<4x128xi32, #tpu.memory_space<vmem>> -> memref<1x128xi32, #tpu.memory_space<vmem>>
        %dma_start3A_1588 = tpu.memref_squeeze %dma_start3A_1587 : memref<1x128xi32, #tpu.memory_space<vmem>> -> memref<128xi32, #tpu.memory_space<vmem>>
        %dma_start3A_1589 = arith.constant 0 : i32
        %dma_start3A_1590 = tpu.memref_slice %arg4[%dma_start3A_1589] : memref<10000xf32, #tpu.memory_space<hbm>> -> memref<10000xf32, #tpu.memory_space<hbm>>
        %dma_start3A_1591 = tpu.memref_slice %arg20[%dma_start3A_1582] : memref<2x!tpu.dma_semaphore, #tpu.memory_space<semaphore_mem>> -> memref<1x!tpu.dma_semaphore, #tpu.memory_space<semaphore_mem>>
        %dma_start3A_1592 = tpu.memref_squeeze %dma_start3A_1591 : memref<1x!tpu.dma_semaphore, #tpu.memory_space<semaphore_mem>> -> memref<!tpu.dma_semaphore, #tpu.memory_space<semaphore_mem>>
        tpu.enqueue_indirect_dma source(%dma_start3A_1590 : memref<10000xf32, #tpu.memory_space<hbm>>) target(%dma_start3A_1585 : memref<128xf32, #tpu.memory_space<vmem>>) offsets(%dma_start3A_1588 : memref<128xi32, #tpu.memory_space<vmem>>) semaphore(%dma_start3A_1592 : memref<!tpu.dma_semaphore, #tpu.memory_space<semaphore_mem>>)
      } else {
      }
      %dma_wait3A_644 = arith.constant 1 : i32
      %dma_wait3A_645 = arith.constant 1 : i32
      %dma_wait3A_646 = arith.constant 1 : i32
      %dma_wait3A_647 = arith.constant 0 : i32
      %dma_wait3A_648 = tpu.memref_slice %arg13[%dma_wait3A_645, %dma_wait3A_647] : memref<2x128xf32, #tpu.memory_space<vmem>> -> memref<1x128xf32, #tpu.memory_space<vmem>>
      %dma_wait3A_649 = tpu.memref_squeeze %dma_wait3A_648 : memref<1x128xf32, #tpu.memory_space<vmem>> -> memref<128xf32, #tpu.memory_space<vmem>>
      %dma_wait3A_650 = arith.constant 0 : i32
      %dma_wait3A_651 = tpu.memref_slice %arg10[%dma_wait3A_644, %dma_wait3A_650] : memref<4x128xi32, #tpu.memory_space<vmem>> -> memref<1x128xi32, #tpu.memory_space<vmem>>
      %dma_wait3A_652 = tpu.memref_squeeze %dma_wait3A_651 : memref<1x128xi32, #tpu.memory_space<vmem>> -> memref<128xi32, #tpu.memory_space<vmem>>
      %dma_wait3A_653 = arith.constant 0 : i32
      %dma_wait3A_654 = tpu.memref_slice %arg3[%dma_wait3A_653] : memref<10000xf32, #tpu.memory_space<hbm>> -> memref<10000xf32, #tpu.memory_space<hbm>>
      %dma_wait3A_655 = tpu.memref_slice %arg20[%dma_wait3A_646] : memref<2x!tpu.dma_semaphore, #tpu.memory_space<semaphore_mem>> -> memref<1x!tpu.dma_semaphore, #tpu.memory_space<semaphore_mem>>
      %dma_wait3A_656 = tpu.memref_squeeze %dma_wait3A_655 : memref<1x!tpu.dma_semaphore, #tpu.memory_space<semaphore_mem>> -> memref<!tpu.dma_semaphore, #tpu.memory_space<semaphore_mem>>
      tpu.wait_indirect_dma semaphore(%dma_wait3A_656 : memref<!tpu.dma_semaphore, #tpu.memory_space<semaphore_mem>>) src(%dma_wait3A_654 : memref<10000xf32, #tpu.memory_space<hbm>>) dst(%dma_wait3A_649 : memref<128xf32, #tpu.memory_space<vmem>>)
      %dma_wait3A_657 = arith.constant 1 : i32
      %dma_wait3A_658 = arith.constant 1 : i32
      %dma_wait3A_659 = arith.constant 1 : i32
      %dma_wait3A_660 = arith.constant 0 : i32
      %dma_wait3A_661 = tpu.memref_slice %arg14[%dma_wait3A_658, %dma_wait3A_660] : memref<2x128xf32, #tpu.memory_space<vmem>> -> memref<1x128xf32, #tpu.memory_space<vmem>>
      %dma_wait3A_662 = tpu.memref_squeeze %dma_wait3A_661 : memref<1x128xf32, #tpu.memory_space<vmem>> -> memref<128xf32, #tpu.memory_space<vmem>>
      %dma_wait3A_663 = arith.constant 0 : i32
      %dma_wait3A_664 = tpu.memref_slice %arg11[%dma_wait3A_657, %dma_wait3A_663] : memref<4x128xi32, #tpu.memory_space<vmem>> -> memref<1x128xi32, #tpu.memory_space<vmem>>
      %dma_wait3A_665 = tpu.memref_squeeze %dma_wait3A_664 : memref<1x128xi32, #tpu.memory_space<vmem>> -> memref<128xi32, #tpu.memory_space<vmem>>
      %dma_wait3A_666 = arith.constant 0 : i32
      %dma_wait3A_667 = tpu.memref_slice %arg4[%dma_wait3A_666] : memref<10000xf32, #tpu.memory_space<hbm>> -> memref<10000xf32, #tpu.memory_space<hbm>>
      %dma_wait3A_668 = tpu.memref_slice %arg20[%dma_wait3A_659] : memref<2x!tpu.dma_semaphore, #tpu.memory_space<semaphore_mem>> -> memref<1x!tpu.dma_semaphore, #tpu.memory_space<semaphore_mem>>
      %dma_wait3A_669 = tpu.memref_squeeze %dma_wait3A_668 : memref<1x!tpu.dma_semaphore, #tpu.memory_space<semaphore_mem>> -> memref<!tpu.dma_semaphore, #tpu.memory_space<semaphore_mem>>
      tpu.wait_indirect_dma semaphore(%dma_wait3A_669 : memref<!tpu.dma_semaphore, #tpu.memory_space<semaphore_mem>>) src(%dma_wait3A_667 : memref<10000xf32, #tpu.memory_space<hbm>>) dst(%dma_wait3A_662 : memref<128xf32, #tpu.memory_space<vmem>>)
      %get3A_670 = arith.constant 1 : i32
      %get3A_671 = arith.index_cast %get3A_670 : i32 to index
      %get3A_672 = arith.constant 0 : index
      %get3A_673 = tpu.vector_load %arg13[%get3A_671, %get3A_672] {strides = array<i32>} : memref<2x128xf32, #tpu.memory_space<vmem>>, vector<16xf32>,
      %get3A_674 = arith.constant 1 : i32
      %get3A_675 = arith.index_cast %get3A_674 : i32 to index
      %get3A_676 = arith.constant 0 : index
      %get3A_677 = tpu.vector_load %arg14[%get3A_675, %get3A_676] {strides = array<i32>} : memref<2x128xf32, #tpu.memory_space<vmem>>, vector<16xf32>,
      %add3A_678 = arith.addf %get3A_673, %get3A_677 : vector<16xf32>
      %gt3A_679 = arith.constant 0.000000e+00 : f32
      %gt3A_680 = vector.broadcast %gt3A_679 : f32 to vector<16xf32>
      %gt3A_681 = arith.cmpf ogt, %add3A_678, %gt3A_680 : vector<16xf32>
      %mul3A_682 = arith.constant 2.000000e-01 : f32
      %mul3A_683 = vector.broadcast %mul3A_682 : f32 to vector<16xf32>
      %mul3A_684 = arith.mulf %mul3A_683, %add3A_678 : vector<16xf32>
      %select_n3A_685 = arith.select %gt3A_681, %add3A_678, %mul3A_684 : vector<16xi1>, vector<16xf32>
      %get3A_686 = arith.constant 1 : i32
      %get3A_687 = arith.index_cast %get3A_686 : i32 to index
      %get3A_688 = arith.constant 0 : index
      %get3A_689 = tpu.vector_load %arg12[%get3A_687, %get3A_688] {strides = array<i32>} : memref<4x128xf32, #tpu.memory_space<vmem>>, vector<16xf32>,
      %add3A_690 = arith.addf %select_n3A_685, %get3A_689 : vector<16xf32>
      %exp3A_691 = math.exp %add3A_690 : vector<16xf32>
      %swap3A_692 = arith.constant 1 : i32
      %swap3A_693 = arith.index_cast %swap3A_692 : i32 to index
      %swap3A_694 = arith.constant 0 : index
      %swap3A_695 = tpu.vector_load %arg13[%swap3A_693, %swap3A_694] {strides = array<i32>} : memref<2x128xf32, #tpu.memory_space<vmem>>, vector<16xf32>,
      tpu.vector_store %arg13[%swap3A_693, %swap3A_694], %exp3A_691 {strides = array<i32>} : memref<2x128xf32, #tpu.memory_space<vmem>>, vector<16xf32>,
      %get3A_696 = arith.constant 1 : i32
      %get3A_697 = arith.index_cast %get3A_696 : i32 to index
      %get3A_698 = arith.constant 16 : index
      %get3A_699 = tpu.vector_load %arg13[%get3A_697, %get3A_698] {strides = array<i32>} : memref<2x128xf32, #tpu.memory_space<vmem>>, vector<16xf32>,
      %get3A_700 = arith.constant 1 : i32
      %get3A_701 = arith.index_cast %get3A_700 : i32 to index
      %get3A_702 = arith.constant 16 : index
      %get3A_703 = tpu.vector_load %arg14[%get3A_701, %get3A_702] {strides = array<i32>} : memref<2x128xf32, #tpu.memory_space<vmem>>, vector<16xf32>,
      %add3A_704 = arith.addf %get3A_699, %get3A_703 : vector<16xf32>
      %gt3A_705 = arith.constant 0.000000e+00 : f32
      %gt3A_706 = vector.broadcast %gt3A_705 : f32 to vector<16xf32>
      %gt3A_707 = arith.cmpf ogt, %add3A_704, %gt3A_706 : vector<16xf32>
      %mul3A_708 = arith.constant 2.000000e-01 : f32
      %mul3A_709 = vector.broadcast %mul3A_708 : f32 to vector<16xf32>
      %mul3A_710 = arith.mulf %mul3A_709, %add3A_704 : vector<16xf32>
      %select_n3A_711 = arith.select %gt3A_707, %add3A_704, %mul3A_710 : vector<16xi1>, vector<16xf32>
      %get3A_712 = arith.constant 1 : i32
      %get3A_713 = arith.index_cast %get3A_712 : i32 to index
      %get3A_714 = arith.constant 16 : index
      %get3A_715 = tpu.vector_load %arg12[%get3A_713, %get3A_714] {strides = array<i32>} : memref<4x128xf32, #tpu.memory_space<vmem>>, vector<16xf32>,
      %add3A_716 = arith.addf %select_n3A_711, %get3A_715 : vector<16xf32>
      %exp3A_717 = math.exp %add3A_716 : vector<16xf32>
      %swap3A_718 = arith.constant 1 : i32
      %swap3A_719 = arith.index_cast %swap3A_718 : i32 to index
      %swap3A_720 = arith.constant 16 : index
      %swap3A_721 = tpu.vector_load %arg13[%swap3A_719, %swap3A_720] {strides = array<i32>} : memref<2x128xf32, #tpu.memory_space<vmem>>, vector<16xf32>,
      tpu.vector_store %arg13[%swap3A_719, %swap3A_720], %exp3A_717 {strides = array<i32>} : memref<2x128xf32, #tpu.memory_space<vmem>>, vector<16xf32>,
      %get3A_722 = arith.constant 1 : i32
      %get3A_723 = arith.index_cast %get3A_722 : i32 to index
      %get3A_724 = arith.constant 32 : index
      %get3A_725 = tpu.vector_load %arg13[%get3A_723, %get3A_724] {strides = array<i32>} : memref<2x128xf32, #tpu.memory_space<vmem>>, vector<16xf32>,
      %get3A_726 = arith.constant 1 : i32
      %get3A_727 = arith.index_cast %get3A_726 : i32 to index
      %get3A_728 = arith.constant 32 : index
      %get3A_729 = tpu.vector_load %arg14[%get3A_727, %get3A_728] {strides = array<i32>} : memref<2x128xf32, #tpu.memory_space<vmem>>, vector<16xf32>,
      %add3A_730 = arith.addf %get3A_725, %get3A_729 : vector<16xf32>
      %gt3A_731 = arith.constant 0.000000e+00 : f32
      %gt3A_732 = vector.broadcast %gt3A_731 : f32 to vector<16xf32>
      %gt3A_733 = arith.cmpf ogt, %add3A_730, %gt3A_732 : vector<16xf32>
      %mul3A_734 = arith.constant 2.000000e-01 : f32
      %mul3A_735 = vector.broadcast %mul3A_734 : f32 to vector<16xf32>
      %mul3A_736 = arith.mulf %mul3A_735, %add3A_730 : vector<16xf32>
      %select_n3A_737 = arith.select %gt3A_733, %add3A_730, %mul3A_736 : vector<16xi1>, vector<16xf32>
      %get3A_738 = arith.constant 1 : i32
      %get3A_739 = arith.index_cast %get3A_738 : i32 to index
      %get3A_740 = arith.constant 32 : index
      %get3A_741 = tpu.vector_load %arg12[%get3A_739, %get3A_740] {strides = array<i32>} : memref<4x128xf32, #tpu.memory_space<vmem>>, vector<16xf32>,
      %add3A_742 = arith.addf %select_n3A_737, %get3A_741 : vector<16xf32>
      %exp3A_743 = math.exp %add3A_742 : vector<16xf32>
      %swap3A_744 = arith.constant 1 : i32
      %swap3A_745 = arith.index_cast %swap3A_744 : i32 to index
      %swap3A_746 = arith.constant 32 : index
      %swap3A_747 = tpu.vector_load %arg13[%swap3A_745, %swap3A_746] {strides = array<i32>} : memref<2x128xf32, #tpu.memory_space<vmem>>, vector<16xf32>,
      tpu.vector_store %arg13[%swap3A_745, %swap3A_746], %exp3A_743 {strides = array<i32>} : memref<2x128xf32, #tpu.memory_space<vmem>>, vector<16xf32>,
      %get3A_748 = arith.constant 1 : i32
      %get3A_749 = arith.index_cast %get3A_748 : i32 to index
      %get3A_750 = arith.constant 48 : index
      %get3A_751 = tpu.vector_load %arg13[%get3A_749, %get3A_750] {strides = array<i32>} : memref<2x128xf32, #tpu.memory_space<vmem>>, vector<16xf32>,
      %get3A_752 = arith.constant 1 : i32
      %get3A_753 = arith.index_cast %get3A_752 : i32 to index
      %get3A_754 = arith.constant 48 : index
      %get3A_755 = tpu.vector_load %arg14[%get3A_753, %get3A_754] {strides = array<i32>} : memref<2x128xf32, #tpu.memory_space<vmem>>, vector<16xf32>,
      %add3A_756 = arith.addf %get3A_751, %get3A_755 : vector<16xf32>
      %gt3A_757 = arith.constant 0.000000e+00 : f32
      %gt3A_758 = vector.broadcast %gt3A_757 : f32 to vector<16xf32>
      %gt3A_759 = arith.cmpf ogt, %add3A_756, %gt3A_758 : vector<16xf32>
      %mul3A_760 = arith.constant 2.000000e-01 : f32
      %mul3A_761 = vector.broadcast %mul3A_760 : f32 to vector<16xf32>
      %mul3A_762 = arith.mulf %mul3A_761, %add3A_756 : vector<16xf32>
      %select_n3A_763 = arith.select %gt3A_759, %add3A_756, %mul3A_762 : vector<16xi1>, vector<16xf32>
      %get3A_764 = arith.constant 1 : i32
      %get3A_765 = arith.index_cast %get3A_764 : i32 to index
      %get3A_766 = arith.constant 48 : index
      %get3A_767 = tpu.vector_load %arg12[%get3A_765, %get3A_766] {strides = array<i32>} : memref<4x128xf32, #tpu.memory_space<vmem>>, vector<16xf32>,
      %add3A_768 = arith.addf %select_n3A_763, %get3A_767 : vector<16xf32>
      %exp3A_769 = math.exp %add3A_768 : vector<16xf32>
      %swap3A_770 = arith.constant 1 : i32
      %swap3A_771 = arith.index_cast %swap3A_770 : i32 to index
      %swap3A_772 = arith.constant 48 : index
      %swap3A_773 = tpu.vector_load %arg13[%swap3A_771, %swap3A_772] {strides = array<i32>} : memref<2x128xf32, #tpu.memory_space<vmem>>, vector<16xf32>,
      tpu.vector_store %arg13[%swap3A_771, %swap3A_772], %exp3A_769 {strides = array<i32>} : memref<2x128xf32, #tpu.memory_space<vmem>>, vector<16xf32>,
      %get3A_774 = arith.constant 1 : i32
      %get3A_775 = arith.index_cast %get3A_774 : i32 to index
      %get3A_776 = arith.constant 64 : index
      %get3A_777 = tpu.vector_load %arg13[%get3A_775, %get3A_776] {strides = array<i32>} : memref<2x128xf32, #tpu.memory_space<vmem>>, vector<16xf32>,
      %get3A_778 = arith.constant 1 : i32
      %get3A_779 = arith.index_cast %get3A_778 : i32 to index
      %get3A_780 = arith.constant 64 : index
      %get3A_781 = tpu.vector_load %arg14[%get3A_779, %get3A_780] {strides = array<i32>} : memref<2x128xf32, #tpu.memory_space<vmem>>, vector<16xf32>,
      %add3A_782 = arith.addf %get3A_777, %get3A_781 : vector<16xf32>
      %gt3A_783 = arith.constant 0.000000e+00 : f32
      %gt3A_784 = vector.broadcast %gt3A_783 : f32 to vector<16xf32>
      %gt3A_785 = arith.cmpf ogt, %add3A_782, %gt3A_784 : vector<16xf32>
      %mul3A_786 = arith.constant 2.000000e-01 : f32
      %mul3A_787 = vector.broadcast %mul3A_786 : f32 to vector<16xf32>
      %mul3A_788 = arith.mulf %mul3A_787, %add3A_782 : vector<16xf32>
      %select_n3A_789 = arith.select %gt3A_785, %add3A_782, %mul3A_788 : vector<16xi1>, vector<16xf32>
      %get3A_790 = arith.constant 1 : i32
      %get3A_791 = arith.index_cast %get3A_790 : i32 to index
      %get3A_792 = arith.constant 64 : index
      %get3A_793 = tpu.vector_load %arg12[%get3A_791, %get3A_792] {strides = array<i32>} : memref<4x128xf32, #tpu.memory_space<vmem>>, vector<16xf32>,
      %add3A_794 = arith.addf %select_n3A_789, %get3A_793 : vector<16xf32>
      %exp3A_795 = math.exp %add3A_794 : vector<16xf32>
      %swap3A_796 = arith.constant 1 : i32
      %swap3A_797 = arith.index_cast %swap3A_796 : i32 to index
      %swap3A_798 = arith.constant 64 : index
      %swap3A_799 = tpu.vector_load %arg13[%swap3A_797, %swap3A_798] {strides = array<i32>} : memref<2x128xf32, #tpu.memory_space<vmem>>, vector<16xf32>,
      tpu.vector_store %arg13[%swap3A_797, %swap3A_798], %exp3A_795 {strides = array<i32>} : memref<2x128xf32, #tpu.memory_space<vmem>>, vector<16xf32>,
      %get3A_800 = arith.constant 1 : i32
      %get3A_801 = arith.index_cast %get3A_800 : i32 to index
      %get3A_802 = arith.constant 80 : index
      %get3A_803 = tpu.vector_load %arg13[%get3A_801, %get3A_802] {strides = array<i32>} : memref<2x128xf32, #tpu.memory_space<vmem>>, vector<16xf32>,
      %get3A_804 = arith.constant 1 : i32
      %get3A_805 = arith.index_cast %get3A_804 : i32 to index
      %get3A_806 = arith.constant 80 : index
      %get3A_807 = tpu.vector_load %arg14[%get3A_805, %get3A_806] {strides = array<i32>} : memref<2x128xf32, #tpu.memory_space<vmem>>, vector<16xf32>,
      %add3A_808 = arith.addf %get3A_803, %get3A_807 : vector<16xf32>
      %gt3A_809 = arith.constant 0.000000e+00 : f32
      %gt3A_810 = vector.broadcast %gt3A_809 : f32 to vector<16xf32>
      %gt3A_811 = arith.cmpf ogt, %add3A_808, %gt3A_810 : vector<16xf32>
      %mul3A_812 = arith.constant 2.000000e-01 : f32
      %mul3A_813 = vector.broadcast %mul3A_812 : f32 to vector<16xf32>
      %mul3A_814 = arith.mulf %mul3A_813, %add3A_808 : vector<16xf32>
      %select_n3A_815 = arith.select %gt3A_811, %add3A_808, %mul3A_814 : vector<16xi1>, vector<16xf32>
      %get3A_816 = arith.constant 1 : i32
      %get3A_817 = arith.index_cast %get3A_816 : i32 to index
      %get3A_818 = arith.constant 80 : index
      %get3A_819 = tpu.vector_load %arg12[%get3A_817, %get3A_818] {strides = array<i32>} : memref<4x128xf32, #tpu.memory_space<vmem>>, vector<16xf32>,
      %add3A_820 = arith.addf %select_n3A_815, %get3A_819 : vector<16xf32>
      %exp3A_821 = math.exp %add3A_820 : vector<16xf32>
      %swap3A_822 = arith.constant 1 : i32
      %swap3A_823 = arith.index_cast %swap3A_822 : i32 to index
      %swap3A_824 = arith.constant 80 : index
      %swap3A_825 = tpu.vector_load %arg13[%swap3A_823, %swap3A_824] {strides = array<i32>} : memref<2x128xf32, #tpu.memory_space<vmem>>, vector<16xf32>,
      tpu.vector_store %arg13[%swap3A_823, %swap3A_824], %exp3A_821 {strides = array<i32>} : memref<2x128xf32, #tpu.memory_space<vmem>>, vector<16xf32>,
      %get3A_826 = arith.constant 1 : i32
      %get3A_827 = arith.index_cast %get3A_826 : i32 to index
      %get3A_828 = arith.constant 96 : index
      %get3A_829 = tpu.vector_load %arg13[%get3A_827, %get3A_828] {strides = array<i32>} : memref<2x128xf32, #tpu.memory_space<vmem>>, vector<16xf32>,
      %get3A_830 = arith.constant 1 : i32
      %get3A_831 = arith.index_cast %get3A_830 : i32 to index
      %get3A_832 = arith.constant 96 : index
      %get3A_833 = tpu.vector_load %arg14[%get3A_831, %get3A_832] {strides = array<i32>} : memref<2x128xf32, #tpu.memory_space<vmem>>, vector<16xf32>,
      %add3A_834 = arith.addf %get3A_829, %get3A_833 : vector<16xf32>
      %gt3A_835 = arith.constant 0.000000e+00 : f32
      %gt3A_836 = vector.broadcast %gt3A_835 : f32 to vector<16xf32>
      %gt3A_837 = arith.cmpf ogt, %add3A_834, %gt3A_836 : vector<16xf32>
      %mul3A_838 = arith.constant 2.000000e-01 : f32
      %mul3A_839 = vector.broadcast %mul3A_838 : f32 to vector<16xf32>
      %mul3A_840 = arith.mulf %mul3A_839, %add3A_834 : vector<16xf32>
      %select_n3A_841 = arith.select %gt3A_837, %add3A_834, %mul3A_840 : vector<16xi1>, vector<16xf32>
      %get3A_842 = arith.constant 1 : i32
      %get3A_843 = arith.index_cast %get3A_842 : i32 to index
      %get3A_844 = arith.constant 96 : index
      %get3A_845 = tpu.vector_load %arg12[%get3A_843, %get3A_844] {strides = array<i32>} : memref<4x128xf32, #tpu.memory_space<vmem>>, vector<16xf32>,
      %add3A_846 = arith.addf %select_n3A_841, %get3A_845 : vector<16xf32>
      %exp3A_847 = math.exp %add3A_846 : vector<16xf32>
      %swap3A_848 = arith.constant 1 : i32
      %swap3A_849 = arith.index_cast %swap3A_848 : i32 to index
      %swap3A_850 = arith.constant 96 : index
      %swap3A_851 = tpu.vector_load %arg13[%swap3A_849, %swap3A_850] {strides = array<i32>} : memref<2x128xf32, #tpu.memory_space<vmem>>, vector<16xf32>,
      tpu.vector_store %arg13[%swap3A_849, %swap3A_850], %exp3A_847 {strides = array<i32>} : memref<2x128xf32, #tpu.memory_space<vmem>>, vector<16xf32>,
      %get3A_852 = arith.constant 1 : i32
      %get3A_853 = arith.index_cast %get3A_852 : i32 to index
      %get3A_854 = arith.constant 112 : index
      %get3A_855 = tpu.vector_load %arg13[%get3A_853, %get3A_854] {strides = array<i32>} : memref<2x128xf32, #tpu.memory_space<vmem>>, vector<16xf32>,
      %get3A_856 = arith.constant 1 : i32
      %get3A_857 = arith.index_cast %get3A_856 : i32 to index
      %get3A_858 = arith.constant 112 : index
      %get3A_859 = tpu.vector_load %arg14[%get3A_857, %get3A_858] {strides = array<i32>} : memref<2x128xf32, #tpu.memory_space<vmem>>, vector<16xf32>,
      %add3A_860 = arith.addf %get3A_855, %get3A_859 : vector<16xf32>
      %gt3A_861 = arith.constant 0.000000e+00 : f32
      %gt3A_862 = vector.broadcast %gt3A_861 : f32 to vector<16xf32>
      %gt3A_863 = arith.cmpf ogt, %add3A_860, %gt3A_862 : vector<16xf32>
      %mul3A_864 = arith.constant 2.000000e-01 : f32
      %mul3A_865 = vector.broadcast %mul3A_864 : f32 to vector<16xf32>
      %mul3A_866 = arith.mulf %mul3A_865, %add3A_860 : vector<16xf32>
      %select_n3A_867 = arith.select %gt3A_863, %add3A_860, %mul3A_866 : vector<16xi1>, vector<16xf32>
      %get3A_868 = arith.constant 1 : i32
      %get3A_869 = arith.index_cast %get3A_868 : i32 to index
      %get3A_870 = arith.constant 112 : index
      %get3A_871 = tpu.vector_load %arg12[%get3A_869, %get3A_870] {strides = array<i32>} : memref<4x128xf32, #tpu.memory_space<vmem>>, vector<16xf32>,
      %add3A_872 = arith.addf %select_n3A_867, %get3A_871 : vector<16xf32>
      %exp3A_873 = math.exp %add3A_872 : vector<16xf32>
      %swap3A_874 = arith.constant 1 : i32
      %swap3A_875 = arith.index_cast %swap3A_874 : i32 to index
      %swap3A_876 = arith.constant 112 : index
      %swap3A_877 = tpu.vector_load %arg13[%swap3A_875, %swap3A_876] {strides = array<i32>} : memref<2x128xf32, #tpu.memory_space<vmem>>, vector<16xf32>,
      tpu.vector_store %arg13[%swap3A_875, %swap3A_876], %exp3A_873 {strides = array<i32>} : memref<2x128xf32, #tpu.memory_space<vmem>>, vector<16xf32>,
      %dma_start3A_878 = arith.constant 1 : i32
      %dma_start3A_879 = arith.constant 1 : i32
      %dma_start3A_880 = arith.constant 1 : i32
      %dma_start3A_881 = arith.constant 0 : i32
      %dma_start3A_882 = tpu.memref_slice %arg13[%dma_start3A_878, %dma_start3A_881] : memref<2x128xf32, #tpu.memory_space<vmem>> -> memref<1x128xf32, #tpu.memory_space<vmem>>
      %dma_start3A_883 = tpu.memref_squeeze %dma_start3A_882 : memref<1x128xf32, #tpu.memory_space<vmem>> -> memref<128xf32, #tpu.memory_space<vmem>>
      %dma_start3A_884 = arith.constant 0 : i32
      %dma_start3A_885 = tpu.memref_slice %arg11[%dma_start3A_879, %dma_start3A_884] : memref<4x128xi32, #tpu.memory_space<vmem>> -> memref<1x128xi32, #tpu.memory_space<vmem>>
      %dma_start3A_886 = tpu.memref_squeeze %dma_start3A_885 : memref<1x128xi32, #tpu.memory_space<vmem>> -> memref<128xi32, #tpu.memory_space<vmem>>
      %dma_start3A_887 = arith.constant 0 : i32
      %dma_start3A_888 = tpu.memref_slice %arg18[%dma_start3A_887] : memref<10240xf32, #tpu.memory_space<vmem_shared>> -> memref<10240xf32, #tpu.memory_space<vmem_shared>>
      %dma_start3A_889 = tpu.memref_slice %arg22[%dma_start3A_880] : memref<2x!tpu.dma_semaphore, #tpu.memory_space<semaphore_mem>> -> memref<1x!tpu.dma_semaphore, #tpu.memory_space<semaphore_mem>>
      %dma_start3A_890 = tpu.memref_squeeze %dma_start3A_889 : memref<1x!tpu.dma_semaphore, #tpu.memory_space<semaphore_mem>> -> memref<!tpu.dma_semaphore, #tpu.memory_space<semaphore_mem>>
      tpu.enqueue_indirect_dma source(%dma_start3A_883 : memref<128xf32, #tpu.memory_space<vmem>>) target(%dma_start3A_888 : memref<10240xf32, #tpu.memory_space<vmem_shared>>) offsets(%dma_start3A_886 : memref<128xi32, #tpu.memory_space<vmem>>) semaphore(%dma_start3A_890 : memref<!tpu.dma_semaphore, #tpu.memory_space<semaphore_mem>>) {add = true}
      %dma_wait3A_891 = arith.constant 1 : i32
      %dma_wait3A_892 = arith.constant 1 : i32
      %dma_wait3A_893 = arith.constant 1 : i32
      %dma_wait3A_894 = arith.constant 0 : i32
      %dma_wait3A_895 = arith.constant 0 : i32
      %dma_wait3A_896 = tpu.memref_slice %arg15[%dma_wait3A_892, %dma_wait3A_894, %dma_wait3A_895] : memref<2x128x128xbf16, #tpu.memory_space<vmem>> -> memref<1x128x128xbf16, #tpu.memory_space<vmem>>
      %dma_wait3A_897 = tpu.memref_squeeze %dma_wait3A_896 : memref<1x128x128xbf16, #tpu.memory_space<vmem>> -> memref<128x128xbf16, #tpu.memory_space<vmem>>
      %dma_wait3A_898 = arith.constant 0 : i32
      %dma_wait3A_899 = tpu.memref_slice %arg10[%dma_wait3A_891, %dma_wait3A_898] : memref<4x128xi32, #tpu.memory_space<vmem>> -> memref<1x128xi32, #tpu.memory_space<vmem>>
      %dma_wait3A_900 = tpu.memref_squeeze %dma_wait3A_899 : memref<1x128xi32, #tpu.memory_space<vmem>> -> memref<128xi32, #tpu.memory_space<vmem>>
      %dma_wait3A_901 = arith.constant 0 : i32
      %dma_wait3A_902 = arith.constant 0 : i32
      %dma_wait3A_903 = tpu.memref_slice %arg2[%dma_wait3A_901, %dma_wait3A_902] : memref<10000x128xbf16, #tpu.memory_space<hbm>> -> memref<10000x128xbf16, #tpu.memory_space<hbm>>
      %dma_wait3A_904 = tpu.memref_slice %arg21[%dma_wait3A_893] : memref<2x!tpu.dma_semaphore, #tpu.memory_space<semaphore_mem>> -> memref<1x!tpu.dma_semaphore, #tpu.memory_space<semaphore_mem>>
      %dma_wait3A_905 = tpu.memref_squeeze %dma_wait3A_904 : memref<1x!tpu.dma_semaphore, #tpu.memory_space<semaphore_mem>> -> memref<!tpu.dma_semaphore, #tpu.memory_space<semaphore_mem>>
      tpu.wait_indirect_dma semaphore(%dma_wait3A_905 : memref<!tpu.dma_semaphore, #tpu.memory_space<semaphore_mem>>) src(%dma_wait3A_903 : memref<10000x128xbf16, #tpu.memory_space<hbm>>) dst(%dma_wait3A_897 : memref<128x128xbf16, #tpu.memory_space<vmem>>)
      %ge3A_906 = arith.constant 1 : i32
      %ge3A_907 = arith.cmpi sge, %add3A_617, %ge3A_906 : i32
      %convert_element_type3A_908 = arith.extui %ge3A_907 : i1 to i32
      %cond3A_909 = arith.constant 0 : i32
      %cond3A_910 = arith.cmpi ne, %convert_element_type3A_908, %cond3A_909 : i32
      scf.if %cond3A_910 {
        %dma_wait3A_1567 = arith.constant 0 : i32
        %dma_wait3A_1568 = arith.constant 0 : i32
        %dma_wait3A_1569 = arith.constant 0 : i32
        %dma_wait3A_1570 = tpu.memref_slice %arg11[%dma_wait3A_1567, %dma_wait3A_1569] : memref<4x128xi32, #tpu.memory_space<vmem>> -> memref<1x128xi32, #tpu.memory_space<vmem>>
        %dma_wait3A_1571 = tpu.memref_squeeze %dma_wait3A_1570 : memref<1x128xi32, #tpu.memory_space<vmem>> -> memref<128xi32, #tpu.memory_space<vmem>>
        %dma_wait3A_1572 = arith.constant 0 : i32
        %dma_wait3A_1573 = arith.constant 0 : i32
        %dma_wait3A_1574 = tpu.memref_slice %arg17[%dma_wait3A_1572, %dma_wait3A_1573] : memref<10240x128xf32, #tpu.memory_space<vmem_shared>> -> memref<10240x128xf32, #tpu.memory_space<vmem_shared>>
        %dma_wait3A_1575 = tpu.memref_slice %arg23[%dma_wait3A_1568] : memref<2x!tpu.dma_semaphore, #tpu.memory_space<semaphore_mem>> -> memref<1x!tpu.dma_semaphore, #tpu.memory_space<semaphore_mem>>
        %dma_wait3A_1576 = tpu.memref_squeeze %dma_wait3A_1575 : memref<1x!tpu.dma_semaphore, #tpu.memory_space<semaphore_mem>> -> memref<!tpu.dma_semaphore, #tpu.memory_space<semaphore_mem>>
        tpu.wait_indirect_dma semaphore(%dma_wait3A_1576 : memref<!tpu.dma_semaphore, #tpu.memory_space<semaphore_mem>>) src(%arg16 : memref<128x128xf32, #tpu.memory_space<vmem>>) dst(%dma_wait3A_1574 : memref<10240x128xf32, #tpu.memory_space<vmem_shared>>)
      } else {
      }
      %scan3A_911 = arith.constant 0 : i32
      %scan3A_912 = arith.constant 128 : i32
      %scan3A_913 = arith.addi %scan3A_911, %scan3A_912 : i32
      %scan3A_914 = arith.constant 1 : i32
      scf.for %scan3A_1567 = %scan3A_911 to %scan3A_913 step %scan3A_914  : i32 {
        %mul3A_1568 = arith.constant 1 : i32
        %mul3A_1569 = arith.muli %scan3A_1567, %mul3A_1568 : i32
        %add3A_1570 = arith.constant 0 : i32
        %add3A_1571 = arith.addi %add3A_1570, %mul3A_1569 : i32
        %broadcast_in_dim3A = arith.constant 1 : i32
        %broadcast_in_dim3A_1572 = vector.broadcast %broadcast_in_dim3A : i32 to vector<16xi32>
        %broadcast_in_dim3A_1573 = vector.broadcast %add3A_1571 : i32 to vector<16xi32>
        %gather3A = tpu.vector_load_idx %arg13[%broadcast_in_dim3A_1572, %broadcast_in_dim3A_1573] : memref<2x128xf32, #tpu.memory_space<vmem>>[vector<16xi32>, vector<16xi32>], vector<16xf32>,
        %get3A_1574 = arith.constant 1 : i32
        %get3A_1575 = arith.index_cast %get3A_1574 : i32 to index
        %get3A_1576 = arith.index_cast %add3A_1571 : i32 to index
        %get3A_1577 = arith.constant 0 : index
        %get3A_1578 = tpu.vector_load %arg15[%get3A_1575, %get3A_1576, %get3A_1577] {strides = array<i32>} : memref<2x128x128xbf16, #tpu.memory_space<vmem>>, vector<32xbf16>,
        %bitcast3A = vector.bitcast %get3A_1578 : vector<32xbf16> to vector<16xi32>
        %shift_left3A = arith.constant 16 : i32
        %shift_left3A_1579 = vector.broadcast %shift_left3A : i32 to vector<16xi32>
        %shift_left3A_1580 = arith.shli %bitcast3A, %shift_left3A_1579 : vector<16xi32>
        %bitcast3A_1581 = vector.bitcast %shift_left3A_1580 : vector<16xi32> to vector<16xf32>
        %and3A = arith.constant -65536 : i32
        %and3A_1582 = vector.broadcast %and3A : i32 to vector<16xi32>
        %and3A_1583 = arith.andi %bitcast3A, %and3A_1582 : vector<16xi32>
        %bitcast3A_1584 = vector.bitcast %and3A_1583 : vector<16xi32> to vector<16xf32>
        %mul3A_1585 = arith.mulf %bitcast3A_1581, %gather3A : vector<16xf32>
        %swap3A_1586 = arith.index_cast %add3A_1571 : i32 to index
        %swap3A_1587 = arith.constant 0 : index
        %swap3A_1588 = tpu.vector_load %arg16[%swap3A_1586, %swap3A_1587] {strides = array<i32>} : memref<128x128xf32, #tpu.memory_space<vmem>>, vector<16xf32>,
        tpu.vector_store %arg16[%swap3A_1586, %swap3A_1587], %mul3A_1585 {strides = array<i32>} : memref<128x128xf32, #tpu.memory_space<vmem>>, vector<16xf32>,
        %mul3A_1589 = arith.mulf %bitcast3A_1584, %gather3A : vector<16xf32>
        %swap3A_1590 = arith.index_cast %add3A_1571 : i32 to index
        %swap3A_1591 = arith.constant 16 : index
        %swap3A_1592 = tpu.vector_load %arg16[%swap3A_1590, %swap3A_1591] {strides = array<i32>} : memref<128x128xf32, #tpu.memory_space<vmem>>, vector<16xf32>,
        tpu.vector_store %arg16[%swap3A_1590, %swap3A_1591], %mul3A_1589 {strides = array<i32>} : memref<128x128xf32, #tpu.memory_space<vmem>>, vector<16xf32>,
        %get3A_1593 = arith.constant 1 : i32
        %get3A_1594 = arith.index_cast %get3A_1593 : i32 to index
        %get3A_1595 = arith.index_cast %add3A_1571 : i32 to index
        %get3A_1596 = arith.constant 32 : index
        %get3A_1597 = tpu.vector_load %arg15[%get3A_1594, %get3A_1595, %get3A_1596] {strides = array<i32>} : memref<2x128x128xbf16, #tpu.memory_space<vmem>>, vector<32xbf16>,
        %bitcast3A_1598 = vector.bitcast %get3A_1597 : vector<32xbf16> to vector<16xi32>
        %shift_left3A_1599 = arith.constant 16 : i32
        %shift_left3A_1600 = vector.broadcast %shift_left3A_1599 : i32 to vector<16xi32>
        %shift_left3A_1601 = arith.shli %bitcast3A_1598, %shift_left3A_1600 : vector<16xi32>
        %bitcast3A_1602 = vector.bitcast %shift_left3A_1601 : vector<16xi32> to vector<16xf32>
        %and3A_1603 = arith.constant -65536 : i32
        %and3A_1604 = vector.broadcast %and3A_1603 : i32 to vector<16xi32>
        %and3A_1605 = arith.andi %bitcast3A_1598, %and3A_1604 : vector<16xi32>
        %bitcast3A_1606 = vector.bitcast %and3A_1605 : vector<16xi32> to vector<16xf32>
        %mul3A_1607 = arith.mulf %bitcast3A_1602, %gather3A : vector<16xf32>
        %swap3A_1608 = arith.index_cast %add3A_1571 : i32 to index
        %swap3A_1609 = arith.constant 32 : index
        %swap3A_1610 = tpu.vector_load %arg16[%swap3A_1608, %swap3A_1609] {strides = array<i32>} : memref<128x128xf32, #tpu.memory_space<vmem>>, vector<16xf32>,
        tpu.vector_store %arg16[%swap3A_1608, %swap3A_1609], %mul3A_1607 {strides = array<i32>} : memref<128x128xf32, #tpu.memory_space<vmem>>, vector<16xf32>,
        %mul3A_1611 = arith.mulf %bitcast3A_1606, %gather3A : vector<16xf32>
        %swap3A_1612 = arith.index_cast %add3A_1571 : i32 to index
        %swap3A_1613 = arith.constant 48 : index
        %swap3A_1614 = tpu.vector_load %arg16[%swap3A_1612, %swap3A_1613] {strides = array<i32>} : memref<128x128xf32, #tpu.memory_space<vmem>>, vector<16xf32>,
        tpu.vector_store %arg16[%swap3A_1612, %swap3A_1613], %mul3A_1611 {strides = array<i32>} : memref<128x128xf32, #tpu.memory_space<vmem>>, vector<16xf32>,
        %get3A_1615 = arith.constant 1 : i32
        %get3A_1616 = arith.index_cast %get3A_1615 : i32 to index
        %get3A_1617 = arith.index_cast %add3A_1571 : i32 to index
        %get3A_1618 = arith.constant 64 : index
        %get3A_1619 = tpu.vector_load %arg15[%get3A_1616, %get3A_1617, %get3A_1618] {strides = array<i32>} : memref<2x128x128xbf16, #tpu.memory_space<vmem>>, vector<32xbf16>,
        %bitcast3A_1620 = vector.bitcast %get3A_1619 : vector<32xbf16> to vector<16xi32>
        %shift_left3A_1621 = arith.constant 16 : i32
        %shift_left3A_1622 = vector.broadcast %shift_left3A_1621 : i32 to vector<16xi32>
        %shift_left3A_1623 = arith.shli %bitcast3A_1620, %shift_left3A_1622 : vector<16xi32>
        %bitcast3A_1624 = vector.bitcast %shift_left3A_1623 : vector<16xi32> to vector<16xf32>
        %and3A_1625 = arith.constant -65536 : i32
        %and3A_1626 = vector.broadcast %and3A_1625 : i32 to vector<16xi32>
        %and3A_1627 = arith.andi %bitcast3A_1620, %and3A_1626 : vector<16xi32>
        %bitcast3A_1628 = vector.bitcast %and3A_1627 : vector<16xi32> to vector<16xf32>
        %mul3A_1629 = arith.mulf %bitcast3A_1624, %gather3A : vector<16xf32>
        %swap3A_1630 = arith.index_cast %add3A_1571 : i32 to index
        %swap3A_1631 = arith.constant 64 : index
        %swap3A_1632 = tpu.vector_load %arg16[%swap3A_1630, %swap3A_1631] {strides = array<i32>} : memref<128x128xf32, #tpu.memory_space<vmem>>, vector<16xf32>,
        tpu.vector_store %arg16[%swap3A_1630, %swap3A_1631], %mul3A_1629 {strides = array<i32>} : memref<128x128xf32, #tpu.memory_space<vmem>>, vector<16xf32>,
        %mul3A_1633 = arith.mulf %bitcast3A_1628, %gather3A : vector<16xf32>
        %swap3A_1634 = arith.index_cast %add3A_1571 : i32 to index
        %swap3A_1635 = arith.constant 80 : index
        %swap3A_1636 = tpu.vector_load %arg16[%swap3A_1634, %swap3A_1635] {strides = array<i32>} : memref<128x128xf32, #tpu.memory_space<vmem>>, vector<16xf32>,
        tpu.vector_store %arg16[%swap3A_1634, %swap3A_1635], %mul3A_1633 {strides = array<i32>} : memref<128x128xf32, #tpu.memory_space<vmem>>, vector<16xf32>,
        %get3A_1637 = arith.constant 1 : i32
        %get3A_1638 = arith.index_cast %get3A_1637 : i32 to index
        %get3A_1639 = arith.index_cast %add3A_1571 : i32 to index
        %get3A_1640 = arith.constant 96 : index
        %get3A_1641 = tpu.vector_load %arg15[%get3A_1638, %get3A_1639, %get3A_1640] {strides = array<i32>} : memref<2x128x128xbf16, #tpu.memory_space<vmem>>, vector<32xbf16>,
        %bitcast3A_1642 = vector.bitcast %get3A_1641 : vector<32xbf16> to vector<16xi32>
        %shift_left3A_1643 = arith.constant 16 : i32
        %shift_left3A_1644 = vector.broadcast %shift_left3A_1643 : i32 to vector<16xi32>
        %shift_left3A_1645 = arith.shli %bitcast3A_1642, %shift_left3A_1644 : vector<16xi32>
        %bitcast3A_1646 = vector.bitcast %shift_left3A_1645 : vector<16xi32> to vector<16xf32>
        %and3A_1647 = arith.constant -65536 : i32
        %and3A_1648 = vector.broadcast %and3A_1647 : i32 to vector<16xi32>
        %and3A_1649 = arith.andi %bitcast3A_1642, %and3A_1648 : vector<16xi32>
        %bitcast3A_1650 = vector.bitcast %and3A_1649 : vector<16xi32> to vector<16xf32>
        %mul3A_1651 = arith.mulf %bitcast3A_1646, %gather3A : vector<16xf32>
        %swap3A_1652 = arith.index_cast %add3A_1571 : i32 to index
        %swap3A_1653 = arith.constant 96 : index
        %swap3A_1654 = tpu.vector_load %arg16[%swap3A_1652, %swap3A_1653] {strides = array<i32>} : memref<128x128xf32, #tpu.memory_space<vmem>>, vector<16xf32>,
        tpu.vector_store %arg16[%swap3A_1652, %swap3A_1653], %mul3A_1651 {strides = array<i32>} : memref<128x128xf32, #tpu.memory_space<vmem>>, vector<16xf32>,
        %mul3A_1655 = arith.mulf %bitcast3A_1650, %gather3A : vector<16xf32>
        %swap3A_1656 = arith.index_cast %add3A_1571 : i32 to index
        %swap3A_1657 = arith.constant 112 : index
        %swap3A_1658 = tpu.vector_load %arg16[%swap3A_1656, %swap3A_1657] {strides = array<i32>} : memref<128x128xf32, #tpu.memory_space<vmem>>, vector<16xf32>,
        tpu.vector_store %arg16[%swap3A_1656, %swap3A_1657], %mul3A_1655 {strides = array<i32>} : memref<128x128xf32, #tpu.memory_space<vmem>>, vector<16xf32>,
      }
      %scan3A_915 = arith.constant 128 : i32
      %dma_start3A_916 = arith.constant 1 : i32
      %dma_start3A_917 = arith.constant 0 : i32
      %dma_start3A_918 = arith.constant 0 : i32
      %dma_start3A_919 = tpu.memref_slice %arg11[%dma_start3A_916, %dma_start3A_918] : memref<4x128xi32, #tpu.memory_space<vmem>> -> memref<1x128xi32, #tpu.memory_space<vmem>>
      %dma_start3A_920 = tpu.memref_squeeze %dma_start3A_919 : memref<1x128xi32, #tpu.memory_space<vmem>> -> memref<128xi32, #tpu.memory_space<vmem>>
      %dma_start3A_921 = arith.constant 0 : i32
      %dma_start3A_922 = arith.constant 0 : i32
      %dma_start3A_923 = tpu.memref_slice %arg17[%dma_start3A_921, %dma_start3A_922] : memref<10240x128xf32, #tpu.memory_space<vmem_shared>> -> memref<10240x128xf32, #tpu.memory_space<vmem_shared>>
      %dma_start3A_924 = tpu.memref_slice %arg23[%dma_start3A_917] : memref<2x!tpu.dma_semaphore, #tpu.memory_space<semaphore_mem>> -> memref<1x!tpu.dma_semaphore, #tpu.memory_space<semaphore_mem>>
      %dma_start3A_925 = tpu.memref_squeeze %dma_start3A_924 : memref<1x!tpu.dma_semaphore, #tpu.memory_space<semaphore_mem>> -> memref<!tpu.dma_semaphore, #tpu.memory_space<semaphore_mem>>
      tpu.enqueue_indirect_dma source(%arg16 : memref<128x128xf32, #tpu.memory_space<vmem>>) target(%dma_start3A_923 : memref<10240x128xf32, #tpu.memory_space<vmem_shared>>) offsets(%dma_start3A_920 : memref<128xi32, #tpu.memory_space<vmem>>) semaphore(%dma_start3A_925 : memref<!tpu.dma_semaphore, #tpu.memory_space<semaphore_mem>>) {add = true}
      %add3A_926 = arith.constant 3 : i32
      %add3A_927 = arith.addi %add3A_617, %add3A_926 : i32
      %lt3A_928 = arith.constant 80 : i32
      %lt3A_929 = arith.cmpi slt, %add3A_927, %lt3A_928 : i32
      %convert_element_type3A_930 = arith.extui %lt3A_929 : i1 to i32
      %cond3A_931 = arith.constant 0 : i32
      %cond3A_932 = arith.cmpi ne, %convert_element_type3A_930, %cond3A_931 : i32
      scf.if %cond3A_932 {
        %add3A_1567 = arith.constant 3 : i32
        %add3A_1568 = arith.addi %add3A_617, %add3A_1567 : i32
        %dma_start3A_1569 = arith.constant 0 : i32
        %dma_start3A_1570 = arith.constant 0 : i32
        %dma_start3A_1571 = arith.constant 0 : i32
        %dma_start3A_1572 = tpu.memref_slice %arg10[%dma_start3A_1569, %dma_start3A_1571] : memref<4x128xi32, #tpu.memory_space<vmem>> -> memref<1x128xi32, #tpu.memory_space<vmem>>
        %dma_start3A_1573 = tpu.memref_squeeze %dma_start3A_1572 : memref<1x128xi32, #tpu.memory_space<vmem>> -> memref<128xi32, #tpu.memory_space<vmem>>
        %dma_start3A_1574 = arith.constant 0 : i32
        %dma_start3A_1575 = tpu.memref_slice %arg5[%add3A, %add3A_1568, %dma_start3A_1574] : memref<32x80x128xi32, #tpu.memory_space<hbm>> -> memref<1x1x128xi32, #tpu.memory_space<hbm>>
        %dma_start3A_1576 = tpu.memref_squeeze %dma_start3A_1575 : memref<1x1x128xi32, #tpu.memory_space<hbm>> -> memref<128xi32, #tpu.memory_space<hbm>>
        %dma_start3A_1577 = tpu.memref_slice %arg19[%dma_start3A_1570] : memref<4x!tpu.dma_semaphore, #tpu.memory_space<semaphore_mem>> -> memref<1x!tpu.dma_semaphore, #tpu.memory_space<semaphore_mem>>
        %dma_start3A_1578 = tpu.memref_squeeze %dma_start3A_1577 : memref<1x!tpu.dma_semaphore, #tpu.memory_space<semaphore_mem>> -> memref<!tpu.dma_semaphore, #tpu.memory_space<semaphore_mem>>
        %dma_start3A_1579 = arith.constant 0 : i32
        %dma_start3A_1580 = tpu.memref_slice %arg10[%dma_start3A_1569, %dma_start3A_1579] : memref<4x128xi32, #tpu.memory_space<vmem>> -> memref<1x128xi32, #tpu.memory_space<vmem>>
        %dma_start3A_1581 = tpu.memref_squeeze %dma_start3A_1580 : memref<1x128xi32, #tpu.memory_space<vmem>> -> memref<128xi32, #tpu.memory_space<vmem>>
        %dma_start3A_1582 = arith.constant 0 : i32
        %dma_start3A_1583 = tpu.memref_slice %arg5[%add3A, %add3A_1568, %dma_start3A_1582] : memref<32x80x128xi32, #tpu.memory_space<hbm>> -> memref<1x1x128xi32, #tpu.memory_space<hbm>>
        %dma_start3A_1584 = tpu.memref_squeeze %dma_start3A_1583 : memref<1x1x128xi32, #tpu.memory_space<hbm>> -> memref<128xi32, #tpu.memory_space<hbm>>
        tpu.enqueue_dma source(%dma_start3A_1584 : memref<128xi32, #tpu.memory_space<hbm>>) target(%dma_start3A_1581 : memref<128xi32, #tpu.memory_space<vmem>>) target_semaphore(%dma_start3A_1578 : memref<!tpu.dma_semaphore, #tpu.memory_space<semaphore_mem>>)
        %dma_start3A_1585 = arith.constant 0 : i32
        %dma_start3A_1586 = arith.constant 0 : i32
        %dma_start3A_1587 = arith.constant 0 : i32
        %dma_start3A_1588 = tpu.memref_slice %arg11[%dma_start3A_1585, %dma_start3A_1587] : memref<4x128xi32, #tpu.memory_space<vmem>> -> memref<1x128xi32, #tpu.memory_space<vmem>>
        %dma_start3A_1589 = tpu.memref_squeeze %dma_start3A_1588 : memref<1x128xi32, #tpu.memory_space<vmem>> -> memref<128xi32, #tpu.memory_space<vmem>>
        %dma_start3A_1590 = arith.constant 0 : i32
        %dma_start3A_1591 = tpu.memref_slice %arg6[%add3A, %add3A_1568, %dma_start3A_1590] : memref<32x80x128xi32, #tpu.memory_space<hbm>> -> memref<1x1x128xi32, #tpu.memory_space<hbm>>
        %dma_start3A_1592 = tpu.memref_squeeze %dma_start3A_1591 : memref<1x1x128xi32, #tpu.memory_space<hbm>> -> memref<128xi32, #tpu.memory_space<hbm>>
        %dma_start3A_1593 = tpu.memref_slice %arg19[%dma_start3A_1586] : memref<4x!tpu.dma_semaphore, #tpu.memory_space<semaphore_mem>> -> memref<1x!tpu.dma_semaphore, #tpu.memory_space<semaphore_mem>>
        %dma_start3A_1594 = tpu.memref_squeeze %dma_start3A_1593 : memref<1x!tpu.dma_semaphore, #tpu.memory_space<semaphore_mem>> -> memref<!tpu.dma_semaphore, #tpu.memory_space<semaphore_mem>>
        %dma_start3A_1595 = arith.constant 0 : i32
        %dma_start3A_1596 = tpu.memref_slice %arg11[%dma_start3A_1585, %dma_start3A_1595] : memref<4x128xi32, #tpu.memory_space<vmem>> -> memref<1x128xi32, #tpu.memory_space<vmem>>
        %dma_start3A_1597 = tpu.memref_squeeze %dma_start3A_1596 : memref<1x128xi32, #tpu.memory_space<vmem>> -> memref<128xi32, #tpu.memory_space<vmem>>
        %dma_start3A_1598 = arith.constant 0 : i32
        %dma_start3A_1599 = tpu.memref_slice %arg6[%add3A, %add3A_1568, %dma_start3A_1598] : memref<32x80x128xi32, #tpu.memory_space<hbm>> -> memref<1x1x128xi32, #tpu.memory_space<hbm>>
        %dma_start3A_1600 = tpu.memref_squeeze %dma_start3A_1599 : memref<1x1x128xi32, #tpu.memory_space<hbm>> -> memref<128xi32, #tpu.memory_space<hbm>>
        tpu.enqueue_dma source(%dma_start3A_1600 : memref<128xi32, #tpu.memory_space<hbm>>) target(%dma_start3A_1597 : memref<128xi32, #tpu.memory_space<vmem>>) target_semaphore(%dma_start3A_1594 : memref<!tpu.dma_semaphore, #tpu.memory_space<semaphore_mem>>)
        %dma_start3A_1601 = arith.constant 0 : i32
        %dma_start3A_1602 = arith.constant 0 : i32
        %dma_start3A_1603 = arith.constant 0 : i32
        %dma_start3A_1604 = tpu.memref_slice %arg12[%dma_start3A_1601, %dma_start3A_1603] : memref<4x128xf32, #tpu.memory_space<vmem>> -> memref<1x128xf32, #tpu.memory_space<vmem>>
        %dma_start3A_1605 = tpu.memref_squeeze %dma_start3A_1604 : memref<1x128xf32, #tpu.memory_space<vmem>> -> memref<128xf32, #tpu.memory_space<vmem>>
        %dma_start3A_1606 = arith.constant 0 : i32
        %dma_start3A_1607 = tpu.memref_slice %arg7[%add3A, %add3A_1568, %dma_start3A_1606] : memref<32x80x128xf32, #tpu.memory_space<hbm>> -> memref<1x1x128xf32, #tpu.memory_space<hbm>>
        %dma_start3A_1608 = tpu.memref_squeeze %dma_start3A_1607 : memref<1x1x128xf32, #tpu.memory_space<hbm>> -> memref<128xf32, #tpu.memory_space<hbm>>
        %dma_start3A_1609 = tpu.memref_slice %arg19[%dma_start3A_1602] : memref<4x!tpu.dma_semaphore, #tpu.memory_space<semaphore_mem>> -> memref<1x!tpu.dma_semaphore, #tpu.memory_space<semaphore_mem>>
        %dma_start3A_1610 = tpu.memref_squeeze %dma_start3A_1609 : memref<1x!tpu.dma_semaphore, #tpu.memory_space<semaphore_mem>> -> memref<!tpu.dma_semaphore, #tpu.memory_space<semaphore_mem>>
        %dma_start3A_1611 = arith.constant 0 : i32
        %dma_start3A_1612 = tpu.memref_slice %arg12[%dma_start3A_1601, %dma_start3A_1611] : memref<4x128xf32, #tpu.memory_space<vmem>> -> memref<1x128xf32, #tpu.memory_space<vmem>>
        %dma_start3A_1613 = tpu.memref_squeeze %dma_start3A_1612 : memref<1x128xf32, #tpu.memory_space<vmem>> -> memref<128xf32, #tpu.memory_space<vmem>>
        %dma_start3A_1614 = arith.constant 0 : i32
        %dma_start3A_1615 = tpu.memref_slice %arg7[%add3A, %add3A_1568, %dma_start3A_1614] : memref<32x80x128xf32, #tpu.memory_space<hbm>> -> memref<1x1x128xf32, #tpu.memory_space<hbm>>
        %dma_start3A_1616 = tpu.memref_squeeze %dma_start3A_1615 : memref<1x1x128xf32, #tpu.memory_space<hbm>> -> memref<128xf32, #tpu.memory_space<hbm>>
        tpu.enqueue_dma source(%dma_start3A_1616 : memref<128xf32, #tpu.memory_space<hbm>>) target(%dma_start3A_1613 : memref<128xf32, #tpu.memory_space<vmem>>) target_semaphore(%dma_start3A_1610 : memref<!tpu.dma_semaphore, #tpu.memory_space<semaphore_mem>>)
      } else {
      }
      %add3A_933 = arith.constant 2 : i32
      %add3A_934 = arith.addi %add3A_307, %add3A_933 : i32
      %add3A_935 = arith.constant 1 : i32
      %add3A_936 = arith.addi %add3A_934, %add3A_935 : i32
      %lt3A_937 = arith.constant 80 : i32
      %lt3A_938 = arith.cmpi slt, %add3A_936, %lt3A_937 : i32
      %convert_element_type3A_939 = arith.extui %lt3A_938 : i1 to i32
      %cond3A_940 = arith.constant 0 : i32
      %cond3A_941 = arith.cmpi ne, %convert_element_type3A_939, %cond3A_940 : i32
      scf.if %cond3A_941 {
        %add3A_1567 = arith.constant 1 : i32
        %add3A_1568 = arith.addi %add3A_934, %add3A_1567 : i32
        %dma_wait3A_1569 = arith.constant 3 : i32
        %dma_wait3A_1570 = arith.constant 3 : i32
        %dma_wait3A_1571 = arith.constant 0 : i32
        %dma_wait3A_1572 = tpu.memref_slice %arg10[%dma_wait3A_1569, %dma_wait3A_1571] : memref<4x128xi32, #tpu.memory_space<vmem>> -> memref<1x128xi32, #tpu.memory_space<vmem>>
        %dma_wait3A_1573 = tpu.memref_squeeze %dma_wait3A_1572 : memref<1x128xi32, #tpu.memory_space<vmem>> -> memref<128xi32, #tpu.memory_space<vmem>>
        %dma_wait3A_1574 = arith.constant 0 : i32
        %dma_wait3A_1575 = tpu.memref_slice %arg5[%add3A, %add3A_1568, %dma_wait3A_1574] : memref<32x80x128xi32, #tpu.memory_space<hbm>> -> memref<1x1x128xi32, #tpu.memory_space<hbm>>
        %dma_wait3A_1576 = tpu.memref_squeeze %dma_wait3A_1575 : memref<1x1x128xi32, #tpu.memory_space<hbm>> -> memref<128xi32, #tpu.memory_space<hbm>>
        %dma_wait3A_1577 = tpu.memref_slice %arg19[%dma_wait3A_1570] : memref<4x!tpu.dma_semaphore, #tpu.memory_space<semaphore_mem>> -> memref<1x!tpu.dma_semaphore, #tpu.memory_space<semaphore_mem>>
        %dma_wait3A_1578 = tpu.memref_squeeze %dma_wait3A_1577 : memref<1x!tpu.dma_semaphore, #tpu.memory_space<semaphore_mem>> -> memref<!tpu.dma_semaphore, #tpu.memory_space<semaphore_mem>>
        %dma_wait3A_1579 = arith.constant 0 : i32
        %dma_wait3A_1580 = tpu.memref_slice %arg10[%dma_wait3A_1569, %dma_wait3A_1579] : memref<4x128xi32, #tpu.memory_space<vmem>> -> memref<1x128xi32, #tpu.memory_space<vmem>>
        %dma_wait3A_1581 = tpu.memref_squeeze %dma_wait3A_1580 : memref<1x128xi32, #tpu.memory_space<vmem>> -> memref<128xi32, #tpu.memory_space<vmem>>
        %dma_wait3A_1582 = arith.constant 0 : i32
        %dma_wait3A_1583 = tpu.memref_slice %arg5[%add3A, %add3A_1568, %dma_wait3A_1582] : memref<32x80x128xi32, #tpu.memory_space<hbm>> -> memref<1x1x128xi32, #tpu.memory_space<hbm>>
        %dma_wait3A_1584 = tpu.memref_squeeze %dma_wait3A_1583 : memref<1x1x128xi32, #tpu.memory_space<hbm>> -> memref<128xi32, #tpu.memory_space<hbm>>
        tpu.wait_dma2 semaphore(%dma_wait3A_1578 : memref<!tpu.dma_semaphore, #tpu.memory_space<semaphore_mem>>) src(%dma_wait3A_1584 : memref<128xi32, #tpu.memory_space<hbm>>) dst(%dma_wait3A_1581 : memref<128xi32, #tpu.memory_space<vmem>>)
        %dma_wait3A_1585 = arith.constant 3 : i32
        %dma_wait3A_1586 = arith.constant 3 : i32
        %dma_wait3A_1587 = arith.constant 0 : i32
        %dma_wait3A_1588 = tpu.memref_slice %arg11[%dma_wait3A_1585, %dma_wait3A_1587] : memref<4x128xi32, #tpu.memory_space<vmem>> -> memref<1x128xi32, #tpu.memory_space<vmem>>
        %dma_wait3A_1589 = tpu.memref_squeeze %dma_wait3A_1588 : memref<1x128xi32, #tpu.memory_space<vmem>> -> memref<128xi32, #tpu.memory_space<vmem>>
        %dma_wait3A_1590 = arith.constant 0 : i32
        %dma_wait3A_1591 = tpu.memref_slice %arg6[%add3A, %add3A_1568, %dma_wait3A_1590] : memref<32x80x128xi32, #tpu.memory_space<hbm>> -> memref<1x1x128xi32, #tpu.memory_space<hbm>>
        %dma_wait3A_1592 = tpu.memref_squeeze %dma_wait3A_1591 : memref<1x1x128xi32, #tpu.memory_space<hbm>> -> memref<128xi32, #tpu.memory_space<hbm>>
        %dma_wait3A_1593 = tpu.memref_slice %arg19[%dma_wait3A_1586] : memref<4x!tpu.dma_semaphore, #tpu.memory_space<semaphore_mem>> -> memref<1x!tpu.dma_semaphore, #tpu.memory_space<semaphore_mem>>
        %dma_wait3A_1594 = tpu.memref_squeeze %dma_wait3A_1593 : memref<1x!tpu.dma_semaphore, #tpu.memory_space<semaphore_mem>> -> memref<!tpu.dma_semaphore, #tpu.memory_space<semaphore_mem>>
        %dma_wait3A_1595 = arith.constant 0 : i32
        %dma_wait3A_1596 = tpu.memref_slice %arg11[%dma_wait3A_1585, %dma_wait3A_1595] : memref<4x128xi32, #tpu.memory_space<vmem>> -> memref<1x128xi32, #tpu.memory_space<vmem>>
        %dma_wait3A_1597 = tpu.memref_squeeze %dma_wait3A_1596 : memref<1x128xi32, #tpu.memory_space<vmem>> -> memref<128xi32, #tpu.memory_space<vmem>>
        %dma_wait3A_1598 = arith.constant 0 : i32
        %dma_wait3A_1599 = tpu.memref_slice %arg6[%add3A, %add3A_1568, %dma_wait3A_1598] : memref<32x80x128xi32, #tpu.memory_space<hbm>> -> memref<1x1x128xi32, #tpu.memory_space<hbm>>
        %dma_wait3A_1600 = tpu.memref_squeeze %dma_wait3A_1599 : memref<1x1x128xi32, #tpu.memory_space<hbm>> -> memref<128xi32, #tpu.memory_space<hbm>>
        tpu.wait_dma2 semaphore(%dma_wait3A_1594 : memref<!tpu.dma_semaphore, #tpu.memory_space<semaphore_mem>>) src(%dma_wait3A_1600 : memref<128xi32, #tpu.memory_space<hbm>>) dst(%dma_wait3A_1597 : memref<128xi32, #tpu.memory_space<vmem>>)
        %dma_wait3A_1601 = arith.constant 3 : i32
        %dma_wait3A_1602 = arith.constant 3 : i32
        %dma_wait3A_1603 = arith.constant 0 : i32
        %dma_wait3A_1604 = tpu.memref_slice %arg12[%dma_wait3A_1601, %dma_wait3A_1603] : memref<4x128xf32, #tpu.memory_space<vmem>> -> memref<1x128xf32, #tpu.memory_space<vmem>>
        %dma_wait3A_1605 = tpu.memref_squeeze %dma_wait3A_1604 : memref<1x128xf32, #tpu.memory_space<vmem>> -> memref<128xf32, #tpu.memory_space<vmem>>
        %dma_wait3A_1606 = arith.constant 0 : i32
        %dma_wait3A_1607 = tpu.memref_slice %arg7[%add3A, %add3A_1568, %dma_wait3A_1606] : memref<32x80x128xf32, #tpu.memory_space<hbm>> -> memref<1x1x128xf32, #tpu.memory_space<hbm>>
        %dma_wait3A_1608 = tpu.memref_squeeze %dma_wait3A_1607 : memref<1x1x128xf32, #tpu.memory_space<hbm>> -> memref<128xf32, #tpu.memory_space<hbm>>
        %dma_wait3A_1609 = tpu.memref_slice %arg19[%dma_wait3A_1602] : memref<4x!tpu.dma_semaphore, #tpu.memory_space<semaphore_mem>> -> memref<1x!tpu.dma_semaphore, #tpu.memory_space<semaphore_mem>>
        %dma_wait3A_1610 = tpu.memref_squeeze %dma_wait3A_1609 : memref<1x!tpu.dma_semaphore, #tpu.memory_space<semaphore_mem>> -> memref<!tpu.dma_semaphore, #tpu.memory_space<semaphore_mem>>
        %dma_wait3A_1611 = arith.constant 0 : i32
        %dma_wait3A_1612 = tpu.memref_slice %arg12[%dma_wait3A_1601, %dma_wait3A_1611] : memref<4x128xf32, #tpu.memory_space<vmem>> -> memref<1x128xf32, #tpu.memory_space<vmem>>
        %dma_wait3A_1613 = tpu.memref_squeeze %dma_wait3A_1612 : memref<1x128xf32, #tpu.memory_space<vmem>> -> memref<128xf32, #tpu.memory_space<vmem>>
        %dma_wait3A_1614 = arith.constant 0 : i32
        %dma_wait3A_1615 = tpu.memref_slice %arg7[%add3A, %add3A_1568, %dma_wait3A_1614] : memref<32x80x128xf32, #tpu.memory_space<hbm>> -> memref<1x1x128xf32, #tpu.memory_space<hbm>>
        %dma_wait3A_1616 = tpu.memref_squeeze %dma_wait3A_1615 : memref<1x1x128xf32, #tpu.memory_space<hbm>> -> memref<128xf32, #tpu.memory_space<hbm>>
        tpu.wait_dma2 semaphore(%dma_wait3A_1610 : memref<!tpu.dma_semaphore, #tpu.memory_space<semaphore_mem>>) src(%dma_wait3A_1616 : memref<128xf32, #tpu.memory_space<hbm>>) dst(%dma_wait3A_1613 : memref<128xf32, #tpu.memory_space<vmem>>)
      } else {
      }
      %add3A_942 = arith.constant 1 : i32
      %add3A_943 = arith.addi %add3A_934, %add3A_942 : i32
      %lt3A_944 = arith.constant 80 : i32
      %lt3A_945 = arith.cmpi slt, %add3A_943, %lt3A_944 : i32
      %convert_element_type3A_946 = arith.extui %lt3A_945 : i1 to i32
      %cond3A_947 = arith.constant 0 : i32
      %cond3A_948 = arith.cmpi ne, %convert_element_type3A_946, %cond3A_947 : i32
      scf.if %cond3A_948 {
        %dma_start3A_1567 = arith.constant 3 : i32
        %dma_start3A_1568 = arith.constant 1 : i32
        %dma_start3A_1569 = arith.constant 1 : i32
        %dma_start3A_1570 = arith.constant 0 : i32
        %dma_start3A_1571 = arith.constant 0 : i32
        %dma_start3A_1572 = tpu.memref_slice %arg15[%dma_start3A_1568, %dma_start3A_1570, %dma_start3A_1571] : memref<2x128x128xbf16, #tpu.memory_space<vmem>> -> memref<1x128x128xbf16, #tpu.memory_space<vmem>>
        %dma_start3A_1573 = tpu.memref_squeeze %dma_start3A_1572 : memref<1x128x128xbf16, #tpu.memory_space<vmem>> -> memref<128x128xbf16, #tpu.memory_space<vmem>>
        %dma_start3A_1574 = arith.constant 0 : i32
        %dma_start3A_1575 = tpu.memref_slice %arg10[%dma_start3A_1567, %dma_start3A_1574] : memref<4x128xi32, #tpu.memory_space<vmem>> -> memref<1x128xi32, #tpu.memory_space<vmem>>
        %dma_start3A_1576 = tpu.memref_squeeze %dma_start3A_1575 : memref<1x128xi32, #tpu.memory_space<vmem>> -> memref<128xi32, #tpu.memory_space<vmem>>
        %dma_start3A_1577 = arith.constant 0 : i32
        %dma_start3A_1578 = arith.constant 0 : i32
        %dma_start3A_1579 = tpu.memref_slice %arg2[%dma_start3A_1577, %dma_start3A_1578] : memref<10000x128xbf16, #tpu.memory_space<hbm>> -> memref<10000x128xbf16, #tpu.memory_space<hbm>>
        %dma_start3A_1580 = tpu.memref_slice %arg21[%dma_start3A_1569] : memref<2x!tpu.dma_semaphore, #tpu.memory_space<semaphore_mem>> -> memref<1x!tpu.dma_semaphore, #tpu.memory_space<semaphore_mem>>
        %dma_start3A_1581 = tpu.memref_squeeze %dma_start3A_1580 : memref<1x!tpu.dma_semaphore, #tpu.memory_space<semaphore_mem>> -> memref<!tpu.dma_semaphore, #tpu.memory_space<semaphore_mem>>
        tpu.enqueue_indirect_dma source(%dma_start3A_1579 : memref<10000x128xbf16, #tpu.memory_space<hbm>>) target(%dma_start3A_1573 : memref<128x128xbf16, #tpu.memory_space<vmem>>) offsets(%dma_start3A_1576 : memref<128xi32, #tpu.memory_space<vmem>>) semaphore(%dma_start3A_1581 : memref<!tpu.dma_semaphore, #tpu.memory_space<semaphore_mem>>)
      } else {
      }
      %ge3A_949 = arith.constant 1 : i32
      %ge3A_950 = arith.cmpi sge, %add3A_934, %ge3A_949 : i32
      %convert_element_type3A_951 = arith.extui %ge3A_950 : i1 to i32
      %cond3A_952 = arith.constant 0 : i32
      %cond3A_953 = arith.cmpi ne, %convert_element_type3A_951, %cond3A_952 : i32
      scf.if %cond3A_953 {
        %dma_wait3A_1567 = arith.constant 1 : i32
        %dma_wait3A_1568 = arith.constant 1 : i32
        %dma_wait3A_1569 = arith.constant 1 : i32
        %dma_wait3A_1570 = arith.constant 0 : i32
        %dma_wait3A_1571 = tpu.memref_slice %arg13[%dma_wait3A_1567, %dma_wait3A_1570] : memref<2x128xf32, #tpu.memory_space<vmem>> -> memref<1x128xf32, #tpu.memory_space<vmem>>
        %dma_wait3A_1572 = tpu.memref_squeeze %dma_wait3A_1571 : memref<1x128xf32, #tpu.memory_space<vmem>> -> memref<128xf32, #tpu.memory_space<vmem>>
        %dma_wait3A_1573 = arith.constant 0 : i32
        %dma_wait3A_1574 = tpu.memref_slice %arg11[%dma_wait3A_1568, %dma_wait3A_1573] : memref<4x128xi32, #tpu.memory_space<vmem>> -> memref<1x128xi32, #tpu.memory_space<vmem>>
        %dma_wait3A_1575 = tpu.memref_squeeze %dma_wait3A_1574 : memref<1x128xi32, #tpu.memory_space<vmem>> -> memref<128xi32, #tpu.memory_space<vmem>>
        %dma_wait3A_1576 = arith.constant 0 : i32
        %dma_wait3A_1577 = tpu.memref_slice %arg18[%dma_wait3A_1576] : memref<10240xf32, #tpu.memory_space<vmem_shared>> -> memref<10240xf32, #tpu.memory_space<vmem_shared>>
        %dma_wait3A_1578 = tpu.memref_slice %arg22[%dma_wait3A_1569] : memref<2x!tpu.dma_semaphore, #tpu.memory_space<semaphore_mem>> -> memref<1x!tpu.dma_semaphore, #tpu.memory_space<semaphore_mem>>
        %dma_wait3A_1579 = tpu.memref_squeeze %dma_wait3A_1578 : memref<1x!tpu.dma_semaphore, #tpu.memory_space<semaphore_mem>> -> memref<!tpu.dma_semaphore, #tpu.memory_space<semaphore_mem>>
        tpu.wait_indirect_dma semaphore(%dma_wait3A_1579 : memref<!tpu.dma_semaphore, #tpu.memory_space<semaphore_mem>>) src(%dma_wait3A_1572 : memref<128xf32, #tpu.memory_space<vmem>>) dst(%dma_wait3A_1577 : memref<10240xf32, #tpu.memory_space<vmem_shared>>)
      } else {
      }
      %add3A_954 = arith.constant 1 : i32
      %add3A_955 = arith.addi %add3A_934, %add3A_954 : i32
      %lt3A_956 = arith.constant 80 : i32
      %lt3A_957 = arith.cmpi slt, %add3A_955, %lt3A_956 : i32
      %convert_element_type3A_958 = arith.extui %lt3A_957 : i1 to i32
      %cond3A_959 = arith.constant 0 : i32
      %cond3A_960 = arith.cmpi ne, %convert_element_type3A_958, %cond3A_959 : i32
      scf.if %cond3A_960 {
        %dma_start3A_1567 = arith.constant 3 : i32
        %dma_start3A_1568 = arith.constant 1 : i32
        %dma_start3A_1569 = arith.constant 1 : i32
        %dma_start3A_1570 = arith.constant 0 : i32
        %dma_start3A_1571 = tpu.memref_slice %arg13[%dma_start3A_1568, %dma_start3A_1570] : memref<2x128xf32, #tpu.memory_space<vmem>> -> memref<1x128xf32, #tpu.memory_space<vmem>>
        %dma_start3A_1572 = tpu.memref_squeeze %dma_start3A_1571 : memref<1x128xf32, #tpu.memory_space<vmem>> -> memref<128xf32, #tpu.memory_space<vmem>>
        %dma_start3A_1573 = arith.constant 0 : i32
        %dma_start3A_1574 = tpu.memref_slice %arg10[%dma_start3A_1567, %dma_start3A_1573] : memref<4x128xi32, #tpu.memory_space<vmem>> -> memref<1x128xi32, #tpu.memory_space<vmem>>
        %dma_start3A_1575 = tpu.memref_squeeze %dma_start3A_1574 : memref<1x128xi32, #tpu.memory_space<vmem>> -> memref<128xi32, #tpu.memory_space<vmem>>
        %dma_start3A_1576 = arith.constant 0 : i32
        %dma_start3A_1577 = tpu.memref_slice %arg3[%dma_start3A_1576] : memref<10000xf32, #tpu.memory_space<hbm>> -> memref<10000xf32, #tpu.memory_space<hbm>>
        %dma_start3A_1578 = tpu.memref_slice %arg20[%dma_start3A_1569] : memref<2x!tpu.dma_semaphore, #tpu.memory_space<semaphore_mem>> -> memref<1x!tpu.dma_semaphore, #tpu.memory_space<semaphore_mem>>
        %dma_start3A_1579 = tpu.memref_squeeze %dma_start3A_1578 : memref<1x!tpu.dma_semaphore, #tpu.memory_space<semaphore_mem>> -> memref<!tpu.dma_semaphore, #tpu.memory_space<semaphore_mem>>
        tpu.enqueue_indirect_dma source(%dma_start3A_1577 : memref<10000xf32, #tpu.memory_space<hbm>>) target(%dma_start3A_1572 : memref<128xf32, #tpu.memory_space<vmem>>) offsets(%dma_start3A_1575 : memref<128xi32, #tpu.memory_space<vmem>>) semaphore(%dma_start3A_1579 : memref<!tpu.dma_semaphore, #tpu.memory_space<semaphore_mem>>)
        %dma_start3A_1580 = arith.constant 3 : i32
        %dma_start3A_1581 = arith.constant 1 : i32
        %dma_start3A_1582 = arith.constant 1 : i32
        %dma_start3A_1583 = arith.constant 0 : i32
        %dma_start3A_1584 = tpu.memref_slice %arg14[%dma_start3A_1581, %dma_start3A_1583] : memref<2x128xf32, #tpu.memory_space<vmem>> -> memref<1x128xf32, #tpu.memory_space<vmem>>
        %dma_start3A_1585 = tpu.memref_squeeze %dma_start3A_1584 : memref<1x128xf32, #tpu.memory_space<vmem>> -> memref<128xf32, #tpu.memory_space<vmem>>
        %dma_start3A_1586 = arith.constant 0 : i32
        %dma_start3A_1587 = tpu.memref_slice %arg11[%dma_start3A_1580, %dma_start3A_1586] : memref<4x128xi32, #tpu.memory_space<vmem>> -> memref<1x128xi32, #tpu.memory_space<vmem>>
        %dma_start3A_1588 = tpu.memref_squeeze %dma_start3A_1587 : memref<1x128xi32, #tpu.memory_space<vmem>> -> memref<128xi32, #tpu.memory_space<vmem>>
        %dma_start3A_1589 = arith.constant 0 : i32
        %dma_start3A_1590 = tpu.memref_slice %arg4[%dma_start3A_1589] : memref<10000xf32, #tpu.memory_space<hbm>> -> memref<10000xf32, #tpu.memory_space<hbm>>
        %dma_start3A_1591 = tpu.memref_slice %arg20[%dma_start3A_1582] : memref<2x!tpu.dma_semaphore, #tpu.memory_space<semaphore_mem>> -> memref<1x!tpu.dma_semaphore, #tpu.memory_space<semaphore_mem>>
        %dma_start3A_1592 = tpu.memref_squeeze %dma_start3A_1591 : memref<1x!tpu.dma_semaphore, #tpu.memory_space<semaphore_mem>> -> memref<!tpu.dma_semaphore, #tpu.memory_space<semaphore_mem>>
        tpu.enqueue_indirect_dma source(%dma_start3A_1590 : memref<10000xf32, #tpu.memory_space<hbm>>) target(%dma_start3A_1585 : memref<128xf32, #tpu.memory_space<vmem>>) offsets(%dma_start3A_1588 : memref<128xi32, #tpu.memory_space<vmem>>) semaphore(%dma_start3A_1592 : memref<!tpu.dma_semaphore, #tpu.memory_space<semaphore_mem>>)
      } else {
      }
      %dma_wait3A_961 = arith.constant 2 : i32
      %dma_wait3A_962 = arith.constant 0 : i32
      %dma_wait3A_963 = arith.constant 0 : i32
      %dma_wait3A_964 = arith.constant 0 : i32
      %dma_wait3A_965 = tpu.memref_slice %arg13[%dma_wait3A_962, %dma_wait3A_964] : memref<2x128xf32, #tpu.memory_space<vmem>> -> memref<1x128xf32, #tpu.memory_space<vmem>>
      %dma_wait3A_966 = tpu.memref_squeeze %dma_wait3A_965 : memref<1x128xf32, #tpu.memory_space<vmem>> -> memref<128xf32, #tpu.memory_space<vmem>>
      %dma_wait3A_967 = arith.constant 0 : i32
      %dma_wait3A_968 = tpu.memref_slice %arg10[%dma_wait3A_961, %dma_wait3A_967] : memref<4x128xi32, #tpu.memory_space<vmem>> -> memref<1x128xi32, #tpu.memory_space<vmem>>
      %dma_wait3A_969 = tpu.memref_squeeze %dma_wait3A_968 : memref<1x128xi32, #tpu.memory_space<vmem>> -> memref<128xi32, #tpu.memory_space<vmem>>
      %dma_wait3A_970 = arith.constant 0 : i32
      %dma_wait3A_971 = tpu.memref_slice %arg3[%dma_wait3A_970] : memref<10000xf32, #tpu.memory_space<hbm>> -> memref<10000xf32, #tpu.memory_space<hbm>>
      %dma_wait3A_972 = tpu.memref_slice %arg20[%dma_wait3A_963] : memref<2x!tpu.dma_semaphore, #tpu.memory_space<semaphore_mem>> -> memref<1x!tpu.dma_semaphore, #tpu.memory_space<semaphore_mem>>
      %dma_wait3A_973 = tpu.memref_squeeze %dma_wait3A_972 : memref<1x!tpu.dma_semaphore, #tpu.memory_space<semaphore_mem>> -> memref<!tpu.dma_semaphore, #tpu.memory_space<semaphore_mem>>
      tpu.wait_indirect_dma semaphore(%dma_wait3A_973 : memref<!tpu.dma_semaphore, #tpu.memory_space<semaphore_mem>>) src(%dma_wait3A_971 : memref<10000xf32, #tpu.memory_space<hbm>>) dst(%dma_wait3A_966 : memref<128xf32, #tpu.memory_space<vmem>>)
      %dma_wait3A_974 = arith.constant 2 : i32
      %dma_wait3A_975 = arith.constant 0 : i32
      %dma_wait3A_976 = arith.constant 0 : i32
      %dma_wait3A_977 = arith.constant 0 : i32
      %dma_wait3A_978 = tpu.memref_slice %arg14[%dma_wait3A_975, %dma_wait3A_977] : memref<2x128xf32, #tpu.memory_space<vmem>> -> memref<1x128xf32, #tpu.memory_space<vmem>>
      %dma_wait3A_979 = tpu.memref_squeeze %dma_wait3A_978 : memref<1x128xf32, #tpu.memory_space<vmem>> -> memref<128xf32, #tpu.memory_space<vmem>>
      %dma_wait3A_980 = arith.constant 0 : i32
      %dma_wait3A_981 = tpu.memref_slice %arg11[%dma_wait3A_974, %dma_wait3A_980] : memref<4x128xi32, #tpu.memory_space<vmem>> -> memref<1x128xi32, #tpu.memory_space<vmem>>
      %dma_wait3A_982 = tpu.memref_squeeze %dma_wait3A_981 : memref<1x128xi32, #tpu.memory_space<vmem>> -> memref<128xi32, #tpu.memory_space<vmem>>
      %dma_wait3A_983 = arith.constant 0 : i32
      %dma_wait3A_984 = tpu.memref_slice %arg4[%dma_wait3A_983] : memref<10000xf32, #tpu.memory_space<hbm>> -> memref<10000xf32, #tpu.memory_space<hbm>>
      %dma_wait3A_985 = tpu.memref_slice %arg20[%dma_wait3A_976] : memref<2x!tpu.dma_semaphore, #tpu.memory_space<semaphore_mem>> -> memref<1x!tpu.dma_semaphore, #tpu.memory_space<semaphore_mem>>
      %dma_wait3A_986 = tpu.memref_squeeze %dma_wait3A_985 : memref<1x!tpu.dma_semaphore, #tpu.memory_space<semaphore_mem>> -> memref<!tpu.dma_semaphore, #tpu.memory_space<semaphore_mem>>
      tpu.wait_indirect_dma semaphore(%dma_wait3A_986 : memref<!tpu.dma_semaphore, #tpu.memory_space<semaphore_mem>>) src(%dma_wait3A_984 : memref<10000xf32, #tpu.memory_space<hbm>>) dst(%dma_wait3A_979 : memref<128xf32, #tpu.memory_space<vmem>>)
      %get3A_987 = arith.constant 0 : i32
      %get3A_988 = arith.index_cast %get3A_987 : i32 to index
      %get3A_989 = arith.constant 0 : index
      %get3A_990 = tpu.vector_load %arg13[%get3A_988, %get3A_989] {strides = array<i32>} : memref<2x128xf32, #tpu.memory_space<vmem>>, vector<16xf32>,
      %get3A_991 = arith.constant 0 : i32
      %get3A_992 = arith.index_cast %get3A_991 : i32 to index
      %get3A_993 = arith.constant 0 : index
      %get3A_994 = tpu.vector_load %arg14[%get3A_992, %get3A_993] {strides = array<i32>} : memref<2x128xf32, #tpu.memory_space<vmem>>, vector<16xf32>,
      %add3A_995 = arith.addf %get3A_990, %get3A_994 : vector<16xf32>
      %gt3A_996 = arith.constant 0.000000e+00 : f32
      %gt3A_997 = vector.broadcast %gt3A_996 : f32 to vector<16xf32>
      %gt3A_998 = arith.cmpf ogt, %add3A_995, %gt3A_997 : vector<16xf32>
      %mul3A_999 = arith.constant 2.000000e-01 : f32
      %mul3A_1000 = vector.broadcast %mul3A_999 : f32 to vector<16xf32>
      %mul3A_1001 = arith.mulf %mul3A_1000, %add3A_995 : vector<16xf32>
      %select_n3A_1002 = arith.select %gt3A_998, %add3A_995, %mul3A_1001 : vector<16xi1>, vector<16xf32>
      %get3A_1003 = arith.constant 2 : i32
      %get3A_1004 = arith.index_cast %get3A_1003 : i32 to index
      %get3A_1005 = arith.constant 0 : index
      %get3A_1006 = tpu.vector_load %arg12[%get3A_1004, %get3A_1005] {strides = array<i32>} : memref<4x128xf32, #tpu.memory_space<vmem>>, vector<16xf32>,
      %add3A_1007 = arith.addf %select_n3A_1002, %get3A_1006 : vector<16xf32>
      %exp3A_1008 = math.exp %add3A_1007 : vector<16xf32>
      %swap3A_1009 = arith.constant 0 : i32
      %swap3A_1010 = arith.index_cast %swap3A_1009 : i32 to index
      %swap3A_1011 = arith.constant 0 : index
      %swap3A_1012 = tpu.vector_load %arg13[%swap3A_1010, %swap3A_1011] {strides = array<i32>} : memref<2x128xf32, #tpu.memory_space<vmem>>, vector<16xf32>,
      tpu.vector_store %arg13[%swap3A_1010, %swap3A_1011], %exp3A_1008 {strides = array<i32>} : memref<2x128xf32, #tpu.memory_space<vmem>>, vector<16xf32>,
      %get3A_1013 = arith.constant 0 : i32
      %get3A_1014 = arith.index_cast %get3A_1013 : i32 to index
      %get3A_1015 = arith.constant 16 : index
      %get3A_1016 = tpu.vector_load %arg13[%get3A_1014, %get3A_1015] {strides = array<i32>} : memref<2x128xf32, #tpu.memory_space<vmem>>, vector<16xf32>,
      %get3A_1017 = arith.constant 0 : i32
      %get3A_1018 = arith.index_cast %get3A_1017 : i32 to index
      %get3A_1019 = arith.constant 16 : index
      %get3A_1020 = tpu.vector_load %arg14[%get3A_1018, %get3A_1019] {strides = array<i32>} : memref<2x128xf32, #tpu.memory_space<vmem>>, vector<16xf32>,
      %add3A_1021 = arith.addf %get3A_1016, %get3A_1020 : vector<16xf32>
      %gt3A_1022 = arith.constant 0.000000e+00 : f32
      %gt3A_1023 = vector.broadcast %gt3A_1022 : f32 to vector<16xf32>
      %gt3A_1024 = arith.cmpf ogt, %add3A_1021, %gt3A_1023 : vector<16xf32>
      %mul3A_1025 = arith.constant 2.000000e-01 : f32
      %mul3A_1026 = vector.broadcast %mul3A_1025 : f32 to vector<16xf32>
      %mul3A_1027 = arith.mulf %mul3A_1026, %add3A_1021 : vector<16xf32>
      %select_n3A_1028 = arith.select %gt3A_1024, %add3A_1021, %mul3A_1027 : vector<16xi1>, vector<16xf32>
      %get3A_1029 = arith.constant 2 : i32
      %get3A_1030 = arith.index_cast %get3A_1029 : i32 to index
      %get3A_1031 = arith.constant 16 : index
      %get3A_1032 = tpu.vector_load %arg12[%get3A_1030, %get3A_1031] {strides = array<i32>} : memref<4x128xf32, #tpu.memory_space<vmem>>, vector<16xf32>,
      %add3A_1033 = arith.addf %select_n3A_1028, %get3A_1032 : vector<16xf32>
      %exp3A_1034 = math.exp %add3A_1033 : vector<16xf32>
      %swap3A_1035 = arith.constant 0 : i32
      %swap3A_1036 = arith.index_cast %swap3A_1035 : i32 to index
      %swap3A_1037 = arith.constant 16 : index
      %swap3A_1038 = tpu.vector_load %arg13[%swap3A_1036, %swap3A_1037] {strides = array<i32>} : memref<2x128xf32, #tpu.memory_space<vmem>>, vector<16xf32>,
      tpu.vector_store %arg13[%swap3A_1036, %swap3A_1037], %exp3A_1034 {strides = array<i32>} : memref<2x128xf32, #tpu.memory_space<vmem>>, vector<16xf32>,
      %get3A_1039 = arith.constant 0 : i32
      %get3A_1040 = arith.index_cast %get3A_1039 : i32 to index
      %get3A_1041 = arith.constant 32 : index
      %get3A_1042 = tpu.vector_load %arg13[%get3A_1040, %get3A_1041] {strides = array<i32>} : memref<2x128xf32, #tpu.memory_space<vmem>>, vector<16xf32>,
      %get3A_1043 = arith.constant 0 : i32
      %get3A_1044 = arith.index_cast %get3A_1043 : i32 to index
      %get3A_1045 = arith.constant 32 : index
      %get3A_1046 = tpu.vector_load %arg14[%get3A_1044, %get3A_1045] {strides = array<i32>} : memref<2x128xf32, #tpu.memory_space<vmem>>, vector<16xf32>,
      %add3A_1047 = arith.addf %get3A_1042, %get3A_1046 : vector<16xf32>
      %gt3A_1048 = arith.constant 0.000000e+00 : f32
      %gt3A_1049 = vector.broadcast %gt3A_1048 : f32 to vector<16xf32>
      %gt3A_1050 = arith.cmpf ogt, %add3A_1047, %gt3A_1049 : vector<16xf32>
      %mul3A_1051 = arith.constant 2.000000e-01 : f32
      %mul3A_1052 = vector.broadcast %mul3A_1051 : f32 to vector<16xf32>
      %mul3A_1053 = arith.mulf %mul3A_1052, %add3A_1047 : vector<16xf32>
      %select_n3A_1054 = arith.select %gt3A_1050, %add3A_1047, %mul3A_1053 : vector<16xi1>, vector<16xf32>
      %get3A_1055 = arith.constant 2 : i32
      %get3A_1056 = arith.index_cast %get3A_1055 : i32 to index
      %get3A_1057 = arith.constant 32 : index
      %get3A_1058 = tpu.vector_load %arg12[%get3A_1056, %get3A_1057] {strides = array<i32>} : memref<4x128xf32, #tpu.memory_space<vmem>>, vector<16xf32>,
      %add3A_1059 = arith.addf %select_n3A_1054, %get3A_1058 : vector<16xf32>
      %exp3A_1060 = math.exp %add3A_1059 : vector<16xf32>
      %swap3A_1061 = arith.constant 0 : i32
      %swap3A_1062 = arith.index_cast %swap3A_1061 : i32 to index
      %swap3A_1063 = arith.constant 32 : index
      %swap3A_1064 = tpu.vector_load %arg13[%swap3A_1062, %swap3A_1063] {strides = array<i32>} : memref<2x128xf32, #tpu.memory_space<vmem>>, vector<16xf32>,
      tpu.vector_store %arg13[%swap3A_1062, %swap3A_1063], %exp3A_1060 {strides = array<i32>} : memref<2x128xf32, #tpu.memory_space<vmem>>, vector<16xf32>,
      %get3A_1065 = arith.constant 0 : i32
      %get3A_1066 = arith.index_cast %get3A_1065 : i32 to index
      %get3A_1067 = arith.constant 48 : index
      %get3A_1068 = tpu.vector_load %arg13[%get3A_1066, %get3A_1067] {strides = array<i32>} : memref<2x128xf32, #tpu.memory_space<vmem>>, vector<16xf32>,
      %get3A_1069 = arith.constant 0 : i32
      %get3A_1070 = arith.index_cast %get3A_1069 : i32 to index
      %get3A_1071 = arith.constant 48 : index
      %get3A_1072 = tpu.vector_load %arg14[%get3A_1070, %get3A_1071] {strides = array<i32>} : memref<2x128xf32, #tpu.memory_space<vmem>>, vector<16xf32>,
      %add3A_1073 = arith.addf %get3A_1068, %get3A_1072 : vector<16xf32>
      %gt3A_1074 = arith.constant 0.000000e+00 : f32
      %gt3A_1075 = vector.broadcast %gt3A_1074 : f32 to vector<16xf32>
      %gt3A_1076 = arith.cmpf ogt, %add3A_1073, %gt3A_1075 : vector<16xf32>
      %mul3A_1077 = arith.constant 2.000000e-01 : f32
      %mul3A_1078 = vector.broadcast %mul3A_1077 : f32 to vector<16xf32>
      %mul3A_1079 = arith.mulf %mul3A_1078, %add3A_1073 : vector<16xf32>
      %select_n3A_1080 = arith.select %gt3A_1076, %add3A_1073, %mul3A_1079 : vector<16xi1>, vector<16xf32>
      %get3A_1081 = arith.constant 2 : i32
      %get3A_1082 = arith.index_cast %get3A_1081 : i32 to index
      %get3A_1083 = arith.constant 48 : index
      %get3A_1084 = tpu.vector_load %arg12[%get3A_1082, %get3A_1083] {strides = array<i32>} : memref<4x128xf32, #tpu.memory_space<vmem>>, vector<16xf32>,
      %add3A_1085 = arith.addf %select_n3A_1080, %get3A_1084 : vector<16xf32>
      %exp3A_1086 = math.exp %add3A_1085 : vector<16xf32>
      %swap3A_1087 = arith.constant 0 : i32
      %swap3A_1088 = arith.index_cast %swap3A_1087 : i32 to index
      %swap3A_1089 = arith.constant 48 : index
      %swap3A_1090 = tpu.vector_load %arg13[%swap3A_1088, %swap3A_1089] {strides = array<i32>} : memref<2x128xf32, #tpu.memory_space<vmem>>, vector<16xf32>,
      tpu.vector_store %arg13[%swap3A_1088, %swap3A_1089], %exp3A_1086 {strides = array<i32>} : memref<2x128xf32, #tpu.memory_space<vmem>>, vector<16xf32>,
      %get3A_1091 = arith.constant 0 : i32
      %get3A_1092 = arith.index_cast %get3A_1091 : i32 to index
      %get3A_1093 = arith.constant 64 : index
      %get3A_1094 = tpu.vector_load %arg13[%get3A_1092, %get3A_1093] {strides = array<i32>} : memref<2x128xf32, #tpu.memory_space<vmem>>, vector<16xf32>,
      %get3A_1095 = arith.constant 0 : i32
      %get3A_1096 = arith.index_cast %get3A_1095 : i32 to index
      %get3A_1097 = arith.constant 64 : index
      %get3A_1098 = tpu.vector_load %arg14[%get3A_1096, %get3A_1097] {strides = array<i32>} : memref<2x128xf32, #tpu.memory_space<vmem>>, vector<16xf32>,
      %add3A_1099 = arith.addf %get3A_1094, %get3A_1098 : vector<16xf32>
      %gt3A_1100 = arith.constant 0.000000e+00 : f32
      %gt3A_1101 = vector.broadcast %gt3A_1100 : f32 to vector<16xf32>
      %gt3A_1102 = arith.cmpf ogt, %add3A_1099, %gt3A_1101 : vector<16xf32>
      %mul3A_1103 = arith.constant 2.000000e-01 : f32
      %mul3A_1104 = vector.broadcast %mul3A_1103 : f32 to vector<16xf32>
      %mul3A_1105 = arith.mulf %mul3A_1104, %add3A_1099 : vector<16xf32>
      %select_n3A_1106 = arith.select %gt3A_1102, %add3A_1099, %mul3A_1105 : vector<16xi1>, vector<16xf32>
      %get3A_1107 = arith.constant 2 : i32
      %get3A_1108 = arith.index_cast %get3A_1107 : i32 to index
      %get3A_1109 = arith.constant 64 : index
      %get3A_1110 = tpu.vector_load %arg12[%get3A_1108, %get3A_1109] {strides = array<i32>} : memref<4x128xf32, #tpu.memory_space<vmem>>, vector<16xf32>,
      %add3A_1111 = arith.addf %select_n3A_1106, %get3A_1110 : vector<16xf32>
      %exp3A_1112 = math.exp %add3A_1111 : vector<16xf32>
      %swap3A_1113 = arith.constant 0 : i32
      %swap3A_1114 = arith.index_cast %swap3A_1113 : i32 to index
      %swap3A_1115 = arith.constant 64 : index
      %swap3A_1116 = tpu.vector_load %arg13[%swap3A_1114, %swap3A_1115] {strides = array<i32>} : memref<2x128xf32, #tpu.memory_space<vmem>>, vector<16xf32>,
      tpu.vector_store %arg13[%swap3A_1114, %swap3A_1115], %exp3A_1112 {strides = array<i32>} : memref<2x128xf32, #tpu.memory_space<vmem>>, vector<16xf32>,
      %get3A_1117 = arith.constant 0 : i32
      %get3A_1118 = arith.index_cast %get3A_1117 : i32 to index
      %get3A_1119 = arith.constant 80 : index
      %get3A_1120 = tpu.vector_load %arg13[%get3A_1118, %get3A_1119] {strides = array<i32>} : memref<2x128xf32, #tpu.memory_space<vmem>>, vector<16xf32>,
      %get3A_1121 = arith.constant 0 : i32
      %get3A_1122 = arith.index_cast %get3A_1121 : i32 to index
      %get3A_1123 = arith.constant 80 : index
      %get3A_1124 = tpu.vector_load %arg14[%get3A_1122, %get3A_1123] {strides = array<i32>} : memref<2x128xf32, #tpu.memory_space<vmem>>, vector<16xf32>,
      %add3A_1125 = arith.addf %get3A_1120, %get3A_1124 : vector<16xf32>
      %gt3A_1126 = arith.constant 0.000000e+00 : f32
      %gt3A_1127 = vector.broadcast %gt3A_1126 : f32 to vector<16xf32>
      %gt3A_1128 = arith.cmpf ogt, %add3A_1125, %gt3A_1127 : vector<16xf32>
      %mul3A_1129 = arith.constant 2.000000e-01 : f32
      %mul3A_1130 = vector.broadcast %mul3A_1129 : f32 to vector<16xf32>
      %mul3A_1131 = arith.mulf %mul3A_1130, %add3A_1125 : vector<16xf32>
      %select_n3A_1132 = arith.select %gt3A_1128, %add3A_1125, %mul3A_1131 : vector<16xi1>, vector<16xf32>
      %get3A_1133 = arith.constant 2 : i32
      %get3A_1134 = arith.index_cast %get3A_1133 : i32 to index
      %get3A_1135 = arith.constant 80 : index
      %get3A_1136 = tpu.vector_load %arg12[%get3A_1134, %get3A_1135] {strides = array<i32>} : memref<4x128xf32, #tpu.memory_space<vmem>>, vector<16xf32>,
      %add3A_1137 = arith.addf %select_n3A_1132, %get3A_1136 : vector<16xf32>
      %exp3A_1138 = math.exp %add3A_1137 : vector<16xf32>
      %swap3A_1139 = arith.constant 0 : i32
      %swap3A_1140 = arith.index_cast %swap3A_1139 : i32 to index
      %swap3A_1141 = arith.constant 80 : index
      %swap3A_1142 = tpu.vector_load %arg13[%swap3A_1140, %swap3A_1141] {strides = array<i32>} : memref<2x128xf32, #tpu.memory_space<vmem>>, vector<16xf32>,
      tpu.vector_store %arg13[%swap3A_1140, %swap3A_1141], %exp3A_1138 {strides = array<i32>} : memref<2x128xf32, #tpu.memory_space<vmem>>, vector<16xf32>,
      %get3A_1143 = arith.constant 0 : i32
      %get3A_1144 = arith.index_cast %get3A_1143 : i32 to index
      %get3A_1145 = arith.constant 96 : index
      %get3A_1146 = tpu.vector_load %arg13[%get3A_1144, %get3A_1145] {strides = array<i32>} : memref<2x128xf32, #tpu.memory_space<vmem>>, vector<16xf32>,
      %get3A_1147 = arith.constant 0 : i32
      %get3A_1148 = arith.index_cast %get3A_1147 : i32 to index
      %get3A_1149 = arith.constant 96 : index
      %get3A_1150 = tpu.vector_load %arg14[%get3A_1148, %get3A_1149] {strides = array<i32>} : memref<2x128xf32, #tpu.memory_space<vmem>>, vector<16xf32>,
      %add3A_1151 = arith.addf %get3A_1146, %get3A_1150 : vector<16xf32>
      %gt3A_1152 = arith.constant 0.000000e+00 : f32
      %gt3A_1153 = vector.broadcast %gt3A_1152 : f32 to vector<16xf32>
      %gt3A_1154 = arith.cmpf ogt, %add3A_1151, %gt3A_1153 : vector<16xf32>
      %mul3A_1155 = arith.constant 2.000000e-01 : f32
      %mul3A_1156 = vector.broadcast %mul3A_1155 : f32 to vector<16xf32>
      %mul3A_1157 = arith.mulf %mul3A_1156, %add3A_1151 : vector<16xf32>
      %select_n3A_1158 = arith.select %gt3A_1154, %add3A_1151, %mul3A_1157 : vector<16xi1>, vector<16xf32>
      %get3A_1159 = arith.constant 2 : i32
      %get3A_1160 = arith.index_cast %get3A_1159 : i32 to index
      %get3A_1161 = arith.constant 96 : index
      %get3A_1162 = tpu.vector_load %arg12[%get3A_1160, %get3A_1161] {strides = array<i32>} : memref<4x128xf32, #tpu.memory_space<vmem>>, vector<16xf32>,
      %add3A_1163 = arith.addf %select_n3A_1158, %get3A_1162 : vector<16xf32>
      %exp3A_1164 = math.exp %add3A_1163 : vector<16xf32>
      %swap3A_1165 = arith.constant 0 : i32
      %swap3A_1166 = arith.index_cast %swap3A_1165 : i32 to index
      %swap3A_1167 = arith.constant 96 : index
      %swap3A_1168 = tpu.vector_load %arg13[%swap3A_1166, %swap3A_1167] {strides = array<i32>} : memref<2x128xf32, #tpu.memory_space<vmem>>, vector<16xf32>,
      tpu.vector_store %arg13[%swap3A_1166, %swap3A_1167], %exp3A_1164 {strides = array<i32>} : memref<2x128xf32, #tpu.memory_space<vmem>>, vector<16xf32>,
      %get3A_1169 = arith.constant 0 : i32
      %get3A_1170 = arith.index_cast %get3A_1169 : i32 to index
      %get3A_1171 = arith.constant 112 : index
      %get3A_1172 = tpu.vector_load %arg13[%get3A_1170, %get3A_1171] {strides = array<i32>} : memref<2x128xf32, #tpu.memory_space<vmem>>, vector<16xf32>,
      %get3A_1173 = arith.constant 0 : i32
      %get3A_1174 = arith.index_cast %get3A_1173 : i32 to index
      %get3A_1175 = arith.constant 112 : index
      %get3A_1176 = tpu.vector_load %arg14[%get3A_1174, %get3A_1175] {strides = array<i32>} : memref<2x128xf32, #tpu.memory_space<vmem>>, vector<16xf32>,
      %add3A_1177 = arith.addf %get3A_1172, %get3A_1176 : vector<16xf32>
      %gt3A_1178 = arith.constant 0.000000e+00 : f32
      %gt3A_1179 = vector.broadcast %gt3A_1178 : f32 to vector<16xf32>
      %gt3A_1180 = arith.cmpf ogt, %add3A_1177, %gt3A_1179 : vector<16xf32>
      %mul3A_1181 = arith.constant 2.000000e-01 : f32
      %mul3A_1182 = vector.broadcast %mul3A_1181 : f32 to vector<16xf32>
      %mul3A_1183 = arith.mulf %mul3A_1182, %add3A_1177 : vector<16xf32>
      %select_n3A_1184 = arith.select %gt3A_1180, %add3A_1177, %mul3A_1183 : vector<16xi1>, vector<16xf32>
      %get3A_1185 = arith.constant 2 : i32
      %get3A_1186 = arith.index_cast %get3A_1185 : i32 to index
      %get3A_1187 = arith.constant 112 : index
      %get3A_1188 = tpu.vector_load %arg12[%get3A_1186, %get3A_1187] {strides = array<i32>} : memref<4x128xf32, #tpu.memory_space<vmem>>, vector<16xf32>,
      %add3A_1189 = arith.addf %select_n3A_1184, %get3A_1188 : vector<16xf32>
      %exp3A_1190 = math.exp %add3A_1189 : vector<16xf32>
      %swap3A_1191 = arith.constant 0 : i32
      %swap3A_1192 = arith.index_cast %swap3A_1191 : i32 to index
      %swap3A_1193 = arith.constant 112 : index
      %swap3A_1194 = tpu.vector_load %arg13[%swap3A_1192, %swap3A_1193] {strides = array<i32>} : memref<2x128xf32, #tpu.memory_space<vmem>>, vector<16xf32>,
      tpu.vector_store %arg13[%swap3A_1192, %swap3A_1193], %exp3A_1190 {strides = array<i32>} : memref<2x128xf32, #tpu.memory_space<vmem>>, vector<16xf32>,
      %dma_start3A_1195 = arith.constant 0 : i32
      %dma_start3A_1196 = arith.constant 2 : i32
      %dma_start3A_1197 = arith.constant 0 : i32
      %dma_start3A_1198 = arith.constant 0 : i32
      %dma_start3A_1199 = tpu.memref_slice %arg13[%dma_start3A_1195, %dma_start3A_1198] : memref<2x128xf32, #tpu.memory_space<vmem>> -> memref<1x128xf32, #tpu.memory_space<vmem>>
      %dma_start3A_1200 = tpu.memref_squeeze %dma_start3A_1199 : memref<1x128xf32, #tpu.memory_space<vmem>> -> memref<128xf32, #tpu.memory_space<vmem>>
      %dma_start3A_1201 = arith.constant 0 : i32
      %dma_start3A_1202 = tpu.memref_slice %arg11[%dma_start3A_1196, %dma_start3A_1201] : memref<4x128xi32, #tpu.memory_space<vmem>> -> memref<1x128xi32, #tpu.memory_space<vmem>>
      %dma_start3A_1203 = tpu.memref_squeeze %dma_start3A_1202 : memref<1x128xi32, #tpu.memory_space<vmem>> -> memref<128xi32, #tpu.memory_space<vmem>>
      %dma_start3A_1204 = arith.constant 0 : i32
      %dma_start3A_1205 = tpu.memref_slice %arg18[%dma_start3A_1204] : memref<10240xf32, #tpu.memory_space<vmem_shared>> -> memref<10240xf32, #tpu.memory_space<vmem_shared>>
      %dma_start3A_1206 = tpu.memref_slice %arg22[%dma_start3A_1197] : memref<2x!tpu.dma_semaphore, #tpu.memory_space<semaphore_mem>> -> memref<1x!tpu.dma_semaphore, #tpu.memory_space<semaphore_mem>>
      %dma_start3A_1207 = tpu.memref_squeeze %dma_start3A_1206 : memref<1x!tpu.dma_semaphore, #tpu.memory_space<semaphore_mem>> -> memref<!tpu.dma_semaphore, #tpu.memory_space<semaphore_mem>>
      tpu.enqueue_indirect_dma source(%dma_start3A_1200 : memref<128xf32, #tpu.memory_space<vmem>>) target(%dma_start3A_1205 : memref<10240xf32, #tpu.memory_space<vmem_shared>>) offsets(%dma_start3A_1203 : memref<128xi32, #tpu.memory_space<vmem>>) semaphore(%dma_start3A_1207 : memref<!tpu.dma_semaphore, #tpu.memory_space<semaphore_mem>>) {add = true}
      %dma_wait3A_1208 = arith.constant 2 : i32
      %dma_wait3A_1209 = arith.constant 0 : i32
      %dma_wait3A_1210 = arith.constant 0 : i32
      %dma_wait3A_1211 = arith.constant 0 : i32
      %dma_wait3A_1212 = arith.constant 0 : i32
      %dma_wait3A_1213 = tpu.memref_slice %arg15[%dma_wait3A_1209, %dma_wait3A_1211, %dma_wait3A_1212] : memref<2x128x128xbf16, #tpu.memory_space<vmem>> -> memref<1x128x128xbf16, #tpu.memory_space<vmem>>
      %dma_wait3A_1214 = tpu.memref_squeeze %dma_wait3A_1213 : memref<1x128x128xbf16, #tpu.memory_space<vmem>> -> memref<128x128xbf16, #tpu.memory_space<vmem>>
      %dma_wait3A_1215 = arith.constant 0 : i32
      %dma_wait3A_1216 = tpu.memref_slice %arg10[%dma_wait3A_1208, %dma_wait3A_1215] : memref<4x128xi32, #tpu.memory_space<vmem>> -> memref<1x128xi32, #tpu.memory_space<vmem>>
      %dma_wait3A_1217 = tpu.memref_squeeze %dma_wait3A_1216 : memref<1x128xi32, #tpu.memory_space<vmem>> -> memref<128xi32, #tpu.memory_space<vmem>>
      %dma_wait3A_1218 = arith.constant 0 : i32
      %dma_wait3A_1219 = arith.constant 0 : i32
      %dma_wait3A_1220 = tpu.memref_slice %arg2[%dma_wait3A_1218, %dma_wait3A_1219] : memref<10000x128xbf16, #tpu.memory_space<hbm>> -> memref<10000x128xbf16, #tpu.memory_space<hbm>>
      %dma_wait3A_1221 = tpu.memref_slice %arg21[%dma_wait3A_1210] : memref<2x!tpu.dma_semaphore, #tpu.memory_space<semaphore_mem>> -> memref<1x!tpu.dma_semaphore, #tpu.memory_space<semaphore_mem>>
      %dma_wait3A_1222 = tpu.memref_squeeze %dma_wait3A_1221 : memref<1x!tpu.dma_semaphore, #tpu.memory_space<semaphore_mem>> -> memref<!tpu.dma_semaphore, #tpu.memory_space<semaphore_mem>>
      tpu.wait_indirect_dma semaphore(%dma_wait3A_1222 : memref<!tpu.dma_semaphore, #tpu.memory_space<semaphore_mem>>) src(%dma_wait3A_1220 : memref<10000x128xbf16, #tpu.memory_space<hbm>>) dst(%dma_wait3A_1214 : memref<128x128xbf16, #tpu.memory_space<vmem>>)
      %ge3A_1223 = arith.constant 1 : i32
      %ge3A_1224 = arith.cmpi sge, %add3A_934, %ge3A_1223 : i32
      %convert_element_type3A_1225 = arith.extui %ge3A_1224 : i1 to i32
      %cond3A_1226 = arith.constant 0 : i32
      %cond3A_1227 = arith.cmpi ne, %convert_element_type3A_1225, %cond3A_1226 : i32
      scf.if %cond3A_1227 {
        %dma_wait3A_1567 = arith.constant 1 : i32
        %dma_wait3A_1568 = arith.constant 0 : i32
        %dma_wait3A_1569 = arith.constant 0 : i32
        %dma_wait3A_1570 = tpu.memref_slice %arg11[%dma_wait3A_1567, %dma_wait3A_1569] : memref<4x128xi32, #tpu.memory_space<vmem>> -> memref<1x128xi32, #tpu.memory_space<vmem>>
        %dma_wait3A_1571 = tpu.memref_squeeze %dma_wait3A_1570 : memref<1x128xi32, #tpu.memory_space<vmem>> -> memref<128xi32, #tpu.memory_space<vmem>>
        %dma_wait3A_1572 = arith.constant 0 : i32
        %dma_wait3A_1573 = arith.constant 0 : i32
        %dma_wait3A_1574 = tpu.memref_slice %arg17[%dma_wait3A_1572, %dma_wait3A_1573] : memref<10240x128xf32, #tpu.memory_space<vmem_shared>> -> memref<10240x128xf32, #tpu.memory_space<vmem_shared>>
        %dma_wait3A_1575 = tpu.memref_slice %arg23[%dma_wait3A_1568] : memref<2x!tpu.dma_semaphore, #tpu.memory_space<semaphore_mem>> -> memref<1x!tpu.dma_semaphore, #tpu.memory_space<semaphore_mem>>
        %dma_wait3A_1576 = tpu.memref_squeeze %dma_wait3A_1575 : memref<1x!tpu.dma_semaphore, #tpu.memory_space<semaphore_mem>> -> memref<!tpu.dma_semaphore, #tpu.memory_space<semaphore_mem>>
        tpu.wait_indirect_dma semaphore(%dma_wait3A_1576 : memref<!tpu.dma_semaphore, #tpu.memory_space<semaphore_mem>>) src(%arg16 : memref<128x128xf32, #tpu.memory_space<vmem>>) dst(%dma_wait3A_1574 : memref<10240x128xf32, #tpu.memory_space<vmem_shared>>)
      } else {
      }
      %scan3A_1228 = arith.constant 0 : i32
      %scan3A_1229 = arith.constant 128 : i32
      %scan3A_1230 = arith.addi %scan3A_1228, %scan3A_1229 : i32
      %scan3A_1231 = arith.constant 1 : i32
      scf.for %scan3A_1567 = %scan3A_1228 to %scan3A_1230 step %scan3A_1231  : i32 {
        %mul3A_1568 = arith.constant 1 : i32
        %mul3A_1569 = arith.muli %scan3A_1567, %mul3A_1568 : i32
        %add3A_1570 = arith.constant 0 : i32
        %add3A_1571 = arith.addi %add3A_1570, %mul3A_1569 : i32
        %broadcast_in_dim3A = arith.constant 0 : i32
        %broadcast_in_dim3A_1572 = vector.broadcast %broadcast_in_dim3A : i32 to vector<16xi32>
        %broadcast_in_dim3A_1573 = vector.broadcast %add3A_1571 : i32 to vector<16xi32>
        %gather3A = tpu.vector_load_idx %arg13[%broadcast_in_dim3A_1572, %broadcast_in_dim3A_1573] : memref<2x128xf32, #tpu.memory_space<vmem>>[vector<16xi32>, vector<16xi32>], vector<16xf32>,
        %get3A_1574 = arith.constant 0 : i32
        %get3A_1575 = arith.index_cast %get3A_1574 : i32 to index
        %get3A_1576 = arith.index_cast %add3A_1571 : i32 to index
        %get3A_1577 = arith.constant 0 : index
        %get3A_1578 = tpu.vector_load %arg15[%get3A_1575, %get3A_1576, %get3A_1577] {strides = array<i32>} : memref<2x128x128xbf16, #tpu.memory_space<vmem>>, vector<32xbf16>,
        %bitcast3A = vector.bitcast %get3A_1578 : vector<32xbf16> to vector<16xi32>
        %shift_left3A = arith.constant 16 : i32
        %shift_left3A_1579 = vector.broadcast %shift_left3A : i32 to vector<16xi32>
        %shift_left3A_1580 = arith.shli %bitcast3A, %shift_left3A_1579 : vector<16xi32>
        %bitcast3A_1581 = vector.bitcast %shift_left3A_1580 : vector<16xi32> to vector<16xf32>
        %and3A = arith.constant -65536 : i32
        %and3A_1582 = vector.broadcast %and3A : i32 to vector<16xi32>
        %and3A_1583 = arith.andi %bitcast3A, %and3A_1582 : vector<16xi32>
        %bitcast3A_1584 = vector.bitcast %and3A_1583 : vector<16xi32> to vector<16xf32>
        %mul3A_1585 = arith.mulf %bitcast3A_1581, %gather3A : vector<16xf32>
        %swap3A_1586 = arith.index_cast %add3A_1571 : i32 to index
        %swap3A_1587 = arith.constant 0 : index
        %swap3A_1588 = tpu.vector_load %arg16[%swap3A_1586, %swap3A_1587] {strides = array<i32>} : memref<128x128xf32, #tpu.memory_space<vmem>>, vector<16xf32>,
        tpu.vector_store %arg16[%swap3A_1586, %swap3A_1587], %mul3A_1585 {strides = array<i32>} : memref<128x128xf32, #tpu.memory_space<vmem>>, vector<16xf32>,
        %mul3A_1589 = arith.mulf %bitcast3A_1584, %gather3A : vector<16xf32>
        %swap3A_1590 = arith.index_cast %add3A_1571 : i32 to index
        %swap3A_1591 = arith.constant 16 : index
        %swap3A_1592 = tpu.vector_load %arg16[%swap3A_1590, %swap3A_1591] {strides = array<i32>} : memref<128x128xf32, #tpu.memory_space<vmem>>, vector<16xf32>,
        tpu.vector_store %arg16[%swap3A_1590, %swap3A_1591], %mul3A_1589 {strides = array<i32>} : memref<128x128xf32, #tpu.memory_space<vmem>>, vector<16xf32>,
        %get3A_1593 = arith.constant 0 : i32
        %get3A_1594 = arith.index_cast %get3A_1593 : i32 to index
        %get3A_1595 = arith.index_cast %add3A_1571 : i32 to index
        %get3A_1596 = arith.constant 32 : index
        %get3A_1597 = tpu.vector_load %arg15[%get3A_1594, %get3A_1595, %get3A_1596] {strides = array<i32>} : memref<2x128x128xbf16, #tpu.memory_space<vmem>>, vector<32xbf16>,
        %bitcast3A_1598 = vector.bitcast %get3A_1597 : vector<32xbf16> to vector<16xi32>
        %shift_left3A_1599 = arith.constant 16 : i32
        %shift_left3A_1600 = vector.broadcast %shift_left3A_1599 : i32 to vector<16xi32>
        %shift_left3A_1601 = arith.shli %bitcast3A_1598, %shift_left3A_1600 : vector<16xi32>
        %bitcast3A_1602 = vector.bitcast %shift_left3A_1601 : vector<16xi32> to vector<16xf32>
        %and3A_1603 = arith.constant -65536 : i32
        %and3A_1604 = vector.broadcast %and3A_1603 : i32 to vector<16xi32>
        %and3A_1605 = arith.andi %bitcast3A_1598, %and3A_1604 : vector<16xi32>
        %bitcast3A_1606 = vector.bitcast %and3A_1605 : vector<16xi32> to vector<16xf32>
        %mul3A_1607 = arith.mulf %bitcast3A_1602, %gather3A : vector<16xf32>
        %swap3A_1608 = arith.index_cast %add3A_1571 : i32 to index
        %swap3A_1609 = arith.constant 32 : index
        %swap3A_1610 = tpu.vector_load %arg16[%swap3A_1608, %swap3A_1609] {strides = array<i32>} : memref<128x128xf32, #tpu.memory_space<vmem>>, vector<16xf32>,
        tpu.vector_store %arg16[%swap3A_1608, %swap3A_1609], %mul3A_1607 {strides = array<i32>} : memref<128x128xf32, #tpu.memory_space<vmem>>, vector<16xf32>,
        %mul3A_1611 = arith.mulf %bitcast3A_1606, %gather3A : vector<16xf32>
        %swap3A_1612 = arith.index_cast %add3A_1571 : i32 to index
        %swap3A_1613 = arith.constant 48 : index
        %swap3A_1614 = tpu.vector_load %arg16[%swap3A_1612, %swap3A_1613] {strides = array<i32>} : memref<128x128xf32, #tpu.memory_space<vmem>>, vector<16xf32>,
        tpu.vector_store %arg16[%swap3A_1612, %swap3A_1613], %mul3A_1611 {strides = array<i32>} : memref<128x128xf32, #tpu.memory_space<vmem>>, vector<16xf32>,
        %get3A_1615 = arith.constant 0 : i32
        %get3A_1616 = arith.index_cast %get3A_1615 : i32 to index
        %get3A_1617 = arith.index_cast %add3A_1571 : i32 to index
        %get3A_1618 = arith.constant 64 : index
        %get3A_1619 = tpu.vector_load %arg15[%get3A_1616, %get3A_1617, %get3A_1618] {strides = array<i32>} : memref<2x128x128xbf16, #tpu.memory_space<vmem>>, vector<32xbf16>,
        %bitcast3A_1620 = vector.bitcast %get3A_1619 : vector<32xbf16> to vector<16xi32>
        %shift_left3A_1621 = arith.constant 16 : i32
        %shift_left3A_1622 = vector.broadcast %shift_left3A_1621 : i32 to vector<16xi32>
        %shift_left3A_1623 = arith.shli %bitcast3A_1620, %shift_left3A_1622 : vector<16xi32>
        %bitcast3A_1624 = vector.bitcast %shift_left3A_1623 : vector<16xi32> to vector<16xf32>
        %and3A_1625 = arith.constant -65536 : i32
        %and3A_1626 = vector.broadcast %and3A_1625 : i32 to vector<16xi32>
        %and3A_1627 = arith.andi %bitcast3A_1620, %and3A_1626 : vector<16xi32>
        %bitcast3A_1628 = vector.bitcast %and3A_1627 : vector<16xi32> to vector<16xf32>
        %mul3A_1629 = arith.mulf %bitcast3A_1624, %gather3A : vector<16xf32>
        %swap3A_1630 = arith.index_cast %add3A_1571 : i32 to index
        %swap3A_1631 = arith.constant 64 : index
        %swap3A_1632 = tpu.vector_load %arg16[%swap3A_1630, %swap3A_1631] {strides = array<i32>} : memref<128x128xf32, #tpu.memory_space<vmem>>, vector<16xf32>,
        tpu.vector_store %arg16[%swap3A_1630, %swap3A_1631], %mul3A_1629 {strides = array<i32>} : memref<128x128xf32, #tpu.memory_space<vmem>>, vector<16xf32>,
        %mul3A_1633 = arith.mulf %bitcast3A_1628, %gather3A : vector<16xf32>
        %swap3A_1634 = arith.index_cast %add3A_1571 : i32 to index
        %swap3A_1635 = arith.constant 80 : index
        %swap3A_1636 = tpu.vector_load %arg16[%swap3A_1634, %swap3A_1635] {strides = array<i32>} : memref<128x128xf32, #tpu.memory_space<vmem>>, vector<16xf32>,
        tpu.vector_store %arg16[%swap3A_1634, %swap3A_1635], %mul3A_1633 {strides = array<i32>} : memref<128x128xf32, #tpu.memory_space<vmem>>, vector<16xf32>,
        %get3A_1637 = arith.constant 0 : i32
        %get3A_1638 = arith.index_cast %get3A_1637 : i32 to index
        %get3A_1639 = arith.index_cast %add3A_1571 : i32 to index
        %get3A_1640 = arith.constant 96 : index
        %get3A_1641 = tpu.vector_load %arg15[%get3A_1638, %get3A_1639, %get3A_1640] {strides = array<i32>} : memref<2x128x128xbf16, #tpu.memory_space<vmem>>, vector<32xbf16>,
        %bitcast3A_1642 = vector.bitcast %get3A_1641 : vector<32xbf16> to vector<16xi32>
        %shift_left3A_1643 = arith.constant 16 : i32
        %shift_left3A_1644 = vector.broadcast %shift_left3A_1643 : i32 to vector<16xi32>
        %shift_left3A_1645 = arith.shli %bitcast3A_1642, %shift_left3A_1644 : vector<16xi32>
        %bitcast3A_1646 = vector.bitcast %shift_left3A_1645 : vector<16xi32> to vector<16xf32>
        %and3A_1647 = arith.constant -65536 : i32
        %and3A_1648 = vector.broadcast %and3A_1647 : i32 to vector<16xi32>
        %and3A_1649 = arith.andi %bitcast3A_1642, %and3A_1648 : vector<16xi32>
        %bitcast3A_1650 = vector.bitcast %and3A_1649 : vector<16xi32> to vector<16xf32>
        %mul3A_1651 = arith.mulf %bitcast3A_1646, %gather3A : vector<16xf32>
        %swap3A_1652 = arith.index_cast %add3A_1571 : i32 to index
        %swap3A_1653 = arith.constant 96 : index
        %swap3A_1654 = tpu.vector_load %arg16[%swap3A_1652, %swap3A_1653] {strides = array<i32>} : memref<128x128xf32, #tpu.memory_space<vmem>>, vector<16xf32>,
        tpu.vector_store %arg16[%swap3A_1652, %swap3A_1653], %mul3A_1651 {strides = array<i32>} : memref<128x128xf32, #tpu.memory_space<vmem>>, vector<16xf32>,
        %mul3A_1655 = arith.mulf %bitcast3A_1650, %gather3A : vector<16xf32>
        %swap3A_1656 = arith.index_cast %add3A_1571 : i32 to index
        %swap3A_1657 = arith.constant 112 : index
        %swap3A_1658 = tpu.vector_load %arg16[%swap3A_1656, %swap3A_1657] {strides = array<i32>} : memref<128x128xf32, #tpu.memory_space<vmem>>, vector<16xf32>,
        tpu.vector_store %arg16[%swap3A_1656, %swap3A_1657], %mul3A_1655 {strides = array<i32>} : memref<128x128xf32, #tpu.memory_space<vmem>>, vector<16xf32>,
      }
      %scan3A_1232 = arith.constant 128 : i32
      %dma_start3A_1233 = arith.constant 2 : i32
      %dma_start3A_1234 = arith.constant 0 : i32
      %dma_start3A_1235 = arith.constant 0 : i32
      %dma_start3A_1236 = tpu.memref_slice %arg11[%dma_start3A_1233, %dma_start3A_1235] : memref<4x128xi32, #tpu.memory_space<vmem>> -> memref<1x128xi32, #tpu.memory_space<vmem>>
      %dma_start3A_1237 = tpu.memref_squeeze %dma_start3A_1236 : memref<1x128xi32, #tpu.memory_space<vmem>> -> memref<128xi32, #tpu.memory_space<vmem>>
      %dma_start3A_1238 = arith.constant 0 : i32
      %dma_start3A_1239 = arith.constant 0 : i32
      %dma_start3A_1240 = tpu.memref_slice %arg17[%dma_start3A_1238, %dma_start3A_1239] : memref<10240x128xf32, #tpu.memory_space<vmem_shared>> -> memref<10240x128xf32, #tpu.memory_space<vmem_shared>>
      %dma_start3A_1241 = tpu.memref_slice %arg23[%dma_start3A_1234] : memref<2x!tpu.dma_semaphore, #tpu.memory_space<semaphore_mem>> -> memref<1x!tpu.dma_semaphore, #tpu.memory_space<semaphore_mem>>
      %dma_start3A_1242 = tpu.memref_squeeze %dma_start3A_1241 : memref<1x!tpu.dma_semaphore, #tpu.memory_space<semaphore_mem>> -> memref<!tpu.dma_semaphore, #tpu.memory_space<semaphore_mem>>
      tpu.enqueue_indirect_dma source(%arg16 : memref<128x128xf32, #tpu.memory_space<vmem>>) target(%dma_start3A_1240 : memref<10240x128xf32, #tpu.memory_space<vmem_shared>>) offsets(%dma_start3A_1237 : memref<128xi32, #tpu.memory_space<vmem>>) semaphore(%dma_start3A_1242 : memref<!tpu.dma_semaphore, #tpu.memory_space<semaphore_mem>>) {add = true}
      %add3A_1243 = arith.constant 3 : i32
      %add3A_1244 = arith.addi %add3A_934, %add3A_1243 : i32
      %lt3A_1245 = arith.constant 80 : i32
      %lt3A_1246 = arith.cmpi slt, %add3A_1244, %lt3A_1245 : i32
      %convert_element_type3A_1247 = arith.extui %lt3A_1246 : i1 to i32
      %cond3A_1248 = arith.constant 0 : i32
      %cond3A_1249 = arith.cmpi ne, %convert_element_type3A_1247, %cond3A_1248 : i32
      scf.if %cond3A_1249 {
        %add3A_1567 = arith.constant 3 : i32
        %add3A_1568 = arith.addi %add3A_934, %add3A_1567 : i32
        %dma_start3A_1569 = arith.constant 1 : i32
        %dma_start3A_1570 = arith.constant 1 : i32
        %dma_start3A_1571 = arith.constant 0 : i32
        %dma_start3A_1572 = tpu.memref_slice %arg10[%dma_start3A_1569, %dma_start3A_1571] : memref<4x128xi32, #tpu.memory_space<vmem>> -> memref<1x128xi32, #tpu.memory_space<vmem>>
        %dma_start3A_1573 = tpu.memref_squeeze %dma_start3A_1572 : memref<1x128xi32, #tpu.memory_space<vmem>> -> memref<128xi32, #tpu.memory_space<vmem>>
        %dma_start3A_1574 = arith.constant 0 : i32
        %dma_start3A_1575 = tpu.memref_slice %arg5[%add3A, %add3A_1568, %dma_start3A_1574] : memref<32x80x128xi32, #tpu.memory_space<hbm>> -> memref<1x1x128xi32, #tpu.memory_space<hbm>>
        %dma_start3A_1576 = tpu.memref_squeeze %dma_start3A_1575 : memref<1x1x128xi32, #tpu.memory_space<hbm>> -> memref<128xi32, #tpu.memory_space<hbm>>
        %dma_start3A_1577 = tpu.memref_slice %arg19[%dma_start3A_1570] : memref<4x!tpu.dma_semaphore, #tpu.memory_space<semaphore_mem>> -> memref<1x!tpu.dma_semaphore, #tpu.memory_space<semaphore_mem>>
        %dma_start3A_1578 = tpu.memref_squeeze %dma_start3A_1577 : memref<1x!tpu.dma_semaphore, #tpu.memory_space<semaphore_mem>> -> memref<!tpu.dma_semaphore, #tpu.memory_space<semaphore_mem>>
        %dma_start3A_1579 = arith.constant 0 : i32
        %dma_start3A_1580 = tpu.memref_slice %arg10[%dma_start3A_1569, %dma_start3A_1579] : memref<4x128xi32, #tpu.memory_space<vmem>> -> memref<1x128xi32, #tpu.memory_space<vmem>>
        %dma_start3A_1581 = tpu.memref_squeeze %dma_start3A_1580 : memref<1x128xi32, #tpu.memory_space<vmem>> -> memref<128xi32, #tpu.memory_space<vmem>>
        %dma_start3A_1582 = arith.constant 0 : i32
        %dma_start3A_1583 = tpu.memref_slice %arg5[%add3A, %add3A_1568, %dma_start3A_1582] : memref<32x80x128xi32, #tpu.memory_space<hbm>> -> memref<1x1x128xi32, #tpu.memory_space<hbm>>
        %dma_start3A_1584 = tpu.memref_squeeze %dma_start3A_1583 : memref<1x1x128xi32, #tpu.memory_space<hbm>> -> memref<128xi32, #tpu.memory_space<hbm>>
        tpu.enqueue_dma source(%dma_start3A_1584 : memref<128xi32, #tpu.memory_space<hbm>>) target(%dma_start3A_1581 : memref<128xi32, #tpu.memory_space<vmem>>) target_semaphore(%dma_start3A_1578 : memref<!tpu.dma_semaphore, #tpu.memory_space<semaphore_mem>>)
        %dma_start3A_1585 = arith.constant 1 : i32
        %dma_start3A_1586 = arith.constant 1 : i32
        %dma_start3A_1587 = arith.constant 0 : i32
        %dma_start3A_1588 = tpu.memref_slice %arg11[%dma_start3A_1585, %dma_start3A_1587] : memref<4x128xi32, #tpu.memory_space<vmem>> -> memref<1x128xi32, #tpu.memory_space<vmem>>
        %dma_start3A_1589 = tpu.memref_squeeze %dma_start3A_1588 : memref<1x128xi32, #tpu.memory_space<vmem>> -> memref<128xi32, #tpu.memory_space<vmem>>
        %dma_start3A_1590 = arith.constant 0 : i32
        %dma_start3A_1591 = tpu.memref_slice %arg6[%add3A, %add3A_1568, %dma_start3A_1590] : memref<32x80x128xi32, #tpu.memory_space<hbm>> -> memref<1x1x128xi32, #tpu.memory_space<hbm>>
        %dma_start3A_1592 = tpu.memref_squeeze %dma_start3A_1591 : memref<1x1x128xi32, #tpu.memory_space<hbm>> -> memref<128xi32, #tpu.memory_space<hbm>>
        %dma_start3A_1593 = tpu.memref_slice %arg19[%dma_start3A_1586] : memref<4x!tpu.dma_semaphore, #tpu.memory_space<semaphore_mem>> -> memref<1x!tpu.dma_semaphore, #tpu.memory_space<semaphore_mem>>
        %dma_start3A_1594 = tpu.memref_squeeze %dma_start3A_1593 : memref<1x!tpu.dma_semaphore, #tpu.memory_space<semaphore_mem>> -> memref<!tpu.dma_semaphore, #tpu.memory_space<semaphore_mem>>
        %dma_start3A_1595 = arith.constant 0 : i32
        %dma_start3A_1596 = tpu.memref_slice %arg11[%dma_start3A_1585, %dma_start3A_1595] : memref<4x128xi32, #tpu.memory_space<vmem>> -> memref<1x128xi32, #tpu.memory_space<vmem>>
        %dma_start3A_1597 = tpu.memref_squeeze %dma_start3A_1596 : memref<1x128xi32, #tpu.memory_space<vmem>> -> memref<128xi32, #tpu.memory_space<vmem>>
        %dma_start3A_1598 = arith.constant 0 : i32
        %dma_start3A_1599 = tpu.memref_slice %arg6[%add3A, %add3A_1568, %dma_start3A_1598] : memref<32x80x128xi32, #tpu.memory_space<hbm>> -> memref<1x1x128xi32, #tpu.memory_space<hbm>>
        %dma_start3A_1600 = tpu.memref_squeeze %dma_start3A_1599 : memref<1x1x128xi32, #tpu.memory_space<hbm>> -> memref<128xi32, #tpu.memory_space<hbm>>
        tpu.enqueue_dma source(%dma_start3A_1600 : memref<128xi32, #tpu.memory_space<hbm>>) target(%dma_start3A_1597 : memref<128xi32, #tpu.memory_space<vmem>>) target_semaphore(%dma_start3A_1594 : memref<!tpu.dma_semaphore, #tpu.memory_space<semaphore_mem>>)
        %dma_start3A_1601 = arith.constant 1 : i32
        %dma_start3A_1602 = arith.constant 1 : i32
        %dma_start3A_1603 = arith.constant 0 : i32
        %dma_start3A_1604 = tpu.memref_slice %arg12[%dma_start3A_1601, %dma_start3A_1603] : memref<4x128xf32, #tpu.memory_space<vmem>> -> memref<1x128xf32, #tpu.memory_space<vmem>>
        %dma_start3A_1605 = tpu.memref_squeeze %dma_start3A_1604 : memref<1x128xf32, #tpu.memory_space<vmem>> -> memref<128xf32, #tpu.memory_space<vmem>>
        %dma_start3A_1606 = arith.constant 0 : i32
        %dma_start3A_1607 = tpu.memref_slice %arg7[%add3A, %add3A_1568, %dma_start3A_1606] : memref<32x80x128xf32, #tpu.memory_space<hbm>> -> memref<1x1x128xf32, #tpu.memory_space<hbm>>
        %dma_start3A_1608 = tpu.memref_squeeze %dma_start3A_1607 : memref<1x1x128xf32, #tpu.memory_space<hbm>> -> memref<128xf32, #tpu.memory_space<hbm>>
        %dma_start3A_1609 = tpu.memref_slice %arg19[%dma_start3A_1602] : memref<4x!tpu.dma_semaphore, #tpu.memory_space<semaphore_mem>> -> memref<1x!tpu.dma_semaphore, #tpu.memory_space<semaphore_mem>>
        %dma_start3A_1610 = tpu.memref_squeeze %dma_start3A_1609 : memref<1x!tpu.dma_semaphore, #tpu.memory_space<semaphore_mem>> -> memref<!tpu.dma_semaphore, #tpu.memory_space<semaphore_mem>>
        %dma_start3A_1611 = arith.constant 0 : i32
        %dma_start3A_1612 = tpu.memref_slice %arg12[%dma_start3A_1601, %dma_start3A_1611] : memref<4x128xf32, #tpu.memory_space<vmem>> -> memref<1x128xf32, #tpu.memory_space<vmem>>
        %dma_start3A_1613 = tpu.memref_squeeze %dma_start3A_1612 : memref<1x128xf32, #tpu.memory_space<vmem>> -> memref<128xf32, #tpu.memory_space<vmem>>
        %dma_start3A_1614 = arith.constant 0 : i32
        %dma_start3A_1615 = tpu.memref_slice %arg7[%add3A, %add3A_1568, %dma_start3A_1614] : memref<32x80x128xf32, #tpu.memory_space<hbm>> -> memref<1x1x128xf32, #tpu.memory_space<hbm>>
        %dma_start3A_1616 = tpu.memref_squeeze %dma_start3A_1615 : memref<1x1x128xf32, #tpu.memory_space<hbm>> -> memref<128xf32, #tpu.memory_space<hbm>>
        tpu.enqueue_dma source(%dma_start3A_1616 : memref<128xf32, #tpu.memory_space<hbm>>) target(%dma_start3A_1613 : memref<128xf32, #tpu.memory_space<vmem>>) target_semaphore(%dma_start3A_1610 : memref<!tpu.dma_semaphore, #tpu.memory_space<semaphore_mem>>)
      } else {
      }
      %add3A_1250 = arith.constant 3 : i32
      %add3A_1251 = arith.addi %add3A_307, %add3A_1250 : i32
      %add3A_1252 = arith.constant 1 : i32
      %add3A_1253 = arith.addi %add3A_1251, %add3A_1252 : i32
      %lt3A_1254 = arith.constant 80 : i32
      %lt3A_1255 = arith.cmpi slt, %add3A_1253, %lt3A_1254 : i32
      %convert_element_type3A_1256 = arith.extui %lt3A_1255 : i1 to i32
      %cond3A_1257 = arith.constant 0 : i32
      %cond3A_1258 = arith.cmpi ne, %convert_element_type3A_1256, %cond3A_1257 : i32
      scf.if %cond3A_1258 {
        %add3A_1567 = arith.constant 1 : i32
        %add3A_1568 = arith.addi %add3A_1251, %add3A_1567 : i32
        %dma_wait3A_1569 = arith.constant 0 : i32
        %dma_wait3A_1570 = arith.constant 0 : i32
        %dma_wait3A_1571 = arith.constant 0 : i32
        %dma_wait3A_1572 = tpu.memref_slice %arg10[%dma_wait3A_1569, %dma_wait3A_1571] : memref<4x128xi32, #tpu.memory_space<vmem>> -> memref<1x128xi32, #tpu.memory_space<vmem>>
        %dma_wait3A_1573 = tpu.memref_squeeze %dma_wait3A_1572 : memref<1x128xi32, #tpu.memory_space<vmem>> -> memref<128xi32, #tpu.memory_space<vmem>>
        %dma_wait3A_1574 = arith.constant 0 : i32
        %dma_wait3A_1575 = tpu.memref_slice %arg5[%add3A, %add3A_1568, %dma_wait3A_1574] : memref<32x80x128xi32, #tpu.memory_space<hbm>> -> memref<1x1x128xi32, #tpu.memory_space<hbm>>
        %dma_wait3A_1576 = tpu.memref_squeeze %dma_wait3A_1575 : memref<1x1x128xi32, #tpu.memory_space<hbm>> -> memref<128xi32, #tpu.memory_space<hbm>>
        %dma_wait3A_1577 = tpu.memref_slice %arg19[%dma_wait3A_1570] : memref<4x!tpu.dma_semaphore, #tpu.memory_space<semaphore_mem>> -> memref<1x!tpu.dma_semaphore, #tpu.memory_space<semaphore_mem>>
        %dma_wait3A_1578 = tpu.memref_squeeze %dma_wait3A_1577 : memref<1x!tpu.dma_semaphore, #tpu.memory_space<semaphore_mem>> -> memref<!tpu.dma_semaphore, #tpu.memory_space<semaphore_mem>>
        %dma_wait3A_1579 = arith.constant 0 : i32
        %dma_wait3A_1580 = tpu.memref_slice %arg10[%dma_wait3A_1569, %dma_wait3A_1579] : memref<4x128xi32, #tpu.memory_space<vmem>> -> memref<1x128xi32, #tpu.memory_space<vmem>>
        %dma_wait3A_1581 = tpu.memref_squeeze %dma_wait3A_1580 : memref<1x128xi32, #tpu.memory_space<vmem>> -> memref<128xi32, #tpu.memory_space<vmem>>
        %dma_wait3A_1582 = arith.constant 0 : i32
        %dma_wait3A_1583 = tpu.memref_slice %arg5[%add3A, %add3A_1568, %dma_wait3A_1582] : memref<32x80x128xi32, #tpu.memory_space<hbm>> -> memref<1x1x128xi32, #tpu.memory_space<hbm>>
        %dma_wait3A_1584 = tpu.memref_squeeze %dma_wait3A_1583 : memref<1x1x128xi32, #tpu.memory_space<hbm>> -> memref<128xi32, #tpu.memory_space<hbm>>
        tpu.wait_dma2 semaphore(%dma_wait3A_1578 : memref<!tpu.dma_semaphore, #tpu.memory_space<semaphore_mem>>) src(%dma_wait3A_1584 : memref<128xi32, #tpu.memory_space<hbm>>) dst(%dma_wait3A_1581 : memref<128xi32, #tpu.memory_space<vmem>>)
        %dma_wait3A_1585 = arith.constant 0 : i32
        %dma_wait3A_1586 = arith.constant 0 : i32
        %dma_wait3A_1587 = arith.constant 0 : i32
        %dma_wait3A_1588 = tpu.memref_slice %arg11[%dma_wait3A_1585, %dma_wait3A_1587] : memref<4x128xi32, #tpu.memory_space<vmem>> -> memref<1x128xi32, #tpu.memory_space<vmem>>
        %dma_wait3A_1589 = tpu.memref_squeeze %dma_wait3A_1588 : memref<1x128xi32, #tpu.memory_space<vmem>> -> memref<128xi32, #tpu.memory_space<vmem>>
        %dma_wait3A_1590 = arith.constant 0 : i32
        %dma_wait3A_1591 = tpu.memref_slice %arg6[%add3A, %add3A_1568, %dma_wait3A_1590] : memref<32x80x128xi32, #tpu.memory_space<hbm>> -> memref<1x1x128xi32, #tpu.memory_space<hbm>>
        %dma_wait3A_1592 = tpu.memref_squeeze %dma_wait3A_1591 : memref<1x1x128xi32, #tpu.memory_space<hbm>> -> memref<128xi32, #tpu.memory_space<hbm>>
        %dma_wait3A_1593 = tpu.memref_slice %arg19[%dma_wait3A_1586] : memref<4x!tpu.dma_semaphore, #tpu.memory_space<semaphore_mem>> -> memref<1x!tpu.dma_semaphore, #tpu.memory_space<semaphore_mem>>
        %dma_wait3A_1594 = tpu.memref_squeeze %dma_wait3A_1593 : memref<1x!tpu.dma_semaphore, #tpu.memory_space<semaphore_mem>> -> memref<!tpu.dma_semaphore, #tpu.memory_space<semaphore_mem>>
        %dma_wait3A_1595 = arith.constant 0 : i32
        %dma_wait3A_1596 = tpu.memref_slice %arg11[%dma_wait3A_1585, %dma_wait3A_1595] : memref<4x128xi32, #tpu.memory_space<vmem>> -> memref<1x128xi32, #tpu.memory_space<vmem>>
        %dma_wait3A_1597 = tpu.memref_squeeze %dma_wait3A_1596 : memref<1x128xi32, #tpu.memory_space<vmem>> -> memref<128xi32, #tpu.memory_space<vmem>>
        %dma_wait3A_1598 = arith.constant 0 : i32
        %dma_wait3A_1599 = tpu.memref_slice %arg6[%add3A, %add3A_1568, %dma_wait3A_1598] : memref<32x80x128xi32, #tpu.memory_space<hbm>> -> memref<1x1x128xi32, #tpu.memory_space<hbm>>
        %dma_wait3A_1600 = tpu.memref_squeeze %dma_wait3A_1599 : memref<1x1x128xi32, #tpu.memory_space<hbm>> -> memref<128xi32, #tpu.memory_space<hbm>>
        tpu.wait_dma2 semaphore(%dma_wait3A_1594 : memref<!tpu.dma_semaphore, #tpu.memory_space<semaphore_mem>>) src(%dma_wait3A_1600 : memref<128xi32, #tpu.memory_space<hbm>>) dst(%dma_wait3A_1597 : memref<128xi32, #tpu.memory_space<vmem>>)
        %dma_wait3A_1601 = arith.constant 0 : i32
        %dma_wait3A_1602 = arith.constant 0 : i32
        %dma_wait3A_1603 = arith.constant 0 : i32
        %dma_wait3A_1604 = tpu.memref_slice %arg12[%dma_wait3A_1601, %dma_wait3A_1603] : memref<4x128xf32, #tpu.memory_space<vmem>> -> memref<1x128xf32, #tpu.memory_space<vmem>>
        %dma_wait3A_1605 = tpu.memref_squeeze %dma_wait3A_1604 : memref<1x128xf32, #tpu.memory_space<vmem>> -> memref<128xf32, #tpu.memory_space<vmem>>
        %dma_wait3A_1606 = arith.constant 0 : i32
        %dma_wait3A_1607 = tpu.memref_slice %arg7[%add3A, %add3A_1568, %dma_wait3A_1606] : memref<32x80x128xf32, #tpu.memory_space<hbm>> -> memref<1x1x128xf32, #tpu.memory_space<hbm>>
        %dma_wait3A_1608 = tpu.memref_squeeze %dma_wait3A_1607 : memref<1x1x128xf32, #tpu.memory_space<hbm>> -> memref<128xf32, #tpu.memory_space<hbm>>
        %dma_wait3A_1609 = tpu.memref_slice %arg19[%dma_wait3A_1602] : memref<4x!tpu.dma_semaphore, #tpu.memory_space<semaphore_mem>> -> memref<1x!tpu.dma_semaphore, #tpu.memory_space<semaphore_mem>>
        %dma_wait3A_1610 = tpu.memref_squeeze %dma_wait3A_1609 : memref<1x!tpu.dma_semaphore, #tpu.memory_space<semaphore_mem>> -> memref<!tpu.dma_semaphore, #tpu.memory_space<semaphore_mem>>
        %dma_wait3A_1611 = arith.constant 0 : i32
        %dma_wait3A_1612 = tpu.memref_slice %arg12[%dma_wait3A_1601, %dma_wait3A_1611] : memref<4x128xf32, #tpu.memory_space<vmem>> -> memref<1x128xf32, #tpu.memory_space<vmem>>
        %dma_wait3A_1613 = tpu.memref_squeeze %dma_wait3A_1612 : memref<1x128xf32, #tpu.memory_space<vmem>> -> memref<128xf32, #tpu.memory_space<vmem>>
        %dma_wait3A_1614 = arith.constant 0 : i32
        %dma_wait3A_1615 = tpu.memref_slice %arg7[%add3A, %add3A_1568, %dma_wait3A_1614] : memref<32x80x128xf32, #tpu.memory_space<hbm>> -> memref<1x1x128xf32, #tpu.memory_space<hbm>>
        %dma_wait3A_1616 = tpu.memref_squeeze %dma_wait3A_1615 : memref<1x1x128xf32, #tpu.memory_space<hbm>> -> memref<128xf32, #tpu.memory_space<hbm>>
        tpu.wait_dma2 semaphore(%dma_wait3A_1610 : memref<!tpu.dma_semaphore, #tpu.memory_space<semaphore_mem>>) src(%dma_wait3A_1616 : memref<128xf32, #tpu.memory_space<hbm>>) dst(%dma_wait3A_1613 : memref<128xf32, #tpu.memory_space<vmem>>)
      } else {
      }
      %add3A_1259 = arith.constant 1 : i32
      %add3A_1260 = arith.addi %add3A_1251, %add3A_1259 : i32
      %lt3A_1261 = arith.constant 80 : i32
      %lt3A_1262 = arith.cmpi slt, %add3A_1260, %lt3A_1261 : i32
      %convert_element_type3A_1263 = arith.extui %lt3A_1262 : i1 to i32
      %cond3A_1264 = arith.constant 0 : i32
      %cond3A_1265 = arith.cmpi ne, %convert_element_type3A_1263, %cond3A_1264 : i32
      scf.if %cond3A_1265 {
        %dma_start3A_1567 = arith.constant 0 : i32
        %dma_start3A_1568 = arith.constant 0 : i32
        %dma_start3A_1569 = arith.constant 0 : i32
        %dma_start3A_1570 = arith.constant 0 : i32
        %dma_start3A_1571 = arith.constant 0 : i32
        %dma_start3A_1572 = tpu.memref_slice %arg15[%dma_start3A_1568, %dma_start3A_1570, %dma_start3A_1571] : memref<2x128x128xbf16, #tpu.memory_space<vmem>> -> memref<1x128x128xbf16, #tpu.memory_space<vmem>>
        %dma_start3A_1573 = tpu.memref_squeeze %dma_start3A_1572 : memref<1x128x128xbf16, #tpu.memory_space<vmem>> -> memref<128x128xbf16, #tpu.memory_space<vmem>>
        %dma_start3A_1574 = arith.constant 0 : i32
        %dma_start3A_1575 = tpu.memref_slice %arg10[%dma_start3A_1567, %dma_start3A_1574] : memref<4x128xi32, #tpu.memory_space<vmem>> -> memref<1x128xi32, #tpu.memory_space<vmem>>
        %dma_start3A_1576 = tpu.memref_squeeze %dma_start3A_1575 : memref<1x128xi32, #tpu.memory_space<vmem>> -> memref<128xi32, #tpu.memory_space<vmem>>
        %dma_start3A_1577 = arith.constant 0 : i32
        %dma_start3A_1578 = arith.constant 0 : i32
        %dma_start3A_1579 = tpu.memref_slice %arg2[%dma_start3A_1577, %dma_start3A_1578] : memref<10000x128xbf16, #tpu.memory_space<hbm>> -> memref<10000x128xbf16, #tpu.memory_space<hbm>>
        %dma_start3A_1580 = tpu.memref_slice %arg21[%dma_start3A_1569] : memref<2x!tpu.dma_semaphore, #tpu.memory_space<semaphore_mem>> -> memref<1x!tpu.dma_semaphore, #tpu.memory_space<semaphore_mem>>
        %dma_start3A_1581 = tpu.memref_squeeze %dma_start3A_1580 : memref<1x!tpu.dma_semaphore, #tpu.memory_space<semaphore_mem>> -> memref<!tpu.dma_semaphore, #tpu.memory_space<semaphore_mem>>
        tpu.enqueue_indirect_dma source(%dma_start3A_1579 : memref<10000x128xbf16, #tpu.memory_space<hbm>>) target(%dma_start3A_1573 : memref<128x128xbf16, #tpu.memory_space<vmem>>) offsets(%dma_start3A_1576 : memref<128xi32, #tpu.memory_space<vmem>>) semaphore(%dma_start3A_1581 : memref<!tpu.dma_semaphore, #tpu.memory_space<semaphore_mem>>)
      } else {
      }
      %ge3A_1266 = arith.constant 1 : i32
      %ge3A_1267 = arith.cmpi sge, %add3A_1251, %ge3A_1266 : i32
      %convert_element_type3A_1268 = arith.extui %ge3A_1267 : i1 to i32
      %cond3A_1269 = arith.constant 0 : i32
      %cond3A_1270 = arith.cmpi ne, %convert_element_type3A_1268, %cond3A_1269 : i32
      scf.if %cond3A_1270 {
        %dma_wait3A_1567 = arith.constant 0 : i32
        %dma_wait3A_1568 = arith.constant 2 : i32
        %dma_wait3A_1569 = arith.constant 0 : i32
        %dma_wait3A_1570 = arith.constant 0 : i32
        %dma_wait3A_1571 = tpu.memref_slice %arg13[%dma_wait3A_1567, %dma_wait3A_1570] : memref<2x128xf32, #tpu.memory_space<vmem>> -> memref<1x128xf32, #tpu.memory_space<vmem>>
        %dma_wait3A_1572 = tpu.memref_squeeze %dma_wait3A_1571 : memref<1x128xf32, #tpu.memory_space<vmem>> -> memref<128xf32, #tpu.memory_space<vmem>>
        %dma_wait3A_1573 = arith.constant 0 : i32
        %dma_wait3A_1574 = tpu.memref_slice %arg11[%dma_wait3A_1568, %dma_wait3A_1573] : memref<4x128xi32, #tpu.memory_space<vmem>> -> memref<1x128xi32, #tpu.memory_space<vmem>>
        %dma_wait3A_1575 = tpu.memref_squeeze %dma_wait3A_1574 : memref<1x128xi32, #tpu.memory_space<vmem>> -> memref<128xi32, #tpu.memory_space<vmem>>
        %dma_wait3A_1576 = arith.constant 0 : i32
        %dma_wait3A_1577 = tpu.memref_slice %arg18[%dma_wait3A_1576] : memref<10240xf32, #tpu.memory_space<vmem_shared>> -> memref<10240xf32, #tpu.memory_space<vmem_shared>>
        %dma_wait3A_1578 = tpu.memref_slice %arg22[%dma_wait3A_1569] : memref<2x!tpu.dma_semaphore, #tpu.memory_space<semaphore_mem>> -> memref<1x!tpu.dma_semaphore, #tpu.memory_space<semaphore_mem>>
        %dma_wait3A_1579 = tpu.memref_squeeze %dma_wait3A_1578 : memref<1x!tpu.dma_semaphore, #tpu.memory_space<semaphore_mem>> -> memref<!tpu.dma_semaphore, #tpu.memory_space<semaphore_mem>>
        tpu.wait_indirect_dma semaphore(%dma_wait3A_1579 : memref<!tpu.dma_semaphore, #tpu.memory_space<semaphore_mem>>) src(%dma_wait3A_1572 : memref<128xf32, #tpu.memory_space<vmem>>) dst(%dma_wait3A_1577 : memref<10240xf32, #tpu.memory_space<vmem_shared>>)
      } else {
      }
      %add3A_1271 = arith.constant 1 : i32
      %add3A_1272 = arith.addi %add3A_1251, %add3A_1271 : i32
      %lt3A_1273 = arith.constant 80 : i32
      %lt3A_1274 = arith.cmpi slt, %add3A_1272, %lt3A_1273 : i32
      %convert_element_type3A_1275 = arith.extui %lt3A_1274 : i1 to i32
      %cond3A_1276 = arith.constant 0 : i32
      %cond3A_1277 = arith.cmpi ne, %convert_element_type3A_1275, %cond3A_1276 : i32
      scf.if %cond3A_1277 {
        %dma_start3A_1567 = arith.constant 0 : i32
        %dma_start3A_1568 = arith.constant 0 : i32
        %dma_start3A_1569 = arith.constant 0 : i32
        %dma_start3A_1570 = arith.constant 0 : i32
        %dma_start3A_1571 = tpu.memref_slice %arg13[%dma_start3A_1568, %dma_start3A_1570] : memref<2x128xf32, #tpu.memory_space<vmem>> -> memref<1x128xf32, #tpu.memory_space<vmem>>
        %dma_start3A_1572 = tpu.memref_squeeze %dma_start3A_1571 : memref<1x128xf32, #tpu.memory_space<vmem>> -> memref<128xf32, #tpu.memory_space<vmem>>
        %dma_start3A_1573 = arith.constant 0 : i32
        %dma_start3A_1574 = tpu.memref_slice %arg10[%dma_start3A_1567, %dma_start3A_1573] : memref<4x128xi32, #tpu.memory_space<vmem>> -> memref<1x128xi32, #tpu.memory_space<vmem>>
        %dma_start3A_1575 = tpu.memref_squeeze %dma_start3A_1574 : memref<1x128xi32, #tpu.memory_space<vmem>> -> memref<128xi32, #tpu.memory_space<vmem>>
        %dma_start3A_1576 = arith.constant 0 : i32
        %dma_start3A_1577 = tpu.memref_slice %arg3[%dma_start3A_1576] : memref<10000xf32, #tpu.memory_space<hbm>> -> memref<10000xf32, #tpu.memory_space<hbm>>
        %dma_start3A_1578 = tpu.memref_slice %arg20[%dma_start3A_1569] : memref<2x!tpu.dma_semaphore, #tpu.memory_space<semaphore_mem>> -> memref<1x!tpu.dma_semaphore, #tpu.memory_space<semaphore_mem>>
        %dma_start3A_1579 = tpu.memref_squeeze %dma_start3A_1578 : memref<1x!tpu.dma_semaphore, #tpu.memory_space<semaphore_mem>> -> memref<!tpu.dma_semaphore, #tpu.memory_space<semaphore_mem>>
        tpu.enqueue_indirect_dma source(%dma_start3A_1577 : memref<10000xf32, #tpu.memory_space<hbm>>) target(%dma_start3A_1572 : memref<128xf32, #tpu.memory_space<vmem>>) offsets(%dma_start3A_1575 : memref<128xi32, #tpu.memory_space<vmem>>) semaphore(%dma_start3A_1579 : memref<!tpu.dma_semaphore, #tpu.memory_space<semaphore_mem>>)
        %dma_start3A_1580 = arith.constant 0 : i32
        %dma_start3A_1581 = arith.constant 0 : i32
        %dma_start3A_1582 = arith.constant 0 : i32
        %dma_start3A_1583 = arith.constant 0 : i32
        %dma_start3A_1584 = tpu.memref_slice %arg14[%dma_start3A_1581, %dma_start3A_1583] : memref<2x128xf32, #tpu.memory_space<vmem>> -> memref<1x128xf32, #tpu.memory_space<vmem>>
        %dma_start3A_1585 = tpu.memref_squeeze %dma_start3A_1584 : memref<1x128xf32, #tpu.memory_space<vmem>> -> memref<128xf32, #tpu.memory_space<vmem>>
        %dma_start3A_1586 = arith.constant 0 : i32
        %dma_start3A_1587 = tpu.memref_slice %arg11[%dma_start3A_1580, %dma_start3A_1586] : memref<4x128xi32, #tpu.memory_space<vmem>> -> memref<1x128xi32, #tpu.memory_space<vmem>>
        %dma_start3A_1588 = tpu.memref_squeeze %dma_start3A_1587 : memref<1x128xi32, #tpu.memory_space<vmem>> -> memref<128xi32, #tpu.memory_space<vmem>>
        %dma_start3A_1589 = arith.constant 0 : i32
        %dma_start3A_1590 = tpu.memref_slice %arg4[%dma_start3A_1589] : memref<10000xf32, #tpu.memory_space<hbm>> -> memref<10000xf32, #tpu.memory_space<hbm>>
        %dma_start3A_1591 = tpu.memref_slice %arg20[%dma_start3A_1582] : memref<2x!tpu.dma_semaphore, #tpu.memory_space<semaphore_mem>> -> memref<1x!tpu.dma_semaphore, #tpu.memory_space<semaphore_mem>>
        %dma_start3A_1592 = tpu.memref_squeeze %dma_start3A_1591 : memref<1x!tpu.dma_semaphore, #tpu.memory_space<semaphore_mem>> -> memref<!tpu.dma_semaphore, #tpu.memory_space<semaphore_mem>>
        tpu.enqueue_indirect_dma source(%dma_start3A_1590 : memref<10000xf32, #tpu.memory_space<hbm>>) target(%dma_start3A_1585 : memref<128xf32, #tpu.memory_space<vmem>>) offsets(%dma_start3A_1588 : memref<128xi32, #tpu.memory_space<vmem>>) semaphore(%dma_start3A_1592 : memref<!tpu.dma_semaphore, #tpu.memory_space<semaphore_mem>>)
      } else {
      }
      %dma_wait3A_1278 = arith.constant 3 : i32
      %dma_wait3A_1279 = arith.constant 1 : i32
      %dma_wait3A_1280 = arith.constant 1 : i32
      %dma_wait3A_1281 = arith.constant 0 : i32
      %dma_wait3A_1282 = tpu.memref_slice %arg13[%dma_wait3A_1279, %dma_wait3A_1281] : memref<2x128xf32, #tpu.memory_space<vmem>> -> memref<1x128xf32, #tpu.memory_space<vmem>>
      %dma_wait3A_1283 = tpu.memref_squeeze %dma_wait3A_1282 : memref<1x128xf32, #tpu.memory_space<vmem>> -> memref<128xf32, #tpu.memory_space<vmem>>
      %dma_wait3A_1284 = arith.constant 0 : i32
      %dma_wait3A_1285 = tpu.memref_slice %arg10[%dma_wait3A_1278, %dma_wait3A_1284] : memref<4x128xi32, #tpu.memory_space<vmem>> -> memref<1x128xi32, #tpu.memory_space<vmem>>
      %dma_wait3A_1286 = tpu.memref_squeeze %dma_wait3A_1285 : memref<1x128xi32, #tpu.memory_space<vmem>> -> memref<128xi32, #tpu.memory_space<vmem>>
      %dma_wait3A_1287 = arith.constant 0 : i32
      %dma_wait3A_1288 = tpu.memref_slice %arg3[%dma_wait3A_1287] : memref<10000xf32, #tpu.memory_space<hbm>> -> memref<10000xf32, #tpu.memory_space<hbm>>
      %dma_wait3A_1289 = tpu.memref_slice %arg20[%dma_wait3A_1280] : memref<2x!tpu.dma_semaphore, #tpu.memory_space<semaphore_mem>> -> memref<1x!tpu.dma_semaphore, #tpu.memory_space<semaphore_mem>>
      %dma_wait3A_1290 = tpu.memref_squeeze %dma_wait3A_1289 : memref<1x!tpu.dma_semaphore, #tpu.memory_space<semaphore_mem>> -> memref<!tpu.dma_semaphore, #tpu.memory_space<semaphore_mem>>
      tpu.wait_indirect_dma semaphore(%dma_wait3A_1290 : memref<!tpu.dma_semaphore, #tpu.memory_space<semaphore_mem>>) src(%dma_wait3A_1288 : memref<10000xf32, #tpu.memory_space<hbm>>) dst(%dma_wait3A_1283 : memref<128xf32, #tpu.memory_space<vmem>>)
      %dma_wait3A_1291 = arith.constant 3 : i32
      %dma_wait3A_1292 = arith.constant 1 : i32
      %dma_wait3A_1293 = arith.constant 1 : i32
      %dma_wait3A_1294 = arith.constant 0 : i32
      %dma_wait3A_1295 = tpu.memref_slice %arg14[%dma_wait3A_1292, %dma_wait3A_1294] : memref<2x128xf32, #tpu.memory_space<vmem>> -> memref<1x128xf32, #tpu.memory_space<vmem>>
      %dma_wait3A_1296 = tpu.memref_squeeze %dma_wait3A_1295 : memref<1x128xf32, #tpu.memory_space<vmem>> -> memref<128xf32, #tpu.memory_space<vmem>>
      %dma_wait3A_1297 = arith.constant 0 : i32
      %dma_wait3A_1298 = tpu.memref_slice %arg11[%dma_wait3A_1291, %dma_wait3A_1297] : memref<4x128xi32, #tpu.memory_space<vmem>> -> memref<1x128xi32, #tpu.memory_space<vmem>>
      %dma_wait3A_1299 = tpu.memref_squeeze %dma_wait3A_1298 : memref<1x128xi32, #tpu.memory_space<vmem>> -> memref<128xi32, #tpu.memory_space<vmem>>
      %dma_wait3A_1300 = arith.constant 0 : i32
      %dma_wait3A_1301 = tpu.memref_slice %arg4[%dma_wait3A_1300] : memref<10000xf32, #tpu.memory_space<hbm>> -> memref<10000xf32, #tpu.memory_space<hbm>>
      %dma_wait3A_1302 = tpu.memref_slice %arg20[%dma_wait3A_1293] : memref<2x!tpu.dma_semaphore, #tpu.memory_space<semaphore_mem>> -> memref<1x!tpu.dma_semaphore, #tpu.memory_space<semaphore_mem>>
      %dma_wait3A_1303 = tpu.memref_squeeze %dma_wait3A_1302 : memref<1x!tpu.dma_semaphore, #tpu.memory_space<semaphore_mem>> -> memref<!tpu.dma_semaphore, #tpu.memory_space<semaphore_mem>>
      tpu.wait_indirect_dma semaphore(%dma_wait3A_1303 : memref<!tpu.dma_semaphore, #tpu.memory_space<semaphore_mem>>) src(%dma_wait3A_1301 : memref<10000xf32, #tpu.memory_space<hbm>>) dst(%dma_wait3A_1296 : memref<128xf32, #tpu.memory_space<vmem>>)
      %get3A_1304 = arith.constant 1 : i32
      %get3A_1305 = arith.index_cast %get3A_1304 : i32 to index
      %get3A_1306 = arith.constant 0 : index
      %get3A_1307 = tpu.vector_load %arg13[%get3A_1305, %get3A_1306] {strides = array<i32>} : memref<2x128xf32, #tpu.memory_space<vmem>>, vector<16xf32>,
      %get3A_1308 = arith.constant 1 : i32
      %get3A_1309 = arith.index_cast %get3A_1308 : i32 to index
      %get3A_1310 = arith.constant 0 : index
      %get3A_1311 = tpu.vector_load %arg14[%get3A_1309, %get3A_1310] {strides = array<i32>} : memref<2x128xf32, #tpu.memory_space<vmem>>, vector<16xf32>,
      %add3A_1312 = arith.addf %get3A_1307, %get3A_1311 : vector<16xf32>
      %gt3A_1313 = arith.constant 0.000000e+00 : f32
      %gt3A_1314 = vector.broadcast %gt3A_1313 : f32 to vector<16xf32>
      %gt3A_1315 = arith.cmpf ogt, %add3A_1312, %gt3A_1314 : vector<16xf32>
      %mul3A_1316 = arith.constant 2.000000e-01 : f32
      %mul3A_1317 = vector.broadcast %mul3A_1316 : f32 to vector<16xf32>
      %mul3A_1318 = arith.mulf %mul3A_1317, %add3A_1312 : vector<16xf32>
      %select_n3A_1319 = arith.select %gt3A_1315, %add3A_1312, %mul3A_1318 : vector<16xi1>, vector<16xf32>
      %get3A_1320 = arith.constant 3 : i32
      %get3A_1321 = arith.index_cast %get3A_1320 : i32 to index
      %get3A_1322 = arith.constant 0 : index
      %get3A_1323 = tpu.vector_load %arg12[%get3A_1321, %get3A_1322] {strides = array<i32>} : memref<4x128xf32, #tpu.memory_space<vmem>>, vector<16xf32>,
      %add3A_1324 = arith.addf %select_n3A_1319, %get3A_1323 : vector<16xf32>
      %exp3A_1325 = math.exp %add3A_1324 : vector<16xf32>
      %swap3A_1326 = arith.constant 1 : i32
      %swap3A_1327 = arith.index_cast %swap3A_1326 : i32 to index
      %swap3A_1328 = arith.constant 0 : index
      %swap3A_1329 = tpu.vector_load %arg13[%swap3A_1327, %swap3A_1328] {strides = array<i32>} : memref<2x128xf32, #tpu.memory_space<vmem>>, vector<16xf32>,
      tpu.vector_store %arg13[%swap3A_1327, %swap3A_1328], %exp3A_1325 {strides = array<i32>} : memref<2x128xf32, #tpu.memory_space<vmem>>, vector<16xf32>,
      %get3A_1330 = arith.constant 1 : i32
      %get3A_1331 = arith.index_cast %get3A_1330 : i32 to index
      %get3A_1332 = arith.constant 16 : index
      %get3A_1333 = tpu.vector_load %arg13[%get3A_1331, %get3A_1332] {strides = array<i32>} : memref<2x128xf32, #tpu.memory_space<vmem>>, vector<16xf32>,
      %get3A_1334 = arith.constant 1 : i32
      %get3A_1335 = arith.index_cast %get3A_1334 : i32 to index
      %get3A_1336 = arith.constant 16 : index
      %get3A_1337 = tpu.vector_load %arg14[%get3A_1335, %get3A_1336] {strides = array<i32>} : memref<2x128xf32, #tpu.memory_space<vmem>>, vector<16xf32>,
      %add3A_1338 = arith.addf %get3A_1333, %get3A_1337 : vector<16xf32>
      %gt3A_1339 = arith.constant 0.000000e+00 : f32
      %gt3A_1340 = vector.broadcast %gt3A_1339 : f32 to vector<16xf32>
      %gt3A_1341 = arith.cmpf ogt, %add3A_1338, %gt3A_1340 : vector<16xf32>
      %mul3A_1342 = arith.constant 2.000000e-01 : f32
      %mul3A_1343 = vector.broadcast %mul3A_1342 : f32 to vector<16xf32>
      %mul3A_1344 = arith.mulf %mul3A_1343, %add3A_1338 : vector<16xf32>
      %select_n3A_1345 = arith.select %gt3A_1341, %add3A_1338, %mul3A_1344 : vector<16xi1>, vector<16xf32>
      %get3A_1346 = arith.constant 3 : i32
      %get3A_1347 = arith.index_cast %get3A_1346 : i32 to index
      %get3A_1348 = arith.constant 16 : index
      %get3A_1349 = tpu.vector_load %arg12[%get3A_1347, %get3A_1348] {strides = array<i32>} : memref<4x128xf32, #tpu.memory_space<vmem>>, vector<16xf32>,
      %add3A_1350 = arith.addf %select_n3A_1345, %get3A_1349 : vector<16xf32>
      %exp3A_1351 = math.exp %add3A_1350 : vector<16xf32>
      %swap3A_1352 = arith.constant 1 : i32
      %swap3A_1353 = arith.index_cast %swap3A_1352 : i32 to index
      %swap3A_1354 = arith.constant 16 : index
      %swap3A_1355 = tpu.vector_load %arg13[%swap3A_1353, %swap3A_1354] {strides = array<i32>} : memref<2x128xf32, #tpu.memory_space<vmem>>, vector<16xf32>,
      tpu.vector_store %arg13[%swap3A_1353, %swap3A_1354], %exp3A_1351 {strides = array<i32>} : memref<2x128xf32, #tpu.memory_space<vmem>>, vector<16xf32>,
      %get3A_1356 = arith.constant 1 : i32
      %get3A_1357 = arith.index_cast %get3A_1356 : i32 to index
      %get3A_1358 = arith.constant 32 : index
      %get3A_1359 = tpu.vector_load %arg13[%get3A_1357, %get3A_1358] {strides = array<i32>} : memref<2x128xf32, #tpu.memory_space<vmem>>, vector<16xf32>,
      %get3A_1360 = arith.constant 1 : i32
      %get3A_1361 = arith.index_cast %get3A_1360 : i32 to index
      %get3A_1362 = arith.constant 32 : index
      %get3A_1363 = tpu.vector_load %arg14[%get3A_1361, %get3A_1362] {strides = array<i32>} : memref<2x128xf32, #tpu.memory_space<vmem>>, vector<16xf32>,
      %add3A_1364 = arith.addf %get3A_1359, %get3A_1363 : vector<16xf32>
      %gt3A_1365 = arith.constant 0.000000e+00 : f32
      %gt3A_1366 = vector.broadcast %gt3A_1365 : f32 to vector<16xf32>
      %gt3A_1367 = arith.cmpf ogt, %add3A_1364, %gt3A_1366 : vector<16xf32>
      %mul3A_1368 = arith.constant 2.000000e-01 : f32
      %mul3A_1369 = vector.broadcast %mul3A_1368 : f32 to vector<16xf32>
      %mul3A_1370 = arith.mulf %mul3A_1369, %add3A_1364 : vector<16xf32>
      %select_n3A_1371 = arith.select %gt3A_1367, %add3A_1364, %mul3A_1370 : vector<16xi1>, vector<16xf32>
      %get3A_1372 = arith.constant 3 : i32
      %get3A_1373 = arith.index_cast %get3A_1372 : i32 to index
      %get3A_1374 = arith.constant 32 : index
      %get3A_1375 = tpu.vector_load %arg12[%get3A_1373, %get3A_1374] {strides = array<i32>} : memref<4x128xf32, #tpu.memory_space<vmem>>, vector<16xf32>,
      %add3A_1376 = arith.addf %select_n3A_1371, %get3A_1375 : vector<16xf32>
      %exp3A_1377 = math.exp %add3A_1376 : vector<16xf32>
      %swap3A_1378 = arith.constant 1 : i32
      %swap3A_1379 = arith.index_cast %swap3A_1378 : i32 to index
      %swap3A_1380 = arith.constant 32 : index
      %swap3A_1381 = tpu.vector_load %arg13[%swap3A_1379, %swap3A_1380] {strides = array<i32>} : memref<2x128xf32, #tpu.memory_space<vmem>>, vector<16xf32>,
      tpu.vector_store %arg13[%swap3A_1379, %swap3A_1380], %exp3A_1377 {strides = array<i32>} : memref<2x128xf32, #tpu.memory_space<vmem>>, vector<16xf32>,
      %get3A_1382 = arith.constant 1 : i32
      %get3A_1383 = arith.index_cast %get3A_1382 : i32 to index
      %get3A_1384 = arith.constant 48 : index
      %get3A_1385 = tpu.vector_load %arg13[%get3A_1383, %get3A_1384] {strides = array<i32>} : memref<2x128xf32, #tpu.memory_space<vmem>>, vector<16xf32>,
      %get3A_1386 = arith.constant 1 : i32
      %get3A_1387 = arith.index_cast %get3A_1386 : i32 to index
      %get3A_1388 = arith.constant 48 : index
      %get3A_1389 = tpu.vector_load %arg14[%get3A_1387, %get3A_1388] {strides = array<i32>} : memref<2x128xf32, #tpu.memory_space<vmem>>, vector<16xf32>,
      %add3A_1390 = arith.addf %get3A_1385, %get3A_1389 : vector<16xf32>
      %gt3A_1391 = arith.constant 0.000000e+00 : f32
      %gt3A_1392 = vector.broadcast %gt3A_1391 : f32 to vector<16xf32>
      %gt3A_1393 = arith.cmpf ogt, %add3A_1390, %gt3A_1392 : vector<16xf32>
      %mul3A_1394 = arith.constant 2.000000e-01 : f32
      %mul3A_1395 = vector.broadcast %mul3A_1394 : f32 to vector<16xf32>
      %mul3A_1396 = arith.mulf %mul3A_1395, %add3A_1390 : vector<16xf32>
      %select_n3A_1397 = arith.select %gt3A_1393, %add3A_1390, %mul3A_1396 : vector<16xi1>, vector<16xf32>
      %get3A_1398 = arith.constant 3 : i32
      %get3A_1399 = arith.index_cast %get3A_1398 : i32 to index
      %get3A_1400 = arith.constant 48 : index
      %get3A_1401 = tpu.vector_load %arg12[%get3A_1399, %get3A_1400] {strides = array<i32>} : memref<4x128xf32, #tpu.memory_space<vmem>>, vector<16xf32>,
      %add3A_1402 = arith.addf %select_n3A_1397, %get3A_1401 : vector<16xf32>
      %exp3A_1403 = math.exp %add3A_1402 : vector<16xf32>
      %swap3A_1404 = arith.constant 1 : i32
      %swap3A_1405 = arith.index_cast %swap3A_1404 : i32 to index
      %swap3A_1406 = arith.constant 48 : index
      %swap3A_1407 = tpu.vector_load %arg13[%swap3A_1405, %swap3A_1406] {strides = array<i32>} : memref<2x128xf32, #tpu.memory_space<vmem>>, vector<16xf32>,
      tpu.vector_store %arg13[%swap3A_1405, %swap3A_1406], %exp3A_1403 {strides = array<i32>} : memref<2x128xf32, #tpu.memory_space<vmem>>, vector<16xf32>,
      %get3A_1408 = arith.constant 1 : i32
      %get3A_1409 = arith.index_cast %get3A_1408 : i32 to index
      %get3A_1410 = arith.constant 64 : index
      %get3A_1411 = tpu.vector_load %arg13[%get3A_1409, %get3A_1410] {strides = array<i32>} : memref<2x128xf32, #tpu.memory_space<vmem>>, vector<16xf32>,
      %get3A_1412 = arith.constant 1 : i32
      %get3A_1413 = arith.index_cast %get3A_1412 : i32 to index
      %get3A_1414 = arith.constant 64 : index
      %get3A_1415 = tpu.vector_load %arg14[%get3A_1413, %get3A_1414] {strides = array<i32>} : memref<2x128xf32, #tpu.memory_space<vmem>>, vector<16xf32>,
      %add3A_1416 = arith.addf %get3A_1411, %get3A_1415 : vector<16xf32>
      %gt3A_1417 = arith.constant 0.000000e+00 : f32
      %gt3A_1418 = vector.broadcast %gt3A_1417 : f32 to vector<16xf32>
      %gt3A_1419 = arith.cmpf ogt, %add3A_1416, %gt3A_1418 : vector<16xf32>
      %mul3A_1420 = arith.constant 2.000000e-01 : f32
      %mul3A_1421 = vector.broadcast %mul3A_1420 : f32 to vector<16xf32>
      %mul3A_1422 = arith.mulf %mul3A_1421, %add3A_1416 : vector<16xf32>
      %select_n3A_1423 = arith.select %gt3A_1419, %add3A_1416, %mul3A_1422 : vector<16xi1>, vector<16xf32>
      %get3A_1424 = arith.constant 3 : i32
      %get3A_1425 = arith.index_cast %get3A_1424 : i32 to index
      %get3A_1426 = arith.constant 64 : index
      %get3A_1427 = tpu.vector_load %arg12[%get3A_1425, %get3A_1426] {strides = array<i32>} : memref<4x128xf32, #tpu.memory_space<vmem>>, vector<16xf32>,
      %add3A_1428 = arith.addf %select_n3A_1423, %get3A_1427 : vector<16xf32>
      %exp3A_1429 = math.exp %add3A_1428 : vector<16xf32>
      %swap3A_1430 = arith.constant 1 : i32
      %swap3A_1431 = arith.index_cast %swap3A_1430 : i32 to index
      %swap3A_1432 = arith.constant 64 : index
      %swap3A_1433 = tpu.vector_load %arg13[%swap3A_1431, %swap3A_1432] {strides = array<i32>} : memref<2x128xf32, #tpu.memory_space<vmem>>, vector<16xf32>,
      tpu.vector_store %arg13[%swap3A_1431, %swap3A_1432], %exp3A_1429 {strides = array<i32>} : memref<2x128xf32, #tpu.memory_space<vmem>>, vector<16xf32>,
      %get3A_1434 = arith.constant 1 : i32
      %get3A_1435 = arith.index_cast %get3A_1434 : i32 to index
      %get3A_1436 = arith.constant 80 : index
      %get3A_1437 = tpu.vector_load %arg13[%get3A_1435, %get3A_1436] {strides = array<i32>} : memref<2x128xf32, #tpu.memory_space<vmem>>, vector<16xf32>,
      %get3A_1438 = arith.constant 1 : i32
      %get3A_1439 = arith.index_cast %get3A_1438 : i32 to index
      %get3A_1440 = arith.constant 80 : index
      %get3A_1441 = tpu.vector_load %arg14[%get3A_1439, %get3A_1440] {strides = array<i32>} : memref<2x128xf32, #tpu.memory_space<vmem>>, vector<16xf32>,
      %add3A_1442 = arith.addf %get3A_1437, %get3A_1441 : vector<16xf32>
      %gt3A_1443 = arith.constant 0.000000e+00 : f32
      %gt3A_1444 = vector.broadcast %gt3A_1443 : f32 to vector<16xf32>
      %gt3A_1445 = arith.cmpf ogt, %add3A_1442, %gt3A_1444 : vector<16xf32>
      %mul3A_1446 = arith.constant 2.000000e-01 : f32
      %mul3A_1447 = vector.broadcast %mul3A_1446 : f32 to vector<16xf32>
      %mul3A_1448 = arith.mulf %mul3A_1447, %add3A_1442 : vector<16xf32>
      %select_n3A_1449 = arith.select %gt3A_1445, %add3A_1442, %mul3A_1448 : vector<16xi1>, vector<16xf32>
      %get3A_1450 = arith.constant 3 : i32
      %get3A_1451 = arith.index_cast %get3A_1450 : i32 to index
      %get3A_1452 = arith.constant 80 : index
      %get3A_1453 = tpu.vector_load %arg12[%get3A_1451, %get3A_1452] {strides = array<i32>} : memref<4x128xf32, #tpu.memory_space<vmem>>, vector<16xf32>,
      %add3A_1454 = arith.addf %select_n3A_1449, %get3A_1453 : vector<16xf32>
      %exp3A_1455 = math.exp %add3A_1454 : vector<16xf32>
      %swap3A_1456 = arith.constant 1 : i32
      %swap3A_1457 = arith.index_cast %swap3A_1456 : i32 to index
      %swap3A_1458 = arith.constant 80 : index
      %swap3A_1459 = tpu.vector_load %arg13[%swap3A_1457, %swap3A_1458] {strides = array<i32>} : memref<2x128xf32, #tpu.memory_space<vmem>>, vector<16xf32>,
      tpu.vector_store %arg13[%swap3A_1457, %swap3A_1458], %exp3A_1455 {strides = array<i32>} : memref<2x128xf32, #tpu.memory_space<vmem>>, vector<16xf32>,
      %get3A_1460 = arith.constant 1 : i32
      %get3A_1461 = arith.index_cast %get3A_1460 : i32 to index
      %get3A_1462 = arith.constant 96 : index
      %get3A_1463 = tpu.vector_load %arg13[%get3A_1461, %get3A_1462] {strides = array<i32>} : memref<2x128xf32, #tpu.memory_space<vmem>>, vector<16xf32>,
      %get3A_1464 = arith.constant 1 : i32
      %get3A_1465 = arith.index_cast %get3A_1464 : i32 to index
      %get3A_1466 = arith.constant 96 : index
      %get3A_1467 = tpu.vector_load %arg14[%get3A_1465, %get3A_1466] {strides = array<i32>} : memref<2x128xf32, #tpu.memory_space<vmem>>, vector<16xf32>,
      %add3A_1468 = arith.addf %get3A_1463, %get3A_1467 : vector<16xf32>
      %gt3A_1469 = arith.constant 0.000000e+00 : f32
      %gt3A_1470 = vector.broadcast %gt3A_1469 : f32 to vector<16xf32>
      %gt3A_1471 = arith.cmpf ogt, %add3A_1468, %gt3A_1470 : vector<16xf32>
      %mul3A_1472 = arith.constant 2.000000e-01 : f32
      %mul3A_1473 = vector.broadcast %mul3A_1472 : f32 to vector<16xf32>
      %mul3A_1474 = arith.mulf %mul3A_1473, %add3A_1468 : vector<16xf32>
      %select_n3A_1475 = arith.select %gt3A_1471, %add3A_1468, %mul3A_1474 : vector<16xi1>, vector<16xf32>
      %get3A_1476 = arith.constant 3 : i32
      %get3A_1477 = arith.index_cast %get3A_1476 : i32 to index
      %get3A_1478 = arith.constant 96 : index
      %get3A_1479 = tpu.vector_load %arg12[%get3A_1477, %get3A_1478] {strides = array<i32>} : memref<4x128xf32, #tpu.memory_space<vmem>>, vector<16xf32>,
      %add3A_1480 = arith.addf %select_n3A_1475, %get3A_1479 : vector<16xf32>
      %exp3A_1481 = math.exp %add3A_1480 : vector<16xf32>
      %swap3A_1482 = arith.constant 1 : i32
      %swap3A_1483 = arith.index_cast %swap3A_1482 : i32 to index
      %swap3A_1484 = arith.constant 96 : index
      %swap3A_1485 = tpu.vector_load %arg13[%swap3A_1483, %swap3A_1484] {strides = array<i32>} : memref<2x128xf32, #tpu.memory_space<vmem>>, vector<16xf32>,
      tpu.vector_store %arg13[%swap3A_1483, %swap3A_1484], %exp3A_1481 {strides = array<i32>} : memref<2x128xf32, #tpu.memory_space<vmem>>, vector<16xf32>,
      %get3A_1486 = arith.constant 1 : i32
      %get3A_1487 = arith.index_cast %get3A_1486 : i32 to index
      %get3A_1488 = arith.constant 112 : index
      %get3A_1489 = tpu.vector_load %arg13[%get3A_1487, %get3A_1488] {strides = array<i32>} : memref<2x128xf32, #tpu.memory_space<vmem>>, vector<16xf32>,
      %get3A_1490 = arith.constant 1 : i32
      %get3A_1491 = arith.index_cast %get3A_1490 : i32 to index
      %get3A_1492 = arith.constant 112 : index
      %get3A_1493 = tpu.vector_load %arg14[%get3A_1491, %get3A_1492] {strides = array<i32>} : memref<2x128xf32, #tpu.memory_space<vmem>>, vector<16xf32>,
      %add3A_1494 = arith.addf %get3A_1489, %get3A_1493 : vector<16xf32>
      %gt3A_1495 = arith.constant 0.000000e+00 : f32
      %gt3A_1496 = vector.broadcast %gt3A_1495 : f32 to vector<16xf32>
      %gt3A_1497 = arith.cmpf ogt, %add3A_1494, %gt3A_1496 : vector<16xf32>
      %mul3A_1498 = arith.constant 2.000000e-01 : f32
      %mul3A_1499 = vector.broadcast %mul3A_1498 : f32 to vector<16xf32>
      %mul3A_1500 = arith.mulf %mul3A_1499, %add3A_1494 : vector<16xf32>
      %select_n3A_1501 = arith.select %gt3A_1497, %add3A_1494, %mul3A_1500 : vector<16xi1>, vector<16xf32>
      %get3A_1502 = arith.constant 3 : i32
      %get3A_1503 = arith.index_cast %get3A_1502 : i32 to index
      %get3A_1504 = arith.constant 112 : index
      %get3A_1505 = tpu.vector_load %arg12[%get3A_1503, %get3A_1504] {strides = array<i32>} : memref<4x128xf32, #tpu.memory_space<vmem>>, vector<16xf32>,
      %add3A_1506 = arith.addf %select_n3A_1501, %get3A_1505 : vector<16xf32>
      %exp3A_1507 = math.exp %add3A_1506 : vector<16xf32>
      %swap3A_1508 = arith.constant 1 : i32
      %swap3A_1509 = arith.index_cast %swap3A_1508 : i32 to index
      %swap3A_1510 = arith.constant 112 : index
      %swap3A_1511 = tpu.vector_load %arg13[%swap3A_1509, %swap3A_1510] {strides = array<i32>} : memref<2x128xf32, #tpu.memory_space<vmem>>, vector<16xf32>,
      tpu.vector_store %arg13[%swap3A_1509, %swap3A_1510], %exp3A_1507 {strides = array<i32>} : memref<2x128xf32, #tpu.memory_space<vmem>>, vector<16xf32>,
      %dma_start3A_1512 = arith.constant 1 : i32
      %dma_start3A_1513 = arith.constant 3 : i32
      %dma_start3A_1514 = arith.constant 1 : i32
      %dma_start3A_1515 = arith.constant 0 : i32
      %dma_start3A_1516 = tpu.memref_slice %arg13[%dma_start3A_1512, %dma_start3A_1515] : memref<2x128xf32, #tpu.memory_space<vmem>> -> memref<1x128xf32, #tpu.memory_space<vmem>>
      %dma_start3A_1517 = tpu.memref_squeeze %dma_start3A_1516 : memref<1x128xf32, #tpu.memory_space<vmem>> -> memref<128xf32, #tpu.memory_space<vmem>>
      %dma_start3A_1518 = arith.constant 0 : i32
      %dma_start3A_1519 = tpu.memref_slice %arg11[%dma_start3A_1513, %dma_start3A_1518] : memref<4x128xi32, #tpu.memory_space<vmem>> -> memref<1x128xi32, #tpu.memory_space<vmem>>
      %dma_start3A_1520 = tpu.memref_squeeze %dma_start3A_1519 : memref<1x128xi32, #tpu.memory_space<vmem>> -> memref<128xi32, #tpu.memory_space<vmem>>
      %dma_start3A_1521 = arith.constant 0 : i32
      %dma_start3A_1522 = tpu.memref_slice %arg18[%dma_start3A_1521] : memref<10240xf32, #tpu.memory_space<vmem_shared>> -> memref<10240xf32, #tpu.memory_space<vmem_shared>>
      %dma_start3A_1523 = tpu.memref_slice %arg22[%dma_start3A_1514] : memref<2x!tpu.dma_semaphore, #tpu.memory_space<semaphore_mem>> -> memref<1x!tpu.dma_semaphore, #tpu.memory_space<semaphore_mem>>
      %dma_start3A_1524 = tpu.memref_squeeze %dma_start3A_1523 : memref<1x!tpu.dma_semaphore, #tpu.memory_space<semaphore_mem>> -> memref<!tpu.dma_semaphore, #tpu.memory_space<semaphore_mem>>
      tpu.enqueue_indirect_dma source(%dma_start3A_1517 : memref<128xf32, #tpu.memory_space<vmem>>) target(%dma_start3A_1522 : memref<10240xf32, #tpu.memory_space<vmem_shared>>) offsets(%dma_start3A_1520 : memref<128xi32, #tpu.memory_space<vmem>>) semaphore(%dma_start3A_1524 : memref<!tpu.dma_semaphore, #tpu.memory_space<semaphore_mem>>) {add = true}
      %dma_wait3A_1525 = arith.constant 3 : i32
      %dma_wait3A_1526 = arith.constant 1 : i32
      %dma_wait3A_1527 = arith.constant 1 : i32
      %dma_wait3A_1528 = arith.constant 0 : i32
      %dma_wait3A_1529 = arith.constant 0 : i32
      %dma_wait3A_1530 = tpu.memref_slice %arg15[%dma_wait3A_1526, %dma_wait3A_1528, %dma_wait3A_1529] : memref<2x128x128xbf16, #tpu.memory_space<vmem>> -> memref<1x128x128xbf16, #tpu.memory_space<vmem>>
      %dma_wait3A_1531 = tpu.memref_squeeze %dma_wait3A_1530 : memref<1x128x128xbf16, #tpu.memory_space<vmem>> -> memref<128x128xbf16, #tpu.memory_space<vmem>>
      %dma_wait3A_1532 = arith.constant 0 : i32
      %dma_wait3A_1533 = tpu.memref_slice %arg10[%dma_wait3A_1525, %dma_wait3A_1532] : memref<4x128xi32, #tpu.memory_space<vmem>> -> memref<1x128xi32, #tpu.memory_space<vmem>>
      %dma_wait3A_1534 = tpu.memref_squeeze %dma_wait3A_1533 : memref<1x128xi32, #tpu.memory_space<vmem>> -> memref<128xi32, #tpu.memory_space<vmem>>
      %dma_wait3A_1535 = arith.constant 0 : i32
      %dma_wait3A_1536 = arith.constant 0 : i32
      %dma_wait3A_1537 = tpu.memref_slice %arg2[%dma_wait3A_1535, %dma_wait3A_1536] : memref<10000x128xbf16, #tpu.memory_space<hbm>> -> memref<10000x128xbf16, #tpu.memory_space<hbm>>
      %dma_wait3A_1538 = tpu.memref_slice %arg21[%dma_wait3A_1527] : memref<2x!tpu.dma_semaphore, #tpu.memory_space<semaphore_mem>> -> memref<1x!tpu.dma_semaphore, #tpu.memory_space<semaphore_mem>>
      %dma_wait3A_1539 = tpu.memref_squeeze %dma_wait3A_1538 : memref<1x!tpu.dma_semaphore, #tpu.memory_space<semaphore_mem>> -> memref<!tpu.dma_semaphore, #tpu.memory_space<semaphore_mem>>
      tpu.wait_indirect_dma semaphore(%dma_wait3A_1539 : memref<!tpu.dma_semaphore, #tpu.memory_space<semaphore_mem>>) src(%dma_wait3A_1537 : memref<10000x128xbf16, #tpu.memory_space<hbm>>) dst(%dma_wait3A_1531 : memref<128x128xbf16, #tpu.memory_space<vmem>>)
      %ge3A_1540 = arith.constant 1 : i32
      %ge3A_1541 = arith.cmpi sge, %add3A_1251, %ge3A_1540 : i32
      %convert_element_type3A_1542 = arith.extui %ge3A_1541 : i1 to i32
      %cond3A_1543 = arith.constant 0 : i32
      %cond3A_1544 = arith.cmpi ne, %convert_element_type3A_1542, %cond3A_1543 : i32
      scf.if %cond3A_1544 {
        %dma_wait3A_1567 = arith.constant 2 : i32
        %dma_wait3A_1568 = arith.constant 0 : i32
        %dma_wait3A_1569 = arith.constant 0 : i32
        %dma_wait3A_1570 = tpu.memref_slice %arg11[%dma_wait3A_1567, %dma_wait3A_1569] : memref<4x128xi32, #tpu.memory_space<vmem>> -> memref<1x128xi32, #tpu.memory_space<vmem>>
        %dma_wait3A_1571 = tpu.memref_squeeze %dma_wait3A_1570 : memref<1x128xi32, #tpu.memory_space<vmem>> -> memref<128xi32, #tpu.memory_space<vmem>>
        %dma_wait3A_1572 = arith.constant 0 : i32
        %dma_wait3A_1573 = arith.constant 0 : i32
        %dma_wait3A_1574 = tpu.memref_slice %arg17[%dma_wait3A_1572, %dma_wait3A_1573] : memref<10240x128xf32, #tpu.memory_space<vmem_shared>> -> memref<10240x128xf32, #tpu.memory_space<vmem_shared>>
        %dma_wait3A_1575 = tpu.memref_slice %arg23[%dma_wait3A_1568] : memref<2x!tpu.dma_semaphore, #tpu.memory_space<semaphore_mem>> -> memref<1x!tpu.dma_semaphore, #tpu.memory_space<semaphore_mem>>
        %dma_wait3A_1576 = tpu.memref_squeeze %dma_wait3A_1575 : memref<1x!tpu.dma_semaphore, #tpu.memory_space<semaphore_mem>> -> memref<!tpu.dma_semaphore, #tpu.memory_space<semaphore_mem>>
        tpu.wait_indirect_dma semaphore(%dma_wait3A_1576 : memref<!tpu.dma_semaphore, #tpu.memory_space<semaphore_mem>>) src(%arg16 : memref<128x128xf32, #tpu.memory_space<vmem>>) dst(%dma_wait3A_1574 : memref<10240x128xf32, #tpu.memory_space<vmem_shared>>)
      } else {
      }
      %scan3A_1545 = arith.constant 0 : i32
      %scan3A_1546 = arith.constant 128 : i32
      %scan3A_1547 = arith.addi %scan3A_1545, %scan3A_1546 : i32
      %scan3A_1548 = arith.constant 1 : i32
      scf.for %scan3A_1567 = %scan3A_1545 to %scan3A_1547 step %scan3A_1548  : i32 {
        %mul3A_1568 = arith.constant 1 : i32
        %mul3A_1569 = arith.muli %scan3A_1567, %mul3A_1568 : i32
        %add3A_1570 = arith.constant 0 : i32
        %add3A_1571 = arith.addi %add3A_1570, %mul3A_1569 : i32
        %broadcast_in_dim3A = arith.constant 1 : i32
        %broadcast_in_dim3A_1572 = vector.broadcast %broadcast_in_dim3A : i32 to vector<16xi32>
        %broadcast_in_dim3A_1573 = vector.broadcast %add3A_1571 : i32 to vector<16xi32>
        %gather3A = tpu.vector_load_idx %arg13[%broadcast_in_dim3A_1572, %broadcast_in_dim3A_1573] : memref<2x128xf32, #tpu.memory_space<vmem>>[vector<16xi32>, vector<16xi32>], vector<16xf32>,
        %get3A_1574 = arith.constant 1 : i32
        %get3A_1575 = arith.index_cast %get3A_1574 : i32 to index
        %get3A_1576 = arith.index_cast %add3A_1571 : i32 to index
        %get3A_1577 = arith.constant 0 : index
        %get3A_1578 = tpu.vector_load %arg15[%get3A_1575, %get3A_1576, %get3A_1577] {strides = array<i32>} : memref<2x128x128xbf16, #tpu.memory_space<vmem>>, vector<32xbf16>,
        %bitcast3A = vector.bitcast %get3A_1578 : vector<32xbf16> to vector<16xi32>
        %shift_left3A = arith.constant 16 : i32
        %shift_left3A_1579 = vector.broadcast %shift_left3A : i32 to vector<16xi32>
        %shift_left3A_1580 = arith.shli %bitcast3A, %shift_left3A_1579 : vector<16xi32>
        %bitcast3A_1581 = vector.bitcast %shift_left3A_1580 : vector<16xi32> to vector<16xf32>
        %and3A = arith.constant -65536 : i32
        %and3A_1582 = vector.broadcast %and3A : i32 to vector<16xi32>
        %and3A_1583 = arith.andi %bitcast3A, %and3A_1582 : vector<16xi32>
        %bitcast3A_1584 = vector.bitcast %and3A_1583 : vector<16xi32> to vector<16xf32>
        %mul3A_1585 = arith.mulf %bitcast3A_1581, %gather3A : vector<16xf32>
        %swap3A_1586 = arith.index_cast %add3A_1571 : i32 to index
        %swap3A_1587 = arith.constant 0 : index
        %swap3A_1588 = tpu.vector_load %arg16[%swap3A_1586, %swap3A_1587] {strides = array<i32>} : memref<128x128xf32, #tpu.memory_space<vmem>>, vector<16xf32>,
        tpu.vector_store %arg16[%swap3A_1586, %swap3A_1587], %mul3A_1585 {strides = array<i32>} : memref<128x128xf32, #tpu.memory_space<vmem>>, vector<16xf32>,
        %mul3A_1589 = arith.mulf %bitcast3A_1584, %gather3A : vector<16xf32>
        %swap3A_1590 = arith.index_cast %add3A_1571 : i32 to index
        %swap3A_1591 = arith.constant 16 : index
        %swap3A_1592 = tpu.vector_load %arg16[%swap3A_1590, %swap3A_1591] {strides = array<i32>} : memref<128x128xf32, #tpu.memory_space<vmem>>, vector<16xf32>,
        tpu.vector_store %arg16[%swap3A_1590, %swap3A_1591], %mul3A_1589 {strides = array<i32>} : memref<128x128xf32, #tpu.memory_space<vmem>>, vector<16xf32>,
        %get3A_1593 = arith.constant 1 : i32
        %get3A_1594 = arith.index_cast %get3A_1593 : i32 to index
        %get3A_1595 = arith.index_cast %add3A_1571 : i32 to index
        %get3A_1596 = arith.constant 32 : index
        %get3A_1597 = tpu.vector_load %arg15[%get3A_1594, %get3A_1595, %get3A_1596] {strides = array<i32>} : memref<2x128x128xbf16, #tpu.memory_space<vmem>>, vector<32xbf16>,
        %bitcast3A_1598 = vector.bitcast %get3A_1597 : vector<32xbf16> to vector<16xi32>
        %shift_left3A_1599 = arith.constant 16 : i32
        %shift_left3A_1600 = vector.broadcast %shift_left3A_1599 : i32 to vector<16xi32>
        %shift_left3A_1601 = arith.shli %bitcast3A_1598, %shift_left3A_1600 : vector<16xi32>
        %bitcast3A_1602 = vector.bitcast %shift_left3A_1601 : vector<16xi32> to vector<16xf32>
        %and3A_1603 = arith.constant -65536 : i32
        %and3A_1604 = vector.broadcast %and3A_1603 : i32 to vector<16xi32>
        %and3A_1605 = arith.andi %bitcast3A_1598, %and3A_1604 : vector<16xi32>
        %bitcast3A_1606 = vector.bitcast %and3A_1605 : vector<16xi32> to vector<16xf32>
        %mul3A_1607 = arith.mulf %bitcast3A_1602, %gather3A : vector<16xf32>
        %swap3A_1608 = arith.index_cast %add3A_1571 : i32 to index
        %swap3A_1609 = arith.constant 32 : index
        %swap3A_1610 = tpu.vector_load %arg16[%swap3A_1608, %swap3A_1609] {strides = array<i32>} : memref<128x128xf32, #tpu.memory_space<vmem>>, vector<16xf32>,
        tpu.vector_store %arg16[%swap3A_1608, %swap3A_1609], %mul3A_1607 {strides = array<i32>} : memref<128x128xf32, #tpu.memory_space<vmem>>, vector<16xf32>,
        %mul3A_1611 = arith.mulf %bitcast3A_1606, %gather3A : vector<16xf32>
        %swap3A_1612 = arith.index_cast %add3A_1571 : i32 to index
        %swap3A_1613 = arith.constant 48 : index
        %swap3A_1614 = tpu.vector_load %arg16[%swap3A_1612, %swap3A_1613] {strides = array<i32>} : memref<128x128xf32, #tpu.memory_space<vmem>>, vector<16xf32>,
        tpu.vector_store %arg16[%swap3A_1612, %swap3A_1613], %mul3A_1611 {strides = array<i32>} : memref<128x128xf32, #tpu.memory_space<vmem>>, vector<16xf32>,
        %get3A_1615 = arith.constant 1 : i32
        %get3A_1616 = arith.index_cast %get3A_1615 : i32 to index
        %get3A_1617 = arith.index_cast %add3A_1571 : i32 to index
        %get3A_1618 = arith.constant 64 : index
        %get3A_1619 = tpu.vector_load %arg15[%get3A_1616, %get3A_1617, %get3A_1618] {strides = array<i32>} : memref<2x128x128xbf16, #tpu.memory_space<vmem>>, vector<32xbf16>,
        %bitcast3A_1620 = vector.bitcast %get3A_1619 : vector<32xbf16> to vector<16xi32>
        %shift_left3A_1621 = arith.constant 16 : i32
        %shift_left3A_1622 = vector.broadcast %shift_left3A_1621 : i32 to vector<16xi32>
        %shift_left3A_1623 = arith.shli %bitcast3A_1620, %shift_left3A_1622 : vector<16xi32>
        %bitcast3A_1624 = vector.bitcast %shift_left3A_1623 : vector<16xi32> to vector<16xf32>
        %and3A_1625 = arith.constant -65536 : i32
        %and3A_1626 = vector.broadcast %and3A_1625 : i32 to vector<16xi32>
        %and3A_1627 = arith.andi %bitcast3A_1620, %and3A_1626 : vector<16xi32>
        %bitcast3A_1628 = vector.bitcast %and3A_1627 : vector<16xi32> to vector<16xf32>
        %mul3A_1629 = arith.mulf %bitcast3A_1624, %gather3A : vector<16xf32>
        %swap3A_1630 = arith.index_cast %add3A_1571 : i32 to index
        %swap3A_1631 = arith.constant 64 : index
        %swap3A_1632 = tpu.vector_load %arg16[%swap3A_1630, %swap3A_1631] {strides = array<i32>} : memref<128x128xf32, #tpu.memory_space<vmem>>, vector<16xf32>,
        tpu.vector_store %arg16[%swap3A_1630, %swap3A_1631], %mul3A_1629 {strides = array<i32>} : memref<128x128xf32, #tpu.memory_space<vmem>>, vector<16xf32>,
        %mul3A_1633 = arith.mulf %bitcast3A_1628, %gather3A : vector<16xf32>
        %swap3A_1634 = arith.index_cast %add3A_1571 : i32 to index
        %swap3A_1635 = arith.constant 80 : index
        %swap3A_1636 = tpu.vector_load %arg16[%swap3A_1634, %swap3A_1635] {strides = array<i32>} : memref<128x128xf32, #tpu.memory_space<vmem>>, vector<16xf32>,
        tpu.vector_store %arg16[%swap3A_1634, %swap3A_1635], %mul3A_1633 {strides = array<i32>} : memref<128x128xf32, #tpu.memory_space<vmem>>, vector<16xf32>,
        %get3A_1637 = arith.constant 1 : i32
        %get3A_1638 = arith.index_cast %get3A_1637 : i32 to index
        %get3A_1639 = arith.index_cast %add3A_1571 : i32 to index
        %get3A_1640 = arith.constant 96 : index
        %get3A_1641 = tpu.vector_load %arg15[%get3A_1638, %get3A_1639, %get3A_1640] {strides = array<i32>} : memref<2x128x128xbf16, #tpu.memory_space<vmem>>, vector<32xbf16>,
        %bitcast3A_1642 = vector.bitcast %get3A_1641 : vector<32xbf16> to vector<16xi32>
        %shift_left3A_1643 = arith.constant 16 : i32
        %shift_left3A_1644 = vector.broadcast %shift_left3A_1643 : i32 to vector<16xi32>
        %shift_left3A_1645 = arith.shli %bitcast3A_1642, %shift_left3A_1644 : vector<16xi32>
        %bitcast3A_1646 = vector.bitcast %shift_left3A_1645 : vector<16xi32> to vector<16xf32>
        %and3A_1647 = arith.constant -65536 : i32
        %and3A_1648 = vector.broadcast %and3A_1647 : i32 to vector<16xi32>
        %and3A_1649 = arith.andi %bitcast3A_1642, %and3A_1648 : vector<16xi32>
        %bitcast3A_1650 = vector.bitcast %and3A_1649 : vector<16xi32> to vector<16xf32>
        %mul3A_1651 = arith.mulf %bitcast3A_1646, %gather3A : vector<16xf32>
        %swap3A_1652 = arith.index_cast %add3A_1571 : i32 to index
        %swap3A_1653 = arith.constant 96 : index
        %swap3A_1654 = tpu.vector_load %arg16[%swap3A_1652, %swap3A_1653] {strides = array<i32>} : memref<128x128xf32, #tpu.memory_space<vmem>>, vector<16xf32>,
        tpu.vector_store %arg16[%swap3A_1652, %swap3A_1653], %mul3A_1651 {strides = array<i32>} : memref<128x128xf32, #tpu.memory_space<vmem>>, vector<16xf32>,
        %mul3A_1655 = arith.mulf %bitcast3A_1650, %gather3A : vector<16xf32>
        %swap3A_1656 = arith.index_cast %add3A_1571 : i32 to index
        %swap3A_1657 = arith.constant 112 : index
        %swap3A_1658 = tpu.vector_load %arg16[%swap3A_1656, %swap3A_1657] {strides = array<i32>} : memref<128x128xf32, #tpu.memory_space<vmem>>, vector<16xf32>,
        tpu.vector_store %arg16[%swap3A_1656, %swap3A_1657], %mul3A_1655 {strides = array<i32>} : memref<128x128xf32, #tpu.memory_space<vmem>>, vector<16xf32>,
      }
      %scan3A_1549 = arith.constant 128 : i32
      %dma_start3A_1550 = arith.constant 3 : i32
      %dma_start3A_1551 = arith.constant 0 : i32
      %dma_start3A_1552 = arith.constant 0 : i32
      %dma_start3A_1553 = tpu.memref_slice %arg11[%dma_start3A_1550, %dma_start3A_1552] : memref<4x128xi32, #tpu.memory_space<vmem>> -> memref<1x128xi32, #tpu.memory_space<vmem>>
      %dma_start3A_1554 = tpu.memref_squeeze %dma_start3A_1553 : memref<1x128xi32, #tpu.memory_space<vmem>> -> memref<128xi32, #tpu.memory_space<vmem>>
      %dma_start3A_1555 = arith.constant 0 : i32
      %dma_start3A_1556 = arith.constant 0 : i32
      %dma_start3A_1557 = tpu.memref_slice %arg17[%dma_start3A_1555, %dma_start3A_1556] : memref<10240x128xf32, #tpu.memory_space<vmem_shared>> -> memref<10240x128xf32, #tpu.memory_space<vmem_shared>>
      %dma_start3A_1558 = tpu.memref_slice %arg23[%dma_start3A_1551] : memref<2x!tpu.dma_semaphore, #tpu.memory_space<semaphore_mem>> -> memref<1x!tpu.dma_semaphore, #tpu.memory_space<semaphore_mem>>
      %dma_start3A_1559 = tpu.memref_squeeze %dma_start3A_1558 : memref<1x!tpu.dma_semaphore, #tpu.memory_space<semaphore_mem>> -> memref<!tpu.dma_semaphore, #tpu.memory_space<semaphore_mem>>
      tpu.enqueue_indirect_dma source(%arg16 : memref<128x128xf32, #tpu.memory_space<vmem>>) target(%dma_start3A_1557 : memref<10240x128xf32, #tpu.memory_space<vmem_shared>>) offsets(%dma_start3A_1554 : memref<128xi32, #tpu.memory_space<vmem>>) semaphore(%dma_start3A_1559 : memref<!tpu.dma_semaphore, #tpu.memory_space<semaphore_mem>>) {add = true}
      %add3A_1560 = arith.constant 3 : i32
      %add3A_1561 = arith.addi %add3A_1251, %add3A_1560 : i32
      %lt3A_1562 = arith.constant 80 : i32
      %lt3A_1563 = arith.cmpi slt, %add3A_1561, %lt3A_1562 : i32
      %convert_element_type3A_1564 = arith.extui %lt3A_1563 : i1 to i32
      %cond3A_1565 = arith.constant 0 : i32
      %cond3A_1566 = arith.cmpi ne, %convert_element_type3A_1564, %cond3A_1565 : i32
      scf.if %cond3A_1566 {
        %add3A_1567 = arith.constant 3 : i32
        %add3A_1568 = arith.addi %add3A_1251, %add3A_1567 : i32
        %dma_start3A_1569 = arith.constant 2 : i32
        %dma_start3A_1570 = arith.constant 2 : i32
        %dma_start3A_1571 = arith.constant 0 : i32
        %dma_start3A_1572 = tpu.memref_slice %arg10[%dma_start3A_1569, %dma_start3A_1571] : memref<4x128xi32, #tpu.memory_space<vmem>> -> memref<1x128xi32, #tpu.memory_space<vmem>>
        %dma_start3A_1573 = tpu.memref_squeeze %dma_start3A_1572 : memref<1x128xi32, #tpu.memory_space<vmem>> -> memref<128xi32, #tpu.memory_space<vmem>>
        %dma_start3A_1574 = arith.constant 0 : i32
        %dma_start3A_1575 = tpu.memref_slice %arg5[%add3A, %add3A_1568, %dma_start3A_1574] : memref<32x80x128xi32, #tpu.memory_space<hbm>> -> memref<1x1x128xi32, #tpu.memory_space<hbm>>
        %dma_start3A_1576 = tpu.memref_squeeze %dma_start3A_1575 : memref<1x1x128xi32, #tpu.memory_space<hbm>> -> memref<128xi32, #tpu.memory_space<hbm>>
        %dma_start3A_1577 = tpu.memref_slice %arg19[%dma_start3A_1570] : memref<4x!tpu.dma_semaphore, #tpu.memory_space<semaphore_mem>> -> memref<1x!tpu.dma_semaphore, #tpu.memory_space<semaphore_mem>>
        %dma_start3A_1578 = tpu.memref_squeeze %dma_start3A_1577 : memref<1x!tpu.dma_semaphore, #tpu.memory_space<semaphore_mem>> -> memref<!tpu.dma_semaphore, #tpu.memory_space<semaphore_mem>>
        %dma_start3A_1579 = arith.constant 0 : i32
        %dma_start3A_1580 = tpu.memref_slice %arg10[%dma_start3A_1569, %dma_start3A_1579] : memref<4x128xi32, #tpu.memory_space<vmem>> -> memref<1x128xi32, #tpu.memory_space<vmem>>
        %dma_start3A_1581 = tpu.memref_squeeze %dma_start3A_1580 : memref<1x128xi32, #tpu.memory_space<vmem>> -> memref<128xi32, #tpu.memory_space<vmem>>
        %dma_start3A_1582 = arith.constant 0 : i32
        %dma_start3A_1583 = tpu.memref_slice %arg5[%add3A, %add3A_1568, %dma_start3A_1582] : memref<32x80x128xi32, #tpu.memory_space<hbm>> -> memref<1x1x128xi32, #tpu.memory_space<hbm>>
        %dma_start3A_1584 = tpu.memref_squeeze %dma_start3A_1583 : memref<1x1x128xi32, #tpu.memory_space<hbm>> -> memref<128xi32, #tpu.memory_space<hbm>>
        tpu.enqueue_dma source(%dma_start3A_1584 : memref<128xi32, #tpu.memory_space<hbm>>) target(%dma_start3A_1581 : memref<128xi32, #tpu.memory_space<vmem>>) target_semaphore(%dma_start3A_1578 : memref<!tpu.dma_semaphore, #tpu.memory_space<semaphore_mem>>)
        %dma_start3A_1585 = arith.constant 2 : i32
        %dma_start3A_1586 = arith.constant 2 : i32
        %dma_start3A_1587 = arith.constant 0 : i32
        %dma_start3A_1588 = tpu.memref_slice %arg11[%dma_start3A_1585, %dma_start3A_1587] : memref<4x128xi32, #tpu.memory_space<vmem>> -> memref<1x128xi32, #tpu.memory_space<vmem>>
        %dma_start3A_1589 = tpu.memref_squeeze %dma_start3A_1588 : memref<1x128xi32, #tpu.memory_space<vmem>> -> memref<128xi32, #tpu.memory_space<vmem>>
        %dma_start3A_1590 = arith.constant 0 : i32
        %dma_start3A_1591 = tpu.memref_slice %arg6[%add3A, %add3A_1568, %dma_start3A_1590] : memref<32x80x128xi32, #tpu.memory_space<hbm>> -> memref<1x1x128xi32, #tpu.memory_space<hbm>>
        %dma_start3A_1592 = tpu.memref_squeeze %dma_start3A_1591 : memref<1x1x128xi32, #tpu.memory_space<hbm>> -> memref<128xi32, #tpu.memory_space<hbm>>
        %dma_start3A_1593 = tpu.memref_slice %arg19[%dma_start3A_1586] : memref<4x!tpu.dma_semaphore, #tpu.memory_space<semaphore_mem>> -> memref<1x!tpu.dma_semaphore, #tpu.memory_space<semaphore_mem>>
        %dma_start3A_1594 = tpu.memref_squeeze %dma_start3A_1593 : memref<1x!tpu.dma_semaphore, #tpu.memory_space<semaphore_mem>> -> memref<!tpu.dma_semaphore, #tpu.memory_space<semaphore_mem>>
        %dma_start3A_1595 = arith.constant 0 : i32
        %dma_start3A_1596 = tpu.memref_slice %arg11[%dma_start3A_1585, %dma_start3A_1595] : memref<4x128xi32, #tpu.memory_space<vmem>> -> memref<1x128xi32, #tpu.memory_space<vmem>>
        %dma_start3A_1597 = tpu.memref_squeeze %dma_start3A_1596 : memref<1x128xi32, #tpu.memory_space<vmem>> -> memref<128xi32, #tpu.memory_space<vmem>>
        %dma_start3A_1598 = arith.constant 0 : i32
        %dma_start3A_1599 = tpu.memref_slice %arg6[%add3A, %add3A_1568, %dma_start3A_1598] : memref<32x80x128xi32, #tpu.memory_space<hbm>> -> memref<1x1x128xi32, #tpu.memory_space<hbm>>
        %dma_start3A_1600 = tpu.memref_squeeze %dma_start3A_1599 : memref<1x1x128xi32, #tpu.memory_space<hbm>> -> memref<128xi32, #tpu.memory_space<hbm>>
        tpu.enqueue_dma source(%dma_start3A_1600 : memref<128xi32, #tpu.memory_space<hbm>>) target(%dma_start3A_1597 : memref<128xi32, #tpu.memory_space<vmem>>) target_semaphore(%dma_start3A_1594 : memref<!tpu.dma_semaphore, #tpu.memory_space<semaphore_mem>>)
        %dma_start3A_1601 = arith.constant 2 : i32
        %dma_start3A_1602 = arith.constant 2 : i32
        %dma_start3A_1603 = arith.constant 0 : i32
        %dma_start3A_1604 = tpu.memref_slice %arg12[%dma_start3A_1601, %dma_start3A_1603] : memref<4x128xf32, #tpu.memory_space<vmem>> -> memref<1x128xf32, #tpu.memory_space<vmem>>
        %dma_start3A_1605 = tpu.memref_squeeze %dma_start3A_1604 : memref<1x128xf32, #tpu.memory_space<vmem>> -> memref<128xf32, #tpu.memory_space<vmem>>
        %dma_start3A_1606 = arith.constant 0 : i32
        %dma_start3A_1607 = tpu.memref_slice %arg7[%add3A, %add3A_1568, %dma_start3A_1606] : memref<32x80x128xf32, #tpu.memory_space<hbm>> -> memref<1x1x128xf32, #tpu.memory_space<hbm>>
        %dma_start3A_1608 = tpu.memref_squeeze %dma_start3A_1607 : memref<1x1x128xf32, #tpu.memory_space<hbm>> -> memref<128xf32, #tpu.memory_space<hbm>>
        %dma_start3A_1609 = tpu.memref_slice %arg19[%dma_start3A_1602] : memref<4x!tpu.dma_semaphore, #tpu.memory_space<semaphore_mem>> -> memref<1x!tpu.dma_semaphore, #tpu.memory_space<semaphore_mem>>
        %dma_start3A_1610 = tpu.memref_squeeze %dma_start3A_1609 : memref<1x!tpu.dma_semaphore, #tpu.memory_space<semaphore_mem>> -> memref<!tpu.dma_semaphore, #tpu.memory_space<semaphore_mem>>
        %dma_start3A_1611 = arith.constant 0 : i32
        %dma_start3A_1612 = tpu.memref_slice %arg12[%dma_start3A_1601, %dma_start3A_1611] : memref<4x128xf32, #tpu.memory_space<vmem>> -> memref<1x128xf32, #tpu.memory_space<vmem>>
        %dma_start3A_1613 = tpu.memref_squeeze %dma_start3A_1612 : memref<1x128xf32, #tpu.memory_space<vmem>> -> memref<128xf32, #tpu.memory_space<vmem>>
        %dma_start3A_1614 = arith.constant 0 : i32
        %dma_start3A_1615 = tpu.memref_slice %arg7[%add3A, %add3A_1568, %dma_start3A_1614] : memref<32x80x128xf32, #tpu.memory_space<hbm>> -> memref<1x1x128xf32, #tpu.memory_space<hbm>>
        %dma_start3A_1616 = tpu.memref_squeeze %dma_start3A_1615 : memref<1x1x128xf32, #tpu.memory_space<hbm>> -> memref<128xf32, #tpu.memory_space<hbm>>
        tpu.enqueue_dma source(%dma_start3A_1616 : memref<128xf32, #tpu.memory_space<hbm>>) target(%dma_start3A_1613 : memref<128xf32, #tpu.memory_space<vmem>>) target_semaphore(%dma_start3A_1610 : memref<!tpu.dma_semaphore, #tpu.memory_space<semaphore_mem>>)
      } else {
      }
    }
    %scan3A_278 = arith.constant 20 : i32
    %dma_wait3A_279 = arith.constant 1 : i32
    %dma_wait3A_280 = arith.constant 3 : i32
    %dma_wait3A_281 = arith.constant 1 : i32
    %dma_wait3A_282 = arith.constant 0 : i32
    %dma_wait3A_283 = tpu.memref_slice %arg13[%dma_wait3A_279, %dma_wait3A_282] : memref<2x128xf32, #tpu.memory_space<vmem>> -> memref<1x128xf32, #tpu.memory_space<vmem>>
    %dma_wait3A_284 = tpu.memref_squeeze %dma_wait3A_283 : memref<1x128xf32, #tpu.memory_space<vmem>> -> memref<128xf32, #tpu.memory_space<vmem>>
    %dma_wait3A_285 = arith.constant 0 : i32
    %dma_wait3A_286 = tpu.memref_slice %arg11[%dma_wait3A_280, %dma_wait3A_285] : memref<4x128xi32, #tpu.memory_space<vmem>> -> memref<1x128xi32, #tpu.memory_space<vmem>>
    %dma_wait3A_287 = tpu.memref_squeeze %dma_wait3A_286 : memref<1x128xi32, #tpu.memory_space<vmem>> -> memref<128xi32, #tpu.memory_space<vmem>>
    %dma_wait3A_288 = arith.constant 0 : i32
    %dma_wait3A_289 = tpu.memref_slice %arg18[%dma_wait3A_288] : memref<10240xf32, #tpu.memory_space<vmem_shared>> -> memref<10240xf32, #tpu.memory_space<vmem_shared>>
    %dma_wait3A_290 = tpu.memref_slice %arg22[%dma_wait3A_281] : memref<2x!tpu.dma_semaphore, #tpu.memory_space<semaphore_mem>> -> memref<1x!tpu.dma_semaphore, #tpu.memory_space<semaphore_mem>>
    %dma_wait3A_291 = tpu.memref_squeeze %dma_wait3A_290 : memref<1x!tpu.dma_semaphore, #tpu.memory_space<semaphore_mem>> -> memref<!tpu.dma_semaphore, #tpu.memory_space<semaphore_mem>>
    tpu.wait_indirect_dma semaphore(%dma_wait3A_291 : memref<!tpu.dma_semaphore, #tpu.memory_space<semaphore_mem>>) src(%dma_wait3A_284 : memref<128xf32, #tpu.memory_space<vmem>>) dst(%dma_wait3A_289 : memref<10240xf32, #tpu.memory_space<vmem_shared>>)
    %dma_wait3A_292 = arith.constant 3 : i32
    %dma_wait3A_293 = arith.constant 0 : i32
    %dma_wait3A_294 = arith.constant 0 : i32
    %dma_wait3A_295 = tpu.memref_slice %arg11[%dma_wait3A_292, %dma_wait3A_294] : memref<4x128xi32, #tpu.memory_space<vmem>> -> memref<1x128xi32, #tpu.memory_space<vmem>>
    %dma_wait3A_296 = tpu.memref_squeeze %dma_wait3A_295 : memref<1x128xi32, #tpu.memory_space<vmem>> -> memref<128xi32, #tpu.memory_space<vmem>>
    %dma_wait3A_297 = arith.constant 0 : i32
    %dma_wait3A_298 = arith.constant 0 : i32
    %dma_wait3A_299 = tpu.memref_slice %arg17[%dma_wait3A_297, %dma_wait3A_298] : memref<10240x128xf32, #tpu.memory_space<vmem_shared>> -> memref<10240x128xf32, #tpu.memory_space<vmem_shared>>
    %dma_wait3A_300 = tpu.memref_slice %arg23[%dma_wait3A_293] : memref<2x!tpu.dma_semaphore, #tpu.memory_space<semaphore_mem>> -> memref<1x!tpu.dma_semaphore, #tpu.memory_space<semaphore_mem>>
    %dma_wait3A_301 = tpu.memref_squeeze %dma_wait3A_300 : memref<1x!tpu.dma_semaphore, #tpu.memory_space<semaphore_mem>> -> memref<!tpu.dma_semaphore, #tpu.memory_space<semaphore_mem>>
    tpu.wait_indirect_dma semaphore(%dma_wait3A_301 : memref<!tpu.dma_semaphore, #tpu.memory_space<semaphore_mem>>) src(%arg16 : memref<128x128xf32, #tpu.memory_space<vmem>>) dst(%dma_wait3A_299 : memref<10240x128xf32, #tpu.memory_space<vmem_shared>>)
    %barrier3A_302 = arith.constant 0 : index
    tpu.barrier barrier_id(%barrier3A_302)
    "tpu.region"() ({
      %run_scoped3A_303 = tpu.sem_alloc : memref<!tpu.dma_semaphore, #tpu.memory_space<semaphore_mem>>
      %dma_start3A_304 = arith.constant 0 : i32
      %dma_start3A_305 = tpu.memref_slice %arg8[%arg0, %mul3A_6, %dma_start3A_304] : memref<2x10240x128xf32, #tpu.memory_space<hbm>> -> memref<1x640x128xf32, #tpu.memory_space<hbm>>
      %dma_start3A_306 = tpu.memref_squeeze %dma_start3A_305 : memref<1x640x128xf32, #tpu.memory_space<hbm>> -> memref<640x128xf32, #tpu.memory_space<hbm>>
      %dma_start3A_307 = arith.constant 0 : i32
      %dma_start3A_308 = tpu.memref_slice %arg17[%mul3A_6, %dma_start3A_307] : memref<10240x128xf32, #tpu.memory_space<vmem_shared>> -> memref<640x128xf32, #tpu.memory_space<vmem_shared>>
      tpu.enqueue_dma source(%dma_start3A_308 : memref<640x128xf32, #tpu.memory_space<vmem_shared>>) target(%dma_start3A_306 : memref<640x128xf32, #tpu.memory_space<hbm>>) target_semaphore(%run_scoped3A_303 : memref<!tpu.dma_semaphore, #tpu.memory_space<semaphore_mem>>)
      %dma_wait3A_309 = arith.constant 0 : i32
      %dma_wait3A_310 = tpu.memref_slice %arg8[%arg0, %mul3A_6, %dma_wait3A_309] : memref<2x10240x128xf32, #tpu.memory_space<hbm>> -> memref<1x640x128xf32, #tpu.memory_space<hbm>>
      %dma_wait3A_311 = tpu.memref_squeeze %dma_wait3A_310 : memref<1x640x128xf32, #tpu.memory_space<hbm>> -> memref<640x128xf32, #tpu.memory_space<hbm>>
      %dma_wait3A_312 = arith.constant 0 : i32
      %dma_wait3A_313 = tpu.memref_slice %arg17[%mul3A_6, %dma_wait3A_312] : memref<10240x128xf32, #tpu.memory_space<vmem_shared>> -> memref<640x128xf32, #tpu.memory_space<vmem_shared>>
      tpu.wait_dma2 semaphore(%run_scoped3A_303 : memref<!tpu.dma_semaphore, #tpu.memory_space<semaphore_mem>>) src(%dma_wait3A_313 : memref<640x128xf32, #tpu.memory_space<vmem_shared>>) dst(%dma_wait3A_311 : memref<640x128xf32, #tpu.memory_space<hbm>>)
      tpu.yield
    }) : () -> ()
    "tpu.region"() ({
      %run_scoped3A_303 = tpu.sem_alloc : memref<!tpu.dma_semaphore, #tpu.memory_space<semaphore_mem>>
      %dma_start3A_304 = tpu.memref_slice %arg9[%arg0, %mul3A_6] : memref<2x10240xf32, #tpu.memory_space<hbm>> -> memref<1x640xf32, #tpu.memory_space<hbm>>
      %dma_start3A_305 = tpu.memref_squeeze %dma_start3A_304 : memref<1x640xf32, #tpu.memory_space<hbm>> -> memref<640xf32, #tpu.memory_space<hbm>>
      %dma_start3A_306 = tpu.memref_slice %arg18[%mul3A_6] : memref<10240xf32, #tpu.memory_space<vmem_shared>> -> memref<640xf32, #tpu.memory_space<vmem_shared>>
      tpu.enqueue_dma source(%dma_start3A_306 : memref<640xf32, #tpu.memory_space<vmem_shared>>) target(%dma_start3A_305 : memref<640xf32, #tpu.memory_space<hbm>>) target_semaphore(%run_scoped3A_303 : memref<!tpu.dma_semaphore, #tpu.memory_space<semaphore_mem>>)
      %dma_wait3A_307 = tpu.memref_slice %arg9[%arg0, %mul3A_6] : memref<2x10240xf32, #tpu.memory_space<hbm>> -> memref<1x640xf32, #tpu.memory_space<hbm>>
      %dma_wait3A_308 = tpu.memref_squeeze %dma_wait3A_307 : memref<1x640xf32, #tpu.memory_space<hbm>> -> memref<640xf32, #tpu.memory_space<hbm>>
      %dma_wait3A_309 = tpu.memref_slice %arg18[%mul3A_6] : memref<10240xf32, #tpu.memory_space<vmem_shared>> -> memref<640xf32, #tpu.memory_space<vmem_shared>>
      tpu.wait_dma2 semaphore(%run_scoped3A_303 : memref<!tpu.dma_semaphore, #tpu.memory_space<semaphore_mem>>) src(%dma_wait3A_309 : memref<640xf32, #tpu.memory_space<vmem_shared>>) dst(%dma_wait3A_308 : memref<640xf32, #tpu.memory_space<hbm>>)
      tpu.yield
    }) : () -> ()
    return
  }
}

module attributes {stable_mosaic.version = 14 : i64} {
  func.func @_k1_body(%arg0: memref<10000x128xf32, #tpu.memory_space<vmem>>, %arg1: memref<128x128xf32, #tpu.memory_space<vmem>>, %arg2: memref<256xf32, #tpu.memory_space<vmem>>, %arg3: memref<2560x128xf32, #tpu.memory_space<vmem>>, %arg4: memref<10000x128xbf16, #tpu.memory_space<vmem>>, %arg5: memref<10000xf32, #tpu.memory_space<vmem>>, %arg6: memref<10000xf32, #tpu.memory_space<vmem>>, %arg7: memref<2560x128xf32, #tpu.memory_space<vmem>>) attributes {dimension_semantics = [], scalar_prefetch = 0 : i64, scratch_operands = 0 : i64, tpu.core_type = #tpu.core_type<tc>} {
    %get3A = arith.constant 0 : index
    %get3A_0 = arith.constant 0 : index
    %get3A_1 = vector.load %arg0[%get3A, %get3A_0] : memref<10000x128xf32, #tpu.memory_space<vmem>>, vector<10000x128xf32>
    %get3A_2 = arith.constant 0 : index
    %get3A_3 = arith.constant 0 : index
    %get3A_4 = vector.load %arg1[%get3A_2, %get3A_3] : memref<128x128xf32, #tpu.memory_space<vmem>>, vector<128x128xf32>
    %dot_general3A = arith.constant dense<0.000000e+00> : vector<10000x128xf32>
    %dot_general3A_5 = tpu.matmul %get3A_1, %get3A_4, %dot_general3A {dimension_numbers = #tpu.dot_dimension_numbers<[1], [0], [0], [1], [0, 0, 1, 1], [], []>, transpose_lhs_hint = false} : vector<10000x128xf32>, vector<128x128xf32>, vector<10000x128xf32> -> vector<10000x128xf32>
    %convert_element_type3A = arith.truncf %dot_general3A_5 : vector<10000x128xf32> to vector<10000x128xbf16>
    %swap3A = arith.constant 0 : index
    %swap3A_6 = arith.constant 0 : index
    %swap3A_7 = vector.load %arg4[%swap3A, %swap3A_6] : memref<10000x128xbf16, #tpu.memory_space<vmem>>, vector<10000x128xbf16>
    tpu.vector_store %arg4[%swap3A, %swap3A_6], %convert_element_type3A {strides = array<i32>} : memref<10000x128xbf16, #tpu.memory_space<vmem>>, vector<10000x128xbf16>,
    %get3A_8 = arith.constant 0 : index
    %get3A_9 = vector.load %arg2[%get3A_8] : memref<256xf32, #tpu.memory_space<vmem>>, vector<256xf32>
    %slice3A = vector.extract_strided_slice %get3A_9 {offsets = [0], sizes = [128], strides = [1]} : vector<256xf32> to vector<128xf32>
    %broadcast_in_dim3A = vector.shape_cast %slice3A : vector<128xf32> to vector<1x128xf32>
    %mul3A = vector.broadcast %broadcast_in_dim3A : vector<1x128xf32> to vector<10000x128xf32>
    %mul3A_10 = arith.mulf %dot_general3A_5, %mul3A : vector<10000x128xf32>
    %reduce_sum3A = arith.constant dense<0.000000e+00> : vector<10000xf32>
    %reduce_sum3A_11 = vector.multi_reduction <add>, %mul3A_10, %reduce_sum3A [1] : vector<10000x128xf32> to vector<10000xf32>
    %swap3A_12 = arith.constant 0 : index
    %swap3A_13 = vector.load %arg5[%swap3A_12] : memref<10000xf32, #tpu.memory_space<vmem>>, vector<10000xf32>
    tpu.vector_store %arg5[%swap3A_12], %reduce_sum3A_11 {strides = array<i32>} : memref<10000xf32, #tpu.memory_space<vmem>>, vector<10000xf32>,
    %slice3A_14 = vector.extract_strided_slice %get3A_9 {offsets = [128], sizes = [128], strides = [1]} : vector<256xf32> to vector<128xf32>
    %broadcast_in_dim3A_15 = vector.shape_cast %slice3A_14 : vector<128xf32> to vector<1x128xf32>
    %mul3A_16 = vector.broadcast %broadcast_in_dim3A_15 : vector<1x128xf32> to vector<10000x128xf32>
    %mul3A_17 = arith.mulf %dot_general3A_5, %mul3A_16 : vector<10000x128xf32>
    %reduce_sum3A_18 = arith.constant dense<0.000000e+00> : vector<10000xf32>
    %reduce_sum3A_19 = vector.multi_reduction <add>, %mul3A_17, %reduce_sum3A_18 [1] : vector<10000x128xf32> to vector<10000xf32>
    %swap3A_20 = arith.constant 0 : index
    %swap3A_21 = vector.load %arg6[%swap3A_20] : memref<10000xf32, #tpu.memory_space<vmem>>, vector<10000xf32>
    tpu.vector_store %arg6[%swap3A_20], %reduce_sum3A_19 {strides = array<i32>} : memref<10000xf32, #tpu.memory_space<vmem>>, vector<10000xf32>,
    %get3A_22 = arith.constant 0 : index
    %get3A_23 = arith.constant 0 : index
    %get3A_24 = vector.load %arg3[%get3A_22, %get3A_23] : memref<2560x128xf32, #tpu.memory_space<vmem>>, vector<2560x128xf32>
    %max3A = arith.constant 0.000000e+00 : f32
    %max3A_25 = vector.broadcast %max3A : f32 to vector<2560x128xf32>
    %max3A_26 = arith.maximumf %get3A_24, %max3A_25 : vector<2560x128xf32>
    %log1p3A = math.log1p %max3A_26 : vector<2560x128xf32>
    %swap3A_27 = arith.constant 0 : index
    %swap3A_28 = arith.constant 0 : index
    %swap3A_29 = vector.load %arg7[%swap3A_27, %swap3A_28] : memref<2560x128xf32, #tpu.memory_space<vmem>>, vector<2560x128xf32>
    tpu.vector_store %arg7[%swap3A_27, %swap3A_28], %log1p3A {strides = array<i32>} : memref<2560x128xf32, #tpu.memory_space<vmem>>, vector<2560x128xf32>,
    return
  }
}

module attributes {stable_mosaic.version = 14 : i64} {
  func.func @_k3_body(%arg0: memref<2x10240x128xf32, #tpu.memory_space<vmem>>, %arg1: memref<2x10240xf32, #tpu.memory_space<vmem>>, %arg2: memref<10000x128xf32, #tpu.memory_space<vmem>>) attributes {dimension_semantics = [], scalar_prefetch = 0 : i64, scratch_operands = 0 : i64, tpu.core_type = #tpu.core_type<tc>} {
    %get3A = arith.constant 0 : index
    %get3A_0 = arith.constant 0 : index
    %get3A_1 = arith.constant 0 : index
    %get3A_2 = vector.load %arg0[%get3A, %get3A_0, %get3A_1] : memref<2x10240x128xf32, #tpu.memory_space<vmem>>, vector<1x10240x128xf32>
    %get3A_3 = vector.shape_cast %get3A_2 : vector<1x10240x128xf32> to vector<10240x128xf32>
    %get3A_4 = arith.constant 1 : index
    %get3A_5 = arith.constant 0 : index
    %get3A_6 = arith.constant 0 : index
    %get3A_7 = vector.load %arg0[%get3A_4, %get3A_5, %get3A_6] : memref<2x10240x128xf32, #tpu.memory_space<vmem>>, vector<1x10240x128xf32>
    %get3A_8 = vector.shape_cast %get3A_7 : vector<1x10240x128xf32> to vector<10240x128xf32>
    %add3A = arith.addf %get3A_3, %get3A_8 : vector<10240x128xf32>
    %get3A_9 = arith.constant 0 : index
    %get3A_10 = arith.constant 0 : index
    %get3A_11 = vector.load %arg1[%get3A_9, %get3A_10] : memref<2x10240xf32, #tpu.memory_space<vmem>>, vector<1x10240xf32>
    %get3A_12 = vector.shape_cast %get3A_11 : vector<1x10240xf32> to vector<10240xf32>
    %get3A_13 = arith.constant 1 : index
    %get3A_14 = arith.constant 0 : index
    %get3A_15 = vector.load %arg1[%get3A_13, %get3A_14] : memref<2x10240xf32, #tpu.memory_space<vmem>>, vector<1x10240xf32>
    %get3A_16 = vector.shape_cast %get3A_15 : vector<1x10240xf32> to vector<10240xf32>
    %add3A_17 = arith.addf %get3A_12, %get3A_16 : vector<10240xf32>
    %add3A_18 = arith.constant 9.99999993E-9 : f32
    %add3A_19 = vector.broadcast %add3A_18 : f32 to vector<10240xf32>
    %add3A_20 = arith.addf %add3A_17, %add3A_19 : vector<10240xf32>
    %div3A = arith.constant 1.000000e+00 : f32
    %div3A_21 = vector.broadcast %div3A : f32 to vector<10240xf32>
    %div3A_22 = arith.divf %div3A_21, %add3A_20 : vector<10240xf32>
    %broadcast_in_dim3A = vector.shape_cast %div3A_22 : vector<10240xf32> to vector<10240x1xf32>
    %mul3A = vector.broadcast %broadcast_in_dim3A : vector<10240x1xf32> to vector<10240x128xf32>
    %mul3A_23 = arith.mulf %add3A, %mul3A : vector<10240x128xf32>
    %gt3A = arith.constant 0.000000e+00 : f32
    %gt3A_24 = vector.broadcast %gt3A : f32 to vector<10240x128xf32>
    %gt3A_25 = arith.cmpf ogt, %mul3A_23, %gt3A_24 : vector<10240x128xf32>
    %min3A = arith.constant 0.000000e+00 : f32
    %min3A_26 = vector.broadcast %min3A : f32 to vector<10240x128xf32>
    %min3A_27 = arith.minimumf %mul3A_23, %min3A_26 : vector<10240x128xf32>
    %exp3A = math.exp %min3A_27 : vector<10240x128xf32>
    %sub3A = arith.constant 1.000000e+00 : f32
    %sub3A_28 = vector.broadcast %sub3A : f32 to vector<10240x128xf32>
    %sub3A_29 = arith.subf %exp3A, %sub3A_28 : vector<10240x128xf32>
    %select_n3A = arith.select %gt3A_25, %mul3A_23, %sub3A_29 : vector<10240x128xi1>, vector<10240x128xf32>
    %slice3A = vector.extract_strided_slice %select_n3A {offsets = [0, 0], sizes = [10000, 128], strides = [1, 1]} : vector<10240x128xf32> to vector<10000x128xf32>
    %swap3A = arith.constant 0 : index
    %swap3A_30 = arith.constant 0 : index
    %swap3A_31 = vector.load %arg2[%swap3A, %swap3A_30] : memref<10000x128xf32, #tpu.memory_space<vmem>>, vector<10000x128xf32>
    tpu.vector_store %arg2[%swap3A, %swap3A_30], %slice3A {strides = array<i32>} : memref<10000x128xf32, #tpu.memory_space<vmem>>, vector<10000x128xf32>,
    return
  }
}

</mosaic_0001>

<sc_bundles>
// kernel: kernel.5.cloned.1.call-start
scs
__scs_entry_jumppad:
0x0: {  	(pc) =	sbr.rel $0x88, $3  }
0x1: {  	(tag) =	ssettag $0x0;
	lr =	simm.s32 $0x1  }
0x2: {  	[smem:$0x3F9C] =	sst lr;
	_ =	strace $0xD0000000  }
0x3: {  	_ = 	snop  }
0x4: {  	_ = 	snop  }
0x5: {  	_ = 	snop  }
0x6: {  	_ = 	snop  }
0x7: {  	_ = 	snop  }
__scs_overlays_trampoline_lowered:
0x8: {  	[smem:$0x3FAB] =	sst s0  }
0x9: {  	[smem:$0x3FAC] =	sst s1  }
0xa: {  	[smem:$0x3FAD] =	sst s2  }
0xb: {  	[smem:$0x3FAE] =	sst s3  }
0xc: {  	[smem:$0x3FAF] =	sst s4  }
0xd: {  	[smem:$0x3FB0] =	sst s5  }
0xe: {  	[smem:$0x3FB1] =	sst s6  }
0xf: {  	[smem:$0x3FB2] =	sst s7  }
0x10: {  	[smem:$0x3FB3] =	sst s8  }
0x11: {  	[smem:$0x3FB4] =	sst s9;
	s0 =	simm.s32 @!p0 $0x0  }
0x12: {  	s1 =	sld [smem:$0x3F9A];
	s0 =	simm.s32 @p0 $0x1  }
0x13: {  	[smem:$0x3FB5] =	sst s0;
	s0 =	simm.s32 @!p1 $0x0  }
0x14: {  	s2 =	sld [smem:$0x3F99];
	s0 =	simm.s32 @p1 $0x1  }
0x15: {  	[smem:$0x3FB6] =	sst s0;
	s0 =	simm.s32 @!p2 $0x0  }
0x16: {  	s3 =	sld [smem:$0x3FDB];
	s0 =	simm.s32 @p2 $0x1  }
0x17: {  	s4 =	simm.s32 $0x1BF5;
	[smem:$0x3FB8] =	sst s0  }
0x18: {  	s0 =	sld [smem:$0x3F9B];
	_ =	swait.ge [sflag:s4], $0x0  }
0x19: {  	s7 =	sld [smem:$0x3F9C]  }
0x1a: {  	s8 =	sadd.s32 $0xFFFFE003, lr  }
0x1b: {  	s9 =	sadd.s32 $0xFFFFFEF7, lr;
	s5 =	simm.s32 $0xFFFFFFFF;
	p2 =	slt.u32 s8, $0xFFFFF086  }
0x1c: {  	p1 =	slt.u32 s9, $0xF7A;
	s5 =	simm.s32 @!p2 $0x0  }
0x1d: {  	s5 =	simm.s32 @p1 $0x1;
	p0 =	seq.s32 s7, s2  }
0x1e: {  	s7 =	smul.u32 @!p0 $0xF7A, s2;
	p2 =	seq.s32 @!p0 s5, $0x0  }
0x1f: {  	s9 =	smul.u32 $0xF7A, s1;
	s8 =	simm.s32 @!p0 $0x1BF5;
	p2 =	por !p2, p0  }
0x20: {  	[sflag:s8] =	ssyncset.s32 @!p0 $0xFFFFF086;
	s6 =	sadd.s32 @!p0 s3, s7;
	s7 =	simm.s32 @!p0 $0x108  }
0x21: {  	s3 =	sadd.s32 s3, s9;
	s6 =	sadd.s32 @!p0 $0x88, s6;
	s7 =	simm.s32 @p2 $0x1082  }
0x22: {  	[simem:s7], [sflag:s8] =	dma.local @!p0 [hbm:s6], $0xF7A  }
0x23: {  	s9 =	sor.u32 $0xD0000000, s2;
	s6 =	simm.s32 $0x108;
	_ =	swait.ge @!p0 [sflag:s8], $0x0  }
0x24: {  	s3 =	sadd.s32 $0x88, s3;
	s6 =	simm.s32 @!p1 $0x1082;
	[sflag:s4] =	ssyncset.s32 $0xFFFFF086  }
0x25: {  	[simem:s6], [sflag:s4] =	dma.local [hbm:s3], $0xF7A  }
0x26: {  	[smem:$0x3F9C] =	sst s1;
	(tag) =	ssettag s2;
	_ =	strace s9  }
0x27: {  	s1 =	sld [smem:$0x3FAC]  }
0x28: {  	s2 =	sld [smem:$0x3FAD]  }
0x29: {  	s4 =	sld [smem:$0x3FAF]  }
0x2a: {  	p0 =	seq.s32 s5, $0x0;
	s5 =	sld [smem:$0x3FB0]  }
0x2b: {  	s6 =	sld [smem:$0x3FB1]  }
0x2c: {  	s7 =	sld [smem:$0x3FB2]  }
0x2d: {  	s3 =	simm.s32 $0x108;
	s8 =	sld [smem:$0x3FB3]  }
0x2e: {  	s3 =	simm.s32 @!p0 $0x1082;
	s9 =	sld [smem:$0x3FB4]  }
0x2f: {  	lr =	sadd.s32 s0, s3;
	s0 =	sld [smem:$0x3FAB]  }
0x30: {  	s3 =	sld [smem:$0x3FAE]  }
0x31: {  	[smem:$0x3FB7] =	sst s10  }
0x32: {  	s10 =	sld [smem:$0x3FB5];
	_ =	sdelay $0x3  }
0x33: {  	p0 =	seq.s32 s10, $0x1;
	s10 =	sld [smem:$0x3FB7];
	_ =	sdelay $0x3  }
0x34: {  	[smem:$0x3FB7] =	sst s10  }
0x35: {  	s10 =	sld [smem:$0x3FB6];
	_ =	sdelay $0x3  }
0x36: {  	p1 =	seq.s32 s10, $0x1;
	s10 =	sld [smem:$0x3FB7];
	_ =	sdelay $0x3  }
0x37: {  	[smem:$0x3FB7] =	sst s10  }
0x38: {  	s10 =	sld [smem:$0x3FB8]  }
0x39: {  	_ = 	snop;
	(pc) =	sbr.ind lr, $3  }
0x3a: {  	_ = 	snop  }
0x3b: {  	_ = 	snop  }
0x3c: {  	p2 =	seq.s32 s10, $0x1;
	s10 =	sld [smem:$0x3FB7]  }
0x3d: {  	_ =	shalt  }
0x3e: {  	_ =	shalt  }
0x3f: {  	_ =	shalt  }
0x40: {  	_ =	shalt  }
0x41: {  	_ =	shalt  }
0x42: {  	_ =	shalt  }
0x43: {  	_ =	shalt  }
0x44: {  	_ =	shalt  }
0x45: {  	_ =	shalt  }
0x46: {  	_ =	shalt  }
0x47: {  	_ =	shalt  }
0x48: {  	_ =	shalt  }
0x49: {  	_ =	shalt  }
0x4a: {  	_ =	shalt  }
0x4b: {  	_ =	shalt  }
0x4c: {  	_ =	shalt  }
0x4d: {  	_ =	shalt  }
0x4e: {  	_ =	shalt  }
0x4f: {  	_ =	shalt  }
0x50: {  	_ =	shalt  }
0x51: {  	_ =	shalt  }
0x52: {  	_ =	shalt  }
0x53: {  	_ =	shalt  }
0x54: {  	_ =	shalt  }
0x55: {  	_ =	shalt  }
0x56: {  	_ =	shalt  }
0x57: {  	_ =	shalt  }
0x58: {  	_ =	shalt  }
0x59: {  	_ =	shalt  }
0x5a: {  	_ =	shalt  }
0x5b: {  	_ =	shalt  }
0x5c: {  	_ =	shalt  }
0x5d: {  	_ =	shalt  }
0x5e: {  	_ =	shalt  }
0x5f: {  	_ =	shalt  }
0x60: {  	_ =	shalt  }
0x61: {  	_ =	shalt  }
0x62: {  	_ =	shalt  }
0x63: {  	_ =	shalt  }
0x64: {  	_ =	shalt  }
0x65: {  	_ =	shalt  }
0x66: {  	_ =	shalt  }
0x67: {  	_ =	shalt  }
0x68: {  	_ =	shalt  }
0x69: {  	_ =	shalt  }
0x6a: {  	_ =	shalt  }
0x6b: {  	_ =	shalt  }
0x6c: {  	_ =	shalt  }
0x6d: {  	_ =	shalt  }
0x6e: {  	_ =	shalt  }
0x6f: {  	_ =	shalt  }
0x70: {  	_ =	shalt  }
0x71: {  	_ =	shalt  }
0x72: {  	_ =	shalt  }
0x73: {  	_ =	shalt  }
0x74: {  	_ =	shalt  }
0x75: {  	_ =	shalt  }
0x76: {  	_ =	shalt  }
0x77: {  	_ =	shalt  }
0x78: {  	_ =	shalt  }
0x79: {  	_ =	shalt  }
0x7a: {  	_ =	shalt  }
0x7b: {  	_ =	shalt  }
0x7c: {  	_ =	shalt  }
0x7d: {  	_ =	shalt  }
0x7e: {  	_ =	shalt  }
0x7f: {  	_ =	shalt  }
0x80: {  	_ =	shalt  }
0x81: {  	_ =	shalt  }
0x82: {  	_ =	shalt  }
0x83: {  	_ =	shalt  }
0x84: {  	_ =	shalt  }
0x85: {  	_ =	shalt  }
0x86: {  	_ =	shalt  }
0x87: {  	_ =	shalt  }
.Lfunc_end0:
.L_simem_size_0:
called_computation_lowered:
.L_overlay_start_0:
0x88: {  	s2 =	sld [smem:$0x3FD9]  }
0x89: {  	s3 =	sld [smem:$0x3FFE];
	_ =	sdelay $0x1  }
0x8a: {  	s1 =	srdreg.scid  }
0x8b: {  	s0 =	sand.u32 $0x1, s1  }
0x8c: {  	s17 =	sshll.u32 s0, $0xA;
	s2 =	sadd.s32 s3, s2  }
0x8d: {  	s2 =	sadd.s32 s2, s17  }
0x8e: {  	[smem:$0x3FC3] =	sst s2  }
0x8f: {  	_ = 	snop  }
0x90: {  	s2 =	sld [smem:$0x3FD0];
	(tm) =	ssettm $0x1  }
0x91: {  	s18 =	sld [smem:$0x3FFB];
	_ =	sdelay $0x3  }
0x92: {  	_ =	strace s18  }
0x93: {  	s3 =	sld [smem:$0x3FFC];
	_ =	sdelay $0x3  }
0x94: {  	_ =	strace s3  }
0x95: {  	s3 =	sld [smem:$0x3FFD];
	_ =	sdelay $0x3  }
0x96: {  	_ =	strace s3  }
0x97: {  	_ =	strace $0x8FFFFFFF  }
0x98: {  	s19 =	sld [smem:$0x3FDB];
	_ =	sdelay $0x1  }
0x99: {  	s4 =	simm.s32 $_scs_section_size  }
0x9a: {  	s5 =	simm.s32 $_size__tile_overlayer_lowered;
	s6 =	simm.s32 $_tile_overlayer_lowered  }
0x9b: {  	s22 =	simm.s32 $0x1BFF;
	s21 =	sshll.u32 s6, $0x1;
	s3 =	sadd.s32 s4, s19  }
0x9c: {  	s7 =	simm.s32 $0x0;
	s20 =	sshll.u32 s5, $0x1;
	s5 =	sadd.s32 s21, s3  }
0x9d: {  	[timem:s7], [sflag:s22] =	dma.local [hbm:s5], s20  }
0x9e: {  	_ =	swait.ge [sflag:s22], s20  }
0x9f: {  	s4 =	ssub.s32 $0x0, s20;
	[sflag:s22] =	ssyncset.done $0x0  }
0xa0: {  	[sflag:s22] =	ssyncadd.s32 s4;
	_ =	sdelay $0x1  }
0xa1: {  	s23 =	simm.s32 $0x1B8B  }
0xa2: {  	_ =	swait.ge [sflag:s23], $0x1  }
0xa3: {  	[sflag:s23] =	ssyncset.done $0x0  }
0xa4: {  	s25 =	simm.s32 $0x1B8E;
	s24 =	sld [smem:$0x3FFE];
	[sflag:s23] =	ssyncadd.s32 $0xFFFFFFFF  }
0xa5: {  	s26 =	simm.s32 $execute0_lowered;
	[smem:$0x3FD2] =	sst s25  }
0xa6: {  	s5 =	sshll.u32 s26, $0x1;
	_ =	strace $0x80000046;
	[dreg:$0x1] =	wrdreg $0xFFFFFFFF  }
0xa7: {  	s28 =	simm.s32 $_size_execute0_lowered;
	s3 =	sadd.s32 s3, s5;
	[dreg:$0x0] =	wrdreg $0x0  }
0xa8: {  	s5 =	sshll.u32 s28, $0x1;
	[dreg:$0x2] =	wrdreg s3  }
0xa9: {  	[dreg:$0x3] =	wrdreg s5  }
0xaa: {  	[dreg:$0x4] =	wrdreg $0xC0  }
0xab: {  	_ =	task [dreg:s7], $0x5FFFF  }
0xac: {  	[dreg:$0x1] =	wrdreg $0xFFFFFFFF  }
0xad: {  	[dreg:$0x0] =	wrdreg $0x60  }
0xae: {  	[dreg:$0x2] =	wrdreg s2  }
0xaf: {  	[dreg:$0x3] =	wrdreg s24  }
0xb0: {  	[dreg:$0x4] =	wrdreg $0x88000  }
0xb1: {  	[dreg:$0x5] =	wrdreg $0x1C8000  }
0xb2: {  	[dreg:$0x6] =	wrdreg $0x9  }
0xb3: {  	_ =	task.clear_ibuf [dreg:s7], $0x7FFFF;
	_ =	strace $0x90000046  }
0xb4: {  	s29 =	simm.s32 $0x9;
	_ =	strace $0x80000048  }
0xb5: {  	_ =	swait.ge [sflag:s29], $0x1  }
0xb6: {  	[sflag:s29] =	ssyncadd.s32 $0xFFFFFFFF  }
0xb7: {  	_ =	strace $0x90000048  }
0xb8: {  	_ =	sfence  }
0xb9: {  	s30 =	sld [smem:$0x0];
	_ =	sdelay $0x2  }
0xba: {  	s31 =	sshll.u32 s1, $0xD;
	s1 =	sshrl.u32 s1, $0x2  }
0xbb: {  	s3 =	sand.u32 $0x4000, s31;
	s1 =	sadd.s32 s1, s30  }
0xbc: {  	s0 =	sor.u32 s3, s0;
	s1 =	sshll.u32 s1, $0x11  }
0xbd: {  	s0 =	sor.u32 s1, s0  }
0xbe: {  	s0 =	sadd.s32 $0x8F2B, s0  }
0xbf: {  	[sflag:s0] =	ssyncadd.remote.s32 $0x1  }
0xc0: {  	_ =	sfence.sel $0xFFFF  }
0xc1: {  	[dreg:$0x0] =	wrdreg $0xFFFFFFFF;
	(pc) =	sbr.abs _section_cstart, $3  }
0xc2: {  	[dreg:$0x1] =	wrdreg $0xFFFFFFFF  }
0xc3: {  	_ =	task.clear_ibuf [dreg:s7], $0x2FFFF;
	_ =	strace $0x9FFFFFFF  }
0xc4: {  	(tm) =	ssettm $0x7FFFFFFF  }
0xc5: {  	_ =	shalt  }
tec
execute0_lowered:
.L_overlay_start_1:
0x0: {  	(tag) =	ssettag $0x1  }
0x1: {  	s1 =	rddreg [dreg:$0x0]  }
0x2: {  	s0 =	rddreg [dreg:$0x1]  }
0x3: {  	s3 =	rddreg [dreg:$0x2];
	s2 =	srdreg.scid  }
0x4: {  	s15 =	stileid.u32;
	s4 =	rddreg [dreg:$0x3]  }
0x5: {  	s6 =	simm.s32 $0x0;
	s2 =	sand.u32 $0x1, s2;
	s5 =	smul.u32 $0x14000, s15  }
0x6: {  	[smem:$0x7FF] =	sst s6;
	s12 =	smul.u32 $0x280, s15;
	s6 =	sadd.s32 $0xB200, s0  }
0x7: {  	s7 =	sadd.s32 $0xB800, s0;
	s8 =	sadd.s32 $0x15E00, s0;
	s9 =	sadd.s32 $0xBE00, s0  }
0x8: {  	s10 =	sadd.s32 $0x1200, s0;
	s11 =	smul.u32 $0x140000, s2;
	_ =	strace $0x80000047  }
0x9: {  	s13 =	smul.u32 $0x2800, s2;
	s14 =	ssub.s32 $0x2, s2;
	s2 =	sshll.u32 s2, $0x4  }
0xa: {  	s20 =	sshrl.u32 s14, $0x1;
	s21 =	sadd.s32 $0x80, s12;
	s2 =	sor.u32 s15, s2  }
0xb: {  	s16 =	sadd.s32 s5, s3;
	s19 =	sadd.s32 s12, s4;
	s23 =	sadd.s32 $0x100, s12  }
0xc: {  	s25 =	sadd.s32 $0x180, s12;
	s17 =	sadd.s32 $0x200, s12;
	s11 =	sadd.s32 s5, s11  }
0xd: {  	s13 =	sadd.s32 s12, s13;
	s22 =	sshll.u32 s21, $0x7;
	[dreg:$0x5] =	wrdreg s16  }
0xe: {  	s24 =	sshll.u32 s23, $0x7;
	s18 =	sadd.s32 s25, s4;
	[dreg:$0x6] =	wrdreg s19  }
0xf: {  	s11 =	sshrl.u32 s11, $0x3;
	s13 =	sshrl.u32 s13, $0x3;
	s5 =	sadd.s32 s22, s3  }
0x10: {  	[dreg:$0xc] =	wrdreg s18;
	s11 =	sadd.s32 s11, s0;
	s0 =	sadd.s32 s13, s0  }
0x11: {  	s13 =	ssub.s32 s14, s20;
	[dreg:$0x7] =	wrdreg s5;
	s14 =	sadd.s32 s21, s4  }
0x12: {  	s2 =	smul.u32 $0x2800, s2;
	s5 =	sadd.s32 s23, s4;
	[dreg:$0x8] =	wrdreg s14  }
0x13: {  	s20 =	sshll.u32 s17, $0x7;
	s14 =	sadd.s32 s24, s3;
	[dreg:$0xa] =	wrdreg s5  }
0x14: {  	s12 =	sadd.s32 s20, s3;
	[dreg:$0x9] =	wrdreg s14  }
0x15: {  	s21 =	sshrl.u32 s2, $0x3;
	s5 =	sadd.s32 s17, s4;
	[dreg:$0xd] =	wrdreg s12  }
0x16: {  	s22 =	sadd.s32 s8, s21;
	[dreg:$0xe] =	wrdreg s5  }
0x17: {  	s23 =	sadd.s32 s9, s21;
	[dreg:$0xf] =	wrdreg s22  }
0x18: {  	s29 =	simm.s32 $0x100;
	s24 =	sadd.s32 s10, s21;
	[dreg:$0x10] =	wrdreg s23  }
0x19: {  	s26 =	sshll.u32 s25, $0x7;
	s0 =	sadd.s32 $0x1FE00, s0;
	[dreg:$0x11] =	wrdreg s24  }
0x1a: {  	s25 =	sor.u32 $0x10, s21;
	s14 =	sadd.s32 s26, s3;
	[dreg:$0x1d] =	wrdreg s0  }
0x1b: {  	s30 =	simm.s32 $0x2;
	s15 =	sadd.s32 s8, s25;
	[dreg:$0xb] =	wrdreg s14  }
0x1c: {  	s28 =	simm.s32 $0x3;
	s17 =	sadd.s32 s9, s25;
	[dreg:$0x12] =	wrdreg s15  }
0x1d: {  	s31 =	simm.s32 $0xB;
	s5 =	sadd.s32 s10, s25;
	[dreg:$0x13] =	wrdreg s17  }
0x1e: {  	s26 =	sor.u32 $0x20, s21;
	s22 =	sor.u32 $0x180, s2;
	[dreg:$0x14] =	wrdreg s5  }
0x1f: {  	s23 =	sor.u32 $0x200, s2;
	s24 =	sor.u32 $0x280, s2;
	[dreg:$0x18] =	wrdreg s22  }
0x20: {  	s2 =	sor.u32 $0x300, s2;
	s25 =	sadd.s32 $0x20800, s11;
	[dreg:$0x19] =	wrdreg s23  }
0x21: {  	s11 =	simm.s32 $0x5;
	s12 =	simm.s32 $0x7;
	[dreg:$0x1a] =	wrdreg s24  }
0x22: {  	s0 =	simm.s32 $0x180;
	s18 =	sadd.s32 s8, s26;
	[dreg:$0x1b] =	wrdreg s2  }
0x23: {  	s20 =	sadd.s32 s9, s26;
	s21 =	sadd.s32 s10, s26;
	[dreg:$0x1c] =	wrdreg s25  }
0x24: {  	s26 =	smax.u32 s13, $0x1;
	s17 =	simm.s32 $0x4800;
	s22 =	simm.s32 $0xD  }
.Ltmp0:
0x25: {  	s25 =	simm.s32 $0x200;
	[dreg:$0x15] =	wrdreg s18;
	(pc) =	sbr.rel .LBB2_1-.Ltmp0, $4  }
0x26: {  	s23 =	simm.s32 $0x300;
	s15 =	simm.s32 $0x680;
	[dreg:$0x16] =	wrdreg s20  }
0x27: {  	s24 =	simm.s32 $0x380;
	s13 =	simm.s32 $0x8;
	[dreg:$0x17] =	wrdreg s21  }
0x28: {  	s2 =	simm.s32 $0x4;
	s14 =	simm.s32 $0x0;
	[dreg:$0x1e] =	wrdreg s26  }
0x29: {  	v0 =	vimm.f32 $0.0e+00;
	s20 =	simm.s32 $0x80;
	s26 =	simm.s32 $0x600;
	s18 =	simm.s32 $0x6  }
.LBB2_14:
0x2a: {  	s5 =	simm.s32 $0xA  }
0x2b: {  	_ =	swait.ge [sflag:s5], $0x80  }
0x2c: {  	[sflag:s5] =	ssyncset.done $0x0  }
0x2d: {  	[sflag:s5] =	ssyncadd.s32 $0xFFFFFF80  }
0x2e: {  	_ =	swait.ge [sflag:s31], $0x4000  }
0x2f: {  	[sflag:s31] =	ssyncset.done $0x0  }
0x30: {  	[sflag:s31] =	ssyncadd.s32 $0xFFFFC000  }
0x31: {  	s22 =	stileid.u32;
	[bflag:$0x0] =	sbarrier.arrive $0xFFFF  }
0x32: {  	s5 =	sshll.u32 s22, $0x6;
	s22 =	simm.s32 $0xD;
	s16 =	rddreg [dreg:$0x5]  }
0x33: {  	s5 =	sor.u32 $0x1C0D, s5;
	s19 =	rddreg [dreg:$0x1c];
	s14 =	sshrl.u32 s16, $0x3  }
0x34: {  	[hbm:s19], [sflag:s5] =	dma.local [spmem:s14], $0x2800  }
0x35: {  	_ =	swait.ge [sflag:s22], $0x2800  }
0x36: {  	[sflag:s22] =	ssyncset.done $0x0;
	s19 =	rddreg [dreg:$0x6]  }
0x37: {  	s21 =	rddreg [dreg:$0x1d];
	[sflag:s22] =	ssyncadd.s32 $0xFFFFD800;
	s14 =	sshrl.u32 s19, $0x3  }
0x38: {  	[hbm:s21], [sflag:s5] =	dma.local [spmem:s14], $0x50  }
0x39: {  	_ =	swait.ge [sflag:s22], $0x50  }
0x3a: {  	s5 =	rddreg [dreg:$0x1f]  }
0x3b: {  	s21 =	rddreg [dreg:$0x1e];
	s14 =	sadd.s32 $0x1, s5  }
0x3c: {  	p0 =	sne.s32 s14, s21  }
.Ltmp1:
0x3d: {  	_ = 	snop;
	(pc) =	sbr.rel @!p0 .LBB2_15-.Ltmp1, $3  }
0x3e: {  	_ =	sdelay $0x1  }
0x3f: {  	[sflag:s22] =	ssyncset.done $0x0  }
0x40: {  	s29 =	simm.s32 $0x100;
	[sflag:s22] =	ssyncadd.s32 $0xFFFFFFB0  }
.LBB2_1:
0x41: {  	[dreg:$0x1f] =	wrdreg s14;
	s5 =	simm.s32 $0x0;
	s14 =	simm.s32 $0x200  }
.LBB2_2:
0x42: {  	p0 =	sne.s32 s14, $0xFE00;
	[tilespmem:s5+$0x4870] =	vst v0  }
0x43: {  	[tilespmem:s5+$0x4800] =	vst v0  }
0x44: {  	[tilespmem:s5+$0x4810] =	vst v0  }
.Ltmp2:
0x45: {  	[tilespmem:s5+$0x4820] =	vst v0;
	(pc) =	sbr.rel @p0 .LBB2_2-.Ltmp2, $4  }
0x46: {  	[tilespmem:s5+$0x4830] =	vst v0  }
0x47: {  	[tilespmem:s5+$0x4840] =	vst v0  }
0x48: {  	[tilespmem:s5+$0x4850] =	vst v0  }
0x49: {  	[tilespmem:s5+$0x4860] =	vst v0;
	s5 =	sshra.s32 s14, $0x2;
	s14 =	sadd.s32 $0x200, s14  }
0x4a: {  	[tilespmem:s5+$0x4870] =	vst v0  }
0x4b: {  	[tilespmem:s5+$0x4800] =	vst v0  }
0x4c: {  	[tilespmem:s5+$0x4810] =	vst v0  }
0x4d: {  	[tilespmem:s5+$0x4820] =	vst v0  }
0x4e: {  	[tilespmem:s5+$0x4830] =	vst v0  }
0x4f: {  	[tilespmem:s5+$0x4840] =	vst v0  }
0x50: {  	[tilespmem:s5+$0x4850] =	vst v0  }
0x51: {  	[tilespmem:s5+$0x4860] =	vst v0  }
0x52: {  	[spmem:s16] =	stream.linear.scatter [tilespmem:s17], [sflag:$0xD], $0x4000, $0x38;
	[tilespmem:$0x1CA80] =	vst v63  }
0x53: {  	_ =	swait.ge [sflag:s22], $0x4000  }
0x54: {  	[sflag:s22] =	ssyncset.done $0x0  }
0x55: {  	[sflag:s22] =	ssyncadd.s32 $0xFFFFC000  }
0x56: {  	[spmem:s19] =	stream.linear.scatter [tilespmem:s17], [sflag:$0xD], $0x80, $0x38;
	[tilespmem:$0x1CA80] =	vst v63  }
0x57: {  	_ =	swait.ge [sflag:s22], $0x80  }
0x58: {  	[sflag:s22] =	ssyncset.done $0x0  }
0x59: {  	s14 =	rddreg [dreg:$0x7];
	[sflag:s22] =	ssyncadd.s32 $0xFFFFFF80  }
0x5a: {  	[spmem:s14] =	stream.linear.scatter [tilespmem:s17], [sflag:$0xD], $0x4000, $0x38;
	[tilespmem:$0x1CA80] =	vst v63  }
0x5b: {  	_ =	swait.ge [sflag:s22], $0x4000  }
0x5c: {  	[sflag:s22] =	ssyncset.done $0x0  }
0x5d: {  	s16 =	rddreg [dreg:$0x8];
	[sflag:s22] =	ssyncadd.s32 $0xFFFFC000  }
0x5e: {  	[spmem:s16] =	stream.linear.scatter [tilespmem:s17], [sflag:$0xD], $0x80, $0x38;
	[tilespmem:$0x1CA80] =	vst v63  }
0x5f: {  	_ =	swait.ge [sflag:s22], $0x80  }
0x60: {  	[sflag:s22] =	ssyncset.done $0x0  }
0x61: {  	s19 =	rddreg [dreg:$0x9];
	[sflag:s22] =	ssyncadd.s32 $0xFFFFFF80  }
0x62: {  	[spmem:s19] =	stream.linear.scatter [tilespmem:s17], [sflag:$0xD], $0x4000, $0x38;
	[tilespmem:$0x1CA80] =	vst v63  }
0x63: {  	_ =	swait.ge [sflag:s22], $0x4000  }
0x64: {  	[sflag:s22] =	ssyncset.done $0x0  }
0x65: {  	s21 =	rddreg [dreg:$0xa];
	[sflag:s22] =	ssyncadd.s32 $0xFFFFC000  }
0x66: {  	[spmem:s21] =	stream.linear.scatter [tilespmem:s17], [sflag:$0xD], $0x80, $0x38;
	[tilespmem:$0x1CA80] =	vst v63  }
0x67: {  	_ =	swait.ge [sflag:s22], $0x80  }
0x68: {  	[sflag:s22] =	ssyncset.done $0x0  }
0x69: {  	s14 =	rddreg [dreg:$0xb];
	[sflag:s22] =	ssyncadd.s32 $0xFFFFFF80  }
0x6a: {  	[spmem:s14] =	stream.linear.scatter [tilespmem:s17], [sflag:$0xD], $0x4000, $0x38;
	[tilespmem:$0x1CA80] =	vst v63  }
0x6b: {  	_ =	swait.ge [sflag:s22], $0x4000  }
0x6c: {  	[sflag:s22] =	ssyncset.done $0x0  }
0x6d: {  	s16 =	rddreg [dreg:$0xc];
	[sflag:s22] =	ssyncadd.s32 $0xFFFFC000  }
0x6e: {  	[spmem:s16] =	stream.linear.scatter [tilespmem:s17], [sflag:$0xD], $0x80, $0x38;
	[tilespmem:$0x1CA80] =	vst v63  }
0x6f: {  	_ =	swait.ge [sflag:s22], $0x80  }
0x70: {  	[sflag:s22] =	ssyncset.done $0x0  }
0x71: {  	s19 =	rddreg [dreg:$0xd];
	[sflag:s22] =	ssyncadd.s32 $0xFFFFFF80  }
0x72: {  	[spmem:s19] =	stream.linear.scatter [tilespmem:s17], [sflag:$0xD], $0x4000, $0x38;
	[tilespmem:$0x1CA80] =	vst v63  }
0x73: {  	_ =	swait.ge [sflag:s22], $0x4000  }
0x74: {  	[sflag:s22] =	ssyncset.done $0x0  }
0x75: {  	s21 =	rddreg [dreg:$0xe];
	[sflag:s22] =	ssyncadd.s32 $0xFFFFC000  }
0x76: {  	[spmem:s21] =	stream.linear.scatter [tilespmem:s17], [sflag:$0xD], $0x80, $0x38;
	[tilespmem:$0x1CA80] =	vst v63  }
0x77: {  	_ =	swait.ge [sflag:s22], $0x80  }
0x78: {  	[sflag:s22] =	ssyncset.done $0x0  }
0x79: {  	[sflag:s22] =	ssyncadd.s32 $0xFFFFFF80  }
0x7a: {  	[bflag:$0x0] =	sbarrier.arrive $0xFFFF  }
0x7b: {  	s16 =	simm.s32 $0x0;
	s14 =	rddreg [dreg:$0xf]  }
0x7c: {  	[tilespmem:s16], [sflag:$0x1] =	stream.linear.gather [hbm4b:s14+s16], $0x80, $0x38;
	[tilespmem:$0x1CA80] =	vst v63  }
0x7d: {  	s19 =	rddreg [dreg:$0x10]  }
0x7e: {  	[tilespmem:s25], [sflag:$0x1] =	stream.linear.gather [hbm4b:s19+s16], $0x80, $0x38;
	[tilespmem:$0x1CA80] =	vst v63  }
0x7f: {  	s21 =	rddreg [dreg:$0x11];
	s14 =	simm.s32 $0x400  }
0x80: {  	[tilespmem:s14], [sflag:$0x1] =	stream.linear.gather [hbm4b:s21+s16], $0x80, $0x38;
	[tilespmem:$0x1CA80] =	vst v63  }
0x81: {  	s22 =	rddreg [dreg:$0x12]  }
0x82: {  	[tilespmem:s20], [sflag:$0x2] =	stream.linear.gather [hbm4b:s22+s16], $0x80, $0x38;
	[tilespmem:$0x1CA80] =	vst v63  }
0x83: {  	s19 =	simm.s32 $0x280;
	s14 =	rddreg [dreg:$0x13]  }
0x84: {  	[tilespmem:s19], [sflag:$0x2] =	stream.linear.gather [hbm4b:s14+s16], $0x80, $0x38;
	[tilespmem:$0x1CA80] =	vst v63  }
0x85: {  	s21 =	rddreg [dreg:$0x14];
	s22 =	simm.s32 $0x480  }
0x86: {  	[tilespmem:s22], [sflag:$0x2] =	stream.linear.gather [hbm4b:s21+s16], $0x80, $0x38;
	[tilespmem:$0x1CA80] =	vst v63  }
0x87: {  	s14 =	rddreg [dreg:$0x15]  }
0x88: {  	[tilespmem:s29], [sflag:$0x3] =	stream.linear.gather [hbm4b:s14+s16], $0x80, $0x38;
	[tilespmem:$0x1CA80] =	vst v63  }
0x89: {  	s19 =	rddreg [dreg:$0x16]  }
0x8a: {  	[tilespmem:s23], [sflag:$0x3] =	stream.linear.gather [hbm4b:s19+s16], $0x80, $0x38;
	[tilespmem:$0x1CA80] =	vst v63  }
0x8b: {  	s21 =	rddreg [dreg:$0x17];
	s22 =	simm.s32 $0x500;
	s19 =	simm.s32 $0x1  }
0x8c: {  	[tilespmem:s22], [sflag:$0x3] =	stream.linear.gather [hbm4b:s21+s16], $0x80, $0x38;
	[tilespmem:$0x1CA80] =	vst v63  }
0x8d: {  	_ =	swait.ge [sflag:s19], $0x80  }
0x8e: {  	[sflag:s19] =	ssyncset.done $0x0  }
0x8f: {  	[sflag:s19] =	ssyncadd.s32 $0xFFFFFF80  }
0x90: {  	_ =	swait.ge [sflag:s19], $0x80  }
0x91: {  	[sflag:s19] =	ssyncset.done $0x0  }
0x92: {  	[sflag:s19] =	ssyncadd.s32 $0xFFFFFF80  }
0x93: {  	_ =	swait.ge [sflag:s19], $0x80  }
0x94: {  	[sflag:s19] =	ssyncset.done $0x0  }
0x95: {  	[sflag:s19] =	ssyncadd.s32 $0xFFFFFF80  }
0x96: {  	[tilespmem:s26], [sflag:$0x5] =	stream.indirect.gather [hbm4b:s6+s20], $0x1, s16, s20, $0xb8;
	[tilespmem:$0x1CA80] =	vst v63  }
0x97: {  	s21 =	simm.s32 $0x700  }
0x98: {  	[tilespmem:s21], [sflag:$0x5] =	stream.indirect.gather [hbm4b:s7+s20], $0x1, s25, s20, $0xb8;
	[tilespmem:$0x1CA80] =	vst v63  }
0x99: {  	s14 =	simm.s32 $0x0;
	s22 =	simm.s32 $0x800  }
0x9a: {  	[tilespmem:s22], [sflag:$0x7] =	stream.indirect.gather [hbm4b:s1+s20], $0x40, s16, s20, $0xb8;
	[tilespmem:$0x1CA80] =	vst v63  }
.LBB2_4:
0x9b: {  	_ =	swait.ge [sflag:s30], $0x80  }
0x9c: {  	[sflag:s30] =	ssyncset.done $0x0  }
0x9d: {  	[sflag:s30] =	ssyncadd.s32 $0xFFFFFF80  }
0x9e: {  	_ =	swait.ge [sflag:s30], $0x80  }
0x9f: {  	[sflag:s30] =	ssyncset.done $0x0  }
0xa0: {  	[sflag:s30] =	ssyncadd.s32 $0xFFFFFF80  }
0xa1: {  	_ =	swait.ge [sflag:s30], $0x80  }
0xa2: {  	[sflag:s30] =	ssyncset.done $0x0  }
0xa3: {  	s5 =	simm.s32 $0x2800;
	p0 =	seq.s32 s14, $0x0;
	[sflag:s30] =	ssyncadd.s32 $0xFFFFFF80  }
0xa4: {  	[tilespmem:s5], [sflag:$0x8] =	stream.indirect.gather [hbm4b:s1+s20], $0x40, s20, s20, $0xb8;
	[tilespmem:$0x1CA80] =	vst v63  }
0xa5: {  	s5 =	simm.s32 @!p0 $0xA  }
0xa6: {  	_ =	swait.ge @!p0 [sflag:s5], $0x80  }
0xa7: {  	[sflag:s5] =	ssyncset.done @!p0 $0x0  }
0xa8: {  	[sflag:s5] =	ssyncadd.s32 @!p0 $0xFFFFFF80  }
0xa9: {  	[tilespmem:s15], [sflag:$0x6] =	stream.indirect.gather [hbm4b:s6+s20], $0x1, s20, s20, $0xb8;
	[tilespmem:$0x1CA80] =	vst v63  }
0xaa: {  	s21 =	simm.s32 $0x280;
	s16 =	simm.s32 $0x780  }
0xab: {  	[tilespmem:s16], [sflag:$0x6] =	stream.indirect.gather [hbm4b:s7+s20], $0x1, s21, s20, $0xb8;
	[tilespmem:$0x1CA80] =	vst v63  }
0xac: {  	_ =	swait.ge [sflag:s11], $0x80  }
0xad: {  	[sflag:s11] =	ssyncset.done $0x0  }
0xae: {  	[sflag:s11] =	ssyncadd.s32 $0xFFFFFF80  }
0xaf: {  	_ =	swait.ge [sflag:s11], $0x80  }
0xb0: {  	[sflag:s11] =	ssyncset.done $0x0  }
0xb1: {  	[sflag:s11] =	ssyncadd.s32 $0xFFFFFF80  }
0xb2: {  	v1 =	vld [tilespmem:$0x600]  }
0xb3: {  	v2 =	vld [tilespmem:$0x700]  }
0xb4: {  	v3 =	vld [tilespmem:$0x400]  }
0xb5: {  	v4 =	vld [tilespmem:$0x610]  }
0xb6: {  	v5 =	vld [tilespmem:$0x710]  }
0xb7: {  	v6 =	vld [tilespmem:$0x410]  }
0xb8: {  	v7 =	vld [tilespmem:$0x620]  }
0xb9: {  	v8 =	vld [tilespmem:$0x720]  }
0xba: {  	v9 =	vld [tilespmem:$0x420]  }
0xbb: {  	v10 =	vld [tilespmem:$0x730]  }
0xbc: {  	v48 =	vld [tilespmem:$0x640]  }
0xbd: {  	v49 =	vld [tilespmem:$0x740];
	v1 =	vadd.f32 v2, v1  }
0xbe: {  	v50 =	vld [tilespmem:$0x650]  }
0xbf: {  	v54 =	vld [tilespmem:$0x670];
	v11 =	vmul.f32 $2.000000030e-01, v1  }
0xc0: {  	v2 =	vld [tilespmem:$0x630];
	v4 =	vadd.f32 v5, v4;
	vm0 =	vgt.f32 v1, $0.0e+00  }
0xc1: {  	v56 =	vld [tilespmem:$0x770];
	v7 =	vadd.f32 v8, v7;
	v1 =	vsel vm0, v1, v11  }
0xc2: {  	v51 =	vld [tilespmem:$0x660];
	v1 =	vadd.f32 v1, v3;
	v3 =	vmul.f32 $2.000000030e-01, v4  }
0xc3: {  	v53 =	vld [tilespmem:$0x760];
	v5 =	vadd.f32 v49, v48;
	vm9 =	vgt.f32 v4, $0.0e+00;
	v13 =	vmul.f32 $2.000000030e-01, v7  }
0xc4: {  	v14 =	vld [tilespmem:$0x750];
	vm10 =	vgt.f32 v7, $0.0e+00;
	v1 =	vmul.f32 $1.442695020e+00, v1;
	v3 =	vsel vm9, v4, v3  }
0xc5: {  	v12 =	vld [tilespmem:$0x430];
	v52 =	vsel vm10, v7, v13;
	v2 =	vadd.f32 v10, v2;
	v3 =	vadd.f32 v3, v6  }
0xc6: {  	v60 =	vadd.f32 v56, v54;
	(erf) = vpow2.f32 v1;
	v1 =	vadd.f32 v52, v9  }
0xc7: {  	vm12 =	vgt.f32 v5, $0.0e+00;
	v55 =	vmul.f32 $2.000000030e-01, v2;
	v3 =	vmul.f32 $1.442695020e+00, v3  }
0xc8: {  	v57 =	vld [tilespmem:$0x440];
	vm11 =	vgt.f32 v2, $0.0e+00;
	v4 =	vadd.f32 v53, v51;
	v1 =	vmul.f32 $1.442695020e+00, v1  }
0xc9: {  	v58 =	vld [tilespmem:$0x450];
	v2 =	vsel vm11, v2, v55;
	(erf) = vpow2.f32 v3;
	v3 =	vadd.f32 v14, v50  }
0xca: {  	v59 =	vld [tilespmem:$0x460];
	(erf) = vpow2.f32 v1;
	v1 =	vadd.f32 v2, v12;
	v2 =	vmul.f32 $2.000000030e-01, v5  }
0xcb: {  	v61 =	vld [tilespmem:$0x470];
	v63 =	vmul.f32 $2.000000030e-01, v60;
	vm15 =	vgt.f32 v60, $0.0e+00;
	v11 =	vmul.f32 $2.000000030e-01, v3  }
0xcc: {  	v62 =	vmul.f32 $2.000000030e-01, v4;
	vm13 =	vgt.f32 v3, $0.0e+00;
	v2 =	vsel vm12, v5, v2  }
0xcd: {  	vm14 =	vgt.f32 v4, $0.0e+00;
	v2 =	vadd.f32 v2, v57;
	v3 =	vsel vm13, v3, v11  }
0xce: {  	v4 =	vsel vm14, v4, v62;
	v1 =	vmul.f32 $1.442695020e+00, v1;
	v3 =	vadd.f32 v3, v58  }
0xcf: {  	v4 =	vadd.f32 v4, v59;
	v5 =	vsel vm15, v60, v63;
	v2 =	vmul.f32 $1.442695020e+00, v2  }
0xd0: {  	(erf) = vpow2.f32 v1;
	v1 =	vadd.f32 v5, v61;
	v3 =	vmul.f32 $1.442695020e+00, v3  }
0xd1: {  	(erf) = vpow2.f32 v2;
	v2 =	vmul.f32 $1.442695020e+00, v4  }
0xd2: {  	v1 =	vmul.f32 $1.442695020e+00, v1;
	(erf) = vpow2.f32 v3  }
0xd3: {  	(erf) = vpow2.f32 v2  }
0xd4: {  	(erf) = vpow2.f32 v1;
	_ =	sdelay $0x1  }
0xd5: {  	v1 =	vpop (erf)  }
0xd6: {  	v2 =	vpop (erf);
	[tilespmem:$0x600] =	vst v1  }
0xd7: {  	v1 =	vpop (erf);
	[tilespmem:$0x610] =	vst v2  }
0xd8: {  	v2 =	vpop (erf);
	[tilespmem:$0x620] =	vst v1  }
0xd9: {  	[tilespmem:$0x630] =	vst v2;
	v1 =	vpop (erf)  }
0xda: {  	v2 =	vpop (erf);
	[tilespmem:$0x640] =	vst v1  }
0xdb: {  	v1 =	vpop (erf);
	[tilespmem:$0x650] =	vst v2  }
0xdc: {  	[tilespmem:$0x660] =	vst v1;
	v1 =	vpop (erf)  }
0xdd: {  	[tilespmem:$0x670] =	vst v1  }
0xde: {  	[spmem:s4] =	stream.indirect.scatter.add.f32 [tilespmem:s26], [sflag:$0x9], $0x1, s25, s20, $0xb8;
	[tilespmem:$0x1CA80] =	vst v63  }
0xdf: {  	_ =	swait.ge [sflag:s12], $0x2000  }
0xe0: {  	s22 =	simm.s32 $0x0;
	[sflag:s12] =	ssyncset.done $0x0  }
0xe1: {  	s5 =	simm.s32 @!p0 $0xB;
	v1 =	vmov s22;
	[sflag:s12] =	ssyncadd.s32 $0xFFFFE000  }
0xe2: {  	_ =	swait.ge @!p0 [sflag:s5], $0x4000  }
0xe3: {  	[sflag:s5] =	ssyncset.done @!p0 $0x0  }
0xe4: {  	[sflag:s5] =	ssyncadd.s32 @!p0 $0xFFFFC000;
	s5 =	simm.s32 $0x820  }
0xe5: {  	v2 =	vld [tilespmem:s5+$0xFFFFFFE0]  }
0xe6: {  	v1 =	vld.idx.msk [tilespmem:v1+s26+$0x0], $0xffff;
	_ =	sdelay $0x3  }
0xe7: {  	v3 =	vshll.u32 v2, $0x10  }
0xe8: {  	v2 =	vand.u32 $0xFFFF0000, v2;
	v3 =	vmul.f32 v3, v1  }
0xe9: {  	s19 =	simm.s32 $0x4840;
	v2 =	vmul.f32 v2, v1  }
0xea: {  	[tilespmem:s19+$0xFFFFFFC0] =	vst v3  }
0xeb: {  	[tilespmem:s19+$0xFFFFFFD0] =	vst v2  }
0xec: {  	v2 =	vld [tilespmem:s5+$0xFFFFFFF0];
	_ =	sdelay $0x4  }
0xed: {  	v3 =	vshll.u32 v2, $0x10  }
0xee: {  	v2 =	vand.u32 $0xFFFF0000, v2;
	v3 =	vmul.f32 v3, v1  }
0xef: {  	v2 =	vmul.f32 v2, v1  }
0xf0: {  	[tilespmem:s19+$0xFFFFFFE0] =	vst v3  }
0xf1: {  	[tilespmem:s19+$0xFFFFFFF0] =	vst v2  }
0xf2: {  	v2 =	vld [tilespmem:s5+$0x0];
	_ =	sdelay $0x4  }
0xf3: {  	v3 =	vshll.u32 v2, $0x10  }
0xf4: {  	v2 =	vand.u32 $0xFFFF0000, v2;
	v3 =	vmul.f32 v3, v1  }
0xf5: {  	v2 =	vmul.f32 v2, v1  }
0xf6: {  	[tilespmem:s19+$0x0] =	vst v3  }
0xf7: {  	[tilespmem:s19+$0x10] =	vst v2  }
0xf8: {  	s16 =	sshll.u32 s14, $0x9;
	s21 =	simm.s32 $0x1;
	s22 =	simm.s32 $0x4840;
	v2 =	vld [tilespmem:s5+$0x10]  }
.LBB2_5:
0xf9: {  	_ =	sdelay $0x3  }
0xfa: {  	p0 =	sne.s32 s21, $0x7F;
	s19 =	sadd.s32 $0x80, s19;
	s5 =	sadd.s32 $0x40, s5;
	v3 =	vshll.u32 v2, $0x10;
	v2 =	vand.u32 $0xFFFF0000, v2  }
0xfb: {  	v4 =	vmov s21;
	s21 =	sadd.s32 $0x1, s21;
	v3 =	vmul.f32 v3, v1;
	v1 =	vmul.f32 v2, v1;
	_ =	sdelay $0x1  }
0xfc: {  	[tilespmem:s22+$0x20] =	vst v3  }
0xfd: {  	[tilespmem:s22+$0x30] =	vst v1;
	s22 =	smov.u32 s19  }
0xfe: {  	v2 =	vld [tilespmem:s5+$0xFFFFFFE0]  }
0xff: {  	v1 =	vld.idx.msk [tilespmem:v4+s26+$0x0], $0xffff;
	_ =	sdelay $0x4  }
0x100: {  	v3 =	vshll.u32 v2, $0x10;
	v2 =	vand.u32 $0xFFFF0000, v2  }
0x101: {  	v3 =	vmul.f32 v3, v1;
	v2 =	vmul.f32 v2, v1;
	_ =	sdelay $0x1  }
0x102: {  	[tilespmem:s19+$0xFFFFFFC0] =	vst v3  }
0x103: {  	[tilespmem:s19+$0xFFFFFFD0] =	vst v2  }
0x104: {  	v2 =	vld [tilespmem:s5+$0xFFFFFFF0];
	_ =	sdelay $0x4  }
0x105: {  	v3 =	vshll.u32 v2, $0x10;
	v2 =	vand.u32 $0xFFFF0000, v2  }
0x106: {  	v3 =	vmul.f32 v3, v1;
	v2 =	vmul.f32 v2, v1;
	_ =	sdelay $0x1  }
0x107: {  	[tilespmem:s19+$0xFFFFFFE0] =	vst v3  }
0x108: {  	[tilespmem:s19+$0xFFFFFFF0] =	vst v2  }
0x109: {  	v2 =	vld [tilespmem:s5+$0x0];
	_ =	sdelay $0x4  }
0x10a: {  	v3 =	vshll.u32 v2, $0x10;
	v2 =	vand.u32 $0xFFFF0000, v2  }
.Ltmp3:
0x10b: {  	v3 =	vmul.f32 v3, v1;
	v2 =	vmul.f32 v2, v1;
	(pc) =	sbr.rel @p0 .LBB2_5-.Ltmp3, $4  }
0x10c: {  	_ = 	snop  }
0x10d: {  	[tilespmem:s19+$0x0] =	vst v3  }
0x10e: {  	[tilespmem:s19+$0x10] =	vst v2  }
0x10f: {  	v2 =	vld [tilespmem:s5+$0x10]  }
0x110: {  	_ =	sdelay $0x3  }
0x111: {  	v3 =	vshll.u32 v2, $0x10  }
0x112: {  	v2 =	vand.u32 $0xFFFF0000, v2;
	v3 =	vmul.f32 v3, v1  }
0x113: {  	s5 =	rddreg [dreg:$0x18];
	v1 =	vmul.f32 v2, v1  }
0x114: {  	s5 =	sadd.s32 s16, s5;
	[tilespmem:s22+$0x20] =	vst v3  }
0x115: {  	s5 =	sshrl.u32 s5, $0x3;
	[tilespmem:s22+$0x30] =	vst v1  }
0x116: {  	[spmem:s3] =	stream.indirect.scatter.add.f32 [tilespmem:s17], [sflag:$0xB], $0x80, s25, s20, $0xb8;
	[tilespmem:$0x1CA80] =	vst v63  }
0x117: {  	s19 =	simm.s32 $0x0;
	s21 =	sadd.s32 s8, s5  }
0x118: {  	[tilespmem:s0], [sflag:$0x4] =	stream.linear.gather [hbm4b:s21+s19], $0x80, $0x38;
	[tilespmem:$0x1CA80] =	vst v63  }
0x119: {  	s22 =	sadd.s32 s9, s5  }
0x11a: {  	[tilespmem:s24], [sflag:$0x4] =	stream.linear.gather [hbm4b:s22+s19], $0x80, $0x38;
	[tilespmem:$0x1CA80] =	vst v63  }
0x11b: {  	s5 =	sadd.s32 s10, s5;
	s25 =	simm.s32 $0x580  }
0x11c: {  	[tilespmem:s25], [sflag:$0x4] =	stream.linear.gather [hbm4b:s5+s19], $0x80, $0x38;
	[tilespmem:$0x1CA80] =	vst v63  }
0x11d: {  	_ =	swait.ge [sflag:s28], $0x80  }
0x11e: {  	[sflag:s28] =	ssyncset.done $0x0  }
0x11f: {  	[sflag:s28] =	ssyncadd.s32 $0xFFFFFF80  }
0x120: {  	_ =	swait.ge [sflag:s28], $0x80  }
0x121: {  	[sflag:s28] =	ssyncset.done $0x0  }
0x122: {  	[sflag:s28] =	ssyncadd.s32 $0xFFFFFF80  }
0x123: {  	_ =	swait.ge [sflag:s28], $0x80  }
0x124: {  	[sflag:s28] =	ssyncset.done $0x0  }
0x125: {  	s0 =	simm.s32 $0x800;
	s21 =	simm.s32 $0x9;
	[sflag:s28] =	ssyncadd.s32 $0xFFFFFF80  }
0x126: {  	[tilespmem:s0], [sflag:$0x7] =	stream.indirect.gather [hbm4b:s1+s20], $0x40, s29, s20, $0xb8;
	[tilespmem:$0x1CA80] =	vst v63  }
0x127: {  	_ =	swait.ge [sflag:s21], $0x80  }
0x128: {  	[sflag:s21] =	ssyncset.done $0x0  }
0x129: {  	[sflag:s21] =	ssyncadd.s32 $0xFFFFFF80  }
0x12a: {  	[tilespmem:s26], [sflag:$0x5] =	stream.indirect.gather [hbm4b:s6+s20], $0x1, s29, s20, $0xb8;
	[tilespmem:$0x1CA80] =	vst v63  }
0x12b: {  	s22 =	simm.s32 $0x700  }
0x12c: {  	[tilespmem:s22], [sflag:$0x5] =	stream.indirect.gather [hbm4b:s7+s20], $0x1, s23, s20, $0xb8;
	[tilespmem:$0x1CA80] =	vst v63  }
0x12d: {  	_ =	swait.ge [sflag:s18], $0x80  }
0x12e: {  	[sflag:s18] =	ssyncset.done $0x0  }
0x12f: {  	[sflag:s18] =	ssyncadd.s32 $0xFFFFFF80  }
0x130: {  	_ =	swait.ge [sflag:s18], $0x80  }
0x131: {  	[sflag:s18] =	ssyncset.done $0x0  }
0x132: {  	[sflag:s18] =	ssyncadd.s32 $0xFFFFFF80  }
0x133: {  	v1 =	vld [tilespmem:$0x680]  }
0x134: {  	v2 =	vld [tilespmem:$0x780]  }
0x135: {  	v3 =	vld [tilespmem:$0x480]  }
0x136: {  	v4 =	vld [tilespmem:$0x690]  }
0x137: {  	v5 =	vld [tilespmem:$0x790]  }
0x138: {  	v6 =	vld [tilespmem:$0x490]  }
0x139: {  	v7 =	vld [tilespmem:$0x6A0]  }
0x13a: {  	v8 =	vld [tilespmem:$0x7A0]  }
0x13b: {  	v9 =	vld [tilespmem:$0x4A0]  }
0x13c: {  	v10 =	vld [tilespmem:$0x7B0];
	v1 =	vadd.f32 v2, v1  }
0x13d: {  	v12 =	vld [tilespmem:$0x4B0]  }
0x13e: {  	v51 =	vld [tilespmem:$0x7C0];
	v11 =	vmul.f32 $2.000000030e-01, v1  }
0x13f: {  	v2 =	vld [tilespmem:$0x6B0];
	v4 =	vadd.f32 v5, v4;
	vm0 =	vgt.f32 v1, $0.0e+00  }
0x140: {  	v52 =	vld [tilespmem:$0x6D0];
	v7 =	vadd.f32 v8, v7;
	v1 =	vsel vm0, v1, v11  }
0x141: {  	v14 =	vld [tilespmem:$0x7D0];
	v1 =	vadd.f32 v1, v3;
	v3 =	vmul.f32 $2.000000030e-01, v4  }
0x142: {  	v5 =	vld [tilespmem:$0x6C0];
	vm9 =	vgt.f32 v4, $0.0e+00;
	v13 =	vmul.f32 $2.000000030e-01, v7  }
0x143: {  	v54 =	vld [tilespmem:$0x7E0];
	vm10 =	vgt.f32 v7, $0.0e+00;
	v1 =	vmul.f32 $1.442695020e+00, v1;
	v3 =	vsel vm9, v4, v3  }
0x144: {  	v55 =	vld [tilespmem:$0x6F0];
	v53 =	vsel vm10, v7, v13;
	v2 =	vadd.f32 v10, v2;
	v3 =	vadd.f32 v3, v6  }
0x145: {  	v4 =	vld [tilespmem:$0x6E0];
	(erf) = vpow2.f32 v1;
	v1 =	vadd.f32 v53, v9  }
0x146: {  	v57 =	vld [tilespmem:$0x7F0];
	v56 =	vmul.f32 $2.000000030e-01, v2;
	v3 =	vmul.f32 $1.442695020e+00, v3  }
0x147: {  	v5 =	vadd.f32 v51, v5;
	vm11 =	vgt.f32 v2, $0.0e+00;
	v1 =	vmul.f32 $1.442695020e+00, v1  }
0x148: {  	v58 =	vld [tilespmem:$0x4C0];
	v2 =	vsel vm11, v2, v56;
	(erf) = vpow2.f32 v3;
	v3 =	vadd.f32 v14, v52  }
0x149: {  	v59 =	vld [tilespmem:$0x4D0];
	(erf) = vpow2.f32 v1;
	v1 =	vadd.f32 v2, v12;
	v2 =	vmul.f32 $2.000000030e-01, v5  }
0x14a: {  	v60 =	vld [tilespmem:$0x4E0];
	vm12 =	vgt.f32 v5, $0.0e+00;
	v4 =	vadd.f32 v54, v4;
	v11 =	vmul.f32 $2.000000030e-01, v3  }
0x14b: {  	v61 =	vld [tilespmem:$0x4F0];
	vm13 =	vgt.f32 v3, $0.0e+00;
	v2 =	vsel vm12, v5, v2;
	v5 =	vadd.f32 v57, v55  }
0x14c: {  	v62 =	vmul.f32 $2.000000030e-01, v4;
	vm14 =	vgt.f32 v4, $0.0e+00;
	v1 =	vmul.f32 $1.442695020e+00, v1  }
0x14d: {  	v2 =	vadd.f32 v2, v58;
	v3 =	vsel vm13, v3, v11;
	v63 =	vmul.f32 $2.000000030e-01, v5  }
0x14e: {  	v4 =	vsel vm14, v4, v62;
	v3 =	vadd.f32 v3, v59;
	vm15 =	vgt.f32 v5, $0.0e+00  }
0x14f: {  	v4 =	vadd.f32 v4, v60;
	v2 =	vmul.f32 $1.442695020e+00, v2;
	v5 =	vsel vm15, v5, v63  }
0x150: {  	(erf) = vpow2.f32 v1;
	v3 =	vmul.f32 $1.442695020e+00, v3;
	v1 =	vadd.f32 v5, v61  }
0x151: {  	(erf) = vpow2.f32 v2;
	v2 =	vmul.f32 $1.442695020e+00, v4  }
0x152: {  	(erf) = vpow2.f32 v3;
	v1 =	vmul.f32 $1.442695020e+00, v1  }
0x153: {  	(erf) = vpow2.f32 v2  }
0x154: {  	(erf) = vpow2.f32 v1;
	_ =	sdelay $0x1  }
0x155: {  	v1 =	vpop (erf)  }
0x156: {  	v2 =	vpop (erf);
	[tilespmem:$0x680] =	vst v1  }
0x157: {  	v1 =	vpop (erf);
	[tilespmem:$0x690] =	vst v2  }
0x158: {  	v2 =	vpop (erf);
	[tilespmem:$0x6A0] =	vst v1  }
0x159: {  	v1 =	vpop (erf);
	[tilespmem:$0x6B0] =	vst v2  }
0x15a: {  	v2 =	vpop (erf);
	[tilespmem:$0x6C0] =	vst v1  }
0x15b: {  	v1 =	vpop (erf);
	[tilespmem:$0x6D0] =	vst v2  }
0x15c: {  	[tilespmem:$0x6E0] =	vst v1;
	v1 =	vpop (erf)  }
0x15d: {  	s25 =	simm.s32 $0x280;
	[tilespmem:$0x6F0] =	vst v1;
	v1 =	vmov s19  }
0x15e: {  	[spmem:s4] =	stream.indirect.scatter.add.f32 [tilespmem:s15], [sflag:$0xA], $0x1, s25, s20, $0xb8;
	v1 =	vand.u32 $0x7F, v1;
	[tilespmem:$0x1CA80] =	vst v63  }
0x15f: {  	_ =	swait.ge [sflag:s13], $0x2000;
	v1 =	vor.u32 $0x80, v1  }
0x160: {  	[sflag:s13] =	ssyncset.done $0x0;
	v1 =	vbroadcast v1, $0x0  }
0x161: {  	[sflag:s13] =	ssyncadd.s32 $0xFFFFE000  }
0x162: {  	_ =	swait.ge [sflag:s31], $0x4000  }
0x163: {  	[sflag:s31] =	ssyncset.done $0x0  }
0x164: {  	s5 =	simm.s32 $0x2830;
	[sflag:s31] =	ssyncadd.s32 $0xFFFFC000  }
0x165: {  	v2 =	vld [tilespmem:s5+$0xFFFFFFD0]  }
0x166: {  	v1 =	vld.idx.msk [tilespmem:v1+s26+$0x0], $0xffff;
	_ =	sdelay $0x3  }
0x167: {  	v3 =	vshll.u32 v2, $0x10  }
0x168: {  	v2 =	vand.u32 $0xFFFF0000, v2;
	v3 =	vmul.f32 v3, v1  }
0x169: {  	s19 =	simm.s32 $0x4840;
	v2 =	vmul.f32 v2, v1  }
0x16a: {  	[tilespmem:s19+$0xFFFFFFC0] =	vst v3  }
0x16b: {  	[tilespmem:s19+$0xFFFFFFD0] =	vst v2  }
0x16c: {  	v2 =	vld [tilespmem:s5+$0xFFFFFFE0];
	_ =	sdelay $0x4  }
0x16d: {  	v3 =	vshll.u32 v2, $0x10  }
0x16e: {  	v2 =	vand.u32 $0xFFFF0000, v2;
	v3 =	vmul.f32 v3, v1  }
0x16f: {  	v2 =	vmul.f32 v2, v1  }
0x170: {  	[tilespmem:s19+$0xFFFFFFE0] =	vst v3  }
0x171: {  	[tilespmem:s19+$0xFFFFFFF0] =	vst v2  }
0x172: {  	v2 =	vld [tilespmem:s5+$0xFFFFFFF0];
	_ =	sdelay $0x4  }
0x173: {  	v3 =	vshll.u32 v2, $0x10  }
0x174: {  	v2 =	vand.u32 $0xFFFF0000, v2;
	v3 =	vmul.f32 v3, v1  }
0x175: {  	v2 =	vmul.f32 v2, v1  }
0x176: {  	[tilespmem:s19+$0x0] =	vst v3  }
0x177: {  	[tilespmem:s19+$0x10] =	vst v2  }
0x178: {  	s29 =	simm.s32 $0x1;
	v2 =	vld [tilespmem:s5+$0x0]  }
0x179: {  	v3 =	vmov s29  }
0x17a: {  	v3 =	vand.u32 $0x7F, v3  }
0x17b: {  	s21 =	simm.s32 $0x2;
	s22 =	simm.s32 $0x4840;
	v3 =	vor.u32 $0x80, v3  }
.LBB2_7:
0x17c: {  	s19 =	sadd.s32 $0x80, s19  }
0x17d: {  	v3 =	vbroadcast v3, $0x0;
	v4 =	vshll.u32 v2, $0x10;
	v2 =	vand.u32 $0xFFFF0000, v2;
	s5 =	sadd.s32 $0x40, s5;
	s25 =	smov.u32 s21;
	s29 =	sadd.s32 $0x1, s21  }
0x17e: {  	p0 =	sne.s32 s21, $0x7F;
	v4 =	vmul.f32 v4, v1;
	v1 =	vmul.f32 v2, v1;
	_ =	sdelay $0x1  }
0x17f: {  	[tilespmem:s22+$0x20] =	vst v4  }
0x180: {  	[tilespmem:s22+$0x30] =	vst v1;
	s22 =	smov.u32 s19  }
0x181: {  	v2 =	vld [tilespmem:s5+$0xFFFFFFD0]  }
0x182: {  	v1 =	vld.idx.msk [tilespmem:v3+s26+$0x0], $0xffff;
	_ =	sdelay $0x4  }
0x183: {  	v3 =	vshll.u32 v2, $0x10;
	v2 =	vand.u32 $0xFFFF0000, v2  }
0x184: {  	v3 =	vmul.f32 v3, v1;
	v2 =	vmul.f32 v2, v1;
	_ =	sdelay $0x1  }
0x185: {  	[tilespmem:s19+$0xFFFFFFC0] =	vst v3  }
0x186: {  	[tilespmem:s19+$0xFFFFFFD0] =	vst v2  }
0x187: {  	v2 =	vld [tilespmem:s5+$0xFFFFFFE0];
	_ =	sdelay $0x4  }
0x188: {  	v3 =	vshll.u32 v2, $0x10;
	v2 =	vand.u32 $0xFFFF0000, v2  }
0x189: {  	v3 =	vmul.f32 v3, v1;
	v2 =	vmul.f32 v2, v1;
	_ =	sdelay $0x1  }
0x18a: {  	[tilespmem:s19+$0xFFFFFFE0] =	vst v3  }
0x18b: {  	[tilespmem:s19+$0xFFFFFFF0] =	vst v2  }
0x18c: {  	v2 =	vld [tilespmem:s5+$0xFFFFFFF0];
	_ =	sdelay $0x4  }
0x18d: {  	v3 =	vshll.u32 v2, $0x10;
	v2 =	vand.u32 $0xFFFF0000, v2  }
0x18e: {  	v3 =	vmul.f32 v3, v1;
	v2 =	vmul.f32 v2, v1;
	_ =	sdelay $0x1  }
0x18f: {  	[tilespmem:s19+$0x0] =	vst v3  }
0x190: {  	[tilespmem:s19+$0x10] =	vst v2  }
.Ltmp4:
0x191: {  	v2 =	vld [tilespmem:s5+$0x0];
	(pc) =	sbr.rel @p0 .LBB2_7-.Ltmp4, $4  }
0x192: {  	_ = 	snop  }
0x193: {  	v3 =	vmov s25  }
0x194: {  	v3 =	vand.u32 $0x7F, v3  }
0x195: {  	s21 =	smov.u32 s29;
	v3 =	vor.u32 $0x80, v3  }
0x196: {  	v3 =	vbroadcast v3, $0x0;
	v4 =	vshll.u32 v2, $0x10  }
0x197: {  	v2 =	vand.u32 $0xFFFF0000, v2;
	v4 =	vmul.f32 v4, v1  }
0x198: {  	v1 =	vmul.f32 v2, v1  }
0x199: {  	[tilespmem:s22+$0x20] =	vst v4  }
0x19a: {  	s5 =	sadd.s32 $0x40, s5;
	[tilespmem:s22+$0x30] =	vst v1  }
0x19b: {  	v1 =	vld [tilespmem:s5+$0xFFFFFFD0]  }
0x19c: {  	v2 =	vld.idx.msk [tilespmem:v3+s26+$0x0], $0xffff;
	_ =	sdelay $0x3  }
0x19d: {  	v3 =	vshll.u32 v1, $0x10  }
0x19e: {  	v1 =	vand.u32 $0xFFFF0000, v1;
	v3 =	vmul.f32 v3, v2  }
0x19f: {  	s19 =	sadd.s32 $0x80, s19;
	v1 =	vmul.f32 v1, v2  }
0x1a0: {  	[tilespmem:s19+$0xFFFFFFC0] =	vst v3  }
0x1a1: {  	[tilespmem:s19+$0xFFFFFFD0] =	vst v1  }
0x1a2: {  	v1 =	vld [tilespmem:s5+$0xFFFFFFE0];
	_ =	sdelay $0x4  }
0x1a3: {  	v3 =	vshll.u32 v1, $0x10  }
0x1a4: {  	v1 =	vand.u32 $0xFFFF0000, v1;
	v3 =	vmul.f32 v3, v2  }
0x1a5: {  	v1 =	vmul.f32 v1, v2  }
0x1a6: {  	[tilespmem:s19+$0xFFFFFFE0] =	vst v3  }
0x1a7: {  	[tilespmem:s19+$0xFFFFFFF0] =	vst v1  }
0x1a8: {  	v1 =	vld [tilespmem:s5+$0xFFFFFFF0];
	_ =	sdelay $0x4  }
0x1a9: {  	v3 =	vshll.u32 v1, $0x10  }
0x1aa: {  	v1 =	vand.u32 $0xFFFF0000, v1;
	v3 =	vmul.f32 v3, v2  }
0x1ab: {  	v1 =	vmul.f32 v1, v2  }
0x1ac: {  	[tilespmem:s19+$0x0] =	vst v3  }
0x1ad: {  	[tilespmem:s19+$0x10] =	vst v1  }
0x1ae: {  	v1 =	vld [tilespmem:s5+$0x0];
	_ =	sdelay $0x4  }
0x1af: {  	v3 =	vshll.u32 v1, $0x10  }
0x1b0: {  	v1 =	vand.u32 $0xFFFF0000, v1;
	v3 =	vmul.f32 v3, v2  }
0x1b1: {  	p0 =	seq.s32 s14, $0x13;
	s5 =	rddreg [dreg:$0x19];
	v1 =	vmul.f32 v1, v2  }
0x1b2: {  	s5 =	sadd.s32 @!p0 s16, s5;
	[tilespmem:s19+$0x20] =	vst v3  }
0x1b3: {  	s5 =	sshrl.u32 @!p0 s5, $0x3;
	[tilespmem:s19+$0x30] =	vst v1;
	s19 =	simm.s32 $0x280  }
0x1b4: {  	[spmem:s3] =	stream.indirect.scatter.add.f32 [tilespmem:s17], [sflag:$0xB], $0x80, s19, s20, $0xb8;
	[tilespmem:$0x1CA80] =	vst v63  }
0x1b5: {  	s21 =	simm.s32 @!p0 $0x0;
	s19 =	sadd.s32 @!p0 s8, s5  }
0x1b6: {  	[tilespmem:s21], [sflag:$0x1] =	stream.linear.gather @!p0 [hbm4b:s19+s21], $0x80, $0x38;
	[tilespmem:$0x1CA80] =	vst v63  }
0x1b7: {  	s22 =	simm.s32 @!p0 $0x200;
	s19 =	sadd.s32 @!p0 s9, s5  }
0x1b8: {  	[tilespmem:s22], [sflag:$0x1] =	stream.linear.gather @!p0 [hbm4b:s19+s21], $0x80, $0x38;
	[tilespmem:$0x1CA80] =	vst v63  }
0x1b9: {  	s5 =	sadd.s32 @!p0 s10, s5;
	s19 =	simm.s32 @!p0 $0x400  }
0x1ba: {  	[tilespmem:s19], [sflag:$0x1] =	stream.linear.gather @!p0 [hbm4b:s5+s21], $0x80, $0x38;
	[tilespmem:$0x1CA80] =	vst v63  }
0x1bb: {  	_ =	swait.ge [sflag:s2], $0x80  }
0x1bc: {  	[sflag:s2] =	ssyncset.done $0x0  }
0x1bd: {  	[sflag:s2] =	ssyncadd.s32 $0xFFFFFF80  }
0x1be: {  	_ =	swait.ge [sflag:s2], $0x80  }
0x1bf: {  	[sflag:s2] =	ssyncset.done $0x0  }
0x1c0: {  	[sflag:s2] =	ssyncadd.s32 $0xFFFFFF80  }
0x1c1: {  	_ =	swait.ge [sflag:s2], $0x80  }
0x1c2: {  	s0 =	simm.s32 $0xA;
	[sflag:s2] =	ssyncset.done $0x0  }
0x1c3: {  	s22 =	simm.s32 $0x180;
	s21 =	simm.s32 $0x2800;
	[sflag:s2] =	ssyncadd.s32 $0xFFFFFF80  }
0x1c4: {  	[tilespmem:s21], [sflag:$0x8] =	stream.indirect.gather [hbm4b:s1+s20], $0x40, s22, s20, $0xb8;
	[tilespmem:$0x1CA80] =	vst v63  }
0x1c5: {  	_ =	swait.ge [sflag:s0], $0x80  }
0x1c6: {  	[sflag:s0] =	ssyncset.done $0x0  }
0x1c7: {  	[sflag:s0] =	ssyncadd.s32 $0xFFFFFF80  }
0x1c8: {  	[tilespmem:s15], [sflag:$0x6] =	stream.indirect.gather [hbm4b:s6+s20], $0x1, s22, s20, $0xb8;
	[tilespmem:$0x1CA80] =	vst v63  }
0x1c9: {  	s25 =	simm.s32 $0x780  }
0x1ca: {  	[tilespmem:s25], [sflag:$0x6] =	stream.indirect.gather [hbm4b:s7+s20], $0x1, s24, s20, $0xb8;
	[tilespmem:$0x1CA80] =	vst v63  }
0x1cb: {  	_ =	swait.ge [sflag:s11], $0x80  }
0x1cc: {  	[sflag:s11] =	ssyncset.done $0x0  }
0x1cd: {  	[sflag:s11] =	ssyncadd.s32 $0xFFFFFF80  }
0x1ce: {  	_ =	swait.ge [sflag:s11], $0x80  }
0x1cf: {  	[sflag:s11] =	ssyncset.done $0x0  }
0x1d0: {  	[sflag:s11] =	ssyncadd.s32 $0xFFFFFF80  }
0x1d1: {  	v1 =	vld [tilespmem:$0x600]  }
0x1d2: {  	v2 =	vld [tilespmem:$0x700]  }
0x1d3: {  	v3 =	vld [tilespmem:$0x500]  }
0x1d4: {  	v47 =	vld [tilespmem:$0x610]  }
0x1d5: {  	v5 =	vld [tilespmem:$0x710]  }
0x1d6: {  	v6 =	vld [tilespmem:$0x510]  }
0x1d7: {  	v7 =	vld [tilespmem:$0x620]  }
0x1d8: {  	v8 =	vld [tilespmem:$0x720]  }
0x1d9: {  	v9 =	vld [tilespmem:$0x520]  }
0x1da: {  	v10 =	vld [tilespmem:$0x730]  }
0x1db: {  	v48 =	vld [tilespmem:$0x640]  }
0x1dc: {  	v49 =	vld [tilespmem:$0x740];
	v1 =	vadd.f32 v2, v1  }
0x1dd: {  	v50 =	vld [tilespmem:$0x650]  }
0x1de: {  	v54 =	vld [tilespmem:$0x670];
	v11 =	vmul.f32 $2.000000030e-01, v1  }
0x1df: {  	v2 =	vld [tilespmem:$0x630];
	v4 =	vadd.f32 v5, v47;
	vm0 =	vgt.f32 v1, $0.0e+00  }
0x1e0: {  	v56 =	vld [tilespmem:$0x770];
	v7 =	vadd.f32 v8, v7;
	v1 =	vsel vm0, v1, v11  }
0x1e1: {  	v51 =	vld [tilespmem:$0x660];
	v1 =	vadd.f32 v1, v3;
	v3 =	vmul.f32 $2.000000030e-01, v4  }
0x1e2: {  	v53 =	vld [tilespmem:$0x760];
	v5 =	vadd.f32 v49, v48;
	vm9 =	vgt.f32 v4, $0.0e+00;
	v13 =	vmul.f32 $2.000000030e-01, v7  }
0x1e3: {  	v14 =	vld [tilespmem:$0x750];
	vm10 =	vgt.f32 v7, $0.0e+00;
	v1 =	vmul.f32 $1.442695020e+00, v1;
	v3 =	vsel vm9, v4, v3  }
0x1e4: {  	v12 =	vld [tilespmem:$0x530];
	v52 =	vsel vm10, v7, v13;
	v2 =	vadd.f32 v10, v2;
	v3 =	vadd.f32 v3, v6  }
0x1e5: {  	v60 =	vadd.f32 v56, v54;
	(erf) = vpow2.f32 v1;
	v1 =	vadd.f32 v52, v9  }
0x1e6: {  	vm12 =	vgt.f32 v5, $0.0e+00;
	v55 =	vmul.f32 $2.000000030e-01, v2;
	v3 =	vmul.f32 $1.442695020e+00, v3  }
0x1e7: {  	v57 =	vld [tilespmem:$0x540];
	vm11 =	vgt.f32 v2, $0.0e+00;
	v4 =	vadd.f32 v53, v51;
	v1 =	vmul.f32 $1.442695020e+00, v1  }
0x1e8: {  	v58 =	vld [tilespmem:$0x550];
	v2 =	vsel vm11, v2, v55;
	(erf) = vpow2.f32 v3;
	v3 =	vadd.f32 v14, v50  }
0x1e9: {  	v59 =	vld [tilespmem:$0x560];
	(erf) = vpow2.f32 v1;
	v1 =	vadd.f32 v2, v12;
	v2 =	vmul.f32 $2.000000030e-01, v5  }
0x1ea: {  	v61 =	vld [tilespmem:$0x570];
	v63 =	vmul.f32 $2.000000030e-01, v60;
	vm15 =	vgt.f32 v60, $0.0e+00;
	v11 =	vmul.f32 $2.000000030e-01, v3  }
0x1eb: {  	v62 =	vmul.f32 $2.000000030e-01, v4;
	vm13 =	vgt.f32 v3, $0.0e+00;
	v2 =	vsel vm12, v5, v2  }
0x1ec: {  	vm14 =	vgt.f32 v4, $0.0e+00;
	v2 =	vadd.f32 v2, v57;
	v3 =	vsel vm13, v3, v11  }
0x1ed: {  	v4 =	vsel vm14, v4, v62;
	v1 =	vmul.f32 $1.442695020e+00, v1;
	v3 =	vadd.f32 v3, v58  }
0x1ee: {  	v4 =	vadd.f32 v4, v59;
	v5 =	vsel vm15, v60, v63;
	v2 =	vmul.f32 $1.442695020e+00, v2  }
0x1ef: {  	(erf) = vpow2.f32 v1;
	v1 =	vadd.f32 v5, v61;
	v3 =	vmul.f32 $1.442695020e+00, v3  }
0x1f0: {  	(erf) = vpow2.f32 v2;
	v2 =	vmul.f32 $1.442695020e+00, v4  }
0x1f1: {  	v1 =	vmul.f32 $1.442695020e+00, v1;
	(erf) = vpow2.f32 v3  }
0x1f2: {  	(erf) = vpow2.f32 v2  }
0x1f3: {  	(erf) = vpow2.f32 v1;
	_ =	sdelay $0x1  }
0x1f4: {  	v1 =	vpop (erf)  }
0x1f5: {  	v2 =	vpop (erf);
	[tilespmem:$0x600] =	vst v1  }
0x1f6: {  	v1 =	vpop (erf);
	[tilespmem:$0x610] =	vst v2  }
0x1f7: {  	v2 =	vpop (erf);
	[tilespmem:$0x620] =	vst v1  }
0x1f8: {  	[tilespmem:$0x630] =	vst v2;
	v1 =	vpop (erf)  }
0x1f9: {  	v2 =	vpop (erf);
	[tilespmem:$0x640] =	vst v1  }
0x1fa: {  	v1 =	vpop (erf);
	[tilespmem:$0x650] =	vst v2  }
0x1fb: {  	[tilespmem:$0x660] =	vst v1;
	v1 =	vpop (erf)  }
0x1fc: {  	[tilespmem:$0x670] =	vst v1  }
0x1fd: {  	[spmem:s4] =	stream.indirect.scatter.add.f32 [tilespmem:s26], [sflag:$0x9], $0x1, s23, s20, $0xb8;
	[tilespmem:$0x1CA80] =	vst v63  }
0x1fe: {  	_ =	swait.ge [sflag:s12], $0x2000  }
0x1ff: {  	s29 =	simm.s32 $0x0;
	[sflag:s12] =	ssyncset.done $0x0  }
0x200: {  	v1 =	vmov s29;
	[sflag:s12] =	ssyncadd.s32 $0xFFFFE000  }
0x201: {  	_ =	swait.ge [sflag:s31], $0x4000  }
0x202: {  	[sflag:s31] =	ssyncset.done $0x0  }
0x203: {  	s5 =	simm.s32 $0x820;
	[sflag:s31] =	ssyncadd.s32 $0xFFFFC000  }
0x204: {  	v2 =	vld [tilespmem:s5+$0xFFFFFFE0]  }
0x205: {  	v1 =	vld.idx.msk [tilespmem:v1+s26+$0x0], $0xffff;
	_ =	sdelay $0x3  }
0x206: {  	v3 =	vshll.u32 v2, $0x10  }
0x207: {  	v2 =	vand.u32 $0xFFFF0000, v2;
	v3 =	vmul.f32 v3, v1  }
0x208: {  	s19 =	simm.s32 $0x4840;
	v2 =	vmul.f32 v2, v1  }
0x209: {  	[tilespmem:s19+$0xFFFFFFC0] =	vst v3  }
0x20a: {  	[tilespmem:s19+$0xFFFFFFD0] =	vst v2  }
0x20b: {  	v2 =	vld [tilespmem:s5+$0xFFFFFFF0];
	_ =	sdelay $0x4  }
0x20c: {  	v3 =	vshll.u32 v2, $0x10  }
0x20d: {  	v2 =	vand.u32 $0xFFFF0000, v2;
	v3 =	vmul.f32 v3, v1  }
0x20e: {  	v2 =	vmul.f32 v2, v1  }
0x20f: {  	[tilespmem:s19+$0xFFFFFFE0] =	vst v3  }
0x210: {  	[tilespmem:s19+$0xFFFFFFF0] =	vst v2  }
0x211: {  	v2 =	vld [tilespmem:s5+$0x0];
	_ =	sdelay $0x4  }
0x212: {  	v3 =	vshll.u32 v2, $0x10  }
0x213: {  	v2 =	vand.u32 $0xFFFF0000, v2;
	v3 =	vmul.f32 v3, v1  }
0x214: {  	v2 =	vmul.f32 v2, v1  }
0x215: {  	[tilespmem:s19+$0x0] =	vst v3  }
0x216: {  	[tilespmem:s19+$0x10] =	vst v2  }
0x217: {  	s21 =	simm.s32 $0x1;
	s0 =	simm.s32 $0x180;
	s22 =	simm.s32 $0x4840;
	v2 =	vld [tilespmem:s5+$0x10]  }
.LBB2_9:
0x218: {  	_ =	sdelay $0x3  }
0x219: {  	p1 =	sne.s32 s21, $0x7F;
	s19 =	sadd.s32 $0x80, s19;
	s5 =	sadd.s32 $0x40, s5;
	v3 =	vshll.u32 v2, $0x10;
	v2 =	vand.u32 $0xFFFF0000, v2  }
0x21a: {  	v4 =	vmov s21;
	s21 =	sadd.s32 $0x1, s21;
	v3 =	vmul.f32 v3, v1;
	v1 =	vmul.f32 v2, v1;
	_ =	sdelay $0x1  }
0x21b: {  	[tilespmem:s22+$0x20] =	vst v3  }
0x21c: {  	[tilespmem:s22+$0x30] =	vst v1;
	s22 =	smov.u32 s19  }
0x21d: {  	v2 =	vld [tilespmem:s5+$0xFFFFFFE0]  }
0x21e: {  	v1 =	vld.idx.msk [tilespmem:v4+s26+$0x0], $0xffff;
	_ =	sdelay $0x4  }
0x21f: {  	v3 =	vshll.u32 v2, $0x10;
	v2 =	vand.u32 $0xFFFF0000, v2  }
0x220: {  	v3 =	vmul.f32 v3, v1;
	v2 =	vmul.f32 v2, v1;
	_ =	sdelay $0x1  }
0x221: {  	[tilespmem:s19+$0xFFFFFFC0] =	vst v3  }
0x222: {  	[tilespmem:s19+$0xFFFFFFD0] =	vst v2  }
0x223: {  	v2 =	vld [tilespmem:s5+$0xFFFFFFF0];
	_ =	sdelay $0x4  }
0x224: {  	v3 =	vshll.u32 v2, $0x10;
	v2 =	vand.u32 $0xFFFF0000, v2  }
0x225: {  	v3 =	vmul.f32 v3, v1;
	v2 =	vmul.f32 v2, v1;
	_ =	sdelay $0x1  }
0x226: {  	[tilespmem:s19+$0xFFFFFFE0] =	vst v3  }
0x227: {  	[tilespmem:s19+$0xFFFFFFF0] =	vst v2  }
0x228: {  	v2 =	vld [tilespmem:s5+$0x0];
	_ =	sdelay $0x4  }
0x229: {  	v3 =	vshll.u32 v2, $0x10;
	v2 =	vand.u32 $0xFFFF0000, v2  }
.Ltmp5:
0x22a: {  	v3 =	vmul.f32 v3, v1;
	v2 =	vmul.f32 v2, v1;
	(pc) =	sbr.rel @p1 .LBB2_9-.Ltmp5, $4  }
0x22b: {  	_ = 	snop  }
0x22c: {  	[tilespmem:s19+$0x0] =	vst v3  }
0x22d: {  	[tilespmem:s19+$0x10] =	vst v2  }
0x22e: {  	v2 =	vld [tilespmem:s5+$0x10]  }
0x22f: {  	_ =	sdelay $0x3  }
0x230: {  	v3 =	vshll.u32 v2, $0x10  }
0x231: {  	v2 =	vand.u32 $0xFFFF0000, v2;
	v3 =	vmul.f32 v3, v1  }
0x232: {  	v1 =	vmul.f32 v2, v1  }
0x233: {  	[tilespmem:s22+$0x20] =	vst v3  }
0x234: {  	s5 =	simm.s32 @p0 $0x9;
	[tilespmem:s22+$0x30] =	vst v1  }
0x235: {  	[spmem:s3] =	stream.indirect.scatter.add.f32 [tilespmem:s17], [sflag:$0xB], $0x80, s23, s20, $0xb8;
	[tilespmem:$0x1CA80] =	vst v63  }
0x236: {  	_ =	swait.ge @p0 [sflag:s5], $0x80  }
0x237: {  	s19 =	rddreg [dreg:$0x1a]  }
0x238: {  	[sflag:s5] =	ssyncset.done @p0 $0x0;
	s19 =	sadd.s32 @!p0 s16, s19  }
0x239: {  	[sflag:s5] =	ssyncadd.s32 @p0 $0xFFFFFF80;
	s5 =	sshrl.u32 @!p0 s19, $0x3  }
0x23a: {  	s21 =	simm.s32 @!p0 $0x0;
	s22 =	simm.s32 @!p0 $0x80;
	s19 =	sadd.s32 @!p0 s8, s5  }
0x23b: {  	[tilespmem:s22], [sflag:$0x2] =	stream.linear.gather @!p0 [hbm4b:s19+s21], $0x80, $0x38;
	[tilespmem:$0x1CA80] =	vst v63  }
0x23c: {  	s25 =	simm.s32 @!p0 $0x280;
	s19 =	sadd.s32 @!p0 s9, s5  }
0x23d: {  	[tilespmem:s25], [sflag:$0x2] =	stream.linear.gather @!p0 [hbm4b:s19+s21], $0x80, $0x38;
	[tilespmem:$0x1CA80] =	vst v63  }
0x23e: {  	s5 =	sadd.s32 @!p0 s10, s5;
	s19 =	simm.s32 @!p0 $0x480  }
0x23f: {  	[tilespmem:s19], [sflag:$0x2] =	stream.linear.gather @!p0 [hbm4b:s5+s21], $0x80, $0x38;
	[tilespmem:$0x1CA80] =	vst v63  }
0x240: {  	s5 =	simm.s32 @!p0 $0x1  }
0x241: {  	_ =	swait.ge @!p0 [sflag:s5], $0x80  }
0x242: {  	[sflag:s5] =	ssyncset.done @!p0 $0x0  }
0x243: {  	[sflag:s5] =	ssyncadd.s32 @!p0 $0xFFFFFF80  }
0x244: {  	_ =	swait.ge @!p0 [sflag:s5], $0x80  }
0x245: {  	[sflag:s5] =	ssyncset.done @!p0 $0x0  }
0x246: {  	[sflag:s5] =	ssyncadd.s32 @!p0 $0xFFFFFF80  }
0x247: {  	_ =	swait.ge @!p0 [sflag:s5], $0x80  }
0x248: {  	[sflag:s5] =	ssyncset.done @!p0 $0x0  }
0x249: {  	[sflag:s5] =	ssyncadd.s32 @!p0 $0xFFFFFF80;
	s5 =	simm.s32 @!p0 $0x800  }
0x24a: {  	[tilespmem:s5], [sflag:$0x7] =	stream.indirect.gather @!p0 [hbm4b:s1+s22], $0x40, s21, s22, $0xb8;
	[tilespmem:$0x1CA80] =	vst v63  }
0x24b: {  	s5 =	simm.s32 @!p0 $0x9  }
0x24c: {  	_ =	swait.ge @!p0 [sflag:s5], $0x80  }
0x24d: {  	[sflag:s5] =	ssyncset.done @!p0 $0x0  }
0x24e: {  	[sflag:s5] =	ssyncadd.s32 @!p0 $0xFFFFFF80;
	s5 =	simm.s32 @!p0 $0x600  }
0x24f: {  	[tilespmem:s5], [sflag:$0x5] =	stream.indirect.gather @!p0 [hbm4b:s6+s22], $0x1, s21, s22, $0xb8;
	[tilespmem:$0x1CA80] =	vst v63  }
0x250: {  	s19 =	simm.s32 @!p0 $0x700;
	s5 =	simm.s32 @!p0 $0x200  }
0x251: {  	[tilespmem:s19], [sflag:$0x5] =	stream.indirect.gather @!p0 [hbm4b:s7+s22], $0x1, s5, s22, $0xb8;
	[tilespmem:$0x1CA80] =	vst v63  }
0x252: {  	_ =	swait.ge [sflag:s18], $0x80  }
0x253: {  	[sflag:s18] =	ssyncset.done $0x0  }
0x254: {  	[sflag:s18] =	ssyncadd.s32 $0xFFFFFF80  }
0x255: {  	_ =	swait.ge [sflag:s18], $0x80  }
0x256: {  	[sflag:s18] =	ssyncset.done $0x0  }
0x257: {  	[sflag:s18] =	ssyncadd.s32 $0xFFFFFF80  }
0x258: {  	v1 =	vld [tilespmem:$0x680]  }
0x259: {  	v2 =	vld [tilespmem:$0x780]  }
0x25a: {  	v3 =	vld [tilespmem:$0x580]  }
0x25b: {  	v4 =	vld [tilespmem:$0x690]  }
0x25c: {  	v5 =	vld [tilespmem:$0x790]  }
0x25d: {  	v6 =	vld [tilespmem:$0x590]  }
0x25e: {  	v7 =	vld [tilespmem:$0x6A0]  }
0x25f: {  	v8 =	vld [tilespmem:$0x7A0]  }
0x260: {  	v9 =	vld [tilespmem:$0x5A0]  }
0x261: {  	v10 =	vld [tilespmem:$0x7B0];
	v1 =	vadd.f32 v2, v1  }
0x262: {  	v12 =	vld [tilespmem:$0x5B0]  }
0x263: {  	v51 =	vld [tilespmem:$0x7C0];
	v11 =	vmul.f32 $2.000000030e-01, v1  }
0x264: {  	v2 =	vld [tilespmem:$0x6B0];
	v4 =	vadd.f32 v5, v4;
	vm0 =	vgt.f32 v1, $0.0e+00  }
0x265: {  	v52 =	vld [tilespmem:$0x6D0];
	v7 =	vadd.f32 v8, v7;
	v1 =	vsel vm0, v1, v11  }
0x266: {  	v14 =	vld [tilespmem:$0x7D0];
	v1 =	vadd.f32 v1, v3;
	v3 =	vmul.f32 $2.000000030e-01, v4  }
0x267: {  	v5 =	vld [tilespmem:$0x6C0];
	vm9 =	vgt.f32 v4, $0.0e+00;
	v13 =	vmul.f32 $2.000000030e-01, v7  }
0x268: {  	v54 =	vld [tilespmem:$0x7E0];
	vm10 =	vgt.f32 v7, $0.0e+00;
	v1 =	vmul.f32 $1.442695020e+00, v1;
	v3 =	vsel vm9, v4, v3  }
0x269: {  	v55 =	vld [tilespmem:$0x6F0];
	v53 =	vsel vm10, v7, v13;
	v2 =	vadd.f32 v10, v2;
	v3 =	vadd.f32 v3, v6  }
0x26a: {  	v4 =	vld [tilespmem:$0x6E0];
	(erf) = vpow2.f32 v1;
	v1 =	vadd.f32 v53, v9  }
0x26b: {  	v57 =	vld [tilespmem:$0x7F0];
	v56 =	vmul.f32 $2.000000030e-01, v2;
	v3 =	vmul.f32 $1.442695020e+00, v3  }
0x26c: {  	v5 =	vadd.f32 v51, v5;
	vm11 =	vgt.f32 v2, $0.0e+00;
	v1 =	vmul.f32 $1.442695020e+00, v1  }
0x26d: {  	v58 =	vld [tilespmem:$0x5C0];
	v2 =	vsel vm11, v2, v56;
	(erf) = vpow2.f32 v3;
	v3 =	vadd.f32 v14, v52  }
0x26e: {  	v59 =	vld [tilespmem:$0x5D0];
	(erf) = vpow2.f32 v1;
	v1 =	vadd.f32 v2, v12;
	v2 =	vmul.f32 $2.000000030e-01, v5  }
0x26f: {  	v60 =	vld [tilespmem:$0x5E0];
	vm12 =	vgt.f32 v5, $0.0e+00;
	v4 =	vadd.f32 v54, v4;
	v11 =	vmul.f32 $2.000000030e-01, v3  }
0x270: {  	v61 =	vld [tilespmem:$0x5F0];
	vm13 =	vgt.f32 v3, $0.0e+00;
	v2 =	vsel vm12, v5, v2;
	v5 =	vadd.f32 v57, v55  }
0x271: {  	v62 =	vmul.f32 $2.000000030e-01, v4;
	vm14 =	vgt.f32 v4, $0.0e+00;
	v1 =	vmul.f32 $1.442695020e+00, v1  }
0x272: {  	v2 =	vadd.f32 v2, v58;
	v3 =	vsel vm13, v3, v11;
	v63 =	vmul.f32 $2.000000030e-01, v5  }
0x273: {  	v4 =	vsel vm14, v4, v62;
	v3 =	vadd.f32 v3, v59;
	vm15 =	vgt.f32 v5, $0.0e+00  }
0x274: {  	v4 =	vadd.f32 v4, v60;
	v2 =	vmul.f32 $1.442695020e+00, v2;
	v5 =	vsel vm15, v5, v63  }
0x275: {  	(erf) = vpow2.f32 v1;
	v3 =	vmul.f32 $1.442695020e+00, v3;
	v1 =	vadd.f32 v5, v61  }
0x276: {  	(erf) = vpow2.f32 v2;
	v2 =	vmul.f32 $1.442695020e+00, v4  }
0x277: {  	(erf) = vpow2.f32 v3;
	v1 =	vmul.f32 $1.442695020e+00, v1  }
0x278: {  	(erf) = vpow2.f32 v2  }
0x279: {  	(erf) = vpow2.f32 v1;
	_ =	sdelay $0x1  }
0x27a: {  	v1 =	vpop (erf)  }
0x27b: {  	v2 =	vpop (erf);
	[tilespmem:$0x680] =	vst v1  }
0x27c: {  	v1 =	vpop (erf);
	[tilespmem:$0x690] =	vst v2  }
0x27d: {  	v2 =	vpop (erf);
	[tilespmem:$0x6A0] =	vst v1  }
0x27e: {  	v1 =	vpop (erf);
	[tilespmem:$0x6B0] =	vst v2  }
0x27f: {  	v2 =	vpop (erf);
	[tilespmem:$0x6C0] =	vst v1  }
0x280: {  	v1 =	vpop (erf);
	[tilespmem:$0x6D0] =	vst v2  }
0x281: {  	s22 =	simm.s32 $0x0;
	[tilespmem:$0x6E0] =	vst v1;
	v1 =	vpop (erf)  }
0x282: {  	[tilespmem:$0x6F0] =	vst v1;
	v1 =	vmov s22  }
0x283: {  	[spmem:s4] =	stream.indirect.scatter.add.f32 [tilespmem:s15], [sflag:$0xA], $0x1, s24, s20, $0xb8;
	v1 =	vand.u32 $0x7F, v1;
	[tilespmem:$0x1CA80] =	vst v63  }
0x284: {  	_ =	swait.ge [sflag:s13], $0x2000;
	v1 =	vor.u32 $0x80, v1  }
0x285: {  	[sflag:s13] =	ssyncset.done $0x0;
	v1 =	vbroadcast v1, $0x0  }
0x286: {  	[sflag:s13] =	ssyncadd.s32 $0xFFFFE000  }
0x287: {  	_ =	swait.ge [sflag:s31], $0x4000  }
0x288: {  	[sflag:s31] =	ssyncset.done $0x0  }
0x289: {  	s5 =	simm.s32 $0x2830;
	[sflag:s31] =	ssyncadd.s32 $0xFFFFC000  }
0x28a: {  	v2 =	vld [tilespmem:s5+$0xFFFFFFD0]  }
0x28b: {  	v1 =	vld.idx.msk [tilespmem:v1+s26+$0x0], $0xffff;
	_ =	sdelay $0x3  }
0x28c: {  	v3 =	vshll.u32 v2, $0x10  }
0x28d: {  	v2 =	vand.u32 $0xFFFF0000, v2;
	v3 =	vmul.f32 v3, v1  }
0x28e: {  	s19 =	simm.s32 $0x4840;
	v2 =	vmul.f32 v2, v1  }
0x28f: {  	[tilespmem:s19+$0xFFFFFFC0] =	vst v3  }
0x290: {  	[tilespmem:s19+$0xFFFFFFD0] =	vst v2  }
0x291: {  	v2 =	vld [tilespmem:s5+$0xFFFFFFE0];
	_ =	sdelay $0x4  }
0x292: {  	v3 =	vshll.u32 v2, $0x10  }
0x293: {  	v2 =	vand.u32 $0xFFFF0000, v2;
	v3 =	vmul.f32 v3, v1  }
0x294: {  	v2 =	vmul.f32 v2, v1  }
0x295: {  	[tilespmem:s19+$0xFFFFFFE0] =	vst v3  }
0x296: {  	[tilespmem:s19+$0xFFFFFFF0] =	vst v2  }
0x297: {  	v2 =	vld [tilespmem:s5+$0xFFFFFFF0];
	_ =	sdelay $0x4  }
0x298: {  	v3 =	vshll.u32 v2, $0x10  }
0x299: {  	v2 =	vand.u32 $0xFFFF0000, v2;
	v3 =	vmul.f32 v3, v1  }
0x29a: {  	v2 =	vmul.f32 v2, v1  }
0x29b: {  	[tilespmem:s19+$0x0] =	vst v3  }
0x29c: {  	[tilespmem:s19+$0x10] =	vst v2  }
0x29d: {  	s25 =	simm.s32 $0x1;
	v2 =	vld [tilespmem:s5+$0x0]  }
0x29e: {  	v3 =	vmov s25  }
0x29f: {  	v3 =	vand.u32 $0x7F, v3  }
0x2a0: {  	s29 =	simm.s32 $0x2;
	s22 =	simm.s32 $0x4840;
	v3 =	vor.u32 $0x80, v3  }
.LBB2_11:
0x2a1: {  	s19 =	sadd.s32 $0x80, s19  }
0x2a2: {  	v3 =	vbroadcast v3, $0x0;
	v4 =	vshll.u32 v2, $0x10;
	v2 =	vand.u32 $0xFFFF0000, v2;
	s5 =	sadd.s32 $0x40, s5;
	s25 =	smov.u32 s29;
	s21 =	sadd.s32 $0x1, s29  }
0x2a3: {  	p1 =	sne.s32 s29, $0x7F;
	v4 =	vmul.f32 v4, v1;
	v1 =	vmul.f32 v2, v1;
	_ =	sdelay $0x1  }
0x2a4: {  	[tilespmem:s22+$0x20] =	vst v4  }
0x2a5: {  	[tilespmem:s22+$0x30] =	vst v1;
	s22 =	smov.u32 s19  }
0x2a6: {  	v2 =	vld [tilespmem:s5+$0xFFFFFFD0]  }
0x2a7: {  	v1 =	vld.idx.msk [tilespmem:v3+s26+$0x0], $0xffff;
	_ =	sdelay $0x4  }
0x2a8: {  	v3 =	vshll.u32 v2, $0x10;
	v2 =	vand.u32 $0xFFFF0000, v2  }
0x2a9: {  	v3 =	vmul.f32 v3, v1;
	v2 =	vmul.f32 v2, v1;
	_ =	sdelay $0x1  }
0x2aa: {  	[tilespmem:s19+$0xFFFFFFC0] =	vst v3  }
0x2ab: {  	[tilespmem:s19+$0xFFFFFFD0] =	vst v2  }
0x2ac: {  	v2 =	vld [tilespmem:s5+$0xFFFFFFE0];
	_ =	sdelay $0x4  }
0x2ad: {  	v3 =	vshll.u32 v2, $0x10;
	v2 =	vand.u32 $0xFFFF0000, v2  }
0x2ae: {  	v3 =	vmul.f32 v3, v1;
	v2 =	vmul.f32 v2, v1;
	_ =	sdelay $0x1  }
0x2af: {  	[tilespmem:s19+$0xFFFFFFE0] =	vst v3  }
0x2b0: {  	[tilespmem:s19+$0xFFFFFFF0] =	vst v2  }
0x2b1: {  	v2 =	vld [tilespmem:s5+$0xFFFFFFF0];
	_ =	sdelay $0x4  }
0x2b2: {  	v3 =	vshll.u32 v2, $0x10;
	v2 =	vand.u32 $0xFFFF0000, v2  }
0x2b3: {  	v3 =	vmul.f32 v3, v1;
	v2 =	vmul.f32 v2, v1;
	_ =	sdelay $0x1  }
0x2b4: {  	[tilespmem:s19+$0x0] =	vst v3  }
0x2b5: {  	[tilespmem:s19+$0x10] =	vst v2  }
.Ltmp6:
0x2b6: {  	v2 =	vld [tilespmem:s5+$0x0];
	(pc) =	sbr.rel @p1 .LBB2_11-.Ltmp6, $4  }
0x2b7: {  	_ = 	snop  }
0x2b8: {  	v3 =	vmov s25  }
0x2b9: {  	v3 =	vand.u32 $0x7F, v3  }
0x2ba: {  	s29 =	smov.u32 s21;
	v3 =	vor.u32 $0x80, v3  }
0x2bb: {  	v3 =	vbroadcast v3, $0x0;
	v4 =	vshll.u32 v2, $0x10  }
0x2bc: {  	v2 =	vand.u32 $0xFFFF0000, v2;
	v4 =	vmul.f32 v4, v1  }
0x2bd: {  	v1 =	vmul.f32 v2, v1  }
0x2be: {  	[tilespmem:s22+$0x20] =	vst v4  }
0x2bf: {  	s5 =	sadd.s32 $0x40, s5;
	[tilespmem:s22+$0x30] =	vst v1  }
0x2c0: {  	v1 =	vld [tilespmem:s5+$0xFFFFFFD0]  }
0x2c1: {  	v2 =	vld.idx.msk [tilespmem:v3+s26+$0x0], $0xffff;
	_ =	sdelay $0x3  }
0x2c2: {  	v3 =	vshll.u32 v1, $0x10  }
0x2c3: {  	v1 =	vand.u32 $0xFFFF0000, v1;
	v3 =	vmul.f32 v3, v2  }
0x2c4: {  	s19 =	sadd.s32 $0x80, s19;
	v1 =	vmul.f32 v1, v2  }
0x2c5: {  	[tilespmem:s19+$0xFFFFFFC0] =	vst v3  }
0x2c6: {  	[tilespmem:s19+$0xFFFFFFD0] =	vst v1  }
0x2c7: {  	v1 =	vld [tilespmem:s5+$0xFFFFFFE0];
	_ =	sdelay $0x4  }
0x2c8: {  	v3 =	vshll.u32 v1, $0x10  }
0x2c9: {  	v1 =	vand.u32 $0xFFFF0000, v1;
	v3 =	vmul.f32 v3, v2  }
0x2ca: {  	v1 =	vmul.f32 v1, v2  }
0x2cb: {  	[tilespmem:s19+$0xFFFFFFE0] =	vst v3  }
0x2cc: {  	[tilespmem:s19+$0xFFFFFFF0] =	vst v1  }
0x2cd: {  	v1 =	vld [tilespmem:s5+$0xFFFFFFF0];
	_ =	sdelay $0x4  }
0x2ce: {  	v3 =	vshll.u32 v1, $0x10  }
0x2cf: {  	v1 =	vand.u32 $0xFFFF0000, v1;
	v3 =	vmul.f32 v3, v2  }
0x2d0: {  	v1 =	vmul.f32 v1, v2  }
0x2d1: {  	[tilespmem:s19+$0x0] =	vst v3  }
0x2d2: {  	[tilespmem:s19+$0x10] =	vst v1  }
0x2d3: {  	v1 =	vld [tilespmem:s5+$0x0];
	_ =	sdelay $0x4  }
0x2d4: {  	v3 =	vshll.u32 v1, $0x10  }
.Ltmp7:
0x2d5: {  	v1 =	vand.u32 $0xFFFF0000, v1;
	v3 =	vmul.f32 v3, v2;
	(pc) =	sbr.rel @p0 .LBB2_14-.Ltmp7, $4  }
0x2d6: {  	v1 =	vmul.f32 v1, v2  }
0x2d7: {  	[tilespmem:s19+$0x20] =	vst v3  }
0x2d8: {  	s25 =	simm.s32 $0x200;
	[tilespmem:s19+$0x30] =	vst v1  }
0x2d9: {  	[spmem:s3] =	stream.indirect.scatter.add.f32 [tilespmem:s17], [sflag:$0xB], $0x80, s24, s20, $0xb8;
	[tilespmem:$0x1CA80] =	vst v63  }
0x2da: {  	s5 =	rddreg [dreg:$0x1b]  }
0x2db: {  	s5 =	sadd.s32 s16, s5  }
0x2dc: {  	s5 =	sshrl.u32 s5, $0x3  }
0x2dd: {  	s19 =	simm.s32 $0x0;
	s29 =	simm.s32 $0x100;
	s22 =	sadd.s32 s8, s5  }
0x2de: {  	[tilespmem:s29], [sflag:$0x3] =	stream.linear.gather [hbm4b:s22+s19], $0x80, $0x38;
	[tilespmem:$0x1CA80] =	vst v63  }
.Ltmp8:
0x2df: {  	_ = 	snop;
	(pc) =	sbr.rel .LBB2_4-.Ltmp8, $4  }
0x2e0: {  	s21 =	sadd.s32 s9, s5  }
0x2e1: {  	[tilespmem:s23], [sflag:$0x3] =	stream.linear.gather [hbm4b:s21+s19], $0x80, $0x38;
	[tilespmem:$0x1CA80] =	vst v63  }
0x2e2: {  	s14 =	sadd.s32 $0x1, s14;
	s5 =	sadd.s32 s10, s5;
	s22 =	simm.s32 $0x500  }
0x2e3: {  	[tilespmem:s22], [sflag:$0x3] =	stream.linear.gather [hbm4b:s5+s19], $0x80, $0x38;
	[tilespmem:$0x1CA80] =	vst v63  }
.LBB2_15:
0x2e4: {  	_ =	sfence.sel $0x180000  }
0x2e5: {  	[bflag:$0x0] =	sbarrier.arrive $0xFFFF  }
0x2e6: {  	_ =	strace $0x90000047  }
0x2e7: {  	s0 =	stileid.u32;
	[bflag:$0x2] =	sbarrier.arrive $0xFFFF  }
0x2e8: {  	p0 =	sne.s32 s0, $0x0;
	s0 =	rddreg [dreg:$0x4]  }
0x2e9: {  	s0 =	sadd.s32 @!p0 $0x100000, s0  }
0x2ea: {  	[sflag:s0] =	ssyncadd.tile.s32 @!p0 $0x1;
	_ =	shalt  }
.Lfunc_end2:
_tile_overlayer_lowered:
.L_overlay_start_2:
0x2eb: {  	(tag) =	ssettag $0x2  }
0x2ec: {  	s0 =	rddreg [dreg:$0x0];
	s2 =	stileid.u32  }
0x2ed: {  	s1 =	rddreg [dreg:$0x1];
	p0 =	sne.s32 s2, $0x0  }
0x2ee: {  	s3 =	rddreg [dreg:$0x2];
	[bflag:$0x3] =	sbarrier.arrive $0xFFFF;
	s2 =	simm.s32 @!p0 $0x1C0D  }
0x2ef: {  	[timem:s3], [sflag:s2] =	dma.local @!p0 [hbm:s0], s1  }
0x2f0: {  	s0 =	simm.s32 @!p0 $0xD  }
0x2f1: {  	_ =	swait.ge @!p0 [sflag:s0], s1  }
0x2f2: {  	s1 =	ssub.s32 @!p0 $0x0, s1;
	[sflag:s0] =	ssyncset.done @!p0 $0x0  }
0x2f3: {  	[sflag:s0] =	ssyncadd.s32 @!p0 s1  }
0x2f4: {  	[bflag:$0x3] =	sbarrier.arrive $0xFFFF  }
0x2f5: {  	_ =	shalt  }

</sc_bundles>
